<compile_context>
chip_gen: v7x
topology: tpu7x:2x2x1
jax: 0.10.2.dev20260603
libtpu: 0.0.44.dev20260713+nightly
codegen_flags: <defaults>
</compile_context>

<pallas_src>
import functools

import jax
import jax.numpy as jnp
from jax import lax
from jax.experimental import pallas as pl
from jax.experimental.pallas import tpu as pltpu
from jax.experimental.pallas import tpu_sc as plsc

N = 10000
E = 320000
D = 128
T = 4
STEPS = 4

NC = 2
NS = 16
NW = NC * NS
EPW = E // NW
IROW = 128
NIR = 80
EPWP = NIR * IROW
K = 64
NBLK = EPWP // K
NBUF = 2
NP = 10240
RPT = NP // NS
ZR = 64
DUMP = NP - 8

_sc_mesh = plsc.VectorSubcoreMesh(core_axis_name="c", subcore_axis_name="s",
                                  num_cores=NC, num_subcores=NS)


@functools.partial(
    pl.kernel,
    mesh=_sc_mesh,
    out_type=jax.ShapeDtypeStruct((NC, NP, D), jnp.float32),
    scratch_types=[
        pltpu.VMEM((NIR, IROW), jnp.int32),
        pltpu.VMEM((NIR, IROW), jnp.int32),
        pltpu.VMEM((NBUF, K, D), jnp.float32),
        pltpu.VMEM_SHARED((NP, D), jnp.float32),
        pltpu.SemaphoreType.DMA,
        pltpu.SemaphoreType.DMA,
    ],
)
def _sc_aggregate(z_hbm, gidx_hbm, didx_hbm, out_hbm,
                  gidx_v, didx_v, rows_v, acc, sem0, sem1):
    cid = lax.axis_index("c")
    sid = lax.axis_index("s")
    wid = cid * NS + sid
    sems = [sem0, sem1]

    pltpu.sync_copy(gidx_hbm.at[wid], gidx_v)
    pltpu.sync_copy(didx_hbm.at[wid], didx_v)

    zv = jnp.zeros((16,), jnp.float32)

    def _zrow(r, carry):
        for c in range(D // 16):
            rows_v[0, r, pl.ds(c * 16, 16)] = zv
        return carry

    lax.fori_loop(0, ZR, _zrow, 0)
    for b in range(RPT // ZR):
        pltpu.sync_copy(rows_v.at[0, pl.ds(0, ZR)],
                        acc.at[pl.ds(sid * RPT + b * ZR, ZR)])

    for b in range(NBUF):
        pltpu.async_copy(z_hbm.at[gidx_v.at[0, pl.ds(b * K, K)]],
                         rows_v.at[b], sems[b])

    plsc.subcore_barrier()

    def _outer(r, carry):
        for b in range(NBUF):
            pltpu.make_async_copy(z_hbm.at[gidx_v.at[r, pl.ds(b * K, K)]],
                                  rows_v.at[b], sems[b]).wait()
            pltpu.sync_copy(rows_v.at[b],
                            acc.at[didx_v.at[r, pl.ds(b * K, K)]], add=True)

            @pl.when(r + 1 < NIR)
            def _():
                pltpu.async_copy(z_hbm.at[gidx_v.at[r + 1, pl.ds(b * K, K)]],
                                 rows_v.at[b], sems[b])
        return carry

    lax.fori_loop(0, NIR, _outer, 0)

    plsc.subcore_barrier()

    pltpu.sync_copy(acc.at[pl.ds(sid * RPT, RPT)],
                    out_hbm.at[cid, pl.ds(sid * RPT, RPT)])


BLK = 1000


def _transform_body(h_ref, w_ref, b_ref, z_ref):
    z_ref[...] = (jnp.dot(h_ref[...], w_ref[...],
                          preferred_element_type=jnp.float32) + b_ref[...])


def _tc_transform(h, w_cat, b_cat):
    return pl.pallas_call(
        _transform_body,
        grid=(N // BLK,),
        in_specs=[
            pl.BlockSpec((BLK, D), lambda i: (i, 0)),
            pl.BlockSpec((D, T * D), lambda i: (0, 0)),
            pl.BlockSpec((1, T * D), lambda i: (0, 0)),
        ],
        out_specs=pl.BlockSpec((BLK, T * D), lambda i: (i, 0)),
        out_shape=jax.ShapeDtypeStruct((N, T * D), jnp.float32),
    )(h, w_cat, b_cat)


def _gru_math(parts_ref, h_ref, wih_ref, whh_ref, bih_ref, bhh_ref):
    a = parts_ref[0] + parts_ref[1]
    h = h_ref[...]
    gi = jnp.dot(a, wih_ref[...], preferred_element_type=jnp.float32) + bih_ref[...]
    gh = jnp.dot(h, whh_ref[...], preferred_element_type=jnp.float32) + bhh_ref[...]
    r = jax.nn.sigmoid(gi[:, :D] + gh[:, :D])
    z = jax.nn.sigmoid(gi[:, D:2 * D] + gh[:, D:2 * D])
    cand = jnp.tanh(gi[:, 2 * D:] + r * gh[:, 2 * D:])
    return (1.0 - z) * cand + z * h


def _gru_z_body(parts_ref, h_ref, wih_ref, whh_ref, bih_ref, bhh_ref,
                wcat_ref, bcat_ref, ho_ref, zo_ref):
    hn = _gru_math(parts_ref, h_ref, wih_ref, whh_ref, bih_ref, bhh_ref)
    ho_ref[...] = hn
    zo_ref[...] = (jnp.dot(hn, wcat_ref[...],
                           preferred_element_type=jnp.float32) + bcat_ref[...])


def _gru_last_body(parts_ref, h_ref, wih_ref, whh_ref, bih_ref, bhh_ref,
                   ho_ref):
    ho_ref[...] = _gru_math(parts_ref, h_ref, wih_ref, whh_ref, bih_ref,
                            bhh_ref)


_GRU_COMMON_SPECS = [
    pl.BlockSpec((NC, BLK, D), lambda i: (0, i, 0)),
    pl.BlockSpec((BLK, D), lambda i: (i, 0)),
    pl.BlockSpec((D, 3 * D), lambda i: (0, 0)),
    pl.BlockSpec((D, 3 * D), lambda i: (0, 0)),
    pl.BlockSpec((1, 3 * D), lambda i: (0, 0)),
    pl.BlockSpec((1, 3 * D), lambda i: (0, 0)),
]


def _tc_gru_z(parts, h, wih_t, whh_t, bih, bhh, w_cat, b_cat):
    return pl.pallas_call(
        _gru_z_body,
        grid=(N // BLK,),
        in_specs=_GRU_COMMON_SPECS + [
            pl.BlockSpec((D, T * D), lambda i: (0, 0)),
            pl.BlockSpec((1, T * D), lambda i: (0, 0)),
        ],
        out_specs=[
            pl.BlockSpec((BLK, D), lambda i: (i, 0)),
            pl.BlockSpec((BLK, T * D), lambda i: (i, 0)),
        ],
        out_shape=[
            jax.ShapeDtypeStruct((N, D), jnp.float32),
            jax.ShapeDtypeStruct((N, T * D), jnp.float32),
        ],
    )(parts, h, wih_t, whh_t, bih, bhh, w_cat, b_cat)


def _tc_gru_last(parts, h, wih_t, whh_t, bih, bhh):
    return pl.pallas_call(
        _gru_last_body,
        grid=(N // BLK,),
        in_specs=_GRU_COMMON_SPECS,
        out_specs=pl.BlockSpec((BLK, D), lambda i: (i, 0)),
        out_shape=jax.ShapeDtypeStruct((N, D), jnp.float32),
    )(parts, h, wih_t, whh_t, bih, bhh)


def kernel(x, edge_index, etypes, W_e, b_e, W_ih, W_hh, b_ih, b_hh):
    w_cat = jnp.transpose(W_e, (2, 0, 1)).reshape(D, T * D)
    b_cat = b_e.reshape(1, T * D)
    wih_t = W_ih.T
    whh_t = W_hh.T
    bih = b_ih.reshape(1, 3 * D)
    bhh = b_hh.reshape(1, 3 * D)

    gidx = (edge_index[0] * T + etypes).astype(jnp.int32).reshape(NW, EPW)
    didx = edge_index[1].astype(jnp.int32).reshape(NW, EPW)
    gidx = jnp.concatenate(
        [gidx, jnp.zeros((NW, EPWP - EPW), jnp.int32)], axis=1
    ).reshape(NW, NIR, IROW)
    didx = jnp.concatenate(
        [didx, jnp.full((NW, EPWP - EPW), DUMP, jnp.int32)], axis=1
    ).reshape(NW, NIR, IROW)

    h = x
    z = _tc_transform(x, w_cat, b_cat)
    for step in range(STEPS):
        parts = _sc_aggregate(z.reshape(N * T, D), gidx, didx)[:, :N]
        if step < STEPS - 1:
            h, z = _tc_gru_z(parts, h, wih_t, whh_t, bih, bhh, w_cat, b_cat)
        else:
            h = _tc_gru_last(parts, h, wih_t, whh_t, bih, bhh)
    return h

# --- scband reference (transcript-rebuilt; emitter-appended) ---
"""Pipeline reference for scband-ggnn-9826885173933 (READ-ONLY COPY).

The authoritative reference and input builder live on the scoring server;
editing this copy changes nothing except your own understanding.
"""

import jax, jax.numpy as jnp
import numpy as np

N = 10000
E = 320000
D = 128
N_ETYPES = 4
N_STEPS = 4


def setup_inputs(seed: int = 0) -> dict:
    key = jax.random.key(seed)
    ks = jax.random.split(key, 10)
    x = jax.random.normal(ks[0], (N, D), dtype=jnp.float32)
    edge_index = jax.random.randint(ks[1], (2, E), 0, N, dtype=jnp.int32)
    etypes = jax.random.randint(ks[2], (E,), 0, N_ETYPES, dtype=jnp.int32)
    s = 1.0 / np.sqrt(D)
    W_e = jax.random.uniform(ks[3], (N_ETYPES, D, D), minval=-s, maxval=s, dtype=jnp.float32)
    b_e = jax.random.uniform(ks[4], (N_ETYPES, D), minval=-s, maxval=s, dtype=jnp.float32)
    W_ih = jax.random.uniform(ks[5], (3 * D, D), minval=-s, maxval=s, dtype=jnp.float32)
    W_hh = jax.random.uniform(ks[6], (3 * D, D), minval=-s, maxval=s, dtype=jnp.float32)
    b_ih = jax.random.uniform(ks[7], (3 * D,), minval=-s, maxval=s, dtype=jnp.float32)
    b_hh = jax.random.uniform(ks[8], (3 * D,), minval=-s, maxval=s, dtype=jnp.float32)
    return {"x": x, "edge_index": edge_index, "etypes": etypes,
            "W_e": W_e, "b_e": b_e, "W_ih": W_ih, "W_hh": W_hh,
            "b_ih": b_ih, "b_hh": b_hh}


def _gated_graph_conv(x, edge_index, etypes, W_e, b_e, W_ih, W_hh, b_ih, b_hh):
    # Faithful port of dgl.nn.GatedGraphConv with in_feats == out_feats == D,
    # n_steps == N_STEPS, n_etypes == N_ETYPES.
    src = edge_index[0]
    dst = edge_index[1]
    h = x
    n = x.shape[0]
    d = x.shape[1]
    for _ in range(N_STEPS):
        h_src = jnp.take(h, src, axis=0)  # gather source node features [E, D]
        msg = jnp.zeros((h_src.shape[0], d), dtype=h.dtype)
        # per-edge-type linear transform, selected by mask (same math as
        # applying self.linears[i] on edges where etypes == i)
        for i in range(N_ETYPES):
            mask = (etypes == i).astype(h.dtype)[:, None]
            msg = msg + mask * (h_src @ W_e[i].T + b_e[i])
        # sum aggregation at destination nodes (scatter-add)
        a = jnp.zeros((n, d), dtype=h.dtype).at[dst].add(msg)
        # GRUCell(a, h)
        gi = a @ W_ih.T + b_ih
        gh = h @ W_hh.T + b_hh
        i_r, i_z, i_n = jnp.split(gi, 3, axis=1)
        h_r, h_z, h_n = jnp.split(gh, 3, axis=1)
        r = jax.nn.sigmoid(i_r + h_r)
        z = jax.nn.sigmoid(i_z + h_z)
        cand = jnp.tanh(i_n + r * h_n)
        h = (1.0 - z) * cand + z * h
    return h


def reference(x, edge_index, etypes, W_e, b_e, W_ih, W_hh, b_ih, b_hh):
    return _gated_graph_conv(x, edge_index, etypes, W_e, b_e, W_ih, W_hh, b_ih, b_hh)

if __name__ == "__main__":
    import jax
    _d = setup_inputs()
    print(jax.jit(kernel)(*tuple(_d.values())))

</pallas_src>

<mosaic_0001>
#map = affine_map<(d0, d1) -> (0, 0)>
#map1 = affine_map<(d0, d1) -> (0, 0, 0)>
module attributes {stable_mosaic.version = 14 : i64} {
  func.func @_sc_aggregate(%arg0: i32, %arg1: i32, %arg2: memref<40000x128xf32, #tpu.memory_space<hbm>>, %arg3: memref<32x80x128xi32, #tpu.memory_space<hbm>>, %arg4: memref<32x80x128xi32, #tpu.memory_space<hbm>>, %arg5: memref<2x10240x128xf32, #tpu.memory_space<hbm>>, %arg6: memref<80x128xi32, #tpu.memory_space<vmem>>, %arg7: memref<80x128xi32, #tpu.memory_space<vmem>>, %arg8: memref<2x64x128xf32, #tpu.memory_space<vmem>>, %arg9: memref<10240x128xf32, #tpu.memory_space<vmem_shared>>, %arg10: memref<!tpu.dma_semaphore, #tpu.memory_space<semaphore_mem>>, %arg11: memref<!tpu.dma_semaphore, #tpu.memory_space<semaphore_mem>>) attributes {dimension_semantics = [#tpu.dimension_semantics<core_parallel>, #tpu.dimension_semantics<subcore_parallel>], iteration_bounds = array<i64: 2, 16>, scalar_prefetch = 0 : i64, scratch_operands = 6 : i64, tpu.core_type = #tpu.core_type<sc_vector_subcore>, window_params = [{transform_indices = #map}, {transform_indices = #map1}, {transform_indices = #map1}, {transform_indices = #map1}]} {
    %mul3A = arith.constant 16 : i32
    %mul3A_0 = arith.muli %arg0, %mul3A : i32
    %add3A = arith.addi %mul3A_0, %arg1 : i32
    "tpu.region"() ({
      %run_scoped3A_90 = tpu.sem_alloc : memref<!tpu.dma_semaphore, #tpu.memory_space<semaphore_mem>>
      %dma_start3A_91 = arith.constant 0 : i32
      %dma_start3A_92 = arith.constant 0 : i32
      %dma_start3A_93 = tpu.memref_slice %arg3[%add3A, %dma_start3A_91, %dma_start3A_92] : memref<32x80x128xi32, #tpu.memory_space<hbm>> -> memref<1x80x128xi32, #tpu.memory_space<hbm>>
      %dma_start3A_94 = tpu.memref_squeeze %dma_start3A_93 : memref<1x80x128xi32, #tpu.memory_space<hbm>> -> memref<80x128xi32, #tpu.memory_space<hbm>>
      %dma_start3A_95 = arith.constant 0 : i32
      %dma_start3A_96 = arith.constant 0 : i32
      %dma_start3A_97 = tpu.memref_slice %arg3[%add3A, %dma_start3A_95, %dma_start3A_96] : memref<32x80x128xi32, #tpu.memory_space<hbm>> -> memref<1x80x128xi32, #tpu.memory_space<hbm>>
      %dma_start3A_98 = tpu.memref_squeeze %dma_start3A_97 : memref<1x80x128xi32, #tpu.memory_space<hbm>> -> memref<80x128xi32, #tpu.memory_space<hbm>>
      tpu.enqueue_dma source(%dma_start3A_98 : memref<80x128xi32, #tpu.memory_space<hbm>>) target(%arg6 : memref<80x128xi32, #tpu.memory_space<vmem>>) target_semaphore(%run_scoped3A_90 : memref<!tpu.dma_semaphore, #tpu.memory_space<semaphore_mem>>)
      %dma_wait3A = arith.constant 0 : i32
      %dma_wait3A_99 = arith.constant 0 : i32
      %dma_wait3A_100 = tpu.memref_slice %arg3[%add3A, %dma_wait3A, %dma_wait3A_99] : memref<32x80x128xi32, #tpu.memory_space<hbm>> -> memref<1x80x128xi32, #tpu.memory_space<hbm>>
      %dma_wait3A_101 = tpu.memref_squeeze %dma_wait3A_100 : memref<1x80x128xi32, #tpu.memory_space<hbm>> -> memref<80x128xi32, #tpu.memory_space<hbm>>
      %dma_wait3A_102 = arith.constant 0 : i32
      %dma_wait3A_103 = arith.constant 0 : i32
      %dma_wait3A_104 = tpu.memref_slice %arg3[%add3A, %dma_wait3A_102, %dma_wait3A_103] : memref<32x80x128xi32, #tpu.memory_space<hbm>> -> memref<1x80x128xi32, #tpu.memory_space<hbm>>
      %dma_wait3A_105 = tpu.memref_squeeze %dma_wait3A_104 : memref<1x80x128xi32, #tpu.memory_space<hbm>> -> memref<80x128xi32, #tpu.memory_space<hbm>>
      tpu.wait_dma2 semaphore(%run_scoped3A_90 : memref<!tpu.dma_semaphore, #tpu.memory_space<semaphore_mem>>) src(%dma_wait3A_105 : memref<80x128xi32, #tpu.memory_space<hbm>>) dst(%arg6 : memref<80x128xi32, #tpu.memory_space<vmem>>)
      tpu.yield
    }) : () -> ()
    "tpu.region"() ({
      %run_scoped3A_90 = tpu.sem_alloc : memref<!tpu.dma_semaphore, #tpu.memory_space<semaphore_mem>>
      %dma_start3A_91 = arith.constant 0 : i32
      %dma_start3A_92 = arith.constant 0 : i32
      %dma_start3A_93 = tpu.memref_slice %arg4[%add3A, %dma_start3A_91, %dma_start3A_92] : memref<32x80x128xi32, #tpu.memory_space<hbm>> -> memref<1x80x128xi32, #tpu.memory_space<hbm>>
      %dma_start3A_94 = tpu.memref_squeeze %dma_start3A_93 : memref<1x80x128xi32, #tpu.memory_space<hbm>> -> memref<80x128xi32, #tpu.memory_space<hbm>>
      %dma_start3A_95 = arith.constant 0 : i32
      %dma_start3A_96 = arith.constant 0 : i32
      %dma_start3A_97 = tpu.memref_slice %arg4[%add3A, %dma_start3A_95, %dma_start3A_96] : memref<32x80x128xi32, #tpu.memory_space<hbm>> -> memref<1x80x128xi32, #tpu.memory_space<hbm>>
      %dma_start3A_98 = tpu.memref_squeeze %dma_start3A_97 : memref<1x80x128xi32, #tpu.memory_space<hbm>> -> memref<80x128xi32, #tpu.memory_space<hbm>>
      tpu.enqueue_dma source(%dma_start3A_98 : memref<80x128xi32, #tpu.memory_space<hbm>>) target(%arg7 : memref<80x128xi32, #tpu.memory_space<vmem>>) target_semaphore(%run_scoped3A_90 : memref<!tpu.dma_semaphore, #tpu.memory_space<semaphore_mem>>)
      %dma_wait3A = arith.constant 0 : i32
      %dma_wait3A_99 = arith.constant 0 : i32
      %dma_wait3A_100 = tpu.memref_slice %arg4[%add3A, %dma_wait3A, %dma_wait3A_99] : memref<32x80x128xi32, #tpu.memory_space<hbm>> -> memref<1x80x128xi32, #tpu.memory_space<hbm>>
      %dma_wait3A_101 = tpu.memref_squeeze %dma_wait3A_100 : memref<1x80x128xi32, #tpu.memory_space<hbm>> -> memref<80x128xi32, #tpu.memory_space<hbm>>
      %dma_wait3A_102 = arith.constant 0 : i32
      %dma_wait3A_103 = arith.constant 0 : i32
      %dma_wait3A_104 = tpu.memref_slice %arg4[%add3A, %dma_wait3A_102, %dma_wait3A_103] : memref<32x80x128xi32, #tpu.memory_space<hbm>> -> memref<1x80x128xi32, #tpu.memory_space<hbm>>
      %dma_wait3A_105 = tpu.memref_squeeze %dma_wait3A_104 : memref<1x80x128xi32, #tpu.memory_space<hbm>> -> memref<80x128xi32, #tpu.memory_space<hbm>>
      tpu.wait_dma2 semaphore(%run_scoped3A_90 : memref<!tpu.dma_semaphore, #tpu.memory_space<semaphore_mem>>) src(%dma_wait3A_105 : memref<80x128xi32, #tpu.memory_space<hbm>>) dst(%arg7 : memref<80x128xi32, #tpu.memory_space<vmem>>)
      tpu.yield
    }) : () -> ()
    %broadcast_in_dim3A = arith.constant 0.000000e+00 : f32
    %broadcast_in_dim3A_1 = vector.broadcast %broadcast_in_dim3A : f32 to vector<16xf32>
    %scan3A = arith.constant 0 : i32
    %scan3A_2 = arith.constant 0 : i32
    %scan3A_3 = arith.constant 64 : i32
    %scan3A_4 = arith.addi %scan3A_2, %scan3A_3 : i32
    %scan3A_5 = arith.constant 1 : i32
    scf.for %scan3A_90 = %scan3A_2 to %scan3A_4 step %scan3A_5  : i32 {
      %swap3A = arith.constant 0 : i32
      %swap3A_91 = arith.index_cast %swap3A : i32 to index
      %swap3A_92 = arith.index_cast %scan3A_90 : i32 to index
      %swap3A_93 = arith.constant 0 : index
      %swap3A_94 = tpu.vector_load %arg8[%swap3A_91, %swap3A_92, %swap3A_93] {strides = array<i32>} : memref<2x64x128xf32, #tpu.memory_space<vmem>>, vector<1x1x16xf32>,
      %swap3A_95 = vector.shape_cast %swap3A_94 : vector<1x1x16xf32> to vector<16xf32>
      %swap3A_96 = vector.shape_cast %broadcast_in_dim3A_1 : vector<16xf32> to vector<1x1x16xf32>
      tpu.vector_store %arg8[%swap3A_91, %swap3A_92, %swap3A_93], %swap3A_96 {strides = array<i32>} : memref<2x64x128xf32, #tpu.memory_space<vmem>>, vector<1x1x16xf32>,
      %swap3A_97 = arith.constant 0 : i32
      %swap3A_98 = arith.index_cast %swap3A_97 : i32 to index
      %swap3A_99 = arith.index_cast %scan3A_90 : i32 to index
      %swap3A_100 = arith.constant 16 : index
      %swap3A_101 = tpu.vector_load %arg8[%swap3A_98, %swap3A_99, %swap3A_100] {strides = array<i32>} : memref<2x64x128xf32, #tpu.memory_space<vmem>>, vector<1x1x16xf32>,
      %swap3A_102 = vector.shape_cast %swap3A_101 : vector<1x1x16xf32> to vector<16xf32>
      %swap3A_103 = vector.shape_cast %broadcast_in_dim3A_1 : vector<16xf32> to vector<1x1x16xf32>
      tpu.vector_store %arg8[%swap3A_98, %swap3A_99, %swap3A_100], %swap3A_103 {strides = array<i32>} : memref<2x64x128xf32, #tpu.memory_space<vmem>>, vector<1x1x16xf32>,
      %swap3A_104 = arith.constant 0 : i32
      %swap3A_105 = arith.index_cast %swap3A_104 : i32 to index
      %swap3A_106 = arith.index_cast %scan3A_90 : i32 to index
      %swap3A_107 = arith.constant 32 : index
      %swap3A_108 = tpu.vector_load %arg8[%swap3A_105, %swap3A_106, %swap3A_107] {strides = array<i32>} : memref<2x64x128xf32, #tpu.memory_space<vmem>>, vector<1x1x16xf32>,
      %swap3A_109 = vector.shape_cast %swap3A_108 : vector<1x1x16xf32> to vector<16xf32>
      %swap3A_110 = vector.shape_cast %broadcast_in_dim3A_1 : vector<16xf32> to vector<1x1x16xf32>
      tpu.vector_store %arg8[%swap3A_105, %swap3A_106, %swap3A_107], %swap3A_110 {strides = array<i32>} : memref<2x64x128xf32, #tpu.memory_space<vmem>>, vector<1x1x16xf32>,
      %swap3A_111 = arith.constant 0 : i32
      %swap3A_112 = arith.index_cast %swap3A_111 : i32 to index
      %swap3A_113 = arith.index_cast %scan3A_90 : i32 to index
      %swap3A_114 = arith.constant 48 : index
      %swap3A_115 = tpu.vector_load %arg8[%swap3A_112, %swap3A_113, %swap3A_114] {strides = array<i32>} : memref<2x64x128xf32, #tpu.memory_space<vmem>>, vector<1x1x16xf32>,
      %swap3A_116 = vector.shape_cast %swap3A_115 : vector<1x1x16xf32> to vector<16xf32>
      %swap3A_117 = vector.shape_cast %broadcast_in_dim3A_1 : vector<16xf32> to vector<1x1x16xf32>
      tpu.vector_store %arg8[%swap3A_112, %swap3A_113, %swap3A_114], %swap3A_117 {strides = array<i32>} : memref<2x64x128xf32, #tpu.memory_space<vmem>>, vector<1x1x16xf32>,
      %swap3A_118 = arith.constant 0 : i32
      %swap3A_119 = arith.index_cast %swap3A_118 : i32 to index
      %swap3A_120 = arith.index_cast %scan3A_90 : i32 to index
      %swap3A_121 = arith.constant 64 : index
      %swap3A_122 = tpu.vector_load %arg8[%swap3A_119, %swap3A_120, %swap3A_121] {strides = array<i32>} : memref<2x64x128xf32, #tpu.memory_space<vmem>>, vector<1x1x16xf32>,
      %swap3A_123 = vector.shape_cast %swap3A_122 : vector<1x1x16xf32> to vector<16xf32>
      %swap3A_124 = vector.shape_cast %broadcast_in_dim3A_1 : vector<16xf32> to vector<1x1x16xf32>
      tpu.vector_store %arg8[%swap3A_119, %swap3A_120, %swap3A_121], %swap3A_124 {strides = array<i32>} : memref<2x64x128xf32, #tpu.memory_space<vmem>>, vector<1x1x16xf32>,
      %swap3A_125 = arith.constant 0 : i32
      %swap3A_126 = arith.index_cast %swap3A_125 : i32 to index
      %swap3A_127 = arith.index_cast %scan3A_90 : i32 to index
      %swap3A_128 = arith.constant 80 : index
      %swap3A_129 = tpu.vector_load %arg8[%swap3A_126, %swap3A_127, %swap3A_128] {strides = array<i32>} : memref<2x64x128xf32, #tpu.memory_space<vmem>>, vector<1x1x16xf32>,
      %swap3A_130 = vector.shape_cast %swap3A_129 : vector<1x1x16xf32> to vector<16xf32>
      %swap3A_131 = vector.shape_cast %broadcast_in_dim3A_1 : vector<16xf32> to vector<1x1x16xf32>
      tpu.vector_store %arg8[%swap3A_126, %swap3A_127, %swap3A_128], %swap3A_131 {strides = array<i32>} : memref<2x64x128xf32, #tpu.memory_space<vmem>>, vector<1x1x16xf32>,
      %swap3A_132 = arith.constant 0 : i32
      %swap3A_133 = arith.index_cast %swap3A_132 : i32 to index
      %swap3A_134 = arith.index_cast %scan3A_90 : i32 to index
      %swap3A_135 = arith.constant 96 : index
      %swap3A_136 = tpu.vector_load %arg8[%swap3A_133, %swap3A_134, %swap3A_135] {strides = array<i32>} : memref<2x64x128xf32, #tpu.memory_space<vmem>>, vector<1x1x16xf32>,
      %swap3A_137 = vector.shape_cast %swap3A_136 : vector<1x1x16xf32> to vector<16xf32>
      %swap3A_138 = vector.shape_cast %broadcast_in_dim3A_1 : vector<16xf32> to vector<1x1x16xf32>
      tpu.vector_store %arg8[%swap3A_133, %swap3A_134, %swap3A_135], %swap3A_138 {strides = array<i32>} : memref<2x64x128xf32, #tpu.memory_space<vmem>>, vector<1x1x16xf32>,
      %swap3A_139 = arith.constant 0 : i32
      %swap3A_140 = arith.index_cast %swap3A_139 : i32 to index
      %swap3A_141 = arith.index_cast %scan3A_90 : i32 to index
      %swap3A_142 = arith.constant 112 : index
      %swap3A_143 = tpu.vector_load %arg8[%swap3A_140, %swap3A_141, %swap3A_142] {strides = array<i32>} : memref<2x64x128xf32, #tpu.memory_space<vmem>>, vector<1x1x16xf32>,
      %swap3A_144 = vector.shape_cast %swap3A_143 : vector<1x1x16xf32> to vector<16xf32>
      %swap3A_145 = vector.shape_cast %broadcast_in_dim3A_1 : vector<16xf32> to vector<1x1x16xf32>
      tpu.vector_store %arg8[%swap3A_140, %swap3A_141, %swap3A_142], %swap3A_145 {strides = array<i32>} : memref<2x64x128xf32, #tpu.memory_space<vmem>>, vector<1x1x16xf32>,
    }
    %scan3A_6 = arith.constant 64 : i32
    %mul3A_7 = arith.constant 640 : i32
    %mul3A_8 = arith.muli %arg1, %mul3A_7 : i32
    %add3A_9 = arith.constant 0 : i32
    %add3A_10 = arith.addi %mul3A_8, %add3A_9 : i32
    %run_scoped3A = arith.constant 0 : i32
    "tpu.region"() ({
      %run_scoped3A_90 = tpu.sem_alloc : memref<!tpu.dma_semaphore, #tpu.memory_space<semaphore_mem>>
      %dma_start3A_91 = arith.constant 0 : i32
      %dma_start3A_92 = arith.constant 0 : i32
      %dma_start3A_93 = tpu.memref_slice %arg8[%run_scoped3A, %dma_start3A_91, %dma_start3A_92] : memref<2x64x128xf32, #tpu.memory_space<vmem>> -> memref<1x64x128xf32, #tpu.memory_space<vmem>>
      %dma_start3A_94 = tpu.memref_squeeze %dma_start3A_93 : memref<1x64x128xf32, #tpu.memory_space<vmem>> -> memref<64x128xf32, #tpu.memory_space<vmem>>
      %dma_start3A_95 = arith.constant 0 : i32
      %dma_start3A_96 = tpu.memref_slice %arg9[%add3A_10, %dma_start3A_95] : memref<10240x128xf32, #tpu.memory_space<vmem_shared>> -> memref<64x128xf32, #tpu.memory_space<vmem_shared>>
      %dma_start3A_97 = arith.constant 0 : i32
      %dma_start3A_98 = tpu.memref_slice %arg9[%add3A_10, %dma_start3A_97] : memref<10240x128xf32, #tpu.memory_space<vmem_shared>> -> memref<64x128xf32, #tpu.memory_space<vmem_shared>>
      %dma_start3A_99 = arith.constant 0 : i32
      %dma_start3A_100 = arith.constant 0 : i32
      %dma_start3A_101 = tpu.memref_slice %arg8[%run_scoped3A, %dma_start3A_99, %dma_start3A_100] : memref<2x64x128xf32, #tpu.memory_space<vmem>> -> memref<1x64x128xf32, #tpu.memory_space<vmem>>
      %dma_start3A_102 = tpu.memref_squeeze %dma_start3A_101 : memref<1x64x128xf32, #tpu.memory_space<vmem>> -> memref<64x128xf32, #tpu.memory_space<vmem>>
      tpu.enqueue_dma source(%dma_start3A_102 : memref<64x128xf32, #tpu.memory_space<vmem>>) target(%dma_start3A_98 : memref<64x128xf32, #tpu.memory_space<vmem_shared>>) target_semaphore(%run_scoped3A_90 : memref<!tpu.dma_semaphore, #tpu.memory_space<semaphore_mem>>)
      %dma_wait3A = arith.constant 0 : i32
      %dma_wait3A_103 = arith.constant 0 : i32
      %dma_wait3A_104 = tpu.memref_slice %arg8[%run_scoped3A, %dma_wait3A, %dma_wait3A_103] : memref<2x64x128xf32, #tpu.memory_space<vmem>> -> memref<1x64x128xf32, #tpu.memory_space<vmem>>
      %dma_wait3A_105 = tpu.memref_squeeze %dma_wait3A_104 : memref<1x64x128xf32, #tpu.memory_space<vmem>> -> memref<64x128xf32, #tpu.memory_space<vmem>>
      %dma_wait3A_106 = arith.constant 0 : i32
      %dma_wait3A_107 = tpu.memref_slice %arg9[%add3A_10, %dma_wait3A_106] : memref<10240x128xf32, #tpu.memory_space<vmem_shared>> -> memref<64x128xf32, #tpu.memory_space<vmem_shared>>
      %dma_wait3A_108 = arith.constant 0 : i32
      %dma_wait3A_109 = tpu.memref_slice %arg9[%add3A_10, %dma_wait3A_108] : memref<10240x128xf32, #tpu.memory_space<vmem_shared>> -> memref<64x128xf32, #tpu.memory_space<vmem_shared>>
      %dma_wait3A_110 = arith.constant 0 : i32
      %dma_wait3A_111 = arith.constant 0 : i32
      %dma_wait3A_112 = tpu.memref_slice %arg8[%run_scoped3A, %dma_wait3A_110, %dma_wait3A_111] : memref<2x64x128xf32, #tpu.memory_space<vmem>> -> memref<1x64x128xf32, #tpu.memory_space<vmem>>
      %dma_wait3A_113 = tpu.memref_squeeze %dma_wait3A_112 : memref<1x64x128xf32, #tpu.memory_space<vmem>> -> memref<64x128xf32, #tpu.memory_space<vmem>>
      tpu.wait_dma2 semaphore(%run_scoped3A_90 : memref<!tpu.dma_semaphore, #tpu.memory_space<semaphore_mem>>) src(%dma_wait3A_113 : memref<64x128xf32, #tpu.memory_space<vmem>>) dst(%dma_wait3A_109 : memref<64x128xf32, #tpu.memory_space<vmem_shared>>)
      tpu.yield
    }) : () -> ()
    %mul3A_11 = arith.constant 640 : i32
    %mul3A_12 = arith.muli %arg1, %mul3A_11 : i32
    %add3A_13 = arith.constant 64 : i32
    %add3A_14 = arith.addi %mul3A_12, %add3A_13 : i32
    %run_scoped3A_15 = arith.constant 0 : i32
    "tpu.region"() ({
      %run_scoped3A_90 = tpu.sem_alloc : memref<!tpu.dma_semaphore, #tpu.memory_space<semaphore_mem>>
      %dma_start3A_91 = arith.constant 0 : i32
      %dma_start3A_92 = arith.constant 0 : i32
      %dma_start3A_93 = tpu.memref_slice %arg8[%run_scoped3A_15, %dma_start3A_91, %dma_start3A_92] : memref<2x64x128xf32, #tpu.memory_space<vmem>> -> memref<1x64x128xf32, #tpu.memory_space<vmem>>
      %dma_start3A_94 = tpu.memref_squeeze %dma_start3A_93 : memref<1x64x128xf32, #tpu.memory_space<vmem>> -> memref<64x128xf32, #tpu.memory_space<vmem>>
      %dma_start3A_95 = arith.constant 0 : i32
      %dma_start3A_96 = tpu.memref_slice %arg9[%add3A_14, %dma_start3A_95] : memref<10240x128xf32, #tpu.memory_space<vmem_shared>> -> memref<64x128xf32, #tpu.memory_space<vmem_shared>>
      %dma_start3A_97 = arith.constant 0 : i32
      %dma_start3A_98 = tpu.memref_slice %arg9[%add3A_14, %dma_start3A_97] : memref<10240x128xf32, #tpu.memory_space<vmem_shared>> -> memref<64x128xf32, #tpu.memory_space<vmem_shared>>
      %dma_start3A_99 = arith.constant 0 : i32
      %dma_start3A_100 = arith.constant 0 : i32
      %dma_start3A_101 = tpu.memref_slice %arg8[%run_scoped3A_15, %dma_start3A_99, %dma_start3A_100] : memref<2x64x128xf32, #tpu.memory_space<vmem>> -> memref<1x64x128xf32, #tpu.memory_space<vmem>>
      %dma_start3A_102 = tpu.memref_squeeze %dma_start3A_101 : memref<1x64x128xf32, #tpu.memory_space<vmem>> -> memref<64x128xf32, #tpu.memory_space<vmem>>
      tpu.enqueue_dma source(%dma_start3A_102 : memref<64x128xf32, #tpu.memory_space<vmem>>) target(%dma_start3A_98 : memref<64x128xf32, #tpu.memory_space<vmem_shared>>) target_semaphore(%run_scoped3A_90 : memref<!tpu.dma_semaphore, #tpu.memory_space<semaphore_mem>>)
      %dma_wait3A = arith.constant 0 : i32
      %dma_wait3A_103 = arith.constant 0 : i32
      %dma_wait3A_104 = tpu.memref_slice %arg8[%run_scoped3A_15, %dma_wait3A, %dma_wait3A_103] : memref<2x64x128xf32, #tpu.memory_space<vmem>> -> memref<1x64x128xf32, #tpu.memory_space<vmem>>
      %dma_wait3A_105 = tpu.memref_squeeze %dma_wait3A_104 : memref<1x64x128xf32, #tpu.memory_space<vmem>> -> memref<64x128xf32, #tpu.memory_space<vmem>>
      %dma_wait3A_106 = arith.constant 0 : i32
      %dma_wait3A_107 = tpu.memref_slice %arg9[%add3A_14, %dma_wait3A_106] : memref<10240x128xf32, #tpu.memory_space<vmem_shared>> -> memref<64x128xf32, #tpu.memory_space<vmem_shared>>
      %dma_wait3A_108 = arith.constant 0 : i32
      %dma_wait3A_109 = tpu.memref_slice %arg9[%add3A_14, %dma_wait3A_108] : memref<10240x128xf32, #tpu.memory_space<vmem_shared>> -> memref<64x128xf32, #tpu.memory_space<vmem_shared>>
      %dma_wait3A_110 = arith.constant 0 : i32
      %dma_wait3A_111 = arith.constant 0 : i32
      %dma_wait3A_112 = tpu.memref_slice %arg8[%run_scoped3A_15, %dma_wait3A_110, %dma_wait3A_111] : memref<2x64x128xf32, #tpu.memory_space<vmem>> -> memref<1x64x128xf32, #tpu.memory_space<vmem>>
      %dma_wait3A_113 = tpu.memref_squeeze %dma_wait3A_112 : memref<1x64x128xf32, #tpu.memory_space<vmem>> -> memref<64x128xf32, #tpu.memory_space<vmem>>
      tpu.wait_dma2 semaphore(%run_scoped3A_90 : memref<!tpu.dma_semaphore, #tpu.memory_space<semaphore_mem>>) src(%dma_wait3A_113 : memref<64x128xf32, #tpu.memory_space<vmem>>) dst(%dma_wait3A_109 : memref<64x128xf32, #tpu.memory_space<vmem_shared>>)
      tpu.yield
    }) : () -> ()
    %mul3A_16 = arith.constant 640 : i32
    %mul3A_17 = arith.muli %arg1, %mul3A_16 : i32
    %add3A_18 = arith.constant 128 : i32
    %add3A_19 = arith.addi %mul3A_17, %add3A_18 : i32
    %run_scoped3A_20 = arith.constant 0 : i32
    "tpu.region"() ({
      %run_scoped3A_90 = tpu.sem_alloc : memref<!tpu.dma_semaphore, #tpu.memory_space<semaphore_mem>>
      %dma_start3A_91 = arith.constant 0 : i32
      %dma_start3A_92 = arith.constant 0 : i32
      %dma_start3A_93 = tpu.memref_slice %arg8[%run_scoped3A_20, %dma_start3A_91, %dma_start3A_92] : memref<2x64x128xf32, #tpu.memory_space<vmem>> -> memref<1x64x128xf32, #tpu.memory_space<vmem>>
      %dma_start3A_94 = tpu.memref_squeeze %dma_start3A_93 : memref<1x64x128xf32, #tpu.memory_space<vmem>> -> memref<64x128xf32, #tpu.memory_space<vmem>>
      %dma_start3A_95 = arith.constant 0 : i32
      %dma_start3A_96 = tpu.memref_slice %arg9[%add3A_19, %dma_start3A_95] : memref<10240x128xf32, #tpu.memory_space<vmem_shared>> -> memref<64x128xf32, #tpu.memory_space<vmem_shared>>
      %dma_start3A_97 = arith.constant 0 : i32
      %dma_start3A_98 = tpu.memref_slice %arg9[%add3A_19, %dma_start3A_97] : memref<10240x128xf32, #tpu.memory_space<vmem_shared>> -> memref<64x128xf32, #tpu.memory_space<vmem_shared>>
      %dma_start3A_99 = arith.constant 0 : i32
      %dma_start3A_100 = arith.constant 0 : i32
      %dma_start3A_101 = tpu.memref_slice %arg8[%run_scoped3A_20, %dma_start3A_99, %dma_start3A_100] : memref<2x64x128xf32, #tpu.memory_space<vmem>> -> memref<1x64x128xf32, #tpu.memory_space<vmem>>
      %dma_start3A_102 = tpu.memref_squeeze %dma_start3A_101 : memref<1x64x128xf32, #tpu.memory_space<vmem>> -> memref<64x128xf32, #tpu.memory_space<vmem>>
      tpu.enqueue_dma source(%dma_start3A_102 : memref<64x128xf32, #tpu.memory_space<vmem>>) target(%dma_start3A_98 : memref<64x128xf32, #tpu.memory_space<vmem_shared>>) target_semaphore(%run_scoped3A_90 : memref<!tpu.dma_semaphore, #tpu.memory_space<semaphore_mem>>)
      %dma_wait3A = arith.constant 0 : i32
      %dma_wait3A_103 = arith.constant 0 : i32
      %dma_wait3A_104 = tpu.memref_slice %arg8[%run_scoped3A_20, %dma_wait3A, %dma_wait3A_103] : memref<2x64x128xf32, #tpu.memory_space<vmem>> -> memref<1x64x128xf32, #tpu.memory_space<vmem>>
      %dma_wait3A_105 = tpu.memref_squeeze %dma_wait3A_104 : memref<1x64x128xf32, #tpu.memory_space<vmem>> -> memref<64x128xf32, #tpu.memory_space<vmem>>
      %dma_wait3A_106 = arith.constant 0 : i32
      %dma_wait3A_107 = tpu.memref_slice %arg9[%add3A_19, %dma_wait3A_106] : memref<10240x128xf32, #tpu.memory_space<vmem_shared>> -> memref<64x128xf32, #tpu.memory_space<vmem_shared>>
      %dma_wait3A_108 = arith.constant 0 : i32
      %dma_wait3A_109 = tpu.memref_slice %arg9[%add3A_19, %dma_wait3A_108] : memref<10240x128xf32, #tpu.memory_space<vmem_shared>> -> memref<64x128xf32, #tpu.memory_space<vmem_shared>>
      %dma_wait3A_110 = arith.constant 0 : i32
      %dma_wait3A_111 = arith.constant 0 : i32
      %dma_wait3A_112 = tpu.memref_slice %arg8[%run_scoped3A_20, %dma_wait3A_110, %dma_wait3A_111] : memref<2x64x128xf32, #tpu.memory_space<vmem>> -> memref<1x64x128xf32, #tpu.memory_space<vmem>>
      %dma_wait3A_113 = tpu.memref_squeeze %dma_wait3A_112 : memref<1x64x128xf32, #tpu.memory_space<vmem>> -> memref<64x128xf32, #tpu.memory_space<vmem>>
      tpu.wait_dma2 semaphore(%run_scoped3A_90 : memref<!tpu.dma_semaphore, #tpu.memory_space<semaphore_mem>>) src(%dma_wait3A_113 : memref<64x128xf32, #tpu.memory_space<vmem>>) dst(%dma_wait3A_109 : memref<64x128xf32, #tpu.memory_space<vmem_shared>>)
      tpu.yield
    }) : () -> ()
    %mul3A_21 = arith.constant 640 : i32
    %mul3A_22 = arith.muli %arg1, %mul3A_21 : i32
    %add3A_23 = arith.constant 192 : i32
    %add3A_24 = arith.addi %mul3A_22, %add3A_23 : i32
    %run_scoped3A_25 = arith.constant 0 : i32
    "tpu.region"() ({
      %run_scoped3A_90 = tpu.sem_alloc : memref<!tpu.dma_semaphore, #tpu.memory_space<semaphore_mem>>
      %dma_start3A_91 = arith.constant 0 : i32
      %dma_start3A_92 = arith.constant 0 : i32
      %dma_start3A_93 = tpu.memref_slice %arg8[%run_scoped3A_25, %dma_start3A_91, %dma_start3A_92] : memref<2x64x128xf32, #tpu.memory_space<vmem>> -> memref<1x64x128xf32, #tpu.memory_space<vmem>>
      %dma_start3A_94 = tpu.memref_squeeze %dma_start3A_93 : memref<1x64x128xf32, #tpu.memory_space<vmem>> -> memref<64x128xf32, #tpu.memory_space<vmem>>
      %dma_start3A_95 = arith.constant 0 : i32
      %dma_start3A_96 = tpu.memref_slice %arg9[%add3A_24, %dma_start3A_95] : memref<10240x128xf32, #tpu.memory_space<vmem_shared>> -> memref<64x128xf32, #tpu.memory_space<vmem_shared>>
      %dma_start3A_97 = arith.constant 0 : i32
      %dma_start3A_98 = tpu.memref_slice %arg9[%add3A_24, %dma_start3A_97] : memref<10240x128xf32, #tpu.memory_space<vmem_shared>> -> memref<64x128xf32, #tpu.memory_space<vmem_shared>>
      %dma_start3A_99 = arith.constant 0 : i32
      %dma_start3A_100 = arith.constant 0 : i32
      %dma_start3A_101 = tpu.memref_slice %arg8[%run_scoped3A_25, %dma_start3A_99, %dma_start3A_100] : memref<2x64x128xf32, #tpu.memory_space<vmem>> -> memref<1x64x128xf32, #tpu.memory_space<vmem>>
      %dma_start3A_102 = tpu.memref_squeeze %dma_start3A_101 : memref<1x64x128xf32, #tpu.memory_space<vmem>> -> memref<64x128xf32, #tpu.memory_space<vmem>>
      tpu.enqueue_dma source(%dma_start3A_102 : memref<64x128xf32, #tpu.memory_space<vmem>>) target(%dma_start3A_98 : memref<64x128xf32, #tpu.memory_space<vmem_shared>>) target_semaphore(%run_scoped3A_90 : memref<!tpu.dma_semaphore, #tpu.memory_space<semaphore_mem>>)
      %dma_wait3A = arith.constant 0 : i32
      %dma_wait3A_103 = arith.constant 0 : i32
      %dma_wait3A_104 = tpu.memref_slice %arg8[%run_scoped3A_25, %dma_wait3A, %dma_wait3A_103] : memref<2x64x128xf32, #tpu.memory_space<vmem>> -> memref<1x64x128xf32, #tpu.memory_space<vmem>>
      %dma_wait3A_105 = tpu.memref_squeeze %dma_wait3A_104 : memref<1x64x128xf32, #tpu.memory_space<vmem>> -> memref<64x128xf32, #tpu.memory_space<vmem>>
      %dma_wait3A_106 = arith.constant 0 : i32
      %dma_wait3A_107 = tpu.memref_slice %arg9[%add3A_24, %dma_wait3A_106] : memref<10240x128xf32, #tpu.memory_space<vmem_shared>> -> memref<64x128xf32, #tpu.memory_space<vmem_shared>>
      %dma_wait3A_108 = arith.constant 0 : i32
      %dma_wait3A_109 = tpu.memref_slice %arg9[%add3A_24, %dma_wait3A_108] : memref<10240x128xf32, #tpu.memory_space<vmem_shared>> -> memref<64x128xf32, #tpu.memory_space<vmem_shared>>
      %dma_wait3A_110 = arith.constant 0 : i32
      %dma_wait3A_111 = arith.constant 0 : i32
      %dma_wait3A_112 = tpu.memref_slice %arg8[%run_scoped3A_25, %dma_wait3A_110, %dma_wait3A_111] : memref<2x64x128xf32, #tpu.memory_space<vmem>> -> memref<1x64x128xf32, #tpu.memory_space<vmem>>
      %dma_wait3A_113 = tpu.memref_squeeze %dma_wait3A_112 : memref<1x64x128xf32, #tpu.memory_space<vmem>> -> memref<64x128xf32, #tpu.memory_space<vmem>>
      tpu.wait_dma2 semaphore(%run_scoped3A_90 : memref<!tpu.dma_semaphore, #tpu.memory_space<semaphore_mem>>) src(%dma_wait3A_113 : memref<64x128xf32, #tpu.memory_space<vmem>>) dst(%dma_wait3A_109 : memref<64x128xf32, #tpu.memory_space<vmem_shared>>)
      tpu.yield
    }) : () -> ()
    %mul3A_26 = arith.constant 640 : i32
    %mul3A_27 = arith.muli %arg1, %mul3A_26 : i32
    %add3A_28 = arith.constant 256 : i32
    %add3A_29 = arith.addi %mul3A_27, %add3A_28 : i32
    %run_scoped3A_30 = arith.constant 0 : i32
    "tpu.region"() ({
      %run_scoped3A_90 = tpu.sem_alloc : memref<!tpu.dma_semaphore, #tpu.memory_space<semaphore_mem>>
      %dma_start3A_91 = arith.constant 0 : i32
      %dma_start3A_92 = arith.constant 0 : i32
      %dma_start3A_93 = tpu.memref_slice %arg8[%run_scoped3A_30, %dma_start3A_91, %dma_start3A_92] : memref<2x64x128xf32, #tpu.memory_space<vmem>> -> memref<1x64x128xf32, #tpu.memory_space<vmem>>
      %dma_start3A_94 = tpu.memref_squeeze %dma_start3A_93 : memref<1x64x128xf32, #tpu.memory_space<vmem>> -> memref<64x128xf32, #tpu.memory_space<vmem>>
      %dma_start3A_95 = arith.constant 0 : i32
      %dma_start3A_96 = tpu.memref_slice %arg9[%add3A_29, %dma_start3A_95] : memref<10240x128xf32, #tpu.memory_space<vmem_shared>> -> memref<64x128xf32, #tpu.memory_space<vmem_shared>>
      %dma_start3A_97 = arith.constant 0 : i32
      %dma_start3A_98 = tpu.memref_slice %arg9[%add3A_29, %dma_start3A_97] : memref<10240x128xf32, #tpu.memory_space<vmem_shared>> -> memref<64x128xf32, #tpu.memory_space<vmem_shared>>
      %dma_start3A_99 = arith.constant 0 : i32
      %dma_start3A_100 = arith.constant 0 : i32
      %dma_start3A_101 = tpu.memref_slice %arg8[%run_scoped3A_30, %dma_start3A_99, %dma_start3A_100] : memref<2x64x128xf32, #tpu.memory_space<vmem>> -> memref<1x64x128xf32, #tpu.memory_space<vmem>>
      %dma_start3A_102 = tpu.memref_squeeze %dma_start3A_101 : memref<1x64x128xf32, #tpu.memory_space<vmem>> -> memref<64x128xf32, #tpu.memory_space<vmem>>
      tpu.enqueue_dma source(%dma_start3A_102 : memref<64x128xf32, #tpu.memory_space<vmem>>) target(%dma_start3A_98 : memref<64x128xf32, #tpu.memory_space<vmem_shared>>) target_semaphore(%run_scoped3A_90 : memref<!tpu.dma_semaphore, #tpu.memory_space<semaphore_mem>>)
      %dma_wait3A = arith.constant 0 : i32
      %dma_wait3A_103 = arith.constant 0 : i32
      %dma_wait3A_104 = tpu.memref_slice %arg8[%run_scoped3A_30, %dma_wait3A, %dma_wait3A_103] : memref<2x64x128xf32, #tpu.memory_space<vmem>> -> memref<1x64x128xf32, #tpu.memory_space<vmem>>
      %dma_wait3A_105 = tpu.memref_squeeze %dma_wait3A_104 : memref<1x64x128xf32, #tpu.memory_space<vmem>> -> memref<64x128xf32, #tpu.memory_space<vmem>>
      %dma_wait3A_106 = arith.constant 0 : i32
      %dma_wait3A_107 = tpu.memref_slice %arg9[%add3A_29, %dma_wait3A_106] : memref<10240x128xf32, #tpu.memory_space<vmem_shared>> -> memref<64x128xf32, #tpu.memory_space<vmem_shared>>
      %dma_wait3A_108 = arith.constant 0 : i32
      %dma_wait3A_109 = tpu.memref_slice %arg9[%add3A_29, %dma_wait3A_108] : memref<10240x128xf32, #tpu.memory_space<vmem_shared>> -> memref<64x128xf32, #tpu.memory_space<vmem_shared>>
      %dma_wait3A_110 = arith.constant 0 : i32
      %dma_wait3A_111 = arith.constant 0 : i32
      %dma_wait3A_112 = tpu.memref_slice %arg8[%run_scoped3A_30, %dma_wait3A_110, %dma_wait3A_111] : memref<2x64x128xf32, #tpu.memory_space<vmem>> -> memref<1x64x128xf32, #tpu.memory_space<vmem>>
      %dma_wait3A_113 = tpu.memref_squeeze %dma_wait3A_112 : memref<1x64x128xf32, #tpu.memory_space<vmem>> -> memref<64x128xf32, #tpu.memory_space<vmem>>
      tpu.wait_dma2 semaphore(%run_scoped3A_90 : memref<!tpu.dma_semaphore, #tpu.memory_space<semaphore_mem>>) src(%dma_wait3A_113 : memref<64x128xf32, #tpu.memory_space<vmem>>) dst(%dma_wait3A_109 : memref<64x128xf32, #tpu.memory_space<vmem_shared>>)
      tpu.yield
    }) : () -> ()
    %mul3A_31 = arith.constant 640 : i32
    %mul3A_32 = arith.muli %arg1, %mul3A_31 : i32
    %add3A_33 = arith.constant 320 : i32
    %add3A_34 = arith.addi %mul3A_32, %add3A_33 : i32
    %run_scoped3A_35 = arith.constant 0 : i32
    "tpu.region"() ({
      %run_scoped3A_90 = tpu.sem_alloc : memref<!tpu.dma_semaphore, #tpu.memory_space<semaphore_mem>>
      %dma_start3A_91 = arith.constant 0 : i32
      %dma_start3A_92 = arith.constant 0 : i32
      %dma_start3A_93 = tpu.memref_slice %arg8[%run_scoped3A_35, %dma_start3A_91, %dma_start3A_92] : memref<2x64x128xf32, #tpu.memory_space<vmem>> -> memref<1x64x128xf32, #tpu.memory_space<vmem>>
      %dma_start3A_94 = tpu.memref_squeeze %dma_start3A_93 : memref<1x64x128xf32, #tpu.memory_space<vmem>> -> memref<64x128xf32, #tpu.memory_space<vmem>>
      %dma_start3A_95 = arith.constant 0 : i32
      %dma_start3A_96 = tpu.memref_slice %arg9[%add3A_34, %dma_start3A_95] : memref<10240x128xf32, #tpu.memory_space<vmem_shared>> -> memref<64x128xf32, #tpu.memory_space<vmem_shared>>
      %dma_start3A_97 = arith.constant 0 : i32
      %dma_start3A_98 = tpu.memref_slice %arg9[%add3A_34, %dma_start3A_97] : memref<10240x128xf32, #tpu.memory_space<vmem_shared>> -> memref<64x128xf32, #tpu.memory_space<vmem_shared>>
      %dma_start3A_99 = arith.constant 0 : i32
      %dma_start3A_100 = arith.constant 0 : i32
      %dma_start3A_101 = tpu.memref_slice %arg8[%run_scoped3A_35, %dma_start3A_99, %dma_start3A_100] : memref<2x64x128xf32, #tpu.memory_space<vmem>> -> memref<1x64x128xf32, #tpu.memory_space<vmem>>
      %dma_start3A_102 = tpu.memref_squeeze %dma_start3A_101 : memref<1x64x128xf32, #tpu.memory_space<vmem>> -> memref<64x128xf32, #tpu.memory_space<vmem>>
      tpu.enqueue_dma source(%dma_start3A_102 : memref<64x128xf32, #tpu.memory_space<vmem>>) target(%dma_start3A_98 : memref<64x128xf32, #tpu.memory_space<vmem_shared>>) target_semaphore(%run_scoped3A_90 : memref<!tpu.dma_semaphore, #tpu.memory_space<semaphore_mem>>)
      %dma_wait3A = arith.constant 0 : i32
      %dma_wait3A_103 = arith.constant 0 : i32
      %dma_wait3A_104 = tpu.memref_slice %arg8[%run_scoped3A_35, %dma_wait3A, %dma_wait3A_103] : memref<2x64x128xf32, #tpu.memory_space<vmem>> -> memref<1x64x128xf32, #tpu.memory_space<vmem>>
      %dma_wait3A_105 = tpu.memref_squeeze %dma_wait3A_104 : memref<1x64x128xf32, #tpu.memory_space<vmem>> -> memref<64x128xf32, #tpu.memory_space<vmem>>
      %dma_wait3A_106 = arith.constant 0 : i32
      %dma_wait3A_107 = tpu.memref_slice %arg9[%add3A_34, %dma_wait3A_106] : memref<10240x128xf32, #tpu.memory_space<vmem_shared>> -> memref<64x128xf32, #tpu.memory_space<vmem_shared>>
      %dma_wait3A_108 = arith.constant 0 : i32
      %dma_wait3A_109 = tpu.memref_slice %arg9[%add3A_34, %dma_wait3A_108] : memref<10240x128xf32, #tpu.memory_space<vmem_shared>> -> memref<64x128xf32, #tpu.memory_space<vmem_shared>>
      %dma_wait3A_110 = arith.constant 0 : i32
      %dma_wait3A_111 = arith.constant 0 : i32
      %dma_wait3A_112 = tpu.memref_slice %arg8[%run_scoped3A_35, %dma_wait3A_110, %dma_wait3A_111] : memref<2x64x128xf32, #tpu.memory_space<vmem>> -> memref<1x64x128xf32, #tpu.memory_space<vmem>>
      %dma_wait3A_113 = tpu.memref_squeeze %dma_wait3A_112 : memref<1x64x128xf32, #tpu.memory_space<vmem>> -> memref<64x128xf32, #tpu.memory_space<vmem>>
      tpu.wait_dma2 semaphore(%run_scoped3A_90 : memref<!tpu.dma_semaphore, #tpu.memory_space<semaphore_mem>>) src(%dma_wait3A_113 : memref<64x128xf32, #tpu.memory_space<vmem>>) dst(%dma_wait3A_109 : memref<64x128xf32, #tpu.memory_space<vmem_shared>>)
      tpu.yield
    }) : () -> ()
    %mul3A_36 = arith.constant 640 : i32
    %mul3A_37 = arith.muli %arg1, %mul3A_36 : i32
    %add3A_38 = arith.constant 384 : i32
    %add3A_39 = arith.addi %mul3A_37, %add3A_38 : i32
    %run_scoped3A_40 = arith.constant 0 : i32
    "tpu.region"() ({
      %run_scoped3A_90 = tpu.sem_alloc : memref<!tpu.dma_semaphore, #tpu.memory_space<semaphore_mem>>
      %dma_start3A_91 = arith.constant 0 : i32
      %dma_start3A_92 = arith.constant 0 : i32
      %dma_start3A_93 = tpu.memref_slice %arg8[%run_scoped3A_40, %dma_start3A_91, %dma_start3A_92] : memref<2x64x128xf32, #tpu.memory_space<vmem>> -> memref<1x64x128xf32, #tpu.memory_space<vmem>>
      %dma_start3A_94 = tpu.memref_squeeze %dma_start3A_93 : memref<1x64x128xf32, #tpu.memory_space<vmem>> -> memref<64x128xf32, #tpu.memory_space<vmem>>
      %dma_start3A_95 = arith.constant 0 : i32
      %dma_start3A_96 = tpu.memref_slice %arg9[%add3A_39, %dma_start3A_95] : memref<10240x128xf32, #tpu.memory_space<vmem_shared>> -> memref<64x128xf32, #tpu.memory_space<vmem_shared>>
      %dma_start3A_97 = arith.constant 0 : i32
      %dma_start3A_98 = tpu.memref_slice %arg9[%add3A_39, %dma_start3A_97] : memref<10240x128xf32, #tpu.memory_space<vmem_shared>> -> memref<64x128xf32, #tpu.memory_space<vmem_shared>>
      %dma_start3A_99 = arith.constant 0 : i32
      %dma_start3A_100 = arith.constant 0 : i32
      %dma_start3A_101 = tpu.memref_slice %arg8[%run_scoped3A_40, %dma_start3A_99, %dma_start3A_100] : memref<2x64x128xf32, #tpu.memory_space<vmem>> -> memref<1x64x128xf32, #tpu.memory_space<vmem>>
      %dma_start3A_102 = tpu.memref_squeeze %dma_start3A_101 : memref<1x64x128xf32, #tpu.memory_space<vmem>> -> memref<64x128xf32, #tpu.memory_space<vmem>>
      tpu.enqueue_dma source(%dma_start3A_102 : memref<64x128xf32, #tpu.memory_space<vmem>>) target(%dma_start3A_98 : memref<64x128xf32, #tpu.memory_space<vmem_shared>>) target_semaphore(%run_scoped3A_90 : memref<!tpu.dma_semaphore, #tpu.memory_space<semaphore_mem>>)
      %dma_wait3A = arith.constant 0 : i32
      %dma_wait3A_103 = arith.constant 0 : i32
      %dma_wait3A_104 = tpu.memref_slice %arg8[%run_scoped3A_40, %dma_wait3A, %dma_wait3A_103] : memref<2x64x128xf32, #tpu.memory_space<vmem>> -> memref<1x64x128xf32, #tpu.memory_space<vmem>>
      %dma_wait3A_105 = tpu.memref_squeeze %dma_wait3A_104 : memref<1x64x128xf32, #tpu.memory_space<vmem>> -> memref<64x128xf32, #tpu.memory_space<vmem>>
      %dma_wait3A_106 = arith.constant 0 : i32
      %dma_wait3A_107 = tpu.memref_slice %arg9[%add3A_39, %dma_wait3A_106] : memref<10240x128xf32, #tpu.memory_space<vmem_shared>> -> memref<64x128xf32, #tpu.memory_space<vmem_shared>>
      %dma_wait3A_108 = arith.constant 0 : i32
      %dma_wait3A_109 = tpu.memref_slice %arg9[%add3A_39, %dma_wait3A_108] : memref<10240x128xf32, #tpu.memory_space<vmem_shared>> -> memref<64x128xf32, #tpu.memory_space<vmem_shared>>
      %dma_wait3A_110 = arith.constant 0 : i32
      %dma_wait3A_111 = arith.constant 0 : i32
      %dma_wait3A_112 = tpu.memref_slice %arg8[%run_scoped3A_40, %dma_wait3A_110, %dma_wait3A_111] : memref<2x64x128xf32, #tpu.memory_space<vmem>> -> memref<1x64x128xf32, #tpu.memory_space<vmem>>
      %dma_wait3A_113 = tpu.memref_squeeze %dma_wait3A_112 : memref<1x64x128xf32, #tpu.memory_space<vmem>> -> memref<64x128xf32, #tpu.memory_space<vmem>>
      tpu.wait_dma2 semaphore(%run_scoped3A_90 : memref<!tpu.dma_semaphore, #tpu.memory_space<semaphore_mem>>) src(%dma_wait3A_113 : memref<64x128xf32, #tpu.memory_space<vmem>>) dst(%dma_wait3A_109 : memref<64x128xf32, #tpu.memory_space<vmem_shared>>)
      tpu.yield
    }) : () -> ()
    %mul3A_41 = arith.constant 640 : i32
    %mul3A_42 = arith.muli %arg1, %mul3A_41 : i32
    %add3A_43 = arith.constant 448 : i32
    %add3A_44 = arith.addi %mul3A_42, %add3A_43 : i32
    %run_scoped3A_45 = arith.constant 0 : i32
    "tpu.region"() ({
      %run_scoped3A_90 = tpu.sem_alloc : memref<!tpu.dma_semaphore, #tpu.memory_space<semaphore_mem>>
      %dma_start3A_91 = arith.constant 0 : i32
      %dma_start3A_92 = arith.constant 0 : i32
      %dma_start3A_93 = tpu.memref_slice %arg8[%run_scoped3A_45, %dma_start3A_91, %dma_start3A_92] : memref<2x64x128xf32, #tpu.memory_space<vmem>> -> memref<1x64x128xf32, #tpu.memory_space<vmem>>
      %dma_start3A_94 = tpu.memref_squeeze %dma_start3A_93 : memref<1x64x128xf32, #tpu.memory_space<vmem>> -> memref<64x128xf32, #tpu.memory_space<vmem>>
      %dma_start3A_95 = arith.constant 0 : i32
      %dma_start3A_96 = tpu.memref_slice %arg9[%add3A_44, %dma_start3A_95] : memref<10240x128xf32, #tpu.memory_space<vmem_shared>> -> memref<64x128xf32, #tpu.memory_space<vmem_shared>>
      %dma_start3A_97 = arith.constant 0 : i32
      %dma_start3A_98 = tpu.memref_slice %arg9[%add3A_44, %dma_start3A_97] : memref<10240x128xf32, #tpu.memory_space<vmem_shared>> -> memref<64x128xf32, #tpu.memory_space<vmem_shared>>
      %dma_start3A_99 = arith.constant 0 : i32
      %dma_start3A_100 = arith.constant 0 : i32
      %dma_start3A_101 = tpu.memref_slice %arg8[%run_scoped3A_45, %dma_start3A_99, %dma_start3A_100] : memref<2x64x128xf32, #tpu.memory_space<vmem>> -> memref<1x64x128xf32, #tpu.memory_space<vmem>>
      %dma_start3A_102 = tpu.memref_squeeze %dma_start3A_101 : memref<1x64x128xf32, #tpu.memory_space<vmem>> -> memref<64x128xf32, #tpu.memory_space<vmem>>
      tpu.enqueue_dma source(%dma_start3A_102 : memref<64x128xf32, #tpu.memory_space<vmem>>) target(%dma_start3A_98 : memref<64x128xf32, #tpu.memory_space<vmem_shared>>) target_semaphore(%run_scoped3A_90 : memref<!tpu.dma_semaphore, #tpu.memory_space<semaphore_mem>>)
      %dma_wait3A = arith.constant 0 : i32
      %dma_wait3A_103 = arith.constant 0 : i32
      %dma_wait3A_104 = tpu.memref_slice %arg8[%run_scoped3A_45, %dma_wait3A, %dma_wait3A_103] : memref<2x64x128xf32, #tpu.memory_space<vmem>> -> memref<1x64x128xf32, #tpu.memory_space<vmem>>
      %dma_wait3A_105 = tpu.memref_squeeze %dma_wait3A_104 : memref<1x64x128xf32, #tpu.memory_space<vmem>> -> memref<64x128xf32, #tpu.memory_space<vmem>>
      %dma_wait3A_106 = arith.constant 0 : i32
      %dma_wait3A_107 = tpu.memref_slice %arg9[%add3A_44, %dma_wait3A_106] : memref<10240x128xf32, #tpu.memory_space<vmem_shared>> -> memref<64x128xf32, #tpu.memory_space<vmem_shared>>
      %dma_wait3A_108 = arith.constant 0 : i32
      %dma_wait3A_109 = tpu.memref_slice %arg9[%add3A_44, %dma_wait3A_108] : memref<10240x128xf32, #tpu.memory_space<vmem_shared>> -> memref<64x128xf32, #tpu.memory_space<vmem_shared>>
      %dma_wait3A_110 = arith.constant 0 : i32
      %dma_wait3A_111 = arith.constant 0 : i32
      %dma_wait3A_112 = tpu.memref_slice %arg8[%run_scoped3A_45, %dma_wait3A_110, %dma_wait3A_111] : memref<2x64x128xf32, #tpu.memory_space<vmem>> -> memref<1x64x128xf32, #tpu.memory_space<vmem>>
      %dma_wait3A_113 = tpu.memref_squeeze %dma_wait3A_112 : memref<1x64x128xf32, #tpu.memory_space<vmem>> -> memref<64x128xf32, #tpu.memory_space<vmem>>
      tpu.wait_dma2 semaphore(%run_scoped3A_90 : memref<!tpu.dma_semaphore, #tpu.memory_space<semaphore_mem>>) src(%dma_wait3A_113 : memref<64x128xf32, #tpu.memory_space<vmem>>) dst(%dma_wait3A_109 : memref<64x128xf32, #tpu.memory_space<vmem_shared>>)
      tpu.yield
    }) : () -> ()
    %mul3A_46 = arith.constant 640 : i32
    %mul3A_47 = arith.muli %arg1, %mul3A_46 : i32
    %add3A_48 = arith.constant 512 : i32
    %add3A_49 = arith.addi %mul3A_47, %add3A_48 : i32
    %run_scoped3A_50 = arith.constant 0 : i32
    "tpu.region"() ({
      %run_scoped3A_90 = tpu.sem_alloc : memref<!tpu.dma_semaphore, #tpu.memory_space<semaphore_mem>>
      %dma_start3A_91 = arith.constant 0 : i32
      %dma_start3A_92 = arith.constant 0 : i32
      %dma_start3A_93 = tpu.memref_slice %arg8[%run_scoped3A_50, %dma_start3A_91, %dma_start3A_92] : memref<2x64x128xf32, #tpu.memory_space<vmem>> -> memref<1x64x128xf32, #tpu.memory_space<vmem>>
      %dma_start3A_94 = tpu.memref_squeeze %dma_start3A_93 : memref<1x64x128xf32, #tpu.memory_space<vmem>> -> memref<64x128xf32, #tpu.memory_space<vmem>>
      %dma_start3A_95 = arith.constant 0 : i32
      %dma_start3A_96 = tpu.memref_slice %arg9[%add3A_49, %dma_start3A_95] : memref<10240x128xf32, #tpu.memory_space<vmem_shared>> -> memref<64x128xf32, #tpu.memory_space<vmem_shared>>
      %dma_start3A_97 = arith.constant 0 : i32
      %dma_start3A_98 = tpu.memref_slice %arg9[%add3A_49, %dma_start3A_97] : memref<10240x128xf32, #tpu.memory_space<vmem_shared>> -> memref<64x128xf32, #tpu.memory_space<vmem_shared>>
      %dma_start3A_99 = arith.constant 0 : i32
      %dma_start3A_100 = arith.constant 0 : i32
      %dma_start3A_101 = tpu.memref_slice %arg8[%run_scoped3A_50, %dma_start3A_99, %dma_start3A_100] : memref<2x64x128xf32, #tpu.memory_space<vmem>> -> memref<1x64x128xf32, #tpu.memory_space<vmem>>
      %dma_start3A_102 = tpu.memref_squeeze %dma_start3A_101 : memref<1x64x128xf32, #tpu.memory_space<vmem>> -> memref<64x128xf32, #tpu.memory_space<vmem>>
      tpu.enqueue_dma source(%dma_start3A_102 : memref<64x128xf32, #tpu.memory_space<vmem>>) target(%dma_start3A_98 : memref<64x128xf32, #tpu.memory_space<vmem_shared>>) target_semaphore(%run_scoped3A_90 : memref<!tpu.dma_semaphore, #tpu.memory_space<semaphore_mem>>)
      %dma_wait3A = arith.constant 0 : i32
      %dma_wait3A_103 = arith.constant 0 : i32
      %dma_wait3A_104 = tpu.memref_slice %arg8[%run_scoped3A_50, %dma_wait3A, %dma_wait3A_103] : memref<2x64x128xf32, #tpu.memory_space<vmem>> -> memref<1x64x128xf32, #tpu.memory_space<vmem>>
      %dma_wait3A_105 = tpu.memref_squeeze %dma_wait3A_104 : memref<1x64x128xf32, #tpu.memory_space<vmem>> -> memref<64x128xf32, #tpu.memory_space<vmem>>
      %dma_wait3A_106 = arith.constant 0 : i32
      %dma_wait3A_107 = tpu.memref_slice %arg9[%add3A_49, %dma_wait3A_106] : memref<10240x128xf32, #tpu.memory_space<vmem_shared>> -> memref<64x128xf32, #tpu.memory_space<vmem_shared>>
      %dma_wait3A_108 = arith.constant 0 : i32
      %dma_wait3A_109 = tpu.memref_slice %arg9[%add3A_49, %dma_wait3A_108] : memref<10240x128xf32, #tpu.memory_space<vmem_shared>> -> memref<64x128xf32, #tpu.memory_space<vmem_shared>>
      %dma_wait3A_110 = arith.constant 0 : i32
      %dma_wait3A_111 = arith.constant 0 : i32
      %dma_wait3A_112 = tpu.memref_slice %arg8[%run_scoped3A_50, %dma_wait3A_110, %dma_wait3A_111] : memref<2x64x128xf32, #tpu.memory_space<vmem>> -> memref<1x64x128xf32, #tpu.memory_space<vmem>>
      %dma_wait3A_113 = tpu.memref_squeeze %dma_wait3A_112 : memref<1x64x128xf32, #tpu.memory_space<vmem>> -> memref<64x128xf32, #tpu.memory_space<vmem>>
      tpu.wait_dma2 semaphore(%run_scoped3A_90 : memref<!tpu.dma_semaphore, #tpu.memory_space<semaphore_mem>>) src(%dma_wait3A_113 : memref<64x128xf32, #tpu.memory_space<vmem>>) dst(%dma_wait3A_109 : memref<64x128xf32, #tpu.memory_space<vmem_shared>>)
      tpu.yield
    }) : () -> ()
    %mul3A_51 = arith.constant 640 : i32
    %mul3A_52 = arith.muli %arg1, %mul3A_51 : i32
    %add3A_53 = arith.constant 576 : i32
    %add3A_54 = arith.addi %mul3A_52, %add3A_53 : i32
    %run_scoped3A_55 = arith.constant 0 : i32
    "tpu.region"() ({
      %run_scoped3A_90 = tpu.sem_alloc : memref<!tpu.dma_semaphore, #tpu.memory_space<semaphore_mem>>
      %dma_start3A_91 = arith.constant 0 : i32
      %dma_start3A_92 = arith.constant 0 : i32
      %dma_start3A_93 = tpu.memref_slice %arg8[%run_scoped3A_55, %dma_start3A_91, %dma_start3A_92] : memref<2x64x128xf32, #tpu.memory_space<vmem>> -> memref<1x64x128xf32, #tpu.memory_space<vmem>>
      %dma_start3A_94 = tpu.memref_squeeze %dma_start3A_93 : memref<1x64x128xf32, #tpu.memory_space<vmem>> -> memref<64x128xf32, #tpu.memory_space<vmem>>
      %dma_start3A_95 = arith.constant 0 : i32
      %dma_start3A_96 = tpu.memref_slice %arg9[%add3A_54, %dma_start3A_95] : memref<10240x128xf32, #tpu.memory_space<vmem_shared>> -> memref<64x128xf32, #tpu.memory_space<vmem_shared>>
      %dma_start3A_97 = arith.constant 0 : i32
      %dma_start3A_98 = tpu.memref_slice %arg9[%add3A_54, %dma_start3A_97] : memref<10240x128xf32, #tpu.memory_space<vmem_shared>> -> memref<64x128xf32, #tpu.memory_space<vmem_shared>>
      %dma_start3A_99 = arith.constant 0 : i32
      %dma_start3A_100 = arith.constant 0 : i32
      %dma_start3A_101 = tpu.memref_slice %arg8[%run_scoped3A_55, %dma_start3A_99, %dma_start3A_100] : memref<2x64x128xf32, #tpu.memory_space<vmem>> -> memref<1x64x128xf32, #tpu.memory_space<vmem>>
      %dma_start3A_102 = tpu.memref_squeeze %dma_start3A_101 : memref<1x64x128xf32, #tpu.memory_space<vmem>> -> memref<64x128xf32, #tpu.memory_space<vmem>>
      tpu.enqueue_dma source(%dma_start3A_102 : memref<64x128xf32, #tpu.memory_space<vmem>>) target(%dma_start3A_98 : memref<64x128xf32, #tpu.memory_space<vmem_shared>>) target_semaphore(%run_scoped3A_90 : memref<!tpu.dma_semaphore, #tpu.memory_space<semaphore_mem>>)
      %dma_wait3A = arith.constant 0 : i32
      %dma_wait3A_103 = arith.constant 0 : i32
      %dma_wait3A_104 = tpu.memref_slice %arg8[%run_scoped3A_55, %dma_wait3A, %dma_wait3A_103] : memref<2x64x128xf32, #tpu.memory_space<vmem>> -> memref<1x64x128xf32, #tpu.memory_space<vmem>>
      %dma_wait3A_105 = tpu.memref_squeeze %dma_wait3A_104 : memref<1x64x128xf32, #tpu.memory_space<vmem>> -> memref<64x128xf32, #tpu.memory_space<vmem>>
      %dma_wait3A_106 = arith.constant 0 : i32
      %dma_wait3A_107 = tpu.memref_slice %arg9[%add3A_54, %dma_wait3A_106] : memref<10240x128xf32, #tpu.memory_space<vmem_shared>> -> memref<64x128xf32, #tpu.memory_space<vmem_shared>>
      %dma_wait3A_108 = arith.constant 0 : i32
      %dma_wait3A_109 = tpu.memref_slice %arg9[%add3A_54, %dma_wait3A_108] : memref<10240x128xf32, #tpu.memory_space<vmem_shared>> -> memref<64x128xf32, #tpu.memory_space<vmem_shared>>
      %dma_wait3A_110 = arith.constant 0 : i32
      %dma_wait3A_111 = arith.constant 0 : i32
      %dma_wait3A_112 = tpu.memref_slice %arg8[%run_scoped3A_55, %dma_wait3A_110, %dma_wait3A_111] : memref<2x64x128xf32, #tpu.memory_space<vmem>> -> memref<1x64x128xf32, #tpu.memory_space<vmem>>
      %dma_wait3A_113 = tpu.memref_squeeze %dma_wait3A_112 : memref<1x64x128xf32, #tpu.memory_space<vmem>> -> memref<64x128xf32, #tpu.memory_space<vmem>>
      tpu.wait_dma2 semaphore(%run_scoped3A_90 : memref<!tpu.dma_semaphore, #tpu.memory_space<semaphore_mem>>) src(%dma_wait3A_113 : memref<64x128xf32, #tpu.memory_space<vmem>>) dst(%dma_wait3A_109 : memref<64x128xf32, #tpu.memory_space<vmem_shared>>)
      tpu.yield
    }) : () -> ()
    %dma_start3A = arith.constant 0 : i32
    %dma_start3A_56 = arith.constant 0 : i32
    %dma_start3A_57 = arith.constant 0 : i32
    %dma_start3A_58 = arith.constant 0 : i32
    %dma_start3A_59 = tpu.memref_slice %arg8[%dma_start3A_56, %dma_start3A_57, %dma_start3A_58] : memref<2x64x128xf32, #tpu.memory_space<vmem>> -> memref<1x64x128xf32, #tpu.memory_space<vmem>>
    %dma_start3A_60 = tpu.memref_squeeze %dma_start3A_59 : memref<1x64x128xf32, #tpu.memory_space<vmem>> -> memref<64x128xf32, #tpu.memory_space<vmem>>
    %dma_start3A_61 = arith.constant 0 : i32
    %dma_start3A_62 = tpu.memref_slice %arg6[%dma_start3A, %dma_start3A_61] : memref<80x128xi32, #tpu.memory_space<vmem>> -> memref<1x64xi32, #tpu.memory_space<vmem>>
    %dma_start3A_63 = tpu.memref_squeeze %dma_start3A_62 : memref<1x64xi32, #tpu.memory_space<vmem>> -> memref<64xi32, #tpu.memory_space<vmem>>
    %dma_start3A_64 = arith.constant 0 : i32
    %dma_start3A_65 = arith.constant 0 : i32
    %dma_start3A_66 = tpu.memref_slice %arg2[%dma_start3A_64, %dma_start3A_65] : memref<40000x128xf32, #tpu.memory_space<hbm>> -> memref<40000x128xf32, #tpu.memory_space<hbm>>
    tpu.enqueue_indirect_dma source(%dma_start3A_66 : memref<40000x128xf32, #tpu.memory_space<hbm>>) target(%dma_start3A_60 : memref<64x128xf32, #tpu.memory_space<vmem>>) offsets(%dma_start3A_63 : memref<64xi32, #tpu.memory_space<vmem>>) semaphore(%arg10 : memref<!tpu.dma_semaphore, #tpu.memory_space<semaphore_mem>>)
    %dma_start3A_67 = arith.constant 0 : i32
    %dma_start3A_68 = arith.constant 1 : i32
    %dma_start3A_69 = arith.constant 0 : i32
    %dma_start3A_70 = arith.constant 0 : i32
    %dma_start3A_71 = tpu.memref_slice %arg8[%dma_start3A_68, %dma_start3A_69, %dma_start3A_70] : memref<2x64x128xf32, #tpu.memory_space<vmem>> -> memref<1x64x128xf32, #tpu.memory_space<vmem>>
    %dma_start3A_72 = tpu.memref_squeeze %dma_start3A_71 : memref<1x64x128xf32, #tpu.memory_space<vmem>> -> memref<64x128xf32, #tpu.memory_space<vmem>>
    %dma_start3A_73 = arith.constant 64 : i32
    %dma_start3A_74 = tpu.memref_slice %arg6[%dma_start3A_67, %dma_start3A_73] : memref<80x128xi32, #tpu.memory_space<vmem>> -> memref<1x64xi32, #tpu.memory_space<vmem>>
    %dma_start3A_75 = tpu.memref_squeeze %dma_start3A_74 : memref<1x64xi32, #tpu.memory_space<vmem>> -> memref<64xi32, #tpu.memory_space<vmem>>
    %dma_start3A_76 = arith.constant 0 : i32
    %dma_start3A_77 = arith.constant 0 : i32
    %dma_start3A_78 = tpu.memref_slice %arg2[%dma_start3A_76, %dma_start3A_77] : memref<40000x128xf32, #tpu.memory_space<hbm>> -> memref<40000x128xf32, #tpu.memory_space<hbm>>
    tpu.enqueue_indirect_dma source(%dma_start3A_78 : memref<40000x128xf32, #tpu.memory_space<hbm>>) target(%dma_start3A_72 : memref<64x128xf32, #tpu.memory_space<vmem>>) offsets(%dma_start3A_75 : memref<64xi32, #tpu.memory_space<vmem>>) semaphore(%arg11 : memref<!tpu.dma_semaphore, #tpu.memory_space<semaphore_mem>>)
    %barrier3A = arith.constant 0 : index
    tpu.barrier barrier_id(%barrier3A)
    %scan3A_79 = arith.constant 0 : i32
    %scan3A_80 = arith.constant 0 : i32
    %scan3A_81 = arith.constant 80 : i32
    %scan3A_82 = arith.addi %scan3A_80, %scan3A_81 : i32
    %scan3A_83 = arith.constant 1 : i32
    scf.for %scan3A_90 = %scan3A_80 to %scan3A_82 step %scan3A_83  : i32 {
      %dma_wait3A = arith.constant 0 : i32
      %dma_wait3A_91 = arith.constant 0 : i32
      %dma_wait3A_92 = arith.constant 0 : i32
      %dma_wait3A_93 = tpu.memref_slice %arg8[%dma_wait3A, %dma_wait3A_91, %dma_wait3A_92] : memref<2x64x128xf32, #tpu.memory_space<vmem>> -> memref<1x64x128xf32, #tpu.memory_space<vmem>>
      %dma_wait3A_94 = tpu.memref_squeeze %dma_wait3A_93 : memref<1x64x128xf32, #tpu.memory_space<vmem>> -> memref<64x128xf32, #tpu.memory_space<vmem>>
      %dma_wait3A_95 = arith.constant 0 : i32
      %dma_wait3A_96 = tpu.memref_slice %arg6[%scan3A_90, %dma_wait3A_95] : memref<80x128xi32, #tpu.memory_space<vmem>> -> memref<1x64xi32, #tpu.memory_space<vmem>>
      %dma_wait3A_97 = tpu.memref_squeeze %dma_wait3A_96 : memref<1x64xi32, #tpu.memory_space<vmem>> -> memref<64xi32, #tpu.memory_space<vmem>>
      %dma_wait3A_98 = arith.constant 0 : i32
      %dma_wait3A_99 = arith.constant 0 : i32
      %dma_wait3A_100 = tpu.memref_slice %arg2[%dma_wait3A_98, %dma_wait3A_99] : memref<40000x128xf32, #tpu.memory_space<hbm>> -> memref<40000x128xf32, #tpu.memory_space<hbm>>
      tpu.wait_indirect_dma semaphore(%arg10 : memref<!tpu.dma_semaphore, #tpu.memory_space<semaphore_mem>>) src(%dma_wait3A_100 : memref<40000x128xf32, #tpu.memory_space<hbm>>) dst(%dma_wait3A_94 : memref<64x128xf32, #tpu.memory_space<vmem>>)
      %run_scoped3A_101 = arith.constant 0 : i32
      "tpu.region"() ({
        %run_scoped3A_125 = tpu.sem_alloc : memref<!tpu.dma_semaphore, #tpu.memory_space<semaphore_mem>>
        %dma_start3A_126 = arith.constant 0 : i32
        %dma_start3A_127 = arith.constant 0 : i32
        %dma_start3A_128 = tpu.memref_slice %arg8[%run_scoped3A_101, %dma_start3A_126, %dma_start3A_127] : memref<2x64x128xf32, #tpu.memory_space<vmem>> -> memref<1x64x128xf32, #tpu.memory_space<vmem>>
        %dma_start3A_129 = tpu.memref_squeeze %dma_start3A_128 : memref<1x64x128xf32, #tpu.memory_space<vmem>> -> memref<64x128xf32, #tpu.memory_space<vmem>>
        %dma_start3A_130 = arith.constant 0 : i32
        %dma_start3A_131 = tpu.memref_slice %arg7[%scan3A_90, %dma_start3A_130] : memref<80x128xi32, #tpu.memory_space<vmem>> -> memref<1x64xi32, #tpu.memory_space<vmem>>
        %dma_start3A_132 = tpu.memref_squeeze %dma_start3A_131 : memref<1x64xi32, #tpu.memory_space<vmem>> -> memref<64xi32, #tpu.memory_space<vmem>>
        %dma_start3A_133 = arith.constant 0 : i32
        %dma_start3A_134 = arith.constant 0 : i32
        %dma_start3A_135 = tpu.memref_slice %arg9[%dma_start3A_133, %dma_start3A_134] : memref<10240x128xf32, #tpu.memory_space<vmem_shared>> -> memref<10240x128xf32, #tpu.memory_space<vmem_shared>>
        tpu.enqueue_indirect_dma source(%dma_start3A_129 : memref<64x128xf32, #tpu.memory_space<vmem>>) target(%dma_start3A_135 : memref<10240x128xf32, #tpu.memory_space<vmem_shared>>) offsets(%dma_start3A_132 : memref<64xi32, #tpu.memory_space<vmem>>) semaphore(%run_scoped3A_125 : memref<!tpu.dma_semaphore, #tpu.memory_space<semaphore_mem>>) {add = true}
        %dma_wait3A_136 = arith.constant 0 : i32
        %dma_wait3A_137 = arith.constant 0 : i32
        %dma_wait3A_138 = tpu.memref_slice %arg8[%run_scoped3A_101, %dma_wait3A_136, %dma_wait3A_137] : memref<2x64x128xf32, #tpu.memory_space<vmem>> -> memref<1x64x128xf32, #tpu.memory_space<vmem>>
        %dma_wait3A_139 = tpu.memref_squeeze %dma_wait3A_138 : memref<1x64x128xf32, #tpu.memory_space<vmem>> -> memref<64x128xf32, #tpu.memory_space<vmem>>
        %dma_wait3A_140 = arith.constant 0 : i32
        %dma_wait3A_141 = tpu.memref_slice %arg7[%scan3A_90, %dma_wait3A_140] : memref<80x128xi32, #tpu.memory_space<vmem>> -> memref<1x64xi32, #tpu.memory_space<vmem>>
        %dma_wait3A_142 = tpu.memref_squeeze %dma_wait3A_141 : memref<1x64xi32, #tpu.memory_space<vmem>> -> memref<64xi32, #tpu.memory_space<vmem>>
        %dma_wait3A_143 = arith.constant 0 : i32
        %dma_wait3A_144 = arith.constant 0 : i32
        %dma_wait3A_145 = tpu.memref_slice %arg9[%dma_wait3A_143, %dma_wait3A_144] : memref<10240x128xf32, #tpu.memory_space<vmem_shared>> -> memref<10240x128xf32, #tpu.memory_space<vmem_shared>>
        tpu.wait_indirect_dma semaphore(%run_scoped3A_125 : memref<!tpu.dma_semaphore, #tpu.memory_space<semaphore_mem>>) src(%dma_wait3A_139 : memref<64x128xf32, #tpu.memory_space<vmem>>) dst(%dma_wait3A_145 : memref<10240x128xf32, #tpu.memory_space<vmem_shared>>)
        tpu.yield
      }) : () -> ()
      %add3A_102 = arith.constant 1 : i32
      %add3A_103 = arith.addi %scan3A_90, %add3A_102 : i32
      %lt3A = arith.constant 80 : i32
      %lt3A_104 = arith.cmpi slt, %add3A_103, %lt3A : i32
      %convert_element_type3A = arith.extui %lt3A_104 : i1 to i32
      %cond3A = arith.constant 0 : i32
      %cond3A_105 = arith.cmpi ne, %convert_element_type3A, %cond3A : i32
      scf.if %cond3A_105 {
        %add3A_125 = arith.constant 1 : i32
        %add3A_126 = arith.addi %scan3A_90, %add3A_125 : i32
        %dma_start3A_127 = arith.constant 0 : i32
        %dma_start3A_128 = arith.constant 0 : i32
        %dma_start3A_129 = arith.constant 0 : i32
        %dma_start3A_130 = tpu.memref_slice %arg8[%dma_start3A_127, %dma_start3A_128, %dma_start3A_129] : memref<2x64x128xf32, #tpu.memory_space<vmem>> -> memref<1x64x128xf32, #tpu.memory_space<vmem>>
        %dma_start3A_131 = tpu.memref_squeeze %dma_start3A_130 : memref<1x64x128xf32, #tpu.memory_space<vmem>> -> memref<64x128xf32, #tpu.memory_space<vmem>>
        %dma_start3A_132 = arith.constant 0 : i32
        %dma_start3A_133 = tpu.memref_slice %arg6[%add3A_126, %dma_start3A_132] : memref<80x128xi32, #tpu.memory_space<vmem>> -> memref<1x64xi32, #tpu.memory_space<vmem>>
        %dma_start3A_134 = tpu.memref_squeeze %dma_start3A_133 : memref<1x64xi32, #tpu.memory_space<vmem>> -> memref<64xi32, #tpu.memory_space<vmem>>
        %dma_start3A_135 = arith.constant 0 : i32
        %dma_start3A_136 = arith.constant 0 : i32
        %dma_start3A_137 = tpu.memref_slice %arg2[%dma_start3A_135, %dma_start3A_136] : memref<40000x128xf32, #tpu.memory_space<hbm>> -> memref<40000x128xf32, #tpu.memory_space<hbm>>
        tpu.enqueue_indirect_dma source(%dma_start3A_137 : memref<40000x128xf32, #tpu.memory_space<hbm>>) target(%dma_start3A_131 : memref<64x128xf32, #tpu.memory_space<vmem>>) offsets(%dma_start3A_134 : memref<64xi32, #tpu.memory_space<vmem>>) semaphore(%arg10 : memref<!tpu.dma_semaphore, #tpu.memory_space<semaphore_mem>>)
      } else {
      }
      %dma_wait3A_106 = arith.constant 1 : i32
      %dma_wait3A_107 = arith.constant 0 : i32
      %dma_wait3A_108 = arith.constant 0 : i32
      %dma_wait3A_109 = tpu.memref_slice %arg8[%dma_wait3A_106, %dma_wait3A_107, %dma_wait3A_108] : memref<2x64x128xf32, #tpu.memory_space<vmem>> -> memref<1x64x128xf32, #tpu.memory_space<vmem>>
      %dma_wait3A_110 = tpu.memref_squeeze %dma_wait3A_109 : memref<1x64x128xf32, #tpu.memory_space<vmem>> -> memref<64x128xf32, #tpu.memory_space<vmem>>
      %dma_wait3A_111 = arith.constant 64 : i32
      %dma_wait3A_112 = tpu.memref_slice %arg6[%scan3A_90, %dma_wait3A_111] : memref<80x128xi32, #tpu.memory_space<vmem>> -> memref<1x64xi32, #tpu.memory_space<vmem>>
      %dma_wait3A_113 = tpu.memref_squeeze %dma_wait3A_112 : memref<1x64xi32, #tpu.memory_space<vmem>> -> memref<64xi32, #tpu.memory_space<vmem>>
      %dma_wait3A_114 = arith.constant 0 : i32
      %dma_wait3A_115 = arith.constant 0 : i32
      %dma_wait3A_116 = tpu.memref_slice %arg2[%dma_wait3A_114, %dma_wait3A_115] : memref<40000x128xf32, #tpu.memory_space<hbm>> -> memref<40000x128xf32, #tpu.memory_space<hbm>>
      tpu.wait_indirect_dma semaphore(%arg11 : memref<!tpu.dma_semaphore, #tpu.memory_space<semaphore_mem>>) src(%dma_wait3A_116 : memref<40000x128xf32, #tpu.memory_space<hbm>>) dst(%dma_wait3A_110 : memref<64x128xf32, #tpu.memory_space<vmem>>)
      %run_scoped3A_117 = arith.constant 1 : i32
      "tpu.region"() ({
        %run_scoped3A_125 = tpu.sem_alloc : memref<!tpu.dma_semaphore, #tpu.memory_space<semaphore_mem>>
        %dma_start3A_126 = arith.constant 0 : i32
        %dma_start3A_127 = arith.constant 0 : i32
        %dma_start3A_128 = tpu.memref_slice %arg8[%run_scoped3A_117, %dma_start3A_126, %dma_start3A_127] : memref<2x64x128xf32, #tpu.memory_space<vmem>> -> memref<1x64x128xf32, #tpu.memory_space<vmem>>
        %dma_start3A_129 = tpu.memref_squeeze %dma_start3A_128 : memref<1x64x128xf32, #tpu.memory_space<vmem>> -> memref<64x128xf32, #tpu.memory_space<vmem>>
        %dma_start3A_130 = arith.constant 64 : i32
        %dma_start3A_131 = tpu.memref_slice %arg7[%scan3A_90, %dma_start3A_130] : memref<80x128xi32, #tpu.memory_space<vmem>> -> memref<1x64xi32, #tpu.memory_space<vmem>>
        %dma_start3A_132 = tpu.memref_squeeze %dma_start3A_131 : memref<1x64xi32, #tpu.memory_space<vmem>> -> memref<64xi32, #tpu.memory_space<vmem>>
        %dma_start3A_133 = arith.constant 0 : i32
        %dma_start3A_134 = arith.constant 0 : i32
        %dma_start3A_135 = tpu.memref_slice %arg9[%dma_start3A_133, %dma_start3A_134] : memref<10240x128xf32, #tpu.memory_space<vmem_shared>> -> memref<10240x128xf32, #tpu.memory_space<vmem_shared>>
        tpu.enqueue_indirect_dma source(%dma_start3A_129 : memref<64x128xf32, #tpu.memory_space<vmem>>) target(%dma_start3A_135 : memref<10240x128xf32, #tpu.memory_space<vmem_shared>>) offsets(%dma_start3A_132 : memref<64xi32, #tpu.memory_space<vmem>>) semaphore(%run_scoped3A_125 : memref<!tpu.dma_semaphore, #tpu.memory_space<semaphore_mem>>) {add = true}
        %dma_wait3A_136 = arith.constant 0 : i32
        %dma_wait3A_137 = arith.constant 0 : i32
        %dma_wait3A_138 = tpu.memref_slice %arg8[%run_scoped3A_117, %dma_wait3A_136, %dma_wait3A_137] : memref<2x64x128xf32, #tpu.memory_space<vmem>> -> memref<1x64x128xf32, #tpu.memory_space<vmem>>
        %dma_wait3A_139 = tpu.memref_squeeze %dma_wait3A_138 : memref<1x64x128xf32, #tpu.memory_space<vmem>> -> memref<64x128xf32, #tpu.memory_space<vmem>>
        %dma_wait3A_140 = arith.constant 64 : i32
        %dma_wait3A_141 = tpu.memref_slice %arg7[%scan3A_90, %dma_wait3A_140] : memref<80x128xi32, #tpu.memory_space<vmem>> -> memref<1x64xi32, #tpu.memory_space<vmem>>
        %dma_wait3A_142 = tpu.memref_squeeze %dma_wait3A_141 : memref<1x64xi32, #tpu.memory_space<vmem>> -> memref<64xi32, #tpu.memory_space<vmem>>
        %dma_wait3A_143 = arith.constant 0 : i32
        %dma_wait3A_144 = arith.constant 0 : i32
        %dma_wait3A_145 = tpu.memref_slice %arg9[%dma_wait3A_143, %dma_wait3A_144] : memref<10240x128xf32, #tpu.memory_space<vmem_shared>> -> memref<10240x128xf32, #tpu.memory_space<vmem_shared>>
        tpu.wait_indirect_dma semaphore(%run_scoped3A_125 : memref<!tpu.dma_semaphore, #tpu.memory_space<semaphore_mem>>) src(%dma_wait3A_139 : memref<64x128xf32, #tpu.memory_space<vmem>>) dst(%dma_wait3A_145 : memref<10240x128xf32, #tpu.memory_space<vmem_shared>>)
        tpu.yield
      }) : () -> ()
      %add3A_118 = arith.constant 1 : i32
      %add3A_119 = arith.addi %scan3A_90, %add3A_118 : i32
      %lt3A_120 = arith.constant 80 : i32
      %lt3A_121 = arith.cmpi slt, %add3A_119, %lt3A_120 : i32
      %convert_element_type3A_122 = arith.extui %lt3A_121 : i1 to i32
      %cond3A_123 = arith.constant 0 : i32
      %cond3A_124 = arith.cmpi ne, %convert_element_type3A_122, %cond3A_123 : i32
      scf.if %cond3A_124 {
        %add3A_125 = arith.constant 1 : i32
        %add3A_126 = arith.addi %scan3A_90, %add3A_125 : i32
        %dma_start3A_127 = arith.constant 1 : i32
        %dma_start3A_128 = arith.constant 0 : i32
        %dma_start3A_129 = arith.constant 0 : i32
        %dma_start3A_130 = tpu.memref_slice %arg8[%dma_start3A_127, %dma_start3A_128, %dma_start3A_129] : memref<2x64x128xf32, #tpu.memory_space<vmem>> -> memref<1x64x128xf32, #tpu.memory_space<vmem>>
        %dma_start3A_131 = tpu.memref_squeeze %dma_start3A_130 : memref<1x64x128xf32, #tpu.memory_space<vmem>> -> memref<64x128xf32, #tpu.memory_space<vmem>>
        %dma_start3A_132 = arith.constant 64 : i32
        %dma_start3A_133 = tpu.memref_slice %arg6[%add3A_126, %dma_start3A_132] : memref<80x128xi32, #tpu.memory_space<vmem>> -> memref<1x64xi32, #tpu.memory_space<vmem>>
        %dma_start3A_134 = tpu.memref_squeeze %dma_start3A_133 : memref<1x64xi32, #tpu.memory_space<vmem>> -> memref<64xi32, #tpu.memory_space<vmem>>
        %dma_start3A_135 = arith.constant 0 : i32
        %dma_start3A_136 = arith.constant 0 : i32
        %dma_start3A_137 = tpu.memref_slice %arg2[%dma_start3A_135, %dma_start3A_136] : memref<40000x128xf32, #tpu.memory_space<hbm>> -> memref<40000x128xf32, #tpu.memory_space<hbm>>
        tpu.enqueue_indirect_dma source(%dma_start3A_137 : memref<40000x128xf32, #tpu.memory_space<hbm>>) target(%dma_start3A_131 : memref<64x128xf32, #tpu.memory_space<vmem>>) offsets(%dma_start3A_134 : memref<64xi32, #tpu.memory_space<vmem>>) semaphore(%arg11 : memref<!tpu.dma_semaphore, #tpu.memory_space<semaphore_mem>>)
      } else {
      }
    }
    %scan3A_84 = arith.constant 80 : i32
    %barrier3A_85 = arith.constant 0 : index
    tpu.barrier barrier_id(%barrier3A_85)
    %mul3A_86 = arith.constant 640 : i32
    %mul3A_87 = arith.muli %arg1, %mul3A_86 : i32
    %mul3A_88 = arith.constant 640 : i32
    %mul3A_89 = arith.muli %arg1, %mul3A_88 : i32
    "tpu.region"() ({
      %run_scoped3A_90 = tpu.sem_alloc : memref<!tpu.dma_semaphore, #tpu.memory_space<semaphore_mem>>
      %dma_start3A_91 = arith.constant 0 : i32
      %dma_start3A_92 = tpu.memref_slice %arg5[%arg0, %mul3A_89, %dma_start3A_91] : memref<2x10240x128xf32, #tpu.memory_space<hbm>> -> memref<1x640x128xf32, #tpu.memory_space<hbm>>
      %dma_start3A_93 = tpu.memref_squeeze %dma_start3A_92 : memref<1x640x128xf32, #tpu.memory_space<hbm>> -> memref<640x128xf32, #tpu.memory_space<hbm>>
      %dma_start3A_94 = arith.constant 0 : i32
      %dma_start3A_95 = tpu.memref_slice %arg9[%mul3A_87, %dma_start3A_94] : memref<10240x128xf32, #tpu.memory_space<vmem_shared>> -> memref<640x128xf32, #tpu.memory_space<vmem_shared>>
      tpu.enqueue_dma source(%dma_start3A_95 : memref<640x128xf32, #tpu.memory_space<vmem_shared>>) target(%dma_start3A_93 : memref<640x128xf32, #tpu.memory_space<hbm>>) target_semaphore(%run_scoped3A_90 : memref<!tpu.dma_semaphore, #tpu.memory_space<semaphore_mem>>)
      %dma_wait3A = arith.constant 0 : i32
      %dma_wait3A_96 = tpu.memref_slice %arg5[%arg0, %mul3A_89, %dma_wait3A] : memref<2x10240x128xf32, #tpu.memory_space<hbm>> -> memref<1x640x128xf32, #tpu.memory_space<hbm>>
      %dma_wait3A_97 = tpu.memref_squeeze %dma_wait3A_96 : memref<1x640x128xf32, #tpu.memory_space<hbm>> -> memref<640x128xf32, #tpu.memory_space<hbm>>
      %dma_wait3A_98 = arith.constant 0 : i32
      %dma_wait3A_99 = tpu.memref_slice %arg9[%mul3A_87, %dma_wait3A_98] : memref<10240x128xf32, #tpu.memory_space<vmem_shared>> -> memref<640x128xf32, #tpu.memory_space<vmem_shared>>
      tpu.wait_dma2 semaphore(%run_scoped3A_90 : memref<!tpu.dma_semaphore, #tpu.memory_space<semaphore_mem>>) src(%dma_wait3A_99 : memref<640x128xf32, #tpu.memory_space<vmem_shared>>) dst(%dma_wait3A_97 : memref<640x128xf32, #tpu.memory_space<hbm>>)
      tpu.yield
    }) : () -> ()
    return
  }
}

#map = affine_map<(d0, d1) -> (0, 0)>
#map1 = affine_map<(d0, d1) -> (0, 0, 0)>
module attributes {stable_mosaic.version = 14 : i64} {
  func.func @_sc_aggregate(%arg0: i32, %arg1: i32, %arg2: memref<40000x128xf32, #tpu.memory_space<hbm>>, %arg3: memref<32x80x128xi32, #tpu.memory_space<hbm>>, %arg4: memref<32x80x128xi32, #tpu.memory_space<hbm>>, %arg5: memref<2x10240x128xf32, #tpu.memory_space<hbm>>, %arg6: memref<80x128xi32, #tpu.memory_space<vmem>>, %arg7: memref<80x128xi32, #tpu.memory_space<vmem>>, %arg8: memref<2x64x128xf32, #tpu.memory_space<vmem>>, %arg9: memref<10240x128xf32, #tpu.memory_space<vmem_shared>>, %arg10: memref<!tpu.dma_semaphore, #tpu.memory_space<semaphore_mem>>, %arg11: memref<!tpu.dma_semaphore, #tpu.memory_space<semaphore_mem>>) attributes {dimension_semantics = [#tpu.dimension_semantics<core_parallel>, #tpu.dimension_semantics<subcore_parallel>], iteration_bounds = array<i64: 2, 16>, scalar_prefetch = 0 : i64, scratch_operands = 6 : i64, tpu.core_type = #tpu.core_type<sc_vector_subcore>, window_params = [{transform_indices = #map}, {transform_indices = #map1}, {transform_indices = #map1}, {transform_indices = #map1}]} {
    %mul3A = arith.constant 16 : i32
    %mul3A_0 = arith.muli %arg0, %mul3A : i32
    %add3A = arith.addi %mul3A_0, %arg1 : i32
    "tpu.region"() ({
      %run_scoped3A_90 = tpu.sem_alloc : memref<!tpu.dma_semaphore, #tpu.memory_space<semaphore_mem>>
      %dma_start3A_91 = arith.constant 0 : i32
      %dma_start3A_92 = arith.constant 0 : i32
      %dma_start3A_93 = tpu.memref_slice %arg3[%add3A, %dma_start3A_91, %dma_start3A_92] : memref<32x80x128xi32, #tpu.memory_space<hbm>> -> memref<1x80x128xi32, #tpu.memory_space<hbm>>
      %dma_start3A_94 = tpu.memref_squeeze %dma_start3A_93 : memref<1x80x128xi32, #tpu.memory_space<hbm>> -> memref<80x128xi32, #tpu.memory_space<hbm>>
      %dma_start3A_95 = arith.constant 0 : i32
      %dma_start3A_96 = arith.constant 0 : i32
      %dma_start3A_97 = tpu.memref_slice %arg3[%add3A, %dma_start3A_95, %dma_start3A_96] : memref<32x80x128xi32, #tpu.memory_space<hbm>> -> memref<1x80x128xi32, #tpu.memory_space<hbm>>
      %dma_start3A_98 = tpu.memref_squeeze %dma_start3A_97 : memref<1x80x128xi32, #tpu.memory_space<hbm>> -> memref<80x128xi32, #tpu.memory_space<hbm>>
      tpu.enqueue_dma source(%dma_start3A_98 : memref<80x128xi32, #tpu.memory_space<hbm>>) target(%arg6 : memref<80x128xi32, #tpu.memory_space<vmem>>) target_semaphore(%run_scoped3A_90 : memref<!tpu.dma_semaphore, #tpu.memory_space<semaphore_mem>>)
      %dma_wait3A = arith.constant 0 : i32
      %dma_wait3A_99 = arith.constant 0 : i32
      %dma_wait3A_100 = tpu.memref_slice %arg3[%add3A, %dma_wait3A, %dma_wait3A_99] : memref<32x80x128xi32, #tpu.memory_space<hbm>> -> memref<1x80x128xi32, #tpu.memory_space<hbm>>
      %dma_wait3A_101 = tpu.memref_squeeze %dma_wait3A_100 : memref<1x80x128xi32, #tpu.memory_space<hbm>> -> memref<80x128xi32, #tpu.memory_space<hbm>>
      %dma_wait3A_102 = arith.constant 0 : i32
      %dma_wait3A_103 = arith.constant 0 : i32
      %dma_wait3A_104 = tpu.memref_slice %arg3[%add3A, %dma_wait3A_102, %dma_wait3A_103] : memref<32x80x128xi32, #tpu.memory_space<hbm>> -> memref<1x80x128xi32, #tpu.memory_space<hbm>>
      %dma_wait3A_105 = tpu.memref_squeeze %dma_wait3A_104 : memref<1x80x128xi32, #tpu.memory_space<hbm>> -> memref<80x128xi32, #tpu.memory_space<hbm>>
      tpu.wait_dma2 semaphore(%run_scoped3A_90 : memref<!tpu.dma_semaphore, #tpu.memory_space<semaphore_mem>>) src(%dma_wait3A_105 : memref<80x128xi32, #tpu.memory_space<hbm>>) dst(%arg6 : memref<80x128xi32, #tpu.memory_space<vmem>>)
      tpu.yield
    }) : () -> ()
    "tpu.region"() ({
      %run_scoped3A_90 = tpu.sem_alloc : memref<!tpu.dma_semaphore, #tpu.memory_space<semaphore_mem>>
      %dma_start3A_91 = arith.constant 0 : i32
      %dma_start3A_92 = arith.constant 0 : i32
      %dma_start3A_93 = tpu.memref_slice %arg4[%add3A, %dma_start3A_91, %dma_start3A_92] : memref<32x80x128xi32, #tpu.memory_space<hbm>> -> memref<1x80x128xi32, #tpu.memory_space<hbm>>
      %dma_start3A_94 = tpu.memref_squeeze %dma_start3A_93 : memref<1x80x128xi32, #tpu.memory_space<hbm>> -> memref<80x128xi32, #tpu.memory_space<hbm>>
      %dma_start3A_95 = arith.constant 0 : i32
      %dma_start3A_96 = arith.constant 0 : i32
      %dma_start3A_97 = tpu.memref_slice %arg4[%add3A, %dma_start3A_95, %dma_start3A_96] : memref<32x80x128xi32, #tpu.memory_space<hbm>> -> memref<1x80x128xi32, #tpu.memory_space<hbm>>
      %dma_start3A_98 = tpu.memref_squeeze %dma_start3A_97 : memref<1x80x128xi32, #tpu.memory_space<hbm>> -> memref<80x128xi32, #tpu.memory_space<hbm>>
      tpu.enqueue_dma source(%dma_start3A_98 : memref<80x128xi32, #tpu.memory_space<hbm>>) target(%arg7 : memref<80x128xi32, #tpu.memory_space<vmem>>) target_semaphore(%run_scoped3A_90 : memref<!tpu.dma_semaphore, #tpu.memory_space<semaphore_mem>>)
      %dma_wait3A = arith.constant 0 : i32
      %dma_wait3A_99 = arith.constant 0 : i32
      %dma_wait3A_100 = tpu.memref_slice %arg4[%add3A, %dma_wait3A, %dma_wait3A_99] : memref<32x80x128xi32, #tpu.memory_space<hbm>> -> memref<1x80x128xi32, #tpu.memory_space<hbm>>
      %dma_wait3A_101 = tpu.memref_squeeze %dma_wait3A_100 : memref<1x80x128xi32, #tpu.memory_space<hbm>> -> memref<80x128xi32, #tpu.memory_space<hbm>>
      %dma_wait3A_102 = arith.constant 0 : i32
      %dma_wait3A_103 = arith.constant 0 : i32
      %dma_wait3A_104 = tpu.memref_slice %arg4[%add3A, %dma_wait3A_102, %dma_wait3A_103] : memref<32x80x128xi32, #tpu.memory_space<hbm>> -> memref<1x80x128xi32, #tpu.memory_space<hbm>>
      %dma_wait3A_105 = tpu.memref_squeeze %dma_wait3A_104 : memref<1x80x128xi32, #tpu.memory_space<hbm>> -> memref<80x128xi32, #tpu.memory_space<hbm>>
      tpu.wait_dma2 semaphore(%run_scoped3A_90 : memref<!tpu.dma_semaphore, #tpu.memory_space<semaphore_mem>>) src(%dma_wait3A_105 : memref<80x128xi32, #tpu.memory_space<hbm>>) dst(%arg7 : memref<80x128xi32, #tpu.memory_space<vmem>>)
      tpu.yield
    }) : () -> ()
    %broadcast_in_dim3A = arith.constant 0.000000e+00 : f32
    %broadcast_in_dim3A_1 = vector.broadcast %broadcast_in_dim3A : f32 to vector<16xf32>
    %scan3A = arith.constant 0 : i32
    %scan3A_2 = arith.constant 0 : i32
    %scan3A_3 = arith.constant 64 : i32
    %scan3A_4 = arith.addi %scan3A_2, %scan3A_3 : i32
    %scan3A_5 = arith.constant 1 : i32
    scf.for %scan3A_90 = %scan3A_2 to %scan3A_4 step %scan3A_5  : i32 {
      %swap3A = arith.constant 0 : i32
      %swap3A_91 = arith.index_cast %swap3A : i32 to index
      %swap3A_92 = arith.index_cast %scan3A_90 : i32 to index
      %swap3A_93 = arith.constant 0 : index
      %swap3A_94 = tpu.vector_load %arg8[%swap3A_91, %swap3A_92, %swap3A_93] {strides = array<i32>} : memref<2x64x128xf32, #tpu.memory_space<vmem>>, vector<1x1x16xf32>,
      %swap3A_95 = vector.shape_cast %swap3A_94 : vector<1x1x16xf32> to vector<16xf32>
      %swap3A_96 = vector.shape_cast %broadcast_in_dim3A_1 : vector<16xf32> to vector<1x1x16xf32>
      tpu.vector_store %arg8[%swap3A_91, %swap3A_92, %swap3A_93], %swap3A_96 {strides = array<i32>} : memref<2x64x128xf32, #tpu.memory_space<vmem>>, vector<1x1x16xf32>,
      %swap3A_97 = arith.constant 0 : i32
      %swap3A_98 = arith.index_cast %swap3A_97 : i32 to index
      %swap3A_99 = arith.index_cast %scan3A_90 : i32 to index
      %swap3A_100 = arith.constant 16 : index
      %swap3A_101 = tpu.vector_load %arg8[%swap3A_98, %swap3A_99, %swap3A_100] {strides = array<i32>} : memref<2x64x128xf32, #tpu.memory_space<vmem>>, vector<1x1x16xf32>,
      %swap3A_102 = vector.shape_cast %swap3A_101 : vector<1x1x16xf32> to vector<16xf32>
      %swap3A_103 = vector.shape_cast %broadcast_in_dim3A_1 : vector<16xf32> to vector<1x1x16xf32>
      tpu.vector_store %arg8[%swap3A_98, %swap3A_99, %swap3A_100], %swap3A_103 {strides = array<i32>} : memref<2x64x128xf32, #tpu.memory_space<vmem>>, vector<1x1x16xf32>,
      %swap3A_104 = arith.constant 0 : i32
      %swap3A_105 = arith.index_cast %swap3A_104 : i32 to index
      %swap3A_106 = arith.index_cast %scan3A_90 : i32 to index
      %swap3A_107 = arith.constant 32 : index
      %swap3A_108 = tpu.vector_load %arg8[%swap3A_105, %swap3A_106, %swap3A_107] {strides = array<i32>} : memref<2x64x128xf32, #tpu.memory_space<vmem>>, vector<1x1x16xf32>,
      %swap3A_109 = vector.shape_cast %swap3A_108 : vector<1x1x16xf32> to vector<16xf32>
      %swap3A_110 = vector.shape_cast %broadcast_in_dim3A_1 : vector<16xf32> to vector<1x1x16xf32>
      tpu.vector_store %arg8[%swap3A_105, %swap3A_106, %swap3A_107], %swap3A_110 {strides = array<i32>} : memref<2x64x128xf32, #tpu.memory_space<vmem>>, vector<1x1x16xf32>,
      %swap3A_111 = arith.constant 0 : i32
      %swap3A_112 = arith.index_cast %swap3A_111 : i32 to index
      %swap3A_113 = arith.index_cast %scan3A_90 : i32 to index
      %swap3A_114 = arith.constant 48 : index
      %swap3A_115 = tpu.vector_load %arg8[%swap3A_112, %swap3A_113, %swap3A_114] {strides = array<i32>} : memref<2x64x128xf32, #tpu.memory_space<vmem>>, vector<1x1x16xf32>,
      %swap3A_116 = vector.shape_cast %swap3A_115 : vector<1x1x16xf32> to vector<16xf32>
      %swap3A_117 = vector.shape_cast %broadcast_in_dim3A_1 : vector<16xf32> to vector<1x1x16xf32>
      tpu.vector_store %arg8[%swap3A_112, %swap3A_113, %swap3A_114], %swap3A_117 {strides = array<i32>} : memref<2x64x128xf32, #tpu.memory_space<vmem>>, vector<1x1x16xf32>,
      %swap3A_118 = arith.constant 0 : i32
      %swap3A_119 = arith.index_cast %swap3A_118 : i32 to index
      %swap3A_120 = arith.index_cast %scan3A_90 : i32 to index
      %swap3A_121 = arith.constant 64 : index
      %swap3A_122 = tpu.vector_load %arg8[%swap3A_119, %swap3A_120, %swap3A_121] {strides = array<i32>} : memref<2x64x128xf32, #tpu.memory_space<vmem>>, vector<1x1x16xf32>,
      %swap3A_123 = vector.shape_cast %swap3A_122 : vector<1x1x16xf32> to vector<16xf32>
      %swap3A_124 = vector.shape_cast %broadcast_in_dim3A_1 : vector<16xf32> to vector<1x1x16xf32>
      tpu.vector_store %arg8[%swap3A_119, %swap3A_120, %swap3A_121], %swap3A_124 {strides = array<i32>} : memref<2x64x128xf32, #tpu.memory_space<vmem>>, vector<1x1x16xf32>,
      %swap3A_125 = arith.constant 0 : i32
      %swap3A_126 = arith.index_cast %swap3A_125 : i32 to index
      %swap3A_127 = arith.index_cast %scan3A_90 : i32 to index
      %swap3A_128 = arith.constant 80 : index
      %swap3A_129 = tpu.vector_load %arg8[%swap3A_126, %swap3A_127, %swap3A_128] {strides = array<i32>} : memref<2x64x128xf32, #tpu.memory_space<vmem>>, vector<1x1x16xf32>,
      %swap3A_130 = vector.shape_cast %swap3A_129 : vector<1x1x16xf32> to vector<16xf32>
      %swap3A_131 = vector.shape_cast %broadcast_in_dim3A_1 : vector<16xf32> to vector<1x1x16xf32>
      tpu.vector_store %arg8[%swap3A_126, %swap3A_127, %swap3A_128], %swap3A_131 {strides = array<i32>} : memref<2x64x128xf32, #tpu.memory_space<vmem>>, vector<1x1x16xf32>,
      %swap3A_132 = arith.constant 0 : i32
      %swap3A_133 = arith.index_cast %swap3A_132 : i32 to index
      %swap3A_134 = arith.index_cast %scan3A_90 : i32 to index
      %swap3A_135 = arith.constant 96 : index
      %swap3A_136 = tpu.vector_load %arg8[%swap3A_133, %swap3A_134, %swap3A_135] {strides = array<i32>} : memref<2x64x128xf32, #tpu.memory_space<vmem>>, vector<1x1x16xf32>,
      %swap3A_137 = vector.shape_cast %swap3A_136 : vector<1x1x16xf32> to vector<16xf32>
      %swap3A_138 = vector.shape_cast %broadcast_in_dim3A_1 : vector<16xf32> to vector<1x1x16xf32>
      tpu.vector_store %arg8[%swap3A_133, %swap3A_134, %swap3A_135], %swap3A_138 {strides = array<i32>} : memref<2x64x128xf32, #tpu.memory_space<vmem>>, vector<1x1x16xf32>,
      %swap3A_139 = arith.constant 0 : i32
      %swap3A_140 = arith.index_cast %swap3A_139 : i32 to index
      %swap3A_141 = arith.index_cast %scan3A_90 : i32 to index
      %swap3A_142 = arith.constant 112 : index
      %swap3A_143 = tpu.vector_load %arg8[%swap3A_140, %swap3A_141, %swap3A_142] {strides = array<i32>} : memref<2x64x128xf32, #tpu.memory_space<vmem>>, vector<1x1x16xf32>,
      %swap3A_144 = vector.shape_cast %swap3A_143 : vector<1x1x16xf32> to vector<16xf32>
      %swap3A_145 = vector.shape_cast %broadcast_in_dim3A_1 : vector<16xf32> to vector<1x1x16xf32>
      tpu.vector_store %arg8[%swap3A_140, %swap3A_141, %swap3A_142], %swap3A_145 {strides = array<i32>} : memref<2x64x128xf32, #tpu.memory_space<vmem>>, vector<1x1x16xf32>,
    }
    %scan3A_6 = arith.constant 64 : i32
    %mul3A_7 = arith.constant 640 : i32
    %mul3A_8 = arith.muli %arg1, %mul3A_7 : i32
    %add3A_9 = arith.constant 0 : i32
    %add3A_10 = arith.addi %mul3A_8, %add3A_9 : i32
    %run_scoped3A = arith.constant 0 : i32
    "tpu.region"() ({
      %run_scoped3A_90 = tpu.sem_alloc : memref<!tpu.dma_semaphore, #tpu.memory_space<semaphore_mem>>
      %dma_start3A_91 = arith.constant 0 : i32
      %dma_start3A_92 = arith.constant 0 : i32
      %dma_start3A_93 = tpu.memref_slice %arg8[%run_scoped3A, %dma_start3A_91, %dma_start3A_92] : memref<2x64x128xf32, #tpu.memory_space<vmem>> -> memref<1x64x128xf32, #tpu.memory_space<vmem>>
      %dma_start3A_94 = tpu.memref_squeeze %dma_start3A_93 : memref<1x64x128xf32, #tpu.memory_space<vmem>> -> memref<64x128xf32, #tpu.memory_space<vmem>>
      %dma_start3A_95 = arith.constant 0 : i32
      %dma_start3A_96 = tpu.memref_slice %arg9[%add3A_10, %dma_start3A_95] : memref<10240x128xf32, #tpu.memory_space<vmem_shared>> -> memref<64x128xf32, #tpu.memory_space<vmem_shared>>
      %dma_start3A_97 = arith.constant 0 : i32
      %dma_start3A_98 = tpu.memref_slice %arg9[%add3A_10, %dma_start3A_97] : memref<10240x128xf32, #tpu.memory_space<vmem_shared>> -> memref<64x128xf32, #tpu.memory_space<vmem_shared>>
      %dma_start3A_99 = arith.constant 0 : i32
      %dma_start3A_100 = arith.constant 0 : i32
      %dma_start3A_101 = tpu.memref_slice %arg8[%run_scoped3A, %dma_start3A_99, %dma_start3A_100] : memref<2x64x128xf32, #tpu.memory_space<vmem>> -> memref<1x64x128xf32, #tpu.memory_space<vmem>>
      %dma_start3A_102 = tpu.memref_squeeze %dma_start3A_101 : memref<1x64x128xf32, #tpu.memory_space<vmem>> -> memref<64x128xf32, #tpu.memory_space<vmem>>
      tpu.enqueue_dma source(%dma_start3A_102 : memref<64x128xf32, #tpu.memory_space<vmem>>) target(%dma_start3A_98 : memref<64x128xf32, #tpu.memory_space<vmem_shared>>) target_semaphore(%run_scoped3A_90 : memref<!tpu.dma_semaphore, #tpu.memory_space<semaphore_mem>>)
      %dma_wait3A = arith.constant 0 : i32
      %dma_wait3A_103 = arith.constant 0 : i32
      %dma_wait3A_104 = tpu.memref_slice %arg8[%run_scoped3A, %dma_wait3A, %dma_wait3A_103] : memref<2x64x128xf32, #tpu.memory_space<vmem>> -> memref<1x64x128xf32, #tpu.memory_space<vmem>>
      %dma_wait3A_105 = tpu.memref_squeeze %dma_wait3A_104 : memref<1x64x128xf32, #tpu.memory_space<vmem>> -> memref<64x128xf32, #tpu.memory_space<vmem>>
      %dma_wait3A_106 = arith.constant 0 : i32
      %dma_wait3A_107 = tpu.memref_slice %arg9[%add3A_10, %dma_wait3A_106] : memref<10240x128xf32, #tpu.memory_space<vmem_shared>> -> memref<64x128xf32, #tpu.memory_space<vmem_shared>>
      %dma_wait3A_108 = arith.constant 0 : i32
      %dma_wait3A_109 = tpu.memref_slice %arg9[%add3A_10, %dma_wait3A_108] : memref<10240x128xf32, #tpu.memory_space<vmem_shared>> -> memref<64x128xf32, #tpu.memory_space<vmem_shared>>
      %dma_wait3A_110 = arith.constant 0 : i32
      %dma_wait3A_111 = arith.constant 0 : i32
      %dma_wait3A_112 = tpu.memref_slice %arg8[%run_scoped3A, %dma_wait3A_110, %dma_wait3A_111] : memref<2x64x128xf32, #tpu.memory_space<vmem>> -> memref<1x64x128xf32, #tpu.memory_space<vmem>>
      %dma_wait3A_113 = tpu.memref_squeeze %dma_wait3A_112 : memref<1x64x128xf32, #tpu.memory_space<vmem>> -> memref<64x128xf32, #tpu.memory_space<vmem>>
      tpu.wait_dma2 semaphore(%run_scoped3A_90 : memref<!tpu.dma_semaphore, #tpu.memory_space<semaphore_mem>>) src(%dma_wait3A_113 : memref<64x128xf32, #tpu.memory_space<vmem>>) dst(%dma_wait3A_109 : memref<64x128xf32, #tpu.memory_space<vmem_shared>>)
      tpu.yield
    }) : () -> ()
    %mul3A_11 = arith.constant 640 : i32
    %mul3A_12 = arith.muli %arg1, %mul3A_11 : i32
    %add3A_13 = arith.constant 64 : i32
    %add3A_14 = arith.addi %mul3A_12, %add3A_13 : i32
    %run_scoped3A_15 = arith.constant 0 : i32
    "tpu.region"() ({
      %run_scoped3A_90 = tpu.sem_alloc : memref<!tpu.dma_semaphore, #tpu.memory_space<semaphore_mem>>
      %dma_start3A_91 = arith.constant 0 : i32
      %dma_start3A_92 = arith.constant 0 : i32
      %dma_start3A_93 = tpu.memref_slice %arg8[%run_scoped3A_15, %dma_start3A_91, %dma_start3A_92] : memref<2x64x128xf32, #tpu.memory_space<vmem>> -> memref<1x64x128xf32, #tpu.memory_space<vmem>>
      %dma_start3A_94 = tpu.memref_squeeze %dma_start3A_93 : memref<1x64x128xf32, #tpu.memory_space<vmem>> -> memref<64x128xf32, #tpu.memory_space<vmem>>
      %dma_start3A_95 = arith.constant 0 : i32
      %dma_start3A_96 = tpu.memref_slice %arg9[%add3A_14, %dma_start3A_95] : memref<10240x128xf32, #tpu.memory_space<vmem_shared>> -> memref<64x128xf32, #tpu.memory_space<vmem_shared>>
      %dma_start3A_97 = arith.constant 0 : i32
      %dma_start3A_98 = tpu.memref_slice %arg9[%add3A_14, %dma_start3A_97] : memref<10240x128xf32, #tpu.memory_space<vmem_shared>> -> memref<64x128xf32, #tpu.memory_space<vmem_shared>>
      %dma_start3A_99 = arith.constant 0 : i32
      %dma_start3A_100 = arith.constant 0 : i32
      %dma_start3A_101 = tpu.memref_slice %arg8[%run_scoped3A_15, %dma_start3A_99, %dma_start3A_100] : memref<2x64x128xf32, #tpu.memory_space<vmem>> -> memref<1x64x128xf32, #tpu.memory_space<vmem>>
      %dma_start3A_102 = tpu.memref_squeeze %dma_start3A_101 : memref<1x64x128xf32, #tpu.memory_space<vmem>> -> memref<64x128xf32, #tpu.memory_space<vmem>>
      tpu.enqueue_dma source(%dma_start3A_102 : memref<64x128xf32, #tpu.memory_space<vmem>>) target(%dma_start3A_98 : memref<64x128xf32, #tpu.memory_space<vmem_shared>>) target_semaphore(%run_scoped3A_90 : memref<!tpu.dma_semaphore, #tpu.memory_space<semaphore_mem>>)
      %dma_wait3A = arith.constant 0 : i32
      %dma_wait3A_103 = arith.constant 0 : i32
      %dma_wait3A_104 = tpu.memref_slice %arg8[%run_scoped3A_15, %dma_wait3A, %dma_wait3A_103] : memref<2x64x128xf32, #tpu.memory_space<vmem>> -> memref<1x64x128xf32, #tpu.memory_space<vmem>>
      %dma_wait3A_105 = tpu.memref_squeeze %dma_wait3A_104 : memref<1x64x128xf32, #tpu.memory_space<vmem>> -> memref<64x128xf32, #tpu.memory_space<vmem>>
      %dma_wait3A_106 = arith.constant 0 : i32
      %dma_wait3A_107 = tpu.memref_slice %arg9[%add3A_14, %dma_wait3A_106] : memref<10240x128xf32, #tpu.memory_space<vmem_shared>> -> memref<64x128xf32, #tpu.memory_space<vmem_shared>>
      %dma_wait3A_108 = arith.constant 0 : i32
      %dma_wait3A_109 = tpu.memref_slice %arg9[%add3A_14, %dma_wait3A_108] : memref<10240x128xf32, #tpu.memory_space<vmem_shared>> -> memref<64x128xf32, #tpu.memory_space<vmem_shared>>
      %dma_wait3A_110 = arith.constant 0 : i32
      %dma_wait3A_111 = arith.constant 0 : i32
      %dma_wait3A_112 = tpu.memref_slice %arg8[%run_scoped3A_15, %dma_wait3A_110, %dma_wait3A_111] : memref<2x64x128xf32, #tpu.memory_space<vmem>> -> memref<1x64x128xf32, #tpu.memory_space<vmem>>
      %dma_wait3A_113 = tpu.memref_squeeze %dma_wait3A_112 : memref<1x64x128xf32, #tpu.memory_space<vmem>> -> memref<64x128xf32, #tpu.memory_space<vmem>>
      tpu.wait_dma2 semaphore(%run_scoped3A_90 : memref<!tpu.dma_semaphore, #tpu.memory_space<semaphore_mem>>) src(%dma_wait3A_113 : memref<64x128xf32, #tpu.memory_space<vmem>>) dst(%dma_wait3A_109 : memref<64x128xf32, #tpu.memory_space<vmem_shared>>)
      tpu.yield
    }) : () -> ()
    %mul3A_16 = arith.constant 640 : i32
    %mul3A_17 = arith.muli %arg1, %mul3A_16 : i32
    %add3A_18 = arith.constant 128 : i32
    %add3A_19 = arith.addi %mul3A_17, %add3A_18 : i32
    %run_scoped3A_20 = arith.constant 0 : i32
    "tpu.region"() ({
      %run_scoped3A_90 = tpu.sem_alloc : memref<!tpu.dma_semaphore, #tpu.memory_space<semaphore_mem>>
      %dma_start3A_91 = arith.constant 0 : i32
      %dma_start3A_92 = arith.constant 0 : i32
      %dma_start3A_93 = tpu.memref_slice %arg8[%run_scoped3A_20, %dma_start3A_91, %dma_start3A_92] : memref<2x64x128xf32, #tpu.memory_space<vmem>> -> memref<1x64x128xf32, #tpu.memory_space<vmem>>
      %dma_start3A_94 = tpu.memref_squeeze %dma_start3A_93 : memref<1x64x128xf32, #tpu.memory_space<vmem>> -> memref<64x128xf32, #tpu.memory_space<vmem>>
      %dma_start3A_95 = arith.constant 0 : i32
      %dma_start3A_96 = tpu.memref_slice %arg9[%add3A_19, %dma_start3A_95] : memref<10240x128xf32, #tpu.memory_space<vmem_shared>> -> memref<64x128xf32, #tpu.memory_space<vmem_shared>>
      %dma_start3A_97 = arith.constant 0 : i32
      %dma_start3A_98 = tpu.memref_slice %arg9[%add3A_19, %dma_start3A_97] : memref<10240x128xf32, #tpu.memory_space<vmem_shared>> -> memref<64x128xf32, #tpu.memory_space<vmem_shared>>
      %dma_start3A_99 = arith.constant 0 : i32
      %dma_start3A_100 = arith.constant 0 : i32
      %dma_start3A_101 = tpu.memref_slice %arg8[%run_scoped3A_20, %dma_start3A_99, %dma_start3A_100] : memref<2x64x128xf32, #tpu.memory_space<vmem>> -> memref<1x64x128xf32, #tpu.memory_space<vmem>>
      %dma_start3A_102 = tpu.memref_squeeze %dma_start3A_101 : memref<1x64x128xf32, #tpu.memory_space<vmem>> -> memref<64x128xf32, #tpu.memory_space<vmem>>
      tpu.enqueue_dma source(%dma_start3A_102 : memref<64x128xf32, #tpu.memory_space<vmem>>) target(%dma_start3A_98 : memref<64x128xf32, #tpu.memory_space<vmem_shared>>) target_semaphore(%run_scoped3A_90 : memref<!tpu.dma_semaphore, #tpu.memory_space<semaphore_mem>>)
      %dma_wait3A = arith.constant 0 : i32
      %dma_wait3A_103 = arith.constant 0 : i32
      %dma_wait3A_104 = tpu.memref_slice %arg8[%run_scoped3A_20, %dma_wait3A, %dma_wait3A_103] : memref<2x64x128xf32, #tpu.memory_space<vmem>> -> memref<1x64x128xf32, #tpu.memory_space<vmem>>
      %dma_wait3A_105 = tpu.memref_squeeze %dma_wait3A_104 : memref<1x64x128xf32, #tpu.memory_space<vmem>> -> memref<64x128xf32, #tpu.memory_space<vmem>>
      %dma_wait3A_106 = arith.constant 0 : i32
      %dma_wait3A_107 = tpu.memref_slice %arg9[%add3A_19, %dma_wait3A_106] : memref<10240x128xf32, #tpu.memory_space<vmem_shared>> -> memref<64x128xf32, #tpu.memory_space<vmem_shared>>
      %dma_wait3A_108 = arith.constant 0 : i32
      %dma_wait3A_109 = tpu.memref_slice %arg9[%add3A_19, %dma_wait3A_108] : memref<10240x128xf32, #tpu.memory_space<vmem_shared>> -> memref<64x128xf32, #tpu.memory_space<vmem_shared>>
      %dma_wait3A_110 = arith.constant 0 : i32
      %dma_wait3A_111 = arith.constant 0 : i32
      %dma_wait3A_112 = tpu.memref_slice %arg8[%run_scoped3A_20, %dma_wait3A_110, %dma_wait3A_111] : memref<2x64x128xf32, #tpu.memory_space<vmem>> -> memref<1x64x128xf32, #tpu.memory_space<vmem>>
      %dma_wait3A_113 = tpu.memref_squeeze %dma_wait3A_112 : memref<1x64x128xf32, #tpu.memory_space<vmem>> -> memref<64x128xf32, #tpu.memory_space<vmem>>
      tpu.wait_dma2 semaphore(%run_scoped3A_90 : memref<!tpu.dma_semaphore, #tpu.memory_space<semaphore_mem>>) src(%dma_wait3A_113 : memref<64x128xf32, #tpu.memory_space<vmem>>) dst(%dma_wait3A_109 : memref<64x128xf32, #tpu.memory_space<vmem_shared>>)
      tpu.yield
    }) : () -> ()
    %mul3A_21 = arith.constant 640 : i32
    %mul3A_22 = arith.muli %arg1, %mul3A_21 : i32
    %add3A_23 = arith.constant 192 : i32
    %add3A_24 = arith.addi %mul3A_22, %add3A_23 : i32
    %run_scoped3A_25 = arith.constant 0 : i32
    "tpu.region"() ({
      %run_scoped3A_90 = tpu.sem_alloc : memref<!tpu.dma_semaphore, #tpu.memory_space<semaphore_mem>>
      %dma_start3A_91 = arith.constant 0 : i32
      %dma_start3A_92 = arith.constant 0 : i32
      %dma_start3A_93 = tpu.memref_slice %arg8[%run_scoped3A_25, %dma_start3A_91, %dma_start3A_92] : memref<2x64x128xf32, #tpu.memory_space<vmem>> -> memref<1x64x128xf32, #tpu.memory_space<vmem>>
      %dma_start3A_94 = tpu.memref_squeeze %dma_start3A_93 : memref<1x64x128xf32, #tpu.memory_space<vmem>> -> memref<64x128xf32, #tpu.memory_space<vmem>>
      %dma_start3A_95 = arith.constant 0 : i32
      %dma_start3A_96 = tpu.memref_slice %arg9[%add3A_24, %dma_start3A_95] : memref<10240x128xf32, #tpu.memory_space<vmem_shared>> -> memref<64x128xf32, #tpu.memory_space<vmem_shared>>
      %dma_start3A_97 = arith.constant 0 : i32
      %dma_start3A_98 = tpu.memref_slice %arg9[%add3A_24, %dma_start3A_97] : memref<10240x128xf32, #tpu.memory_space<vmem_shared>> -> memref<64x128xf32, #tpu.memory_space<vmem_shared>>
      %dma_start3A_99 = arith.constant 0 : i32
      %dma_start3A_100 = arith.constant 0 : i32
      %dma_start3A_101 = tpu.memref_slice %arg8[%run_scoped3A_25, %dma_start3A_99, %dma_start3A_100] : memref<2x64x128xf32, #tpu.memory_space<vmem>> -> memref<1x64x128xf32, #tpu.memory_space<vmem>>
      %dma_start3A_102 = tpu.memref_squeeze %dma_start3A_101 : memref<1x64x128xf32, #tpu.memory_space<vmem>> -> memref<64x128xf32, #tpu.memory_space<vmem>>
      tpu.enqueue_dma source(%dma_start3A_102 : memref<64x128xf32, #tpu.memory_space<vmem>>) target(%dma_start3A_98 : memref<64x128xf32, #tpu.memory_space<vmem_shared>>) target_semaphore(%run_scoped3A_90 : memref<!tpu.dma_semaphore, #tpu.memory_space<semaphore_mem>>)
      %dma_wait3A = arith.constant 0 : i32
      %dma_wait3A_103 = arith.constant 0 : i32
      %dma_wait3A_104 = tpu.memref_slice %arg8[%run_scoped3A_25, %dma_wait3A, %dma_wait3A_103] : memref<2x64x128xf32, #tpu.memory_space<vmem>> -> memref<1x64x128xf32, #tpu.memory_space<vmem>>
      %dma_wait3A_105 = tpu.memref_squeeze %dma_wait3A_104 : memref<1x64x128xf32, #tpu.memory_space<vmem>> -> memref<64x128xf32, #tpu.memory_space<vmem>>
      %dma_wait3A_106 = arith.constant 0 : i32
      %dma_wait3A_107 = tpu.memref_slice %arg9[%add3A_24, %dma_wait3A_106] : memref<10240x128xf32, #tpu.memory_space<vmem_shared>> -> memref<64x128xf32, #tpu.memory_space<vmem_shared>>
      %dma_wait3A_108 = arith.constant 0 : i32
      %dma_wait3A_109 = tpu.memref_slice %arg9[%add3A_24, %dma_wait3A_108] : memref<10240x128xf32, #tpu.memory_space<vmem_shared>> -> memref<64x128xf32, #tpu.memory_space<vmem_shared>>
      %dma_wait3A_110 = arith.constant 0 : i32
      %dma_wait3A_111 = arith.constant 0 : i32
      %dma_wait3A_112 = tpu.memref_slice %arg8[%run_scoped3A_25, %dma_wait3A_110, %dma_wait3A_111] : memref<2x64x128xf32, #tpu.memory_space<vmem>> -> memref<1x64x128xf32, #tpu.memory_space<vmem>>
      %dma_wait3A_113 = tpu.memref_squeeze %dma_wait3A_112 : memref<1x64x128xf32, #tpu.memory_space<vmem>> -> memref<64x128xf32, #tpu.memory_space<vmem>>
      tpu.wait_dma2 semaphore(%run_scoped3A_90 : memref<!tpu.dma_semaphore, #tpu.memory_space<semaphore_mem>>) src(%dma_wait3A_113 : memref<64x128xf32, #tpu.memory_space<vmem>>) dst(%dma_wait3A_109 : memref<64x128xf32, #tpu.memory_space<vmem_shared>>)
      tpu.yield
    }) : () -> ()
    %mul3A_26 = arith.constant 640 : i32
    %mul3A_27 = arith.muli %arg1, %mul3A_26 : i32
    %add3A_28 = arith.constant 256 : i32
    %add3A_29 = arith.addi %mul3A_27, %add3A_28 : i32
    %run_scoped3A_30 = arith.constant 0 : i32
    "tpu.region"() ({
      %run_scoped3A_90 = tpu.sem_alloc : memref<!tpu.dma_semaphore, #tpu.memory_space<semaphore_mem>>
      %dma_start3A_91 = arith.constant 0 : i32
      %dma_start3A_92 = arith.constant 0 : i32
      %dma_start3A_93 = tpu.memref_slice %arg8[%run_scoped3A_30, %dma_start3A_91, %dma_start3A_92] : memref<2x64x128xf32, #tpu.memory_space<vmem>> -> memref<1x64x128xf32, #tpu.memory_space<vmem>>
      %dma_start3A_94 = tpu.memref_squeeze %dma_start3A_93 : memref<1x64x128xf32, #tpu.memory_space<vmem>> -> memref<64x128xf32, #tpu.memory_space<vmem>>
      %dma_start3A_95 = arith.constant 0 : i32
      %dma_start3A_96 = tpu.memref_slice %arg9[%add3A_29, %dma_start3A_95] : memref<10240x128xf32, #tpu.memory_space<vmem_shared>> -> memref<64x128xf32, #tpu.memory_space<vmem_shared>>
      %dma_start3A_97 = arith.constant 0 : i32
      %dma_start3A_98 = tpu.memref_slice %arg9[%add3A_29, %dma_start3A_97] : memref<10240x128xf32, #tpu.memory_space<vmem_shared>> -> memref<64x128xf32, #tpu.memory_space<vmem_shared>>
      %dma_start3A_99 = arith.constant 0 : i32
      %dma_start3A_100 = arith.constant 0 : i32
      %dma_start3A_101 = tpu.memref_slice %arg8[%run_scoped3A_30, %dma_start3A_99, %dma_start3A_100] : memref<2x64x128xf32, #tpu.memory_space<vmem>> -> memref<1x64x128xf32, #tpu.memory_space<vmem>>
      %dma_start3A_102 = tpu.memref_squeeze %dma_start3A_101 : memref<1x64x128xf32, #tpu.memory_space<vmem>> -> memref<64x128xf32, #tpu.memory_space<vmem>>
      tpu.enqueue_dma source(%dma_start3A_102 : memref<64x128xf32, #tpu.memory_space<vmem>>) target(%dma_start3A_98 : memref<64x128xf32, #tpu.memory_space<vmem_shared>>) target_semaphore(%run_scoped3A_90 : memref<!tpu.dma_semaphore, #tpu.memory_space<semaphore_mem>>)
      %dma_wait3A = arith.constant 0 : i32
      %dma_wait3A_103 = arith.constant 0 : i32
      %dma_wait3A_104 = tpu.memref_slice %arg8[%run_scoped3A_30, %dma_wait3A, %dma_wait3A_103] : memref<2x64x128xf32, #tpu.memory_space<vmem>> -> memref<1x64x128xf32, #tpu.memory_space<vmem>>
      %dma_wait3A_105 = tpu.memref_squeeze %dma_wait3A_104 : memref<1x64x128xf32, #tpu.memory_space<vmem>> -> memref<64x128xf32, #tpu.memory_space<vmem>>
      %dma_wait3A_106 = arith.constant 0 : i32
      %dma_wait3A_107 = tpu.memref_slice %arg9[%add3A_29, %dma_wait3A_106] : memref<10240x128xf32, #tpu.memory_space<vmem_shared>> -> memref<64x128xf32, #tpu.memory_space<vmem_shared>>
      %dma_wait3A_108 = arith.constant 0 : i32
      %dma_wait3A_109 = tpu.memref_slice %arg9[%add3A_29, %dma_wait3A_108] : memref<10240x128xf32, #tpu.memory_space<vmem_shared>> -> memref<64x128xf32, #tpu.memory_space<vmem_shared>>
      %dma_wait3A_110 = arith.constant 0 : i32
      %dma_wait3A_111 = arith.constant 0 : i32
      %dma_wait3A_112 = tpu.memref_slice %arg8[%run_scoped3A_30, %dma_wait3A_110, %dma_wait3A_111] : memref<2x64x128xf32, #tpu.memory_space<vmem>> -> memref<1x64x128xf32, #tpu.memory_space<vmem>>
      %dma_wait3A_113 = tpu.memref_squeeze %dma_wait3A_112 : memref<1x64x128xf32, #tpu.memory_space<vmem>> -> memref<64x128xf32, #tpu.memory_space<vmem>>
      tpu.wait_dma2 semaphore(%run_scoped3A_90 : memref<!tpu.dma_semaphore, #tpu.memory_space<semaphore_mem>>) src(%dma_wait3A_113 : memref<64x128xf32, #tpu.memory_space<vmem>>) dst(%dma_wait3A_109 : memref<64x128xf32, #tpu.memory_space<vmem_shared>>)
      tpu.yield
    }) : () -> ()
    %mul3A_31 = arith.constant 640 : i32
    %mul3A_32 = arith.muli %arg1, %mul3A_31 : i32
    %add3A_33 = arith.constant 320 : i32
    %add3A_34 = arith.addi %mul3A_32, %add3A_33 : i32
    %run_scoped3A_35 = arith.constant 0 : i32
    "tpu.region"() ({
      %run_scoped3A_90 = tpu.sem_alloc : memref<!tpu.dma_semaphore, #tpu.memory_space<semaphore_mem>>
      %dma_start3A_91 = arith.constant 0 : i32
      %dma_start3A_92 = arith.constant 0 : i32
      %dma_start3A_93 = tpu.memref_slice %arg8[%run_scoped3A_35, %dma_start3A_91, %dma_start3A_92] : memref<2x64x128xf32, #tpu.memory_space<vmem>> -> memref<1x64x128xf32, #tpu.memory_space<vmem>>
      %dma_start3A_94 = tpu.memref_squeeze %dma_start3A_93 : memref<1x64x128xf32, #tpu.memory_space<vmem>> -> memref<64x128xf32, #tpu.memory_space<vmem>>
      %dma_start3A_95 = arith.constant 0 : i32
      %dma_start3A_96 = tpu.memref_slice %arg9[%add3A_34, %dma_start3A_95] : memref<10240x128xf32, #tpu.memory_space<vmem_shared>> -> memref<64x128xf32, #tpu.memory_space<vmem_shared>>
      %dma_start3A_97 = arith.constant 0 : i32
      %dma_start3A_98 = tpu.memref_slice %arg9[%add3A_34, %dma_start3A_97] : memref<10240x128xf32, #tpu.memory_space<vmem_shared>> -> memref<64x128xf32, #tpu.memory_space<vmem_shared>>
      %dma_start3A_99 = arith.constant 0 : i32
      %dma_start3A_100 = arith.constant 0 : i32
      %dma_start3A_101 = tpu.memref_slice %arg8[%run_scoped3A_35, %dma_start3A_99, %dma_start3A_100] : memref<2x64x128xf32, #tpu.memory_space<vmem>> -> memref<1x64x128xf32, #tpu.memory_space<vmem>>
      %dma_start3A_102 = tpu.memref_squeeze %dma_start3A_101 : memref<1x64x128xf32, #tpu.memory_space<vmem>> -> memref<64x128xf32, #tpu.memory_space<vmem>>
      tpu.enqueue_dma source(%dma_start3A_102 : memref<64x128xf32, #tpu.memory_space<vmem>>) target(%dma_start3A_98 : memref<64x128xf32, #tpu.memory_space<vmem_shared>>) target_semaphore(%run_scoped3A_90 : memref<!tpu.dma_semaphore, #tpu.memory_space<semaphore_mem>>)
      %dma_wait3A = arith.constant 0 : i32
      %dma_wait3A_103 = arith.constant 0 : i32
      %dma_wait3A_104 = tpu.memref_slice %arg8[%run_scoped3A_35, %dma_wait3A, %dma_wait3A_103] : memref<2x64x128xf32, #tpu.memory_space<vmem>> -> memref<1x64x128xf32, #tpu.memory_space<vmem>>
      %dma_wait3A_105 = tpu.memref_squeeze %dma_wait3A_104 : memref<1x64x128xf32, #tpu.memory_space<vmem>> -> memref<64x128xf32, #tpu.memory_space<vmem>>
      %dma_wait3A_106 = arith.constant 0 : i32
      %dma_wait3A_107 = tpu.memref_slice %arg9[%add3A_34, %dma_wait3A_106] : memref<10240x128xf32, #tpu.memory_space<vmem_shared>> -> memref<64x128xf32, #tpu.memory_space<vmem_shared>>
      %dma_wait3A_108 = arith.constant 0 : i32
      %dma_wait3A_109 = tpu.memref_slice %arg9[%add3A_34, %dma_wait3A_108] : memref<10240x128xf32, #tpu.memory_space<vmem_shared>> -> memref<64x128xf32, #tpu.memory_space<vmem_shared>>
      %dma_wait3A_110 = arith.constant 0 : i32
      %dma_wait3A_111 = arith.constant 0 : i32
      %dma_wait3A_112 = tpu.memref_slice %arg8[%run_scoped3A_35, %dma_wait3A_110, %dma_wait3A_111] : memref<2x64x128xf32, #tpu.memory_space<vmem>> -> memref<1x64x128xf32, #tpu.memory_space<vmem>>
      %dma_wait3A_113 = tpu.memref_squeeze %dma_wait3A_112 : memref<1x64x128xf32, #tpu.memory_space<vmem>> -> memref<64x128xf32, #tpu.memory_space<vmem>>
      tpu.wait_dma2 semaphore(%run_scoped3A_90 : memref<!tpu.dma_semaphore, #tpu.memory_space<semaphore_mem>>) src(%dma_wait3A_113 : memref<64x128xf32, #tpu.memory_space<vmem>>) dst(%dma_wait3A_109 : memref<64x128xf32, #tpu.memory_space<vmem_shared>>)
      tpu.yield
    }) : () -> ()
    %mul3A_36 = arith.constant 640 : i32
    %mul3A_37 = arith.muli %arg1, %mul3A_36 : i32
    %add3A_38 = arith.constant 384 : i32
    %add3A_39 = arith.addi %mul3A_37, %add3A_38 : i32
    %run_scoped3A_40 = arith.constant 0 : i32
    "tpu.region"() ({
      %run_scoped3A_90 = tpu.sem_alloc : memref<!tpu.dma_semaphore, #tpu.memory_space<semaphore_mem>>
      %dma_start3A_91 = arith.constant 0 : i32
      %dma_start3A_92 = arith.constant 0 : i32
      %dma_start3A_93 = tpu.memref_slice %arg8[%run_scoped3A_40, %dma_start3A_91, %dma_start3A_92] : memref<2x64x128xf32, #tpu.memory_space<vmem>> -> memref<1x64x128xf32, #tpu.memory_space<vmem>>
      %dma_start3A_94 = tpu.memref_squeeze %dma_start3A_93 : memref<1x64x128xf32, #tpu.memory_space<vmem>> -> memref<64x128xf32, #tpu.memory_space<vmem>>
      %dma_start3A_95 = arith.constant 0 : i32
      %dma_start3A_96 = tpu.memref_slice %arg9[%add3A_39, %dma_start3A_95] : memref<10240x128xf32, #tpu.memory_space<vmem_shared>> -> memref<64x128xf32, #tpu.memory_space<vmem_shared>>
      %dma_start3A_97 = arith.constant 0 : i32
      %dma_start3A_98 = tpu.memref_slice %arg9[%add3A_39, %dma_start3A_97] : memref<10240x128xf32, #tpu.memory_space<vmem_shared>> -> memref<64x128xf32, #tpu.memory_space<vmem_shared>>
      %dma_start3A_99 = arith.constant 0 : i32
      %dma_start3A_100 = arith.constant 0 : i32
      %dma_start3A_101 = tpu.memref_slice %arg8[%run_scoped3A_40, %dma_start3A_99, %dma_start3A_100] : memref<2x64x128xf32, #tpu.memory_space<vmem>> -> memref<1x64x128xf32, #tpu.memory_space<vmem>>
      %dma_start3A_102 = tpu.memref_squeeze %dma_start3A_101 : memref<1x64x128xf32, #tpu.memory_space<vmem>> -> memref<64x128xf32, #tpu.memory_space<vmem>>
      tpu.enqueue_dma source(%dma_start3A_102 : memref<64x128xf32, #tpu.memory_space<vmem>>) target(%dma_start3A_98 : memref<64x128xf32, #tpu.memory_space<vmem_shared>>) target_semaphore(%run_scoped3A_90 : memref<!tpu.dma_semaphore, #tpu.memory_space<semaphore_mem>>)
      %dma_wait3A = arith.constant 0 : i32
      %dma_wait3A_103 = arith.constant 0 : i32
      %dma_wait3A_104 = tpu.memref_slice %arg8[%run_scoped3A_40, %dma_wait3A, %dma_wait3A_103] : memref<2x64x128xf32, #tpu.memory_space<vmem>> -> memref<1x64x128xf32, #tpu.memory_space<vmem>>
      %dma_wait3A_105 = tpu.memref_squeeze %dma_wait3A_104 : memref<1x64x128xf32, #tpu.memory_space<vmem>> -> memref<64x128xf32, #tpu.memory_space<vmem>>
      %dma_wait3A_106 = arith.constant 0 : i32
      %dma_wait3A_107 = tpu.memref_slice %arg9[%add3A_39, %dma_wait3A_106] : memref<10240x128xf32, #tpu.memory_space<vmem_shared>> -> memref<64x128xf32, #tpu.memory_space<vmem_shared>>
      %dma_wait3A_108 = arith.constant 0 : i32
      %dma_wait3A_109 = tpu.memref_slice %arg9[%add3A_39, %dma_wait3A_108] : memref<10240x128xf32, #tpu.memory_space<vmem_shared>> -> memref<64x128xf32, #tpu.memory_space<vmem_shared>>
      %dma_wait3A_110 = arith.constant 0 : i32
      %dma_wait3A_111 = arith.constant 0 : i32
      %dma_wait3A_112 = tpu.memref_slice %arg8[%run_scoped3A_40, %dma_wait3A_110, %dma_wait3A_111] : memref<2x64x128xf32, #tpu.memory_space<vmem>> -> memref<1x64x128xf32, #tpu.memory_space<vmem>>
      %dma_wait3A_113 = tpu.memref_squeeze %dma_wait3A_112 : memref<1x64x128xf32, #tpu.memory_space<vmem>> -> memref<64x128xf32, #tpu.memory_space<vmem>>
      tpu.wait_dma2 semaphore(%run_scoped3A_90 : memref<!tpu.dma_semaphore, #tpu.memory_space<semaphore_mem>>) src(%dma_wait3A_113 : memref<64x128xf32, #tpu.memory_space<vmem>>) dst(%dma_wait3A_109 : memref<64x128xf32, #tpu.memory_space<vmem_shared>>)
      tpu.yield
    }) : () -> ()
    %mul3A_41 = arith.constant 640 : i32
    %mul3A_42 = arith.muli %arg1, %mul3A_41 : i32
    %add3A_43 = arith.constant 448 : i32
    %add3A_44 = arith.addi %mul3A_42, %add3A_43 : i32
    %run_scoped3A_45 = arith.constant 0 : i32
    "tpu.region"() ({
      %run_scoped3A_90 = tpu.sem_alloc : memref<!tpu.dma_semaphore, #tpu.memory_space<semaphore_mem>>
      %dma_start3A_91 = arith.constant 0 : i32
      %dma_start3A_92 = arith.constant 0 : i32
      %dma_start3A_93 = tpu.memref_slice %arg8[%run_scoped3A_45, %dma_start3A_91, %dma_start3A_92] : memref<2x64x128xf32, #tpu.memory_space<vmem>> -> memref<1x64x128xf32, #tpu.memory_space<vmem>>
      %dma_start3A_94 = tpu.memref_squeeze %dma_start3A_93 : memref<1x64x128xf32, #tpu.memory_space<vmem>> -> memref<64x128xf32, #tpu.memory_space<vmem>>
      %dma_start3A_95 = arith.constant 0 : i32
      %dma_start3A_96 = tpu.memref_slice %arg9[%add3A_44, %dma_start3A_95] : memref<10240x128xf32, #tpu.memory_space<vmem_shared>> -> memref<64x128xf32, #tpu.memory_space<vmem_shared>>
      %dma_start3A_97 = arith.constant 0 : i32
      %dma_start3A_98 = tpu.memref_slice %arg9[%add3A_44, %dma_start3A_97] : memref<10240x128xf32, #tpu.memory_space<vmem_shared>> -> memref<64x128xf32, #tpu.memory_space<vmem_shared>>
      %dma_start3A_99 = arith.constant 0 : i32
      %dma_start3A_100 = arith.constant 0 : i32
      %dma_start3A_101 = tpu.memref_slice %arg8[%run_scoped3A_45, %dma_start3A_99, %dma_start3A_100] : memref<2x64x128xf32, #tpu.memory_space<vmem>> -> memref<1x64x128xf32, #tpu.memory_space<vmem>>
      %dma_start3A_102 = tpu.memref_squeeze %dma_start3A_101 : memref<1x64x128xf32, #tpu.memory_space<vmem>> -> memref<64x128xf32, #tpu.memory_space<vmem>>
      tpu.enqueue_dma source(%dma_start3A_102 : memref<64x128xf32, #tpu.memory_space<vmem>>) target(%dma_start3A_98 : memref<64x128xf32, #tpu.memory_space<vmem_shared>>) target_semaphore(%run_scoped3A_90 : memref<!tpu.dma_semaphore, #tpu.memory_space<semaphore_mem>>)
      %dma_wait3A = arith.constant 0 : i32
      %dma_wait3A_103 = arith.constant 0 : i32
      %dma_wait3A_104 = tpu.memref_slice %arg8[%run_scoped3A_45, %dma_wait3A, %dma_wait3A_103] : memref<2x64x128xf32, #tpu.memory_space<vmem>> -> memref<1x64x128xf32, #tpu.memory_space<vmem>>
      %dma_wait3A_105 = tpu.memref_squeeze %dma_wait3A_104 : memref<1x64x128xf32, #tpu.memory_space<vmem>> -> memref<64x128xf32, #tpu.memory_space<vmem>>
      %dma_wait3A_106 = arith.constant 0 : i32
      %dma_wait3A_107 = tpu.memref_slice %arg9[%add3A_44, %dma_wait3A_106] : memref<10240x128xf32, #tpu.memory_space<vmem_shared>> -> memref<64x128xf32, #tpu.memory_space<vmem_shared>>
      %dma_wait3A_108 = arith.constant 0 : i32
      %dma_wait3A_109 = tpu.memref_slice %arg9[%add3A_44, %dma_wait3A_108] : memref<10240x128xf32, #tpu.memory_space<vmem_shared>> -> memref<64x128xf32, #tpu.memory_space<vmem_shared>>
      %dma_wait3A_110 = arith.constant 0 : i32
      %dma_wait3A_111 = arith.constant 0 : i32
      %dma_wait3A_112 = tpu.memref_slice %arg8[%run_scoped3A_45, %dma_wait3A_110, %dma_wait3A_111] : memref<2x64x128xf32, #tpu.memory_space<vmem>> -> memref<1x64x128xf32, #tpu.memory_space<vmem>>
      %dma_wait3A_113 = tpu.memref_squeeze %dma_wait3A_112 : memref<1x64x128xf32, #tpu.memory_space<vmem>> -> memref<64x128xf32, #tpu.memory_space<vmem>>
      tpu.wait_dma2 semaphore(%run_scoped3A_90 : memref<!tpu.dma_semaphore, #tpu.memory_space<semaphore_mem>>) src(%dma_wait3A_113 : memref<64x128xf32, #tpu.memory_space<vmem>>) dst(%dma_wait3A_109 : memref<64x128xf32, #tpu.memory_space<vmem_shared>>)
      tpu.yield
    }) : () -> ()
    %mul3A_46 = arith.constant 640 : i32
    %mul3A_47 = arith.muli %arg1, %mul3A_46 : i32
    %add3A_48 = arith.constant 512 : i32
    %add3A_49 = arith.addi %mul3A_47, %add3A_48 : i32
    %run_scoped3A_50 = arith.constant 0 : i32
    "tpu.region"() ({
      %run_scoped3A_90 = tpu.sem_alloc : memref<!tpu.dma_semaphore, #tpu.memory_space<semaphore_mem>>
      %dma_start3A_91 = arith.constant 0 : i32
      %dma_start3A_92 = arith.constant 0 : i32
      %dma_start3A_93 = tpu.memref_slice %arg8[%run_scoped3A_50, %dma_start3A_91, %dma_start3A_92] : memref<2x64x128xf32, #tpu.memory_space<vmem>> -> memref<1x64x128xf32, #tpu.memory_space<vmem>>
      %dma_start3A_94 = tpu.memref_squeeze %dma_start3A_93 : memref<1x64x128xf32, #tpu.memory_space<vmem>> -> memref<64x128xf32, #tpu.memory_space<vmem>>
      %dma_start3A_95 = arith.constant 0 : i32
      %dma_start3A_96 = tpu.memref_slice %arg9[%add3A_49, %dma_start3A_95] : memref<10240x128xf32, #tpu.memory_space<vmem_shared>> -> memref<64x128xf32, #tpu.memory_space<vmem_shared>>
      %dma_start3A_97 = arith.constant 0 : i32
      %dma_start3A_98 = tpu.memref_slice %arg9[%add3A_49, %dma_start3A_97] : memref<10240x128xf32, #tpu.memory_space<vmem_shared>> -> memref<64x128xf32, #tpu.memory_space<vmem_shared>>
      %dma_start3A_99 = arith.constant 0 : i32
      %dma_start3A_100 = arith.constant 0 : i32
      %dma_start3A_101 = tpu.memref_slice %arg8[%run_scoped3A_50, %dma_start3A_99, %dma_start3A_100] : memref<2x64x128xf32, #tpu.memory_space<vmem>> -> memref<1x64x128xf32, #tpu.memory_space<vmem>>
      %dma_start3A_102 = tpu.memref_squeeze %dma_start3A_101 : memref<1x64x128xf32, #tpu.memory_space<vmem>> -> memref<64x128xf32, #tpu.memory_space<vmem>>
      tpu.enqueue_dma source(%dma_start3A_102 : memref<64x128xf32, #tpu.memory_space<vmem>>) target(%dma_start3A_98 : memref<64x128xf32, #tpu.memory_space<vmem_shared>>) target_semaphore(%run_scoped3A_90 : memref<!tpu.dma_semaphore, #tpu.memory_space<semaphore_mem>>)
      %dma_wait3A = arith.constant 0 : i32
      %dma_wait3A_103 = arith.constant 0 : i32
      %dma_wait3A_104 = tpu.memref_slice %arg8[%run_scoped3A_50, %dma_wait3A, %dma_wait3A_103] : memref<2x64x128xf32, #tpu.memory_space<vmem>> -> memref<1x64x128xf32, #tpu.memory_space<vmem>>
      %dma_wait3A_105 = tpu.memref_squeeze %dma_wait3A_104 : memref<1x64x128xf32, #tpu.memory_space<vmem>> -> memref<64x128xf32, #tpu.memory_space<vmem>>
      %dma_wait3A_106 = arith.constant 0 : i32
      %dma_wait3A_107 = tpu.memref_slice %arg9[%add3A_49, %dma_wait3A_106] : memref<10240x128xf32, #tpu.memory_space<vmem_shared>> -> memref<64x128xf32, #tpu.memory_space<vmem_shared>>
      %dma_wait3A_108 = arith.constant 0 : i32
      %dma_wait3A_109 = tpu.memref_slice %arg9[%add3A_49, %dma_wait3A_108] : memref<10240x128xf32, #tpu.memory_space<vmem_shared>> -> memref<64x128xf32, #tpu.memory_space<vmem_shared>>
      %dma_wait3A_110 = arith.constant 0 : i32
      %dma_wait3A_111 = arith.constant 0 : i32
      %dma_wait3A_112 = tpu.memref_slice %arg8[%run_scoped3A_50, %dma_wait3A_110, %dma_wait3A_111] : memref<2x64x128xf32, #tpu.memory_space<vmem>> -> memref<1x64x128xf32, #tpu.memory_space<vmem>>
      %dma_wait3A_113 = tpu.memref_squeeze %dma_wait3A_112 : memref<1x64x128xf32, #tpu.memory_space<vmem>> -> memref<64x128xf32, #tpu.memory_space<vmem>>
      tpu.wait_dma2 semaphore(%run_scoped3A_90 : memref<!tpu.dma_semaphore, #tpu.memory_space<semaphore_mem>>) src(%dma_wait3A_113 : memref<64x128xf32, #tpu.memory_space<vmem>>) dst(%dma_wait3A_109 : memref<64x128xf32, #tpu.memory_space<vmem_shared>>)
      tpu.yield
    }) : () -> ()
    %mul3A_51 = arith.constant 640 : i32
    %mul3A_52 = arith.muli %arg1, %mul3A_51 : i32
    %add3A_53 = arith.constant 576 : i32
    %add3A_54 = arith.addi %mul3A_52, %add3A_53 : i32
    %run_scoped3A_55 = arith.constant 0 : i32
    "tpu.region"() ({
      %run_scoped3A_90 = tpu.sem_alloc : memref<!tpu.dma_semaphore, #tpu.memory_space<semaphore_mem>>
      %dma_start3A_91 = arith.constant 0 : i32
      %dma_start3A_92 = arith.constant 0 : i32
      %dma_start3A_93 = tpu.memref_slice %arg8[%run_scoped3A_55, %dma_start3A_91, %dma_start3A_92] : memref<2x64x128xf32, #tpu.memory_space<vmem>> -> memref<1x64x128xf32, #tpu.memory_space<vmem>>
      %dma_start3A_94 = tpu.memref_squeeze %dma_start3A_93 : memref<1x64x128xf32, #tpu.memory_space<vmem>> -> memref<64x128xf32, #tpu.memory_space<vmem>>
      %dma_start3A_95 = arith.constant 0 : i32
      %dma_start3A_96 = tpu.memref_slice %arg9[%add3A_54, %dma_start3A_95] : memref<10240x128xf32, #tpu.memory_space<vmem_shared>> -> memref<64x128xf32, #tpu.memory_space<vmem_shared>>
      %dma_start3A_97 = arith.constant 0 : i32
      %dma_start3A_98 = tpu.memref_slice %arg9[%add3A_54, %dma_start3A_97] : memref<10240x128xf32, #tpu.memory_space<vmem_shared>> -> memref<64x128xf32, #tpu.memory_space<vmem_shared>>
      %dma_start3A_99 = arith.constant 0 : i32
      %dma_start3A_100 = arith.constant 0 : i32
      %dma_start3A_101 = tpu.memref_slice %arg8[%run_scoped3A_55, %dma_start3A_99, %dma_start3A_100] : memref<2x64x128xf32, #tpu.memory_space<vmem>> -> memref<1x64x128xf32, #tpu.memory_space<vmem>>
      %dma_start3A_102 = tpu.memref_squeeze %dma_start3A_101 : memref<1x64x128xf32, #tpu.memory_space<vmem>> -> memref<64x128xf32, #tpu.memory_space<vmem>>
      tpu.enqueue_dma source(%dma_start3A_102 : memref<64x128xf32, #tpu.memory_space<vmem>>) target(%dma_start3A_98 : memref<64x128xf32, #tpu.memory_space<vmem_shared>>) target_semaphore(%run_scoped3A_90 : memref<!tpu.dma_semaphore, #tpu.memory_space<semaphore_mem>>)
      %dma_wait3A = arith.constant 0 : i32
      %dma_wait3A_103 = arith.constant 0 : i32
      %dma_wait3A_104 = tpu.memref_slice %arg8[%run_scoped3A_55, %dma_wait3A, %dma_wait3A_103] : memref<2x64x128xf32, #tpu.memory_space<vmem>> -> memref<1x64x128xf32, #tpu.memory_space<vmem>>
      %dma_wait3A_105 = tpu.memref_squeeze %dma_wait3A_104 : memref<1x64x128xf32, #tpu.memory_space<vmem>> -> memref<64x128xf32, #tpu.memory_space<vmem>>
      %dma_wait3A_106 = arith.constant 0 : i32
      %dma_wait3A_107 = tpu.memref_slice %arg9[%add3A_54, %dma_wait3A_106] : memref<10240x128xf32, #tpu.memory_space<vmem_shared>> -> memref<64x128xf32, #tpu.memory_space<vmem_shared>>
      %dma_wait3A_108 = arith.constant 0 : i32
      %dma_wait3A_109 = tpu.memref_slice %arg9[%add3A_54, %dma_wait3A_108] : memref<10240x128xf32, #tpu.memory_space<vmem_shared>> -> memref<64x128xf32, #tpu.memory_space<vmem_shared>>
      %dma_wait3A_110 = arith.constant 0 : i32
      %dma_wait3A_111 = arith.constant 0 : i32
      %dma_wait3A_112 = tpu.memref_slice %arg8[%run_scoped3A_55, %dma_wait3A_110, %dma_wait3A_111] : memref<2x64x128xf32, #tpu.memory_space<vmem>> -> memref<1x64x128xf32, #tpu.memory_space<vmem>>
      %dma_wait3A_113 = tpu.memref_squeeze %dma_wait3A_112 : memref<1x64x128xf32, #tpu.memory_space<vmem>> -> memref<64x128xf32, #tpu.memory_space<vmem>>
      tpu.wait_dma2 semaphore(%run_scoped3A_90 : memref<!tpu.dma_semaphore, #tpu.memory_space<semaphore_mem>>) src(%dma_wait3A_113 : memref<64x128xf32, #tpu.memory_space<vmem>>) dst(%dma_wait3A_109 : memref<64x128xf32, #tpu.memory_space<vmem_shared>>)
      tpu.yield
    }) : () -> ()
    %dma_start3A = arith.constant 0 : i32
    %dma_start3A_56 = arith.constant 0 : i32
    %dma_start3A_57 = arith.constant 0 : i32
    %dma_start3A_58 = arith.constant 0 : i32
    %dma_start3A_59 = tpu.memref_slice %arg8[%dma_start3A_56, %dma_start3A_57, %dma_start3A_58] : memref<2x64x128xf32, #tpu.memory_space<vmem>> -> memref<1x64x128xf32, #tpu.memory_space<vmem>>
    %dma_start3A_60 = tpu.memref_squeeze %dma_start3A_59 : memref<1x64x128xf32, #tpu.memory_space<vmem>> -> memref<64x128xf32, #tpu.memory_space<vmem>>
    %dma_start3A_61 = arith.constant 0 : i32
    %dma_start3A_62 = tpu.memref_slice %arg6[%dma_start3A, %dma_start3A_61] : memref<80x128xi32, #tpu.memory_space<vmem>> -> memref<1x64xi32, #tpu.memory_space<vmem>>
    %dma_start3A_63 = tpu.memref_squeeze %dma_start3A_62 : memref<1x64xi32, #tpu.memory_space<vmem>> -> memref<64xi32, #tpu.memory_space<vmem>>
    %dma_start3A_64 = arith.constant 0 : i32
    %dma_start3A_65 = arith.constant 0 : i32
    %dma_start3A_66 = tpu.memref_slice %arg2[%dma_start3A_64, %dma_start3A_65] : memref<40000x128xf32, #tpu.memory_space<hbm>> -> memref<40000x128xf32, #tpu.memory_space<hbm>>
    tpu.enqueue_indirect_dma source(%dma_start3A_66 : memref<40000x128xf32, #tpu.memory_space<hbm>>) target(%dma_start3A_60 : memref<64x128xf32, #tpu.memory_space<vmem>>) offsets(%dma_start3A_63 : memref<64xi32, #tpu.memory_space<vmem>>) semaphore(%arg10 : memref<!tpu.dma_semaphore, #tpu.memory_space<semaphore_mem>>)
    %dma_start3A_67 = arith.constant 0 : i32
    %dma_start3A_68 = arith.constant 1 : i32
    %dma_start3A_69 = arith.constant 0 : i32
    %dma_start3A_70 = arith.constant 0 : i32
    %dma_start3A_71 = tpu.memref_slice %arg8[%dma_start3A_68, %dma_start3A_69, %dma_start3A_70] : memref<2x64x128xf32, #tpu.memory_space<vmem>> -> memref<1x64x128xf32, #tpu.memory_space<vmem>>
    %dma_start3A_72 = tpu.memref_squeeze %dma_start3A_71 : memref<1x64x128xf32, #tpu.memory_space<vmem>> -> memref<64x128xf32, #tpu.memory_space<vmem>>
    %dma_start3A_73 = arith.constant 64 : i32
    %dma_start3A_74 = tpu.memref_slice %arg6[%dma_start3A_67, %dma_start3A_73] : memref<80x128xi32, #tpu.memory_space<vmem>> -> memref<1x64xi32, #tpu.memory_space<vmem>>
    %dma_start3A_75 = tpu.memref_squeeze %dma_start3A_74 : memref<1x64xi32, #tpu.memory_space<vmem>> -> memref<64xi32, #tpu.memory_space<vmem>>
    %dma_start3A_76 = arith.constant 0 : i32
    %dma_start3A_77 = arith.constant 0 : i32
    %dma_start3A_78 = tpu.memref_slice %arg2[%dma_start3A_76, %dma_start3A_77] : memref<40000x128xf32, #tpu.memory_space<hbm>> -> memref<40000x128xf32, #tpu.memory_space<hbm>>
    tpu.enqueue_indirect_dma source(%dma_start3A_78 : memref<40000x128xf32, #tpu.memory_space<hbm>>) target(%dma_start3A_72 : memref<64x128xf32, #tpu.memory_space<vmem>>) offsets(%dma_start3A_75 : memref<64xi32, #tpu.memory_space<vmem>>) semaphore(%arg11 : memref<!tpu.dma_semaphore, #tpu.memory_space<semaphore_mem>>)
    %barrier3A = arith.constant 0 : index
    tpu.barrier barrier_id(%barrier3A)
    %scan3A_79 = arith.constant 0 : i32
    %scan3A_80 = arith.constant 0 : i32
    %scan3A_81 = arith.constant 80 : i32
    %scan3A_82 = arith.addi %scan3A_80, %scan3A_81 : i32
    %scan3A_83 = arith.constant 1 : i32
    scf.for %scan3A_90 = %scan3A_80 to %scan3A_82 step %scan3A_83  : i32 {
      %dma_wait3A = arith.constant 0 : i32
      %dma_wait3A_91 = arith.constant 0 : i32
      %dma_wait3A_92 = arith.constant 0 : i32
      %dma_wait3A_93 = tpu.memref_slice %arg8[%dma_wait3A, %dma_wait3A_91, %dma_wait3A_92] : memref<2x64x128xf32, #tpu.memory_space<vmem>> -> memref<1x64x128xf32, #tpu.memory_space<vmem>>
      %dma_wait3A_94 = tpu.memref_squeeze %dma_wait3A_93 : memref<1x64x128xf32, #tpu.memory_space<vmem>> -> memref<64x128xf32, #tpu.memory_space<vmem>>
      %dma_wait3A_95 = arith.constant 0 : i32
      %dma_wait3A_96 = tpu.memref_slice %arg6[%scan3A_90, %dma_wait3A_95] : memref<80x128xi32, #tpu.memory_space<vmem>> -> memref<1x64xi32, #tpu.memory_space<vmem>>
      %dma_wait3A_97 = tpu.memref_squeeze %dma_wait3A_96 : memref<1x64xi32, #tpu.memory_space<vmem>> -> memref<64xi32, #tpu.memory_space<vmem>>
      %dma_wait3A_98 = arith.constant 0 : i32
      %dma_wait3A_99 = arith.constant 0 : i32
      %dma_wait3A_100 = tpu.memref_slice %arg2[%dma_wait3A_98, %dma_wait3A_99] : memref<40000x128xf32, #tpu.memory_space<hbm>> -> memref<40000x128xf32, #tpu.memory_space<hbm>>
      tpu.wait_indirect_dma semaphore(%arg10 : memref<!tpu.dma_semaphore, #tpu.memory_space<semaphore_mem>>) src(%dma_wait3A_100 : memref<40000x128xf32, #tpu.memory_space<hbm>>) dst(%dma_wait3A_94 : memref<64x128xf32, #tpu.memory_space<vmem>>)
      %run_scoped3A_101 = arith.constant 0 : i32
      "tpu.region"() ({
        %run_scoped3A_125 = tpu.sem_alloc : memref<!tpu.dma_semaphore, #tpu.memory_space<semaphore_mem>>
        %dma_start3A_126 = arith.constant 0 : i32
        %dma_start3A_127 = arith.constant 0 : i32
        %dma_start3A_128 = tpu.memref_slice %arg8[%run_scoped3A_101, %dma_start3A_126, %dma_start3A_127] : memref<2x64x128xf32, #tpu.memory_space<vmem>> -> memref<1x64x128xf32, #tpu.memory_space<vmem>>
        %dma_start3A_129 = tpu.memref_squeeze %dma_start3A_128 : memref<1x64x128xf32, #tpu.memory_space<vmem>> -> memref<64x128xf32, #tpu.memory_space<vmem>>
        %dma_start3A_130 = arith.constant 0 : i32
        %dma_start3A_131 = tpu.memref_slice %arg7[%scan3A_90, %dma_start3A_130] : memref<80x128xi32, #tpu.memory_space<vmem>> -> memref<1x64xi32, #tpu.memory_space<vmem>>
        %dma_start3A_132 = tpu.memref_squeeze %dma_start3A_131 : memref<1x64xi32, #tpu.memory_space<vmem>> -> memref<64xi32, #tpu.memory_space<vmem>>
        %dma_start3A_133 = arith.constant 0 : i32
        %dma_start3A_134 = arith.constant 0 : i32
        %dma_start3A_135 = tpu.memref_slice %arg9[%dma_start3A_133, %dma_start3A_134] : memref<10240x128xf32, #tpu.memory_space<vmem_shared>> -> memref<10240x128xf32, #tpu.memory_space<vmem_shared>>
        tpu.enqueue_indirect_dma source(%dma_start3A_129 : memref<64x128xf32, #tpu.memory_space<vmem>>) target(%dma_start3A_135 : memref<10240x128xf32, #tpu.memory_space<vmem_shared>>) offsets(%dma_start3A_132 : memref<64xi32, #tpu.memory_space<vmem>>) semaphore(%run_scoped3A_125 : memref<!tpu.dma_semaphore, #tpu.memory_space<semaphore_mem>>) {add = true}
        %dma_wait3A_136 = arith.constant 0 : i32
        %dma_wait3A_137 = arith.constant 0 : i32
        %dma_wait3A_138 = tpu.memref_slice %arg8[%run_scoped3A_101, %dma_wait3A_136, %dma_wait3A_137] : memref<2x64x128xf32, #tpu.memory_space<vmem>> -> memref<1x64x128xf32, #tpu.memory_space<vmem>>
        %dma_wait3A_139 = tpu.memref_squeeze %dma_wait3A_138 : memref<1x64x128xf32, #tpu.memory_space<vmem>> -> memref<64x128xf32, #tpu.memory_space<vmem>>
        %dma_wait3A_140 = arith.constant 0 : i32
        %dma_wait3A_141 = tpu.memref_slice %arg7[%scan3A_90, %dma_wait3A_140] : memref<80x128xi32, #tpu.memory_space<vmem>> -> memref<1x64xi32, #tpu.memory_space<vmem>>
        %dma_wait3A_142 = tpu.memref_squeeze %dma_wait3A_141 : memref<1x64xi32, #tpu.memory_space<vmem>> -> memref<64xi32, #tpu.memory_space<vmem>>
        %dma_wait3A_143 = arith.constant 0 : i32
        %dma_wait3A_144 = arith.constant 0 : i32
        %dma_wait3A_145 = tpu.memref_slice %arg9[%dma_wait3A_143, %dma_wait3A_144] : memref<10240x128xf32, #tpu.memory_space<vmem_shared>> -> memref<10240x128xf32, #tpu.memory_space<vmem_shared>>
        tpu.wait_indirect_dma semaphore(%run_scoped3A_125 : memref<!tpu.dma_semaphore, #tpu.memory_space<semaphore_mem>>) src(%dma_wait3A_139 : memref<64x128xf32, #tpu.memory_space<vmem>>) dst(%dma_wait3A_145 : memref<10240x128xf32, #tpu.memory_space<vmem_shared>>)
        tpu.yield
      }) : () -> ()
      %add3A_102 = arith.constant 1 : i32
      %add3A_103 = arith.addi %scan3A_90, %add3A_102 : i32
      %lt3A = arith.constant 80 : i32
      %lt3A_104 = arith.cmpi slt, %add3A_103, %lt3A : i32
      %convert_element_type3A = arith.extui %lt3A_104 : i1 to i32
      %cond3A = arith.constant 0 : i32
      %cond3A_105 = arith.cmpi ne, %convert_element_type3A, %cond3A : i32
      scf.if %cond3A_105 {
        %add3A_125 = arith.constant 1 : i32
        %add3A_126 = arith.addi %scan3A_90, %add3A_125 : i32
        %dma_start3A_127 = arith.constant 0 : i32
        %dma_start3A_128 = arith.constant 0 : i32
        %dma_start3A_129 = arith.constant 0 : i32
        %dma_start3A_130 = tpu.memref_slice %arg8[%dma_start3A_127, %dma_start3A_128, %dma_start3A_129] : memref<2x64x128xf32, #tpu.memory_space<vmem>> -> memref<1x64x128xf32, #tpu.memory_space<vmem>>
        %dma_start3A_131 = tpu.memref_squeeze %dma_start3A_130 : memref<1x64x128xf32, #tpu.memory_space<vmem>> -> memref<64x128xf32, #tpu.memory_space<vmem>>
        %dma_start3A_132 = arith.constant 0 : i32
        %dma_start3A_133 = tpu.memref_slice %arg6[%add3A_126, %dma_start3A_132] : memref<80x128xi32, #tpu.memory_space<vmem>> -> memref<1x64xi32, #tpu.memory_space<vmem>>
        %dma_start3A_134 = tpu.memref_squeeze %dma_start3A_133 : memref<1x64xi32, #tpu.memory_space<vmem>> -> memref<64xi32, #tpu.memory_space<vmem>>
        %dma_start3A_135 = arith.constant 0 : i32
        %dma_start3A_136 = arith.constant 0 : i32
        %dma_start3A_137 = tpu.memref_slice %arg2[%dma_start3A_135, %dma_start3A_136] : memref<40000x128xf32, #tpu.memory_space<hbm>> -> memref<40000x128xf32, #tpu.memory_space<hbm>>
        tpu.enqueue_indirect_dma source(%dma_start3A_137 : memref<40000x128xf32, #tpu.memory_space<hbm>>) target(%dma_start3A_131 : memref<64x128xf32, #tpu.memory_space<vmem>>) offsets(%dma_start3A_134 : memref<64xi32, #tpu.memory_space<vmem>>) semaphore(%arg10 : memref<!tpu.dma_semaphore, #tpu.memory_space<semaphore_mem>>)
      } else {
      }
      %dma_wait3A_106 = arith.constant 1 : i32
      %dma_wait3A_107 = arith.constant 0 : i32
      %dma_wait3A_108 = arith.constant 0 : i32
      %dma_wait3A_109 = tpu.memref_slice %arg8[%dma_wait3A_106, %dma_wait3A_107, %dma_wait3A_108] : memref<2x64x128xf32, #tpu.memory_space<vmem>> -> memref<1x64x128xf32, #tpu.memory_space<vmem>>
      %dma_wait3A_110 = tpu.memref_squeeze %dma_wait3A_109 : memref<1x64x128xf32, #tpu.memory_space<vmem>> -> memref<64x128xf32, #tpu.memory_space<vmem>>
      %dma_wait3A_111 = arith.constant 64 : i32
      %dma_wait3A_112 = tpu.memref_slice %arg6[%scan3A_90, %dma_wait3A_111] : memref<80x128xi32, #tpu.memory_space<vmem>> -> memref<1x64xi32, #tpu.memory_space<vmem>>
      %dma_wait3A_113 = tpu.memref_squeeze %dma_wait3A_112 : memref<1x64xi32, #tpu.memory_space<vmem>> -> memref<64xi32, #tpu.memory_space<vmem>>
      %dma_wait3A_114 = arith.constant 0 : i32
      %dma_wait3A_115 = arith.constant 0 : i32
      %dma_wait3A_116 = tpu.memref_slice %arg2[%dma_wait3A_114, %dma_wait3A_115] : memref<40000x128xf32, #tpu.memory_space<hbm>> -> memref<40000x128xf32, #tpu.memory_space<hbm>>
      tpu.wait_indirect_dma semaphore(%arg11 : memref<!tpu.dma_semaphore, #tpu.memory_space<semaphore_mem>>) src(%dma_wait3A_116 : memref<40000x128xf32, #tpu.memory_space<hbm>>) dst(%dma_wait3A_110 : memref<64x128xf32, #tpu.memory_space<vmem>>)
      %run_scoped3A_117 = arith.constant 1 : i32
      "tpu.region"() ({
        %run_scoped3A_125 = tpu.sem_alloc : memref<!tpu.dma_semaphore, #tpu.memory_space<semaphore_mem>>
        %dma_start3A_126 = arith.constant 0 : i32
        %dma_start3A_127 = arith.constant 0 : i32
        %dma_start3A_128 = tpu.memref_slice %arg8[%run_scoped3A_117, %dma_start3A_126, %dma_start3A_127] : memref<2x64x128xf32, #tpu.memory_space<vmem>> -> memref<1x64x128xf32, #tpu.memory_space<vmem>>
        %dma_start3A_129 = tpu.memref_squeeze %dma_start3A_128 : memref<1x64x128xf32, #tpu.memory_space<vmem>> -> memref<64x128xf32, #tpu.memory_space<vmem>>
        %dma_start3A_130 = arith.constant 64 : i32
        %dma_start3A_131 = tpu.memref_slice %arg7[%scan3A_90, %dma_start3A_130] : memref<80x128xi32, #tpu.memory_space<vmem>> -> memref<1x64xi32, #tpu.memory_space<vmem>>
        %dma_start3A_132 = tpu.memref_squeeze %dma_start3A_131 : memref<1x64xi32, #tpu.memory_space<vmem>> -> memref<64xi32, #tpu.memory_space<vmem>>
        %dma_start3A_133 = arith.constant 0 : i32
        %dma_start3A_134 = arith.constant 0 : i32
        %dma_start3A_135 = tpu.memref_slice %arg9[%dma_start3A_133, %dma_start3A_134] : memref<10240x128xf32, #tpu.memory_space<vmem_shared>> -> memref<10240x128xf32, #tpu.memory_space<vmem_shared>>
        tpu.enqueue_indirect_dma source(%dma_start3A_129 : memref<64x128xf32, #tpu.memory_space<vmem>>) target(%dma_start3A_135 : memref<10240x128xf32, #tpu.memory_space<vmem_shared>>) offsets(%dma_start3A_132 : memref<64xi32, #tpu.memory_space<vmem>>) semaphore(%run_scoped3A_125 : memref<!tpu.dma_semaphore, #tpu.memory_space<semaphore_mem>>) {add = true}
        %dma_wait3A_136 = arith.constant 0 : i32
        %dma_wait3A_137 = arith.constant 0 : i32
        %dma_wait3A_138 = tpu.memref_slice %arg8[%run_scoped3A_117, %dma_wait3A_136, %dma_wait3A_137] : memref<2x64x128xf32, #tpu.memory_space<vmem>> -> memref<1x64x128xf32, #tpu.memory_space<vmem>>
        %dma_wait3A_139 = tpu.memref_squeeze %dma_wait3A_138 : memref<1x64x128xf32, #tpu.memory_space<vmem>> -> memref<64x128xf32, #tpu.memory_space<vmem>>
        %dma_wait3A_140 = arith.constant 64 : i32
        %dma_wait3A_141 = tpu.memref_slice %arg7[%scan3A_90, %dma_wait3A_140] : memref<80x128xi32, #tpu.memory_space<vmem>> -> memref<1x64xi32, #tpu.memory_space<vmem>>
        %dma_wait3A_142 = tpu.memref_squeeze %dma_wait3A_141 : memref<1x64xi32, #tpu.memory_space<vmem>> -> memref<64xi32, #tpu.memory_space<vmem>>
        %dma_wait3A_143 = arith.constant 0 : i32
        %dma_wait3A_144 = arith.constant 0 : i32
        %dma_wait3A_145 = tpu.memref_slice %arg9[%dma_wait3A_143, %dma_wait3A_144] : memref<10240x128xf32, #tpu.memory_space<vmem_shared>> -> memref<10240x128xf32, #tpu.memory_space<vmem_shared>>
        tpu.wait_indirect_dma semaphore(%run_scoped3A_125 : memref<!tpu.dma_semaphore, #tpu.memory_space<semaphore_mem>>) src(%dma_wait3A_139 : memref<64x128xf32, #tpu.memory_space<vmem>>) dst(%dma_wait3A_145 : memref<10240x128xf32, #tpu.memory_space<vmem_shared>>)
        tpu.yield
      }) : () -> ()
      %add3A_118 = arith.constant 1 : i32
      %add3A_119 = arith.addi %scan3A_90, %add3A_118 : i32
      %lt3A_120 = arith.constant 80 : i32
      %lt3A_121 = arith.cmpi slt, %add3A_119, %lt3A_120 : i32
      %convert_element_type3A_122 = arith.extui %lt3A_121 : i1 to i32
      %cond3A_123 = arith.constant 0 : i32
      %cond3A_124 = arith.cmpi ne, %convert_element_type3A_122, %cond3A_123 : i32
      scf.if %cond3A_124 {
        %add3A_125 = arith.constant 1 : i32
        %add3A_126 = arith.addi %scan3A_90, %add3A_125 : i32
        %dma_start3A_127 = arith.constant 1 : i32
        %dma_start3A_128 = arith.constant 0 : i32
        %dma_start3A_129 = arith.constant 0 : i32
        %dma_start3A_130 = tpu.memref_slice %arg8[%dma_start3A_127, %dma_start3A_128, %dma_start3A_129] : memref<2x64x128xf32, #tpu.memory_space<vmem>> -> memref<1x64x128xf32, #tpu.memory_space<vmem>>
        %dma_start3A_131 = tpu.memref_squeeze %dma_start3A_130 : memref<1x64x128xf32, #tpu.memory_space<vmem>> -> memref<64x128xf32, #tpu.memory_space<vmem>>
        %dma_start3A_132 = arith.constant 64 : i32
        %dma_start3A_133 = tpu.memref_slice %arg6[%add3A_126, %dma_start3A_132] : memref<80x128xi32, #tpu.memory_space<vmem>> -> memref<1x64xi32, #tpu.memory_space<vmem>>
        %dma_start3A_134 = tpu.memref_squeeze %dma_start3A_133 : memref<1x64xi32, #tpu.memory_space<vmem>> -> memref<64xi32, #tpu.memory_space<vmem>>
        %dma_start3A_135 = arith.constant 0 : i32
        %dma_start3A_136 = arith.constant 0 : i32
        %dma_start3A_137 = tpu.memref_slice %arg2[%dma_start3A_135, %dma_start3A_136] : memref<40000x128xf32, #tpu.memory_space<hbm>> -> memref<40000x128xf32, #tpu.memory_space<hbm>>
        tpu.enqueue_indirect_dma source(%dma_start3A_137 : memref<40000x128xf32, #tpu.memory_space<hbm>>) target(%dma_start3A_131 : memref<64x128xf32, #tpu.memory_space<vmem>>) offsets(%dma_start3A_134 : memref<64xi32, #tpu.memory_space<vmem>>) semaphore(%arg11 : memref<!tpu.dma_semaphore, #tpu.memory_space<semaphore_mem>>)
      } else {
      }
    }
    %scan3A_84 = arith.constant 80 : i32
    %barrier3A_85 = arith.constant 0 : index
    tpu.barrier barrier_id(%barrier3A_85)
    %mul3A_86 = arith.constant 640 : i32
    %mul3A_87 = arith.muli %arg1, %mul3A_86 : i32
    %mul3A_88 = arith.constant 640 : i32
    %mul3A_89 = arith.muli %arg1, %mul3A_88 : i32
    "tpu.region"() ({
      %run_scoped3A_90 = tpu.sem_alloc : memref<!tpu.dma_semaphore, #tpu.memory_space<semaphore_mem>>
      %dma_start3A_91 = arith.constant 0 : i32
      %dma_start3A_92 = tpu.memref_slice %arg5[%arg0, %mul3A_89, %dma_start3A_91] : memref<2x10240x128xf32, #tpu.memory_space<hbm>> -> memref<1x640x128xf32, #tpu.memory_space<hbm>>
      %dma_start3A_93 = tpu.memref_squeeze %dma_start3A_92 : memref<1x640x128xf32, #tpu.memory_space<hbm>> -> memref<640x128xf32, #tpu.memory_space<hbm>>
      %dma_start3A_94 = arith.constant 0 : i32
      %dma_start3A_95 = tpu.memref_slice %arg9[%mul3A_87, %dma_start3A_94] : memref<10240x128xf32, #tpu.memory_space<vmem_shared>> -> memref<640x128xf32, #tpu.memory_space<vmem_shared>>
      tpu.enqueue_dma source(%dma_start3A_95 : memref<640x128xf32, #tpu.memory_space<vmem_shared>>) target(%dma_start3A_93 : memref<640x128xf32, #tpu.memory_space<hbm>>) target_semaphore(%run_scoped3A_90 : memref<!tpu.dma_semaphore, #tpu.memory_space<semaphore_mem>>)
      %dma_wait3A = arith.constant 0 : i32
      %dma_wait3A_96 = tpu.memref_slice %arg5[%arg0, %mul3A_89, %dma_wait3A] : memref<2x10240x128xf32, #tpu.memory_space<hbm>> -> memref<1x640x128xf32, #tpu.memory_space<hbm>>
      %dma_wait3A_97 = tpu.memref_squeeze %dma_wait3A_96 : memref<1x640x128xf32, #tpu.memory_space<hbm>> -> memref<640x128xf32, #tpu.memory_space<hbm>>
      %dma_wait3A_98 = arith.constant 0 : i32
      %dma_wait3A_99 = tpu.memref_slice %arg9[%mul3A_87, %dma_wait3A_98] : memref<10240x128xf32, #tpu.memory_space<vmem_shared>> -> memref<640x128xf32, #tpu.memory_space<vmem_shared>>
      tpu.wait_dma2 semaphore(%run_scoped3A_90 : memref<!tpu.dma_semaphore, #tpu.memory_space<semaphore_mem>>) src(%dma_wait3A_99 : memref<640x128xf32, #tpu.memory_space<vmem_shared>>) dst(%dma_wait3A_97 : memref<640x128xf32, #tpu.memory_space<hbm>>)
      tpu.yield
    }) : () -> ()
    return
  }
}

#map = affine_map<(d0, d1) -> (0, 0)>
#map1 = affine_map<(d0, d1) -> (0, 0, 0)>
module attributes {stable_mosaic.version = 14 : i64} {
  func.func @_sc_aggregate(%arg0: i32, %arg1: i32, %arg2: memref<40000x128xf32, #tpu.memory_space<hbm>>, %arg3: memref<32x80x128xi32, #tpu.memory_space<hbm>>, %arg4: memref<32x80x128xi32, #tpu.memory_space<hbm>>, %arg5: memref<2x10240x128xf32, #tpu.memory_space<hbm>>, %arg6: memref<80x128xi32, #tpu.memory_space<vmem>>, %arg7: memref<80x128xi32, #tpu.memory_space<vmem>>, %arg8: memref<2x64x128xf32, #tpu.memory_space<vmem>>, %arg9: memref<10240x128xf32, #tpu.memory_space<vmem_shared>>, %arg10: memref<!tpu.dma_semaphore, #tpu.memory_space<semaphore_mem>>, %arg11: memref<!tpu.dma_semaphore, #tpu.memory_space<semaphore_mem>>) attributes {dimension_semantics = [#tpu.dimension_semantics<core_parallel>, #tpu.dimension_semantics<subcore_parallel>], iteration_bounds = array<i64: 2, 16>, scalar_prefetch = 0 : i64, scratch_operands = 6 : i64, tpu.core_type = #tpu.core_type<sc_vector_subcore>, window_params = [{transform_indices = #map}, {transform_indices = #map1}, {transform_indices = #map1}, {transform_indices = #map1}]} {
    %mul3A = arith.constant 16 : i32
    %mul3A_0 = arith.muli %arg0, %mul3A : i32
    %add3A = arith.addi %mul3A_0, %arg1 : i32
    "tpu.region"() ({
      %run_scoped3A_90 = tpu.sem_alloc : memref<!tpu.dma_semaphore, #tpu.memory_space<semaphore_mem>>
      %dma_start3A_91 = arith.constant 0 : i32
      %dma_start3A_92 = arith.constant 0 : i32
      %dma_start3A_93 = tpu.memref_slice %arg3[%add3A, %dma_start3A_91, %dma_start3A_92] : memref<32x80x128xi32, #tpu.memory_space<hbm>> -> memref<1x80x128xi32, #tpu.memory_space<hbm>>
      %dma_start3A_94 = tpu.memref_squeeze %dma_start3A_93 : memref<1x80x128xi32, #tpu.memory_space<hbm>> -> memref<80x128xi32, #tpu.memory_space<hbm>>
      %dma_start3A_95 = arith.constant 0 : i32
      %dma_start3A_96 = arith.constant 0 : i32
      %dma_start3A_97 = tpu.memref_slice %arg3[%add3A, %dma_start3A_95, %dma_start3A_96] : memref<32x80x128xi32, #tpu.memory_space<hbm>> -> memref<1x80x128xi32, #tpu.memory_space<hbm>>
      %dma_start3A_98 = tpu.memref_squeeze %dma_start3A_97 : memref<1x80x128xi32, #tpu.memory_space<hbm>> -> memref<80x128xi32, #tpu.memory_space<hbm>>
      tpu.enqueue_dma source(%dma_start3A_98 : memref<80x128xi32, #tpu.memory_space<hbm>>) target(%arg6 : memref<80x128xi32, #tpu.memory_space<vmem>>) target_semaphore(%run_scoped3A_90 : memref<!tpu.dma_semaphore, #tpu.memory_space<semaphore_mem>>)
      %dma_wait3A = arith.constant 0 : i32
      %dma_wait3A_99 = arith.constant 0 : i32
      %dma_wait3A_100 = tpu.memref_slice %arg3[%add3A, %dma_wait3A, %dma_wait3A_99] : memref<32x80x128xi32, #tpu.memory_space<hbm>> -> memref<1x80x128xi32, #tpu.memory_space<hbm>>
      %dma_wait3A_101 = tpu.memref_squeeze %dma_wait3A_100 : memref<1x80x128xi32, #tpu.memory_space<hbm>> -> memref<80x128xi32, #tpu.memory_space<hbm>>
      %dma_wait3A_102 = arith.constant 0 : i32
      %dma_wait3A_103 = arith.constant 0 : i32
      %dma_wait3A_104 = tpu.memref_slice %arg3[%add3A, %dma_wait3A_102, %dma_wait3A_103] : memref<32x80x128xi32, #tpu.memory_space<hbm>> -> memref<1x80x128xi32, #tpu.memory_space<hbm>>
      %dma_wait3A_105 = tpu.memref_squeeze %dma_wait3A_104 : memref<1x80x128xi32, #tpu.memory_space<hbm>> -> memref<80x128xi32, #tpu.memory_space<hbm>>
      tpu.wait_dma2 semaphore(%run_scoped3A_90 : memref<!tpu.dma_semaphore, #tpu.memory_space<semaphore_mem>>) src(%dma_wait3A_105 : memref<80x128xi32, #tpu.memory_space<hbm>>) dst(%arg6 : memref<80x128xi32, #tpu.memory_space<vmem>>)
      tpu.yield
    }) : () -> ()
    "tpu.region"() ({
      %run_scoped3A_90 = tpu.sem_alloc : memref<!tpu.dma_semaphore, #tpu.memory_space<semaphore_mem>>
      %dma_start3A_91 = arith.constant 0 : i32
      %dma_start3A_92 = arith.constant 0 : i32
      %dma_start3A_93 = tpu.memref_slice %arg4[%add3A, %dma_start3A_91, %dma_start3A_92] : memref<32x80x128xi32, #tpu.memory_space<hbm>> -> memref<1x80x128xi32, #tpu.memory_space<hbm>>
      %dma_start3A_94 = tpu.memref_squeeze %dma_start3A_93 : memref<1x80x128xi32, #tpu.memory_space<hbm>> -> memref<80x128xi32, #tpu.memory_space<hbm>>
      %dma_start3A_95 = arith.constant 0 : i32
      %dma_start3A_96 = arith.constant 0 : i32
      %dma_start3A_97 = tpu.memref_slice %arg4[%add3A, %dma_start3A_95, %dma_start3A_96] : memref<32x80x128xi32, #tpu.memory_space<hbm>> -> memref<1x80x128xi32, #tpu.memory_space<hbm>>
      %dma_start3A_98 = tpu.memref_squeeze %dma_start3A_97 : memref<1x80x128xi32, #tpu.memory_space<hbm>> -> memref<80x128xi32, #tpu.memory_space<hbm>>
      tpu.enqueue_dma source(%dma_start3A_98 : memref<80x128xi32, #tpu.memory_space<hbm>>) target(%arg7 : memref<80x128xi32, #tpu.memory_space<vmem>>) target_semaphore(%run_scoped3A_90 : memref<!tpu.dma_semaphore, #tpu.memory_space<semaphore_mem>>)
      %dma_wait3A = arith.constant 0 : i32
      %dma_wait3A_99 = arith.constant 0 : i32
      %dma_wait3A_100 = tpu.memref_slice %arg4[%add3A, %dma_wait3A, %dma_wait3A_99] : memref<32x80x128xi32, #tpu.memory_space<hbm>> -> memref<1x80x128xi32, #tpu.memory_space<hbm>>
      %dma_wait3A_101 = tpu.memref_squeeze %dma_wait3A_100 : memref<1x80x128xi32, #tpu.memory_space<hbm>> -> memref<80x128xi32, #tpu.memory_space<hbm>>
      %dma_wait3A_102 = arith.constant 0 : i32
      %dma_wait3A_103 = arith.constant 0 : i32
      %dma_wait3A_104 = tpu.memref_slice %arg4[%add3A, %dma_wait3A_102, %dma_wait3A_103] : memref<32x80x128xi32, #tpu.memory_space<hbm>> -> memref<1x80x128xi32, #tpu.memory_space<hbm>>
      %dma_wait3A_105 = tpu.memref_squeeze %dma_wait3A_104 : memref<1x80x128xi32, #tpu.memory_space<hbm>> -> memref<80x128xi32, #tpu.memory_space<hbm>>
      tpu.wait_dma2 semaphore(%run_scoped3A_90 : memref<!tpu.dma_semaphore, #tpu.memory_space<semaphore_mem>>) src(%dma_wait3A_105 : memref<80x128xi32, #tpu.memory_space<hbm>>) dst(%arg7 : memref<80x128xi32, #tpu.memory_space<vmem>>)
      tpu.yield
    }) : () -> ()
    %broadcast_in_dim3A = arith.constant 0.000000e+00 : f32
    %broadcast_in_dim3A_1 = vector.broadcast %broadcast_in_dim3A : f32 to vector<16xf32>
    %scan3A = arith.constant 0 : i32
    %scan3A_2 = arith.constant 0 : i32
    %scan3A_3 = arith.constant 64 : i32
    %scan3A_4 = arith.addi %scan3A_2, %scan3A_3 : i32
    %scan3A_5 = arith.constant 1 : i32
    scf.for %scan3A_90 = %scan3A_2 to %scan3A_4 step %scan3A_5  : i32 {
      %swap3A = arith.constant 0 : i32
      %swap3A_91 = arith.index_cast %swap3A : i32 to index
      %swap3A_92 = arith.index_cast %scan3A_90 : i32 to index
      %swap3A_93 = arith.constant 0 : index
      %swap3A_94 = tpu.vector_load %arg8[%swap3A_91, %swap3A_92, %swap3A_93] {strides = array<i32>} : memref<2x64x128xf32, #tpu.memory_space<vmem>>, vector<1x1x16xf32>,
      %swap3A_95 = vector.shape_cast %swap3A_94 : vector<1x1x16xf32> to vector<16xf32>
      %swap3A_96 = vector.shape_cast %broadcast_in_dim3A_1 : vector<16xf32> to vector<1x1x16xf32>
      tpu.vector_store %arg8[%swap3A_91, %swap3A_92, %swap3A_93], %swap3A_96 {strides = array<i32>} : memref<2x64x128xf32, #tpu.memory_space<vmem>>, vector<1x1x16xf32>,
      %swap3A_97 = arith.constant 0 : i32
      %swap3A_98 = arith.index_cast %swap3A_97 : i32 to index
      %swap3A_99 = arith.index_cast %scan3A_90 : i32 to index
      %swap3A_100 = arith.constant 16 : index
      %swap3A_101 = tpu.vector_load %arg8[%swap3A_98, %swap3A_99, %swap3A_100] {strides = array<i32>} : memref<2x64x128xf32, #tpu.memory_space<vmem>>, vector<1x1x16xf32>,
      %swap3A_102 = vector.shape_cast %swap3A_101 : vector<1x1x16xf32> to vector<16xf32>
      %swap3A_103 = vector.shape_cast %broadcast_in_dim3A_1 : vector<16xf32> to vector<1x1x16xf32>
      tpu.vector_store %arg8[%swap3A_98, %swap3A_99, %swap3A_100], %swap3A_103 {strides = array<i32>} : memref<2x64x128xf32, #tpu.memory_space<vmem>>, vector<1x1x16xf32>,
      %swap3A_104 = arith.constant 0 : i32
      %swap3A_105 = arith.index_cast %swap3A_104 : i32 to index
      %swap3A_106 = arith.index_cast %scan3A_90 : i32 to index
      %swap3A_107 = arith.constant 32 : index
      %swap3A_108 = tpu.vector_load %arg8[%swap3A_105, %swap3A_106, %swap3A_107] {strides = array<i32>} : memref<2x64x128xf32, #tpu.memory_space<vmem>>, vector<1x1x16xf32>,
      %swap3A_109 = vector.shape_cast %swap3A_108 : vector<1x1x16xf32> to vector<16xf32>
      %swap3A_110 = vector.shape_cast %broadcast_in_dim3A_1 : vector<16xf32> to vector<1x1x16xf32>
      tpu.vector_store %arg8[%swap3A_105, %swap3A_106, %swap3A_107], %swap3A_110 {strides = array<i32>} : memref<2x64x128xf32, #tpu.memory_space<vmem>>, vector<1x1x16xf32>,
      %swap3A_111 = arith.constant 0 : i32
      %swap3A_112 = arith.index_cast %swap3A_111 : i32 to index
      %swap3A_113 = arith.index_cast %scan3A_90 : i32 to index
      %swap3A_114 = arith.constant 48 : index
      %swap3A_115 = tpu.vector_load %arg8[%swap3A_112, %swap3A_113, %swap3A_114] {strides = array<i32>} : memref<2x64x128xf32, #tpu.memory_space<vmem>>, vector<1x1x16xf32>,
      %swap3A_116 = vector.shape_cast %swap3A_115 : vector<1x1x16xf32> to vector<16xf32>
      %swap3A_117 = vector.shape_cast %broadcast_in_dim3A_1 : vector<16xf32> to vector<1x1x16xf32>
      tpu.vector_store %arg8[%swap3A_112, %swap3A_113, %swap3A_114], %swap3A_117 {strides = array<i32>} : memref<2x64x128xf32, #tpu.memory_space<vmem>>, vector<1x1x16xf32>,
      %swap3A_118 = arith.constant 0 : i32
      %swap3A_119 = arith.index_cast %swap3A_118 : i32 to index
      %swap3A_120 = arith.index_cast %scan3A_90 : i32 to index
      %swap3A_121 = arith.constant 64 : index
      %swap3A_122 = tpu.vector_load %arg8[%swap3A_119, %swap3A_120, %swap3A_121] {strides = array<i32>} : memref<2x64x128xf32, #tpu.memory_space<vmem>>, vector<1x1x16xf32>,
      %swap3A_123 = vector.shape_cast %swap3A_122 : vector<1x1x16xf32> to vector<16xf32>
      %swap3A_124 = vector.shape_cast %broadcast_in_dim3A_1 : vector<16xf32> to vector<1x1x16xf32>
      tpu.vector_store %arg8[%swap3A_119, %swap3A_120, %swap3A_121], %swap3A_124 {strides = array<i32>} : memref<2x64x128xf32, #tpu.memory_space<vmem>>, vector<1x1x16xf32>,
      %swap3A_125 = arith.constant 0 : i32
      %swap3A_126 = arith.index_cast %swap3A_125 : i32 to index
      %swap3A_127 = arith.index_cast %scan3A_90 : i32 to index
      %swap3A_128 = arith.constant 80 : index
      %swap3A_129 = tpu.vector_load %arg8[%swap3A_126, %swap3A_127, %swap3A_128] {strides = array<i32>} : memref<2x64x128xf32, #tpu.memory_space<vmem>>, vector<1x1x16xf32>,
      %swap3A_130 = vector.shape_cast %swap3A_129 : vector<1x1x16xf32> to vector<16xf32>
      %swap3A_131 = vector.shape_cast %broadcast_in_dim3A_1 : vector<16xf32> to vector<1x1x16xf32>
      tpu.vector_store %arg8[%swap3A_126, %swap3A_127, %swap3A_128], %swap3A_131 {strides = array<i32>} : memref<2x64x128xf32, #tpu.memory_space<vmem>>, vector<1x1x16xf32>,
      %swap3A_132 = arith.constant 0 : i32
      %swap3A_133 = arith.index_cast %swap3A_132 : i32 to index
      %swap3A_134 = arith.index_cast %scan3A_90 : i32 to index
      %swap3A_135 = arith.constant 96 : index
      %swap3A_136 = tpu.vector_load %arg8[%swap3A_133, %swap3A_134, %swap3A_135] {strides = array<i32>} : memref<2x64x128xf32, #tpu.memory_space<vmem>>, vector<1x1x16xf32>,
      %swap3A_137 = vector.shape_cast %swap3A_136 : vector<1x1x16xf32> to vector<16xf32>
      %swap3A_138 = vector.shape_cast %broadcast_in_dim3A_1 : vector<16xf32> to vector<1x1x16xf32>
      tpu.vector_store %arg8[%swap3A_133, %swap3A_134, %swap3A_135], %swap3A_138 {strides = array<i32>} : memref<2x64x128xf32, #tpu.memory_space<vmem>>, vector<1x1x16xf32>,
      %swap3A_139 = arith.constant 0 : i32
      %swap3A_140 = arith.index_cast %swap3A_139 : i32 to index
      %swap3A_141 = arith.index_cast %scan3A_90 : i32 to index
      %swap3A_142 = arith.constant 112 : index
      %swap3A_143 = tpu.vector_load %arg8[%swap3A_140, %swap3A_141, %swap3A_142] {strides = array<i32>} : memref<2x64x128xf32, #tpu.memory_space<vmem>>, vector<1x1x16xf32>,
      %swap3A_144 = vector.shape_cast %swap3A_143 : vector<1x1x16xf32> to vector<16xf32>
      %swap3A_145 = vector.shape_cast %broadcast_in_dim3A_1 : vector<16xf32> to vector<1x1x16xf32>
      tpu.vector_store %arg8[%swap3A_140, %swap3A_141, %swap3A_142], %swap3A_145 {strides = array<i32>} : memref<2x64x128xf32, #tpu.memory_space<vmem>>, vector<1x1x16xf32>,
    }
    %scan3A_6 = arith.constant 64 : i32
    %mul3A_7 = arith.constant 640 : i32
    %mul3A_8 = arith.muli %arg1, %mul3A_7 : i32
    %add3A_9 = arith.constant 0 : i32
    %add3A_10 = arith.addi %mul3A_8, %add3A_9 : i32
    %run_scoped3A = arith.constant 0 : i32
    "tpu.region"() ({
      %run_scoped3A_90 = tpu.sem_alloc : memref<!tpu.dma_semaphore, #tpu.memory_space<semaphore_mem>>
      %dma_start3A_91 = arith.constant 0 : i32
      %dma_start3A_92 = arith.constant 0 : i32
      %dma_start3A_93 = tpu.memref_slice %arg8[%run_scoped3A, %dma_start3A_91, %dma_start3A_92] : memref<2x64x128xf32, #tpu.memory_space<vmem>> -> memref<1x64x128xf32, #tpu.memory_space<vmem>>
      %dma_start3A_94 = tpu.memref_squeeze %dma_start3A_93 : memref<1x64x128xf32, #tpu.memory_space<vmem>> -> memref<64x128xf32, #tpu.memory_space<vmem>>
      %dma_start3A_95 = arith.constant 0 : i32
      %dma_start3A_96 = tpu.memref_slice %arg9[%add3A_10, %dma_start3A_95] : memref<10240x128xf32, #tpu.memory_space<vmem_shared>> -> memref<64x128xf32, #tpu.memory_space<vmem_shared>>
      %dma_start3A_97 = arith.constant 0 : i32
      %dma_start3A_98 = tpu.memref_slice %arg9[%add3A_10, %dma_start3A_97] : memref<10240x128xf32, #tpu.memory_space<vmem_shared>> -> memref<64x128xf32, #tpu.memory_space<vmem_shared>>
      %dma_start3A_99 = arith.constant 0 : i32
      %dma_start3A_100 = arith.constant 0 : i32
      %dma_start3A_101 = tpu.memref_slice %arg8[%run_scoped3A, %dma_start3A_99, %dma_start3A_100] : memref<2x64x128xf32, #tpu.memory_space<vmem>> -> memref<1x64x128xf32, #tpu.memory_space<vmem>>
      %dma_start3A_102 = tpu.memref_squeeze %dma_start3A_101 : memref<1x64x128xf32, #tpu.memory_space<vmem>> -> memref<64x128xf32, #tpu.memory_space<vmem>>
      tpu.enqueue_dma source(%dma_start3A_102 : memref<64x128xf32, #tpu.memory_space<vmem>>) target(%dma_start3A_98 : memref<64x128xf32, #tpu.memory_space<vmem_shared>>) target_semaphore(%run_scoped3A_90 : memref<!tpu.dma_semaphore, #tpu.memory_space<semaphore_mem>>)
      %dma_wait3A = arith.constant 0 : i32
      %dma_wait3A_103 = arith.constant 0 : i32
      %dma_wait3A_104 = tpu.memref_slice %arg8[%run_scoped3A, %dma_wait3A, %dma_wait3A_103] : memref<2x64x128xf32, #tpu.memory_space<vmem>> -> memref<1x64x128xf32, #tpu.memory_space<vmem>>
      %dma_wait3A_105 = tpu.memref_squeeze %dma_wait3A_104 : memref<1x64x128xf32, #tpu.memory_space<vmem>> -> memref<64x128xf32, #tpu.memory_space<vmem>>
      %dma_wait3A_106 = arith.constant 0 : i32
      %dma_wait3A_107 = tpu.memref_slice %arg9[%add3A_10, %dma_wait3A_106] : memref<10240x128xf32, #tpu.memory_space<vmem_shared>> -> memref<64x128xf32, #tpu.memory_space<vmem_shared>>
      %dma_wait3A_108 = arith.constant 0 : i32
      %dma_wait3A_109 = tpu.memref_slice %arg9[%add3A_10, %dma_wait3A_108] : memref<10240x128xf32, #tpu.memory_space<vmem_shared>> -> memref<64x128xf32, #tpu.memory_space<vmem_shared>>
      %dma_wait3A_110 = arith.constant 0 : i32
      %dma_wait3A_111 = arith.constant 0 : i32
      %dma_wait3A_112 = tpu.memref_slice %arg8[%run_scoped3A, %dma_wait3A_110, %dma_wait3A_111] : memref<2x64x128xf32, #tpu.memory_space<vmem>> -> memref<1x64x128xf32, #tpu.memory_space<vmem>>
      %dma_wait3A_113 = tpu.memref_squeeze %dma_wait3A_112 : memref<1x64x128xf32, #tpu.memory_space<vmem>> -> memref<64x128xf32, #tpu.memory_space<vmem>>
      tpu.wait_dma2 semaphore(%run_scoped3A_90 : memref<!tpu.dma_semaphore, #tpu.memory_space<semaphore_mem>>) src(%dma_wait3A_113 : memref<64x128xf32, #tpu.memory_space<vmem>>) dst(%dma_wait3A_109 : memref<64x128xf32, #tpu.memory_space<vmem_shared>>)
      tpu.yield
    }) : () -> ()
    %mul3A_11 = arith.constant 640 : i32
    %mul3A_12 = arith.muli %arg1, %mul3A_11 : i32
    %add3A_13 = arith.constant 64 : i32
    %add3A_14 = arith.addi %mul3A_12, %add3A_13 : i32
    %run_scoped3A_15 = arith.constant 0 : i32
    "tpu.region"() ({
      %run_scoped3A_90 = tpu.sem_alloc : memref<!tpu.dma_semaphore, #tpu.memory_space<semaphore_mem>>
      %dma_start3A_91 = arith.constant 0 : i32
      %dma_start3A_92 = arith.constant 0 : i32
      %dma_start3A_93 = tpu.memref_slice %arg8[%run_scoped3A_15, %dma_start3A_91, %dma_start3A_92] : memref<2x64x128xf32, #tpu.memory_space<vmem>> -> memref<1x64x128xf32, #tpu.memory_space<vmem>>
      %dma_start3A_94 = tpu.memref_squeeze %dma_start3A_93 : memref<1x64x128xf32, #tpu.memory_space<vmem>> -> memref<64x128xf32, #tpu.memory_space<vmem>>
      %dma_start3A_95 = arith.constant 0 : i32
      %dma_start3A_96 = tpu.memref_slice %arg9[%add3A_14, %dma_start3A_95] : memref<10240x128xf32, #tpu.memory_space<vmem_shared>> -> memref<64x128xf32, #tpu.memory_space<vmem_shared>>
      %dma_start3A_97 = arith.constant 0 : i32
      %dma_start3A_98 = tpu.memref_slice %arg9[%add3A_14, %dma_start3A_97] : memref<10240x128xf32, #tpu.memory_space<vmem_shared>> -> memref<64x128xf32, #tpu.memory_space<vmem_shared>>
      %dma_start3A_99 = arith.constant 0 : i32
      %dma_start3A_100 = arith.constant 0 : i32
      %dma_start3A_101 = tpu.memref_slice %arg8[%run_scoped3A_15, %dma_start3A_99, %dma_start3A_100] : memref<2x64x128xf32, #tpu.memory_space<vmem>> -> memref<1x64x128xf32, #tpu.memory_space<vmem>>
      %dma_start3A_102 = tpu.memref_squeeze %dma_start3A_101 : memref<1x64x128xf32, #tpu.memory_space<vmem>> -> memref<64x128xf32, #tpu.memory_space<vmem>>
      tpu.enqueue_dma source(%dma_start3A_102 : memref<64x128xf32, #tpu.memory_space<vmem>>) target(%dma_start3A_98 : memref<64x128xf32, #tpu.memory_space<vmem_shared>>) target_semaphore(%run_scoped3A_90 : memref<!tpu.dma_semaphore, #tpu.memory_space<semaphore_mem>>)
      %dma_wait3A = arith.constant 0 : i32
      %dma_wait3A_103 = arith.constant 0 : i32
      %dma_wait3A_104 = tpu.memref_slice %arg8[%run_scoped3A_15, %dma_wait3A, %dma_wait3A_103] : memref<2x64x128xf32, #tpu.memory_space<vmem>> -> memref<1x64x128xf32, #tpu.memory_space<vmem>>
      %dma_wait3A_105 = tpu.memref_squeeze %dma_wait3A_104 : memref<1x64x128xf32, #tpu.memory_space<vmem>> -> memref<64x128xf32, #tpu.memory_space<vmem>>
      %dma_wait3A_106 = arith.constant 0 : i32
      %dma_wait3A_107 = tpu.memref_slice %arg9[%add3A_14, %dma_wait3A_106] : memref<10240x128xf32, #tpu.memory_space<vmem_shared>> -> memref<64x128xf32, #tpu.memory_space<vmem_shared>>
      %dma_wait3A_108 = arith.constant 0 : i32
      %dma_wait3A_109 = tpu.memref_slice %arg9[%add3A_14, %dma_wait3A_108] : memref<10240x128xf32, #tpu.memory_space<vmem_shared>> -> memref<64x128xf32, #tpu.memory_space<vmem_shared>>
      %dma_wait3A_110 = arith.constant 0 : i32
      %dma_wait3A_111 = arith.constant 0 : i32
      %dma_wait3A_112 = tpu.memref_slice %arg8[%run_scoped3A_15, %dma_wait3A_110, %dma_wait3A_111] : memref<2x64x128xf32, #tpu.memory_space<vmem>> -> memref<1x64x128xf32, #tpu.memory_space<vmem>>
      %dma_wait3A_113 = tpu.memref_squeeze %dma_wait3A_112 : memref<1x64x128xf32, #tpu.memory_space<vmem>> -> memref<64x128xf32, #tpu.memory_space<vmem>>
      tpu.wait_dma2 semaphore(%run_scoped3A_90 : memref<!tpu.dma_semaphore, #tpu.memory_space<semaphore_mem>>) src(%dma_wait3A_113 : memref<64x128xf32, #tpu.memory_space<vmem>>) dst(%dma_wait3A_109 : memref<64x128xf32, #tpu.memory_space<vmem_shared>>)
      tpu.yield
    }) : () -> ()
    %mul3A_16 = arith.constant 640 : i32
    %mul3A_17 = arith.muli %arg1, %mul3A_16 : i32
    %add3A_18 = arith.constant 128 : i32
    %add3A_19 = arith.addi %mul3A_17, %add3A_18 : i32
    %run_scoped3A_20 = arith.constant 0 : i32
    "tpu.region"() ({
      %run_scoped3A_90 = tpu.sem_alloc : memref<!tpu.dma_semaphore, #tpu.memory_space<semaphore_mem>>
      %dma_start3A_91 = arith.constant 0 : i32
      %dma_start3A_92 = arith.constant 0 : i32
      %dma_start3A_93 = tpu.memref_slice %arg8[%run_scoped3A_20, %dma_start3A_91, %dma_start3A_92] : memref<2x64x128xf32, #tpu.memory_space<vmem>> -> memref<1x64x128xf32, #tpu.memory_space<vmem>>
      %dma_start3A_94 = tpu.memref_squeeze %dma_start3A_93 : memref<1x64x128xf32, #tpu.memory_space<vmem>> -> memref<64x128xf32, #tpu.memory_space<vmem>>
      %dma_start3A_95 = arith.constant 0 : i32
      %dma_start3A_96 = tpu.memref_slice %arg9[%add3A_19, %dma_start3A_95] : memref<10240x128xf32, #tpu.memory_space<vmem_shared>> -> memref<64x128xf32, #tpu.memory_space<vmem_shared>>
      %dma_start3A_97 = arith.constant 0 : i32
      %dma_start3A_98 = tpu.memref_slice %arg9[%add3A_19, %dma_start3A_97] : memref<10240x128xf32, #tpu.memory_space<vmem_shared>> -> memref<64x128xf32, #tpu.memory_space<vmem_shared>>
      %dma_start3A_99 = arith.constant 0 : i32
      %dma_start3A_100 = arith.constant 0 : i32
      %dma_start3A_101 = tpu.memref_slice %arg8[%run_scoped3A_20, %dma_start3A_99, %dma_start3A_100] : memref<2x64x128xf32, #tpu.memory_space<vmem>> -> memref<1x64x128xf32, #tpu.memory_space<vmem>>
      %dma_start3A_102 = tpu.memref_squeeze %dma_start3A_101 : memref<1x64x128xf32, #tpu.memory_space<vmem>> -> memref<64x128xf32, #tpu.memory_space<vmem>>
      tpu.enqueue_dma source(%dma_start3A_102 : memref<64x128xf32, #tpu.memory_space<vmem>>) target(%dma_start3A_98 : memref<64x128xf32, #tpu.memory_space<vmem_shared>>) target_semaphore(%run_scoped3A_90 : memref<!tpu.dma_semaphore, #tpu.memory_space<semaphore_mem>>)
      %dma_wait3A = arith.constant 0 : i32
      %dma_wait3A_103 = arith.constant 0 : i32
      %dma_wait3A_104 = tpu.memref_slice %arg8[%run_scoped3A_20, %dma_wait3A, %dma_wait3A_103] : memref<2x64x128xf32, #tpu.memory_space<vmem>> -> memref<1x64x128xf32, #tpu.memory_space<vmem>>
      %dma_wait3A_105 = tpu.memref_squeeze %dma_wait3A_104 : memref<1x64x128xf32, #tpu.memory_space<vmem>> -> memref<64x128xf32, #tpu.memory_space<vmem>>
      %dma_wait3A_106 = arith.constant 0 : i32
      %dma_wait3A_107 = tpu.memref_slice %arg9[%add3A_19, %dma_wait3A_106] : memref<10240x128xf32, #tpu.memory_space<vmem_shared>> -> memref<64x128xf32, #tpu.memory_space<vmem_shared>>
      %dma_wait3A_108 = arith.constant 0 : i32
      %dma_wait3A_109 = tpu.memref_slice %arg9[%add3A_19, %dma_wait3A_108] : memref<10240x128xf32, #tpu.memory_space<vmem_shared>> -> memref<64x128xf32, #tpu.memory_space<vmem_shared>>
      %dma_wait3A_110 = arith.constant 0 : i32
      %dma_wait3A_111 = arith.constant 0 : i32
      %dma_wait3A_112 = tpu.memref_slice %arg8[%run_scoped3A_20, %dma_wait3A_110, %dma_wait3A_111] : memref<2x64x128xf32, #tpu.memory_space<vmem>> -> memref<1x64x128xf32, #tpu.memory_space<vmem>>
      %dma_wait3A_113 = tpu.memref_squeeze %dma_wait3A_112 : memref<1x64x128xf32, #tpu.memory_space<vmem>> -> memref<64x128xf32, #tpu.memory_space<vmem>>
      tpu.wait_dma2 semaphore(%run_scoped3A_90 : memref<!tpu.dma_semaphore, #tpu.memory_space<semaphore_mem>>) src(%dma_wait3A_113 : memref<64x128xf32, #tpu.memory_space<vmem>>) dst(%dma_wait3A_109 : memref<64x128xf32, #tpu.memory_space<vmem_shared>>)
      tpu.yield
    }) : () -> ()
    %mul3A_21 = arith.constant 640 : i32
    %mul3A_22 = arith.muli %arg1, %mul3A_21 : i32
    %add3A_23 = arith.constant 192 : i32
    %add3A_24 = arith.addi %mul3A_22, %add3A_23 : i32
    %run_scoped3A_25 = arith.constant 0 : i32
    "tpu.region"() ({
      %run_scoped3A_90 = tpu.sem_alloc : memref<!tpu.dma_semaphore, #tpu.memory_space<semaphore_mem>>
      %dma_start3A_91 = arith.constant 0 : i32
      %dma_start3A_92 = arith.constant 0 : i32
      %dma_start3A_93 = tpu.memref_slice %arg8[%run_scoped3A_25, %dma_start3A_91, %dma_start3A_92] : memref<2x64x128xf32, #tpu.memory_space<vmem>> -> memref<1x64x128xf32, #tpu.memory_space<vmem>>
      %dma_start3A_94 = tpu.memref_squeeze %dma_start3A_93 : memref<1x64x128xf32, #tpu.memory_space<vmem>> -> memref<64x128xf32, #tpu.memory_space<vmem>>
      %dma_start3A_95 = arith.constant 0 : i32
      %dma_start3A_96 = tpu.memref_slice %arg9[%add3A_24, %dma_start3A_95] : memref<10240x128xf32, #tpu.memory_space<vmem_shared>> -> memref<64x128xf32, #tpu.memory_space<vmem_shared>>
      %dma_start3A_97 = arith.constant 0 : i32
      %dma_start3A_98 = tpu.memref_slice %arg9[%add3A_24, %dma_start3A_97] : memref<10240x128xf32, #tpu.memory_space<vmem_shared>> -> memref<64x128xf32, #tpu.memory_space<vmem_shared>>
      %dma_start3A_99 = arith.constant 0 : i32
      %dma_start3A_100 = arith.constant 0 : i32
      %dma_start3A_101 = tpu.memref_slice %arg8[%run_scoped3A_25, %dma_start3A_99, %dma_start3A_100] : memref<2x64x128xf32, #tpu.memory_space<vmem>> -> memref<1x64x128xf32, #tpu.memory_space<vmem>>
      %dma_start3A_102 = tpu.memref_squeeze %dma_start3A_101 : memref<1x64x128xf32, #tpu.memory_space<vmem>> -> memref<64x128xf32, #tpu.memory_space<vmem>>
      tpu.enqueue_dma source(%dma_start3A_102 : memref<64x128xf32, #tpu.memory_space<vmem>>) target(%dma_start3A_98 : memref<64x128xf32, #tpu.memory_space<vmem_shared>>) target_semaphore(%run_scoped3A_90 : memref<!tpu.dma_semaphore, #tpu.memory_space<semaphore_mem>>)
      %dma_wait3A = arith.constant 0 : i32
      %dma_wait3A_103 = arith.constant 0 : i32
      %dma_wait3A_104 = tpu.memref_slice %arg8[%run_scoped3A_25, %dma_wait3A, %dma_wait3A_103] : memref<2x64x128xf32, #tpu.memory_space<vmem>> -> memref<1x64x128xf32, #tpu.memory_space<vmem>>
      %dma_wait3A_105 = tpu.memref_squeeze %dma_wait3A_104 : memref<1x64x128xf32, #tpu.memory_space<vmem>> -> memref<64x128xf32, #tpu.memory_space<vmem>>
      %dma_wait3A_106 = arith.constant 0 : i32
      %dma_wait3A_107 = tpu.memref_slice %arg9[%add3A_24, %dma_wait3A_106] : memref<10240x128xf32, #tpu.memory_space<vmem_shared>> -> memref<64x128xf32, #tpu.memory_space<vmem_shared>>
      %dma_wait3A_108 = arith.constant 0 : i32
      %dma_wait3A_109 = tpu.memref_slice %arg9[%add3A_24, %dma_wait3A_108] : memref<10240x128xf32, #tpu.memory_space<vmem_shared>> -> memref<64x128xf32, #tpu.memory_space<vmem_shared>>
      %dma_wait3A_110 = arith.constant 0 : i32
      %dma_wait3A_111 = arith.constant 0 : i32
      %dma_wait3A_112 = tpu.memref_slice %arg8[%run_scoped3A_25, %dma_wait3A_110, %dma_wait3A_111] : memref<2x64x128xf32, #tpu.memory_space<vmem>> -> memref<1x64x128xf32, #tpu.memory_space<vmem>>
      %dma_wait3A_113 = tpu.memref_squeeze %dma_wait3A_112 : memref<1x64x128xf32, #tpu.memory_space<vmem>> -> memref<64x128xf32, #tpu.memory_space<vmem>>
      tpu.wait_dma2 semaphore(%run_scoped3A_90 : memref<!tpu.dma_semaphore, #tpu.memory_space<semaphore_mem>>) src(%dma_wait3A_113 : memref<64x128xf32, #tpu.memory_space<vmem>>) dst(%dma_wait3A_109 : memref<64x128xf32, #tpu.memory_space<vmem_shared>>)
      tpu.yield
    }) : () -> ()
    %mul3A_26 = arith.constant 640 : i32
    %mul3A_27 = arith.muli %arg1, %mul3A_26 : i32
    %add3A_28 = arith.constant 256 : i32
    %add3A_29 = arith.addi %mul3A_27, %add3A_28 : i32
    %run_scoped3A_30 = arith.constant 0 : i32
    "tpu.region"() ({
      %run_scoped3A_90 = tpu.sem_alloc : memref<!tpu.dma_semaphore, #tpu.memory_space<semaphore_mem>>
      %dma_start3A_91 = arith.constant 0 : i32
      %dma_start3A_92 = arith.constant 0 : i32
      %dma_start3A_93 = tpu.memref_slice %arg8[%run_scoped3A_30, %dma_start3A_91, %dma_start3A_92] : memref<2x64x128xf32, #tpu.memory_space<vmem>> -> memref<1x64x128xf32, #tpu.memory_space<vmem>>
      %dma_start3A_94 = tpu.memref_squeeze %dma_start3A_93 : memref<1x64x128xf32, #tpu.memory_space<vmem>> -> memref<64x128xf32, #tpu.memory_space<vmem>>
      %dma_start3A_95 = arith.constant 0 : i32
      %dma_start3A_96 = tpu.memref_slice %arg9[%add3A_29, %dma_start3A_95] : memref<10240x128xf32, #tpu.memory_space<vmem_shared>> -> memref<64x128xf32, #tpu.memory_space<vmem_shared>>
      %dma_start3A_97 = arith.constant 0 : i32
      %dma_start3A_98 = tpu.memref_slice %arg9[%add3A_29, %dma_start3A_97] : memref<10240x128xf32, #tpu.memory_space<vmem_shared>> -> memref<64x128xf32, #tpu.memory_space<vmem_shared>>
      %dma_start3A_99 = arith.constant 0 : i32
      %dma_start3A_100 = arith.constant 0 : i32
      %dma_start3A_101 = tpu.memref_slice %arg8[%run_scoped3A_30, %dma_start3A_99, %dma_start3A_100] : memref<2x64x128xf32, #tpu.memory_space<vmem>> -> memref<1x64x128xf32, #tpu.memory_space<vmem>>
      %dma_start3A_102 = tpu.memref_squeeze %dma_start3A_101 : memref<1x64x128xf32, #tpu.memory_space<vmem>> -> memref<64x128xf32, #tpu.memory_space<vmem>>
      tpu.enqueue_dma source(%dma_start3A_102 : memref<64x128xf32, #tpu.memory_space<vmem>>) target(%dma_start3A_98 : memref<64x128xf32, #tpu.memory_space<vmem_shared>>) target_semaphore(%run_scoped3A_90 : memref<!tpu.dma_semaphore, #tpu.memory_space<semaphore_mem>>)
      %dma_wait3A = arith.constant 0 : i32
      %dma_wait3A_103 = arith.constant 0 : i32
      %dma_wait3A_104 = tpu.memref_slice %arg8[%run_scoped3A_30, %dma_wait3A, %dma_wait3A_103] : memref<2x64x128xf32, #tpu.memory_space<vmem>> -> memref<1x64x128xf32, #tpu.memory_space<vmem>>
      %dma_wait3A_105 = tpu.memref_squeeze %dma_wait3A_104 : memref<1x64x128xf32, #tpu.memory_space<vmem>> -> memref<64x128xf32, #tpu.memory_space<vmem>>
      %dma_wait3A_106 = arith.constant 0 : i32
      %dma_wait3A_107 = tpu.memref_slice %arg9[%add3A_29, %dma_wait3A_106] : memref<10240x128xf32, #tpu.memory_space<vmem_shared>> -> memref<64x128xf32, #tpu.memory_space<vmem_shared>>
      %dma_wait3A_108 = arith.constant 0 : i32
      %dma_wait3A_109 = tpu.memref_slice %arg9[%add3A_29, %dma_wait3A_108] : memref<10240x128xf32, #tpu.memory_space<vmem_shared>> -> memref<64x128xf32, #tpu.memory_space<vmem_shared>>
      %dma_wait3A_110 = arith.constant 0 : i32
      %dma_wait3A_111 = arith.constant 0 : i32
      %dma_wait3A_112 = tpu.memref_slice %arg8[%run_scoped3A_30, %dma_wait3A_110, %dma_wait3A_111] : memref<2x64x128xf32, #tpu.memory_space<vmem>> -> memref<1x64x128xf32, #tpu.memory_space<vmem>>
      %dma_wait3A_113 = tpu.memref_squeeze %dma_wait3A_112 : memref<1x64x128xf32, #tpu.memory_space<vmem>> -> memref<64x128xf32, #tpu.memory_space<vmem>>
      tpu.wait_dma2 semaphore(%run_scoped3A_90 : memref<!tpu.dma_semaphore, #tpu.memory_space<semaphore_mem>>) src(%dma_wait3A_113 : memref<64x128xf32, #tpu.memory_space<vmem>>) dst(%dma_wait3A_109 : memref<64x128xf32, #tpu.memory_space<vmem_shared>>)
      tpu.yield
    }) : () -> ()
    %mul3A_31 = arith.constant 640 : i32
    %mul3A_32 = arith.muli %arg1, %mul3A_31 : i32
    %add3A_33 = arith.constant 320 : i32
    %add3A_34 = arith.addi %mul3A_32, %add3A_33 : i32
    %run_scoped3A_35 = arith.constant 0 : i32
    "tpu.region"() ({
      %run_scoped3A_90 = tpu.sem_alloc : memref<!tpu.dma_semaphore, #tpu.memory_space<semaphore_mem>>
      %dma_start3A_91 = arith.constant 0 : i32
      %dma_start3A_92 = arith.constant 0 : i32
      %dma_start3A_93 = tpu.memref_slice %arg8[%run_scoped3A_35, %dma_start3A_91, %dma_start3A_92] : memref<2x64x128xf32, #tpu.memory_space<vmem>> -> memref<1x64x128xf32, #tpu.memory_space<vmem>>
      %dma_start3A_94 = tpu.memref_squeeze %dma_start3A_93 : memref<1x64x128xf32, #tpu.memory_space<vmem>> -> memref<64x128xf32, #tpu.memory_space<vmem>>
      %dma_start3A_95 = arith.constant 0 : i32
      %dma_start3A_96 = tpu.memref_slice %arg9[%add3A_34, %dma_start3A_95] : memref<10240x128xf32, #tpu.memory_space<vmem_shared>> -> memref<64x128xf32, #tpu.memory_space<vmem_shared>>
      %dma_start3A_97 = arith.constant 0 : i32
      %dma_start3A_98 = tpu.memref_slice %arg9[%add3A_34, %dma_start3A_97] : memref<10240x128xf32, #tpu.memory_space<vmem_shared>> -> memref<64x128xf32, #tpu.memory_space<vmem_shared>>
      %dma_start3A_99 = arith.constant 0 : i32
      %dma_start3A_100 = arith.constant 0 : i32
      %dma_start3A_101 = tpu.memref_slice %arg8[%run_scoped3A_35, %dma_start3A_99, %dma_start3A_100] : memref<2x64x128xf32, #tpu.memory_space<vmem>> -> memref<1x64x128xf32, #tpu.memory_space<vmem>>
      %dma_start3A_102 = tpu.memref_squeeze %dma_start3A_101 : memref<1x64x128xf32, #tpu.memory_space<vmem>> -> memref<64x128xf32, #tpu.memory_space<vmem>>
      tpu.enqueue_dma source(%dma_start3A_102 : memref<64x128xf32, #tpu.memory_space<vmem>>) target(%dma_start3A_98 : memref<64x128xf32, #tpu.memory_space<vmem_shared>>) target_semaphore(%run_scoped3A_90 : memref<!tpu.dma_semaphore, #tpu.memory_space<semaphore_mem>>)
      %dma_wait3A = arith.constant 0 : i32
      %dma_wait3A_103 = arith.constant 0 : i32
      %dma_wait3A_104 = tpu.memref_slice %arg8[%run_scoped3A_35, %dma_wait3A, %dma_wait3A_103] : memref<2x64x128xf32, #tpu.memory_space<vmem>> -> memref<1x64x128xf32, #tpu.memory_space<vmem>>
      %dma_wait3A_105 = tpu.memref_squeeze %dma_wait3A_104 : memref<1x64x128xf32, #tpu.memory_space<vmem>> -> memref<64x128xf32, #tpu.memory_space<vmem>>
      %dma_wait3A_106 = arith.constant 0 : i32
      %dma_wait3A_107 = tpu.memref_slice %arg9[%add3A_34, %dma_wait3A_106] : memref<10240x128xf32, #tpu.memory_space<vmem_shared>> -> memref<64x128xf32, #tpu.memory_space<vmem_shared>>
      %dma_wait3A_108 = arith.constant 0 : i32
      %dma_wait3A_109 = tpu.memref_slice %arg9[%add3A_34, %dma_wait3A_108] : memref<10240x128xf32, #tpu.memory_space<vmem_shared>> -> memref<64x128xf32, #tpu.memory_space<vmem_shared>>
      %dma_wait3A_110 = arith.constant 0 : i32
      %dma_wait3A_111 = arith.constant 0 : i32
      %dma_wait3A_112 = tpu.memref_slice %arg8[%run_scoped3A_35, %dma_wait3A_110, %dma_wait3A_111] : memref<2x64x128xf32, #tpu.memory_space<vmem>> -> memref<1x64x128xf32, #tpu.memory_space<vmem>>
      %dma_wait3A_113 = tpu.memref_squeeze %dma_wait3A_112 : memref<1x64x128xf32, #tpu.memory_space<vmem>> -> memref<64x128xf32, #tpu.memory_space<vmem>>
      tpu.wait_dma2 semaphore(%run_scoped3A_90 : memref<!tpu.dma_semaphore, #tpu.memory_space<semaphore_mem>>) src(%dma_wait3A_113 : memref<64x128xf32, #tpu.memory_space<vmem>>) dst(%dma_wait3A_109 : memref<64x128xf32, #tpu.memory_space<vmem_shared>>)
      tpu.yield
    }) : () -> ()
    %mul3A_36 = arith.constant 640 : i32
    %mul3A_37 = arith.muli %arg1, %mul3A_36 : i32
    %add3A_38 = arith.constant 384 : i32
    %add3A_39 = arith.addi %mul3A_37, %add3A_38 : i32
    %run_scoped3A_40 = arith.constant 0 : i32
    "tpu.region"() ({
      %run_scoped3A_90 = tpu.sem_alloc : memref<!tpu.dma_semaphore, #tpu.memory_space<semaphore_mem>>
      %dma_start3A_91 = arith.constant 0 : i32
      %dma_start3A_92 = arith.constant 0 : i32
      %dma_start3A_93 = tpu.memref_slice %arg8[%run_scoped3A_40, %dma_start3A_91, %dma_start3A_92] : memref<2x64x128xf32, #tpu.memory_space<vmem>> -> memref<1x64x128xf32, #tpu.memory_space<vmem>>
      %dma_start3A_94 = tpu.memref_squeeze %dma_start3A_93 : memref<1x64x128xf32, #tpu.memory_space<vmem>> -> memref<64x128xf32, #tpu.memory_space<vmem>>
      %dma_start3A_95 = arith.constant 0 : i32
      %dma_start3A_96 = tpu.memref_slice %arg9[%add3A_39, %dma_start3A_95] : memref<10240x128xf32, #tpu.memory_space<vmem_shared>> -> memref<64x128xf32, #tpu.memory_space<vmem_shared>>
      %dma_start3A_97 = arith.constant 0 : i32
      %dma_start3A_98 = tpu.memref_slice %arg9[%add3A_39, %dma_start3A_97] : memref<10240x128xf32, #tpu.memory_space<vmem_shared>> -> memref<64x128xf32, #tpu.memory_space<vmem_shared>>
      %dma_start3A_99 = arith.constant 0 : i32
      %dma_start3A_100 = arith.constant 0 : i32
      %dma_start3A_101 = tpu.memref_slice %arg8[%run_scoped3A_40, %dma_start3A_99, %dma_start3A_100] : memref<2x64x128xf32, #tpu.memory_space<vmem>> -> memref<1x64x128xf32, #tpu.memory_space<vmem>>
      %dma_start3A_102 = tpu.memref_squeeze %dma_start3A_101 : memref<1x64x128xf32, #tpu.memory_space<vmem>> -> memref<64x128xf32, #tpu.memory_space<vmem>>
      tpu.enqueue_dma source(%dma_start3A_102 : memref<64x128xf32, #tpu.memory_space<vmem>>) target(%dma_start3A_98 : memref<64x128xf32, #tpu.memory_space<vmem_shared>>) target_semaphore(%run_scoped3A_90 : memref<!tpu.dma_semaphore, #tpu.memory_space<semaphore_mem>>)
      %dma_wait3A = arith.constant 0 : i32
      %dma_wait3A_103 = arith.constant 0 : i32
      %dma_wait3A_104 = tpu.memref_slice %arg8[%run_scoped3A_40, %dma_wait3A, %dma_wait3A_103] : memref<2x64x128xf32, #tpu.memory_space<vmem>> -> memref<1x64x128xf32, #tpu.memory_space<vmem>>
      %dma_wait3A_105 = tpu.memref_squeeze %dma_wait3A_104 : memref<1x64x128xf32, #tpu.memory_space<vmem>> -> memref<64x128xf32, #tpu.memory_space<vmem>>
      %dma_wait3A_106 = arith.constant 0 : i32
      %dma_wait3A_107 = tpu.memref_slice %arg9[%add3A_39, %dma_wait3A_106] : memref<10240x128xf32, #tpu.memory_space<vmem_shared>> -> memref<64x128xf32, #tpu.memory_space<vmem_shared>>
      %dma_wait3A_108 = arith.constant 0 : i32
      %dma_wait3A_109 = tpu.memref_slice %arg9[%add3A_39, %dma_wait3A_108] : memref<10240x128xf32, #tpu.memory_space<vmem_shared>> -> memref<64x128xf32, #tpu.memory_space<vmem_shared>>
      %dma_wait3A_110 = arith.constant 0 : i32
      %dma_wait3A_111 = arith.constant 0 : i32
      %dma_wait3A_112 = tpu.memref_slice %arg8[%run_scoped3A_40, %dma_wait3A_110, %dma_wait3A_111] : memref<2x64x128xf32, #tpu.memory_space<vmem>> -> memref<1x64x128xf32, #tpu.memory_space<vmem>>
      %dma_wait3A_113 = tpu.memref_squeeze %dma_wait3A_112 : memref<1x64x128xf32, #tpu.memory_space<vmem>> -> memref<64x128xf32, #tpu.memory_space<vmem>>
      tpu.wait_dma2 semaphore(%run_scoped3A_90 : memref<!tpu.dma_semaphore, #tpu.memory_space<semaphore_mem>>) src(%dma_wait3A_113 : memref<64x128xf32, #tpu.memory_space<vmem>>) dst(%dma_wait3A_109 : memref<64x128xf32, #tpu.memory_space<vmem_shared>>)
      tpu.yield
    }) : () -> ()
    %mul3A_41 = arith.constant 640 : i32
    %mul3A_42 = arith.muli %arg1, %mul3A_41 : i32
    %add3A_43 = arith.constant 448 : i32
    %add3A_44 = arith.addi %mul3A_42, %add3A_43 : i32
    %run_scoped3A_45 = arith.constant 0 : i32
    "tpu.region"() ({
      %run_scoped3A_90 = tpu.sem_alloc : memref<!tpu.dma_semaphore, #tpu.memory_space<semaphore_mem>>
      %dma_start3A_91 = arith.constant 0 : i32
      %dma_start3A_92 = arith.constant 0 : i32
      %dma_start3A_93 = tpu.memref_slice %arg8[%run_scoped3A_45, %dma_start3A_91, %dma_start3A_92] : memref<2x64x128xf32, #tpu.memory_space<vmem>> -> memref<1x64x128xf32, #tpu.memory_space<vmem>>
      %dma_start3A_94 = tpu.memref_squeeze %dma_start3A_93 : memref<1x64x128xf32, #tpu.memory_space<vmem>> -> memref<64x128xf32, #tpu.memory_space<vmem>>
      %dma_start3A_95 = arith.constant 0 : i32
      %dma_start3A_96 = tpu.memref_slice %arg9[%add3A_44, %dma_start3A_95] : memref<10240x128xf32, #tpu.memory_space<vmem_shared>> -> memref<64x128xf32, #tpu.memory_space<vmem_shared>>
      %dma_start3A_97 = arith.constant 0 : i32
      %dma_start3A_98 = tpu.memref_slice %arg9[%add3A_44, %dma_start3A_97] : memref<10240x128xf32, #tpu.memory_space<vmem_shared>> -> memref<64x128xf32, #tpu.memory_space<vmem_shared>>
      %dma_start3A_99 = arith.constant 0 : i32
      %dma_start3A_100 = arith.constant 0 : i32
      %dma_start3A_101 = tpu.memref_slice %arg8[%run_scoped3A_45, %dma_start3A_99, %dma_start3A_100] : memref<2x64x128xf32, #tpu.memory_space<vmem>> -> memref<1x64x128xf32, #tpu.memory_space<vmem>>
      %dma_start3A_102 = tpu.memref_squeeze %dma_start3A_101 : memref<1x64x128xf32, #tpu.memory_space<vmem>> -> memref<64x128xf32, #tpu.memory_space<vmem>>
      tpu.enqueue_dma source(%dma_start3A_102 : memref<64x128xf32, #tpu.memory_space<vmem>>) target(%dma_start3A_98 : memref<64x128xf32, #tpu.memory_space<vmem_shared>>) target_semaphore(%run_scoped3A_90 : memref<!tpu.dma_semaphore, #tpu.memory_space<semaphore_mem>>)
      %dma_wait3A = arith.constant 0 : i32
      %dma_wait3A_103 = arith.constant 0 : i32
      %dma_wait3A_104 = tpu.memref_slice %arg8[%run_scoped3A_45, %dma_wait3A, %dma_wait3A_103] : memref<2x64x128xf32, #tpu.memory_space<vmem>> -> memref<1x64x128xf32, #tpu.memory_space<vmem>>
      %dma_wait3A_105 = tpu.memref_squeeze %dma_wait3A_104 : memref<1x64x128xf32, #tpu.memory_space<vmem>> -> memref<64x128xf32, #tpu.memory_space<vmem>>
      %dma_wait3A_106 = arith.constant 0 : i32
      %dma_wait3A_107 = tpu.memref_slice %arg9[%add3A_44, %dma_wait3A_106] : memref<10240x128xf32, #tpu.memory_space<vmem_shared>> -> memref<64x128xf32, #tpu.memory_space<vmem_shared>>
      %dma_wait3A_108 = arith.constant 0 : i32
      %dma_wait3A_109 = tpu.memref_slice %arg9[%add3A_44, %dma_wait3A_108] : memref<10240x128xf32, #tpu.memory_space<vmem_shared>> -> memref<64x128xf32, #tpu.memory_space<vmem_shared>>
      %dma_wait3A_110 = arith.constant 0 : i32
      %dma_wait3A_111 = arith.constant 0 : i32
      %dma_wait3A_112 = tpu.memref_slice %arg8[%run_scoped3A_45, %dma_wait3A_110, %dma_wait3A_111] : memref<2x64x128xf32, #tpu.memory_space<vmem>> -> memref<1x64x128xf32, #tpu.memory_space<vmem>>
      %dma_wait3A_113 = tpu.memref_squeeze %dma_wait3A_112 : memref<1x64x128xf32, #tpu.memory_space<vmem>> -> memref<64x128xf32, #tpu.memory_space<vmem>>
      tpu.wait_dma2 semaphore(%run_scoped3A_90 : memref<!tpu.dma_semaphore, #tpu.memory_space<semaphore_mem>>) src(%dma_wait3A_113 : memref<64x128xf32, #tpu.memory_space<vmem>>) dst(%dma_wait3A_109 : memref<64x128xf32, #tpu.memory_space<vmem_shared>>)
      tpu.yield
    }) : () -> ()
    %mul3A_46 = arith.constant 640 : i32
    %mul3A_47 = arith.muli %arg1, %mul3A_46 : i32
    %add3A_48 = arith.constant 512 : i32
    %add3A_49 = arith.addi %mul3A_47, %add3A_48 : i32
    %run_scoped3A_50 = arith.constant 0 : i32
    "tpu.region"() ({
      %run_scoped3A_90 = tpu.sem_alloc : memref<!tpu.dma_semaphore, #tpu.memory_space<semaphore_mem>>
      %dma_start3A_91 = arith.constant 0 : i32
      %dma_start3A_92 = arith.constant 0 : i32
      %dma_start3A_93 = tpu.memref_slice %arg8[%run_scoped3A_50, %dma_start3A_91, %dma_start3A_92] : memref<2x64x128xf32, #tpu.memory_space<vmem>> -> memref<1x64x128xf32, #tpu.memory_space<vmem>>
      %dma_start3A_94 = tpu.memref_squeeze %dma_start3A_93 : memref<1x64x128xf32, #tpu.memory_space<vmem>> -> memref<64x128xf32, #tpu.memory_space<vmem>>
      %dma_start3A_95 = arith.constant 0 : i32
      %dma_start3A_96 = tpu.memref_slice %arg9[%add3A_49, %dma_start3A_95] : memref<10240x128xf32, #tpu.memory_space<vmem_shared>> -> memref<64x128xf32, #tpu.memory_space<vmem_shared>>
      %dma_start3A_97 = arith.constant 0 : i32
      %dma_start3A_98 = tpu.memref_slice %arg9[%add3A_49, %dma_start3A_97] : memref<10240x128xf32, #tpu.memory_space<vmem_shared>> -> memref<64x128xf32, #tpu.memory_space<vmem_shared>>
      %dma_start3A_99 = arith.constant 0 : i32
      %dma_start3A_100 = arith.constant 0 : i32
      %dma_start3A_101 = tpu.memref_slice %arg8[%run_scoped3A_50, %dma_start3A_99, %dma_start3A_100] : memref<2x64x128xf32, #tpu.memory_space<vmem>> -> memref<1x64x128xf32, #tpu.memory_space<vmem>>
      %dma_start3A_102 = tpu.memref_squeeze %dma_start3A_101 : memref<1x64x128xf32, #tpu.memory_space<vmem>> -> memref<64x128xf32, #tpu.memory_space<vmem>>
      tpu.enqueue_dma source(%dma_start3A_102 : memref<64x128xf32, #tpu.memory_space<vmem>>) target(%dma_start3A_98 : memref<64x128xf32, #tpu.memory_space<vmem_shared>>) target_semaphore(%run_scoped3A_90 : memref<!tpu.dma_semaphore, #tpu.memory_space<semaphore_mem>>)
      %dma_wait3A = arith.constant 0 : i32
      %dma_wait3A_103 = arith.constant 0 : i32
      %dma_wait3A_104 = tpu.memref_slice %arg8[%run_scoped3A_50, %dma_wait3A, %dma_wait3A_103] : memref<2x64x128xf32, #tpu.memory_space<vmem>> -> memref<1x64x128xf32, #tpu.memory_space<vmem>>
      %dma_wait3A_105 = tpu.memref_squeeze %dma_wait3A_104 : memref<1x64x128xf32, #tpu.memory_space<vmem>> -> memref<64x128xf32, #tpu.memory_space<vmem>>
      %dma_wait3A_106 = arith.constant 0 : i32
      %dma_wait3A_107 = tpu.memref_slice %arg9[%add3A_49, %dma_wait3A_106] : memref<10240x128xf32, #tpu.memory_space<vmem_shared>> -> memref<64x128xf32, #tpu.memory_space<vmem_shared>>
      %dma_wait3A_108 = arith.constant 0 : i32
      %dma_wait3A_109 = tpu.memref_slice %arg9[%add3A_49, %dma_wait3A_108] : memref<10240x128xf32, #tpu.memory_space<vmem_shared>> -> memref<64x128xf32, #tpu.memory_space<vmem_shared>>
      %dma_wait3A_110 = arith.constant 0 : i32
      %dma_wait3A_111 = arith.constant 0 : i32
      %dma_wait3A_112 = tpu.memref_slice %arg8[%run_scoped3A_50, %dma_wait3A_110, %dma_wait3A_111] : memref<2x64x128xf32, #tpu.memory_space<vmem>> -> memref<1x64x128xf32, #tpu.memory_space<vmem>>
      %dma_wait3A_113 = tpu.memref_squeeze %dma_wait3A_112 : memref<1x64x128xf32, #tpu.memory_space<vmem>> -> memref<64x128xf32, #tpu.memory_space<vmem>>
      tpu.wait_dma2 semaphore(%run_scoped3A_90 : memref<!tpu.dma_semaphore, #tpu.memory_space<semaphore_mem>>) src(%dma_wait3A_113 : memref<64x128xf32, #tpu.memory_space<vmem>>) dst(%dma_wait3A_109 : memref<64x128xf32, #tpu.memory_space<vmem_shared>>)
      tpu.yield
    }) : () -> ()
    %mul3A_51 = arith.constant 640 : i32
    %mul3A_52 = arith.muli %arg1, %mul3A_51 : i32
    %add3A_53 = arith.constant 576 : i32
    %add3A_54 = arith.addi %mul3A_52, %add3A_53 : i32
    %run_scoped3A_55 = arith.constant 0 : i32
    "tpu.region"() ({
      %run_scoped3A_90 = tpu.sem_alloc : memref<!tpu.dma_semaphore, #tpu.memory_space<semaphore_mem>>
      %dma_start3A_91 = arith.constant 0 : i32
      %dma_start3A_92 = arith.constant 0 : i32
      %dma_start3A_93 = tpu.memref_slice %arg8[%run_scoped3A_55, %dma_start3A_91, %dma_start3A_92] : memref<2x64x128xf32, #tpu.memory_space<vmem>> -> memref<1x64x128xf32, #tpu.memory_space<vmem>>
      %dma_start3A_94 = tpu.memref_squeeze %dma_start3A_93 : memref<1x64x128xf32, #tpu.memory_space<vmem>> -> memref<64x128xf32, #tpu.memory_space<vmem>>
      %dma_start3A_95 = arith.constant 0 : i32
      %dma_start3A_96 = tpu.memref_slice %arg9[%add3A_54, %dma_start3A_95] : memref<10240x128xf32, #tpu.memory_space<vmem_shared>> -> memref<64x128xf32, #tpu.memory_space<vmem_shared>>
      %dma_start3A_97 = arith.constant 0 : i32
      %dma_start3A_98 = tpu.memref_slice %arg9[%add3A_54, %dma_start3A_97] : memref<10240x128xf32, #tpu.memory_space<vmem_shared>> -> memref<64x128xf32, #tpu.memory_space<vmem_shared>>
      %dma_start3A_99 = arith.constant 0 : i32
      %dma_start3A_100 = arith.constant 0 : i32
      %dma_start3A_101 = tpu.memref_slice %arg8[%run_scoped3A_55, %dma_start3A_99, %dma_start3A_100] : memref<2x64x128xf32, #tpu.memory_space<vmem>> -> memref<1x64x128xf32, #tpu.memory_space<vmem>>
      %dma_start3A_102 = tpu.memref_squeeze %dma_start3A_101 : memref<1x64x128xf32, #tpu.memory_space<vmem>> -> memref<64x128xf32, #tpu.memory_space<vmem>>
      tpu.enqueue_dma source(%dma_start3A_102 : memref<64x128xf32, #tpu.memory_space<vmem>>) target(%dma_start3A_98 : memref<64x128xf32, #tpu.memory_space<vmem_shared>>) target_semaphore(%run_scoped3A_90 : memref<!tpu.dma_semaphore, #tpu.memory_space<semaphore_mem>>)
      %dma_wait3A = arith.constant 0 : i32
      %dma_wait3A_103 = arith.constant 0 : i32
      %dma_wait3A_104 = tpu.memref_slice %arg8[%run_scoped3A_55, %dma_wait3A, %dma_wait3A_103] : memref<2x64x128xf32, #tpu.memory_space<vmem>> -> memref<1x64x128xf32, #tpu.memory_space<vmem>>
      %dma_wait3A_105 = tpu.memref_squeeze %dma_wait3A_104 : memref<1x64x128xf32, #tpu.memory_space<vmem>> -> memref<64x128xf32, #tpu.memory_space<vmem>>
      %dma_wait3A_106 = arith.constant 0 : i32
      %dma_wait3A_107 = tpu.memref_slice %arg9[%add3A_54, %dma_wait3A_106] : memref<10240x128xf32, #tpu.memory_space<vmem_shared>> -> memref<64x128xf32, #tpu.memory_space<vmem_shared>>
      %dma_wait3A_108 = arith.constant 0 : i32
      %dma_wait3A_109 = tpu.memref_slice %arg9[%add3A_54, %dma_wait3A_108] : memref<10240x128xf32, #tpu.memory_space<vmem_shared>> -> memref<64x128xf32, #tpu.memory_space<vmem_shared>>
      %dma_wait3A_110 = arith.constant 0 : i32
      %dma_wait3A_111 = arith.constant 0 : i32
      %dma_wait3A_112 = tpu.memref_slice %arg8[%run_scoped3A_55, %dma_wait3A_110, %dma_wait3A_111] : memref<2x64x128xf32, #tpu.memory_space<vmem>> -> memref<1x64x128xf32, #tpu.memory_space<vmem>>
      %dma_wait3A_113 = tpu.memref_squeeze %dma_wait3A_112 : memref<1x64x128xf32, #tpu.memory_space<vmem>> -> memref<64x128xf32, #tpu.memory_space<vmem>>
      tpu.wait_dma2 semaphore(%run_scoped3A_90 : memref<!tpu.dma_semaphore, #tpu.memory_space<semaphore_mem>>) src(%dma_wait3A_113 : memref<64x128xf32, #tpu.memory_space<vmem>>) dst(%dma_wait3A_109 : memref<64x128xf32, #tpu.memory_space<vmem_shared>>)
      tpu.yield
    }) : () -> ()
    %dma_start3A = arith.constant 0 : i32
    %dma_start3A_56 = arith.constant 0 : i32
    %dma_start3A_57 = arith.constant 0 : i32
    %dma_start3A_58 = arith.constant 0 : i32
    %dma_start3A_59 = tpu.memref_slice %arg8[%dma_start3A_56, %dma_start3A_57, %dma_start3A_58] : memref<2x64x128xf32, #tpu.memory_space<vmem>> -> memref<1x64x128xf32, #tpu.memory_space<vmem>>
    %dma_start3A_60 = tpu.memref_squeeze %dma_start3A_59 : memref<1x64x128xf32, #tpu.memory_space<vmem>> -> memref<64x128xf32, #tpu.memory_space<vmem>>
    %dma_start3A_61 = arith.constant 0 : i32
    %dma_start3A_62 = tpu.memref_slice %arg6[%dma_start3A, %dma_start3A_61] : memref<80x128xi32, #tpu.memory_space<vmem>> -> memref<1x64xi32, #tpu.memory_space<vmem>>
    %dma_start3A_63 = tpu.memref_squeeze %dma_start3A_62 : memref<1x64xi32, #tpu.memory_space<vmem>> -> memref<64xi32, #tpu.memory_space<vmem>>
    %dma_start3A_64 = arith.constant 0 : i32
    %dma_start3A_65 = arith.constant 0 : i32
    %dma_start3A_66 = tpu.memref_slice %arg2[%dma_start3A_64, %dma_start3A_65] : memref<40000x128xf32, #tpu.memory_space<hbm>> -> memref<40000x128xf32, #tpu.memory_space<hbm>>
    tpu.enqueue_indirect_dma source(%dma_start3A_66 : memref<40000x128xf32, #tpu.memory_space<hbm>>) target(%dma_start3A_60 : memref<64x128xf32, #tpu.memory_space<vmem>>) offsets(%dma_start3A_63 : memref<64xi32, #tpu.memory_space<vmem>>) semaphore(%arg10 : memref<!tpu.dma_semaphore, #tpu.memory_space<semaphore_mem>>)
    %dma_start3A_67 = arith.constant 0 : i32
    %dma_start3A_68 = arith.constant 1 : i32
    %dma_start3A_69 = arith.constant 0 : i32
    %dma_start3A_70 = arith.constant 0 : i32
    %dma_start3A_71 = tpu.memref_slice %arg8[%dma_start3A_68, %dma_start3A_69, %dma_start3A_70] : memref<2x64x128xf32, #tpu.memory_space<vmem>> -> memref<1x64x128xf32, #tpu.memory_space<vmem>>
    %dma_start3A_72 = tpu.memref_squeeze %dma_start3A_71 : memref<1x64x128xf32, #tpu.memory_space<vmem>> -> memref<64x128xf32, #tpu.memory_space<vmem>>
    %dma_start3A_73 = arith.constant 64 : i32
    %dma_start3A_74 = tpu.memref_slice %arg6[%dma_start3A_67, %dma_start3A_73] : memref<80x128xi32, #tpu.memory_space<vmem>> -> memref<1x64xi32, #tpu.memory_space<vmem>>
    %dma_start3A_75 = tpu.memref_squeeze %dma_start3A_74 : memref<1x64xi32, #tpu.memory_space<vmem>> -> memref<64xi32, #tpu.memory_space<vmem>>
    %dma_start3A_76 = arith.constant 0 : i32
    %dma_start3A_77 = arith.constant 0 : i32
    %dma_start3A_78 = tpu.memref_slice %arg2[%dma_start3A_76, %dma_start3A_77] : memref<40000x128xf32, #tpu.memory_space<hbm>> -> memref<40000x128xf32, #tpu.memory_space<hbm>>
    tpu.enqueue_indirect_dma source(%dma_start3A_78 : memref<40000x128xf32, #tpu.memory_space<hbm>>) target(%dma_start3A_72 : memref<64x128xf32, #tpu.memory_space<vmem>>) offsets(%dma_start3A_75 : memref<64xi32, #tpu.memory_space<vmem>>) semaphore(%arg11 : memref<!tpu.dma_semaphore, #tpu.memory_space<semaphore_mem>>)
    %barrier3A = arith.constant 0 : index
    tpu.barrier barrier_id(%barrier3A)
    %scan3A_79 = arith.constant 0 : i32
    %scan3A_80 = arith.constant 0 : i32
    %scan3A_81 = arith.constant 80 : i32
    %scan3A_82 = arith.addi %scan3A_80, %scan3A_81 : i32
    %scan3A_83 = arith.constant 1 : i32
    scf.for %scan3A_90 = %scan3A_80 to %scan3A_82 step %scan3A_83  : i32 {
      %dma_wait3A = arith.constant 0 : i32
      %dma_wait3A_91 = arith.constant 0 : i32
      %dma_wait3A_92 = arith.constant 0 : i32
      %dma_wait3A_93 = tpu.memref_slice %arg8[%dma_wait3A, %dma_wait3A_91, %dma_wait3A_92] : memref<2x64x128xf32, #tpu.memory_space<vmem>> -> memref<1x64x128xf32, #tpu.memory_space<vmem>>
      %dma_wait3A_94 = tpu.memref_squeeze %dma_wait3A_93 : memref<1x64x128xf32, #tpu.memory_space<vmem>> -> memref<64x128xf32, #tpu.memory_space<vmem>>
      %dma_wait3A_95 = arith.constant 0 : i32
      %dma_wait3A_96 = tpu.memref_slice %arg6[%scan3A_90, %dma_wait3A_95] : memref<80x128xi32, #tpu.memory_space<vmem>> -> memref<1x64xi32, #tpu.memory_space<vmem>>
      %dma_wait3A_97 = tpu.memref_squeeze %dma_wait3A_96 : memref<1x64xi32, #tpu.memory_space<vmem>> -> memref<64xi32, #tpu.memory_space<vmem>>
      %dma_wait3A_98 = arith.constant 0 : i32
      %dma_wait3A_99 = arith.constant 0 : i32
      %dma_wait3A_100 = tpu.memref_slice %arg2[%dma_wait3A_98, %dma_wait3A_99] : memref<40000x128xf32, #tpu.memory_space<hbm>> -> memref<40000x128xf32, #tpu.memory_space<hbm>>
      tpu.wait_indirect_dma semaphore(%arg10 : memref<!tpu.dma_semaphore, #tpu.memory_space<semaphore_mem>>) src(%dma_wait3A_100 : memref<40000x128xf32, #tpu.memory_space<hbm>>) dst(%dma_wait3A_94 : memref<64x128xf32, #tpu.memory_space<vmem>>)
      %run_scoped3A_101 = arith.constant 0 : i32
      "tpu.region"() ({
        %run_scoped3A_125 = tpu.sem_alloc : memref<!tpu.dma_semaphore, #tpu.memory_space<semaphore_mem>>
        %dma_start3A_126 = arith.constant 0 : i32
        %dma_start3A_127 = arith.constant 0 : i32
        %dma_start3A_128 = tpu.memref_slice %arg8[%run_scoped3A_101, %dma_start3A_126, %dma_start3A_127] : memref<2x64x128xf32, #tpu.memory_space<vmem>> -> memref<1x64x128xf32, #tpu.memory_space<vmem>>
        %dma_start3A_129 = tpu.memref_squeeze %dma_start3A_128 : memref<1x64x128xf32, #tpu.memory_space<vmem>> -> memref<64x128xf32, #tpu.memory_space<vmem>>
        %dma_start3A_130 = arith.constant 0 : i32
        %dma_start3A_131 = tpu.memref_slice %arg7[%scan3A_90, %dma_start3A_130] : memref<80x128xi32, #tpu.memory_space<vmem>> -> memref<1x64xi32, #tpu.memory_space<vmem>>
        %dma_start3A_132 = tpu.memref_squeeze %dma_start3A_131 : memref<1x64xi32, #tpu.memory_space<vmem>> -> memref<64xi32, #tpu.memory_space<vmem>>
        %dma_start3A_133 = arith.constant 0 : i32
        %dma_start3A_134 = arith.constant 0 : i32
        %dma_start3A_135 = tpu.memref_slice %arg9[%dma_start3A_133, %dma_start3A_134] : memref<10240x128xf32, #tpu.memory_space<vmem_shared>> -> memref<10240x128xf32, #tpu.memory_space<vmem_shared>>
        tpu.enqueue_indirect_dma source(%dma_start3A_129 : memref<64x128xf32, #tpu.memory_space<vmem>>) target(%dma_start3A_135 : memref<10240x128xf32, #tpu.memory_space<vmem_shared>>) offsets(%dma_start3A_132 : memref<64xi32, #tpu.memory_space<vmem>>) semaphore(%run_scoped3A_125 : memref<!tpu.dma_semaphore, #tpu.memory_space<semaphore_mem>>) {add = true}
        %dma_wait3A_136 = arith.constant 0 : i32
        %dma_wait3A_137 = arith.constant 0 : i32
        %dma_wait3A_138 = tpu.memref_slice %arg8[%run_scoped3A_101, %dma_wait3A_136, %dma_wait3A_137] : memref<2x64x128xf32, #tpu.memory_space<vmem>> -> memref<1x64x128xf32, #tpu.memory_space<vmem>>
        %dma_wait3A_139 = tpu.memref_squeeze %dma_wait3A_138 : memref<1x64x128xf32, #tpu.memory_space<vmem>> -> memref<64x128xf32, #tpu.memory_space<vmem>>
        %dma_wait3A_140 = arith.constant 0 : i32
        %dma_wait3A_141 = tpu.memref_slice %arg7[%scan3A_90, %dma_wait3A_140] : memref<80x128xi32, #tpu.memory_space<vmem>> -> memref<1x64xi32, #tpu.memory_space<vmem>>
        %dma_wait3A_142 = tpu.memref_squeeze %dma_wait3A_141 : memref<1x64xi32, #tpu.memory_space<vmem>> -> memref<64xi32, #tpu.memory_space<vmem>>
        %dma_wait3A_143 = arith.constant 0 : i32
        %dma_wait3A_144 = arith.constant 0 : i32
        %dma_wait3A_145 = tpu.memref_slice %arg9[%dma_wait3A_143, %dma_wait3A_144] : memref<10240x128xf32, #tpu.memory_space<vmem_shared>> -> memref<10240x128xf32, #tpu.memory_space<vmem_shared>>
        tpu.wait_indirect_dma semaphore(%run_scoped3A_125 : memref<!tpu.dma_semaphore, #tpu.memory_space<semaphore_mem>>) src(%dma_wait3A_139 : memref<64x128xf32, #tpu.memory_space<vmem>>) dst(%dma_wait3A_145 : memref<10240x128xf32, #tpu.memory_space<vmem_shared>>)
        tpu.yield
      }) : () -> ()
      %add3A_102 = arith.constant 1 : i32
      %add3A_103 = arith.addi %scan3A_90, %add3A_102 : i32
      %lt3A = arith.constant 80 : i32
      %lt3A_104 = arith.cmpi slt, %add3A_103, %lt3A : i32
      %convert_element_type3A = arith.extui %lt3A_104 : i1 to i32
      %cond3A = arith.constant 0 : i32
      %cond3A_105 = arith.cmpi ne, %convert_element_type3A, %cond3A : i32
      scf.if %cond3A_105 {
        %add3A_125 = arith.constant 1 : i32
        %add3A_126 = arith.addi %scan3A_90, %add3A_125 : i32
        %dma_start3A_127 = arith.constant 0 : i32
        %dma_start3A_128 = arith.constant 0 : i32
        %dma_start3A_129 = arith.constant 0 : i32
        %dma_start3A_130 = tpu.memref_slice %arg8[%dma_start3A_127, %dma_start3A_128, %dma_start3A_129] : memref<2x64x128xf32, #tpu.memory_space<vmem>> -> memref<1x64x128xf32, #tpu.memory_space<vmem>>
        %dma_start3A_131 = tpu.memref_squeeze %dma_start3A_130 : memref<1x64x128xf32, #tpu.memory_space<vmem>> -> memref<64x128xf32, #tpu.memory_space<vmem>>
        %dma_start3A_132 = arith.constant 0 : i32
        %dma_start3A_133 = tpu.memref_slice %arg6[%add3A_126, %dma_start3A_132] : memref<80x128xi32, #tpu.memory_space<vmem>> -> memref<1x64xi32, #tpu.memory_space<vmem>>
        %dma_start3A_134 = tpu.memref_squeeze %dma_start3A_133 : memref<1x64xi32, #tpu.memory_space<vmem>> -> memref<64xi32, #tpu.memory_space<vmem>>
        %dma_start3A_135 = arith.constant 0 : i32
        %dma_start3A_136 = arith.constant 0 : i32
        %dma_start3A_137 = tpu.memref_slice %arg2[%dma_start3A_135, %dma_start3A_136] : memref<40000x128xf32, #tpu.memory_space<hbm>> -> memref<40000x128xf32, #tpu.memory_space<hbm>>
        tpu.enqueue_indirect_dma source(%dma_start3A_137 : memref<40000x128xf32, #tpu.memory_space<hbm>>) target(%dma_start3A_131 : memref<64x128xf32, #tpu.memory_space<vmem>>) offsets(%dma_start3A_134 : memref<64xi32, #tpu.memory_space<vmem>>) semaphore(%arg10 : memref<!tpu.dma_semaphore, #tpu.memory_space<semaphore_mem>>)
      } else {
      }
      %dma_wait3A_106 = arith.constant 1 : i32
      %dma_wait3A_107 = arith.constant 0 : i32
      %dma_wait3A_108 = arith.constant 0 : i32
      %dma_wait3A_109 = tpu.memref_slice %arg8[%dma_wait3A_106, %dma_wait3A_107, %dma_wait3A_108] : memref<2x64x128xf32, #tpu.memory_space<vmem>> -> memref<1x64x128xf32, #tpu.memory_space<vmem>>
      %dma_wait3A_110 = tpu.memref_squeeze %dma_wait3A_109 : memref<1x64x128xf32, #tpu.memory_space<vmem>> -> memref<64x128xf32, #tpu.memory_space<vmem>>
      %dma_wait3A_111 = arith.constant 64 : i32
      %dma_wait3A_112 = tpu.memref_slice %arg6[%scan3A_90, %dma_wait3A_111] : memref<80x128xi32, #tpu.memory_space<vmem>> -> memref<1x64xi32, #tpu.memory_space<vmem>>
      %dma_wait3A_113 = tpu.memref_squeeze %dma_wait3A_112 : memref<1x64xi32, #tpu.memory_space<vmem>> -> memref<64xi32, #tpu.memory_space<vmem>>
      %dma_wait3A_114 = arith.constant 0 : i32
      %dma_wait3A_115 = arith.constant 0 : i32
      %dma_wait3A_116 = tpu.memref_slice %arg2[%dma_wait3A_114, %dma_wait3A_115] : memref<40000x128xf32, #tpu.memory_space<hbm>> -> memref<40000x128xf32, #tpu.memory_space<hbm>>
      tpu.wait_indirect_dma semaphore(%arg11 : memref<!tpu.dma_semaphore, #tpu.memory_space<semaphore_mem>>) src(%dma_wait3A_116 : memref<40000x128xf32, #tpu.memory_space<hbm>>) dst(%dma_wait3A_110 : memref<64x128xf32, #tpu.memory_space<vmem>>)
      %run_scoped3A_117 = arith.constant 1 : i32
      "tpu.region"() ({
        %run_scoped3A_125 = tpu.sem_alloc : memref<!tpu.dma_semaphore, #tpu.memory_space<semaphore_mem>>
        %dma_start3A_126 = arith.constant 0 : i32
        %dma_start3A_127 = arith.constant 0 : i32
        %dma_start3A_128 = tpu.memref_slice %arg8[%run_scoped3A_117, %dma_start3A_126, %dma_start3A_127] : memref<2x64x128xf32, #tpu.memory_space<vmem>> -> memref<1x64x128xf32, #tpu.memory_space<vmem>>
        %dma_start3A_129 = tpu.memref_squeeze %dma_start3A_128 : memref<1x64x128xf32, #tpu.memory_space<vmem>> -> memref<64x128xf32, #tpu.memory_space<vmem>>
        %dma_start3A_130 = arith.constant 64 : i32
        %dma_start3A_131 = tpu.memref_slice %arg7[%scan3A_90, %dma_start3A_130] : memref<80x128xi32, #tpu.memory_space<vmem>> -> memref<1x64xi32, #tpu.memory_space<vmem>>
        %dma_start3A_132 = tpu.memref_squeeze %dma_start3A_131 : memref<1x64xi32, #tpu.memory_space<vmem>> -> memref<64xi32, #tpu.memory_space<vmem>>
        %dma_start3A_133 = arith.constant 0 : i32
        %dma_start3A_134 = arith.constant 0 : i32
        %dma_start3A_135 = tpu.memref_slice %arg9[%dma_start3A_133, %dma_start3A_134] : memref<10240x128xf32, #tpu.memory_space<vmem_shared>> -> memref<10240x128xf32, #tpu.memory_space<vmem_shared>>
        tpu.enqueue_indirect_dma source(%dma_start3A_129 : memref<64x128xf32, #tpu.memory_space<vmem>>) target(%dma_start3A_135 : memref<10240x128xf32, #tpu.memory_space<vmem_shared>>) offsets(%dma_start3A_132 : memref<64xi32, #tpu.memory_space<vmem>>) semaphore(%run_scoped3A_125 : memref<!tpu.dma_semaphore, #tpu.memory_space<semaphore_mem>>) {add = true}
        %dma_wait3A_136 = arith.constant 0 : i32
        %dma_wait3A_137 = arith.constant 0 : i32
        %dma_wait3A_138 = tpu.memref_slice %arg8[%run_scoped3A_117, %dma_wait3A_136, %dma_wait3A_137] : memref<2x64x128xf32, #tpu.memory_space<vmem>> -> memref<1x64x128xf32, #tpu.memory_space<vmem>>
        %dma_wait3A_139 = tpu.memref_squeeze %dma_wait3A_138 : memref<1x64x128xf32, #tpu.memory_space<vmem>> -> memref<64x128xf32, #tpu.memory_space<vmem>>
        %dma_wait3A_140 = arith.constant 64 : i32
        %dma_wait3A_141 = tpu.memref_slice %arg7[%scan3A_90, %dma_wait3A_140] : memref<80x128xi32, #tpu.memory_space<vmem>> -> memref<1x64xi32, #tpu.memory_space<vmem>>
        %dma_wait3A_142 = tpu.memref_squeeze %dma_wait3A_141 : memref<1x64xi32, #tpu.memory_space<vmem>> -> memref<64xi32, #tpu.memory_space<vmem>>
        %dma_wait3A_143 = arith.constant 0 : i32
        %dma_wait3A_144 = arith.constant 0 : i32
        %dma_wait3A_145 = tpu.memref_slice %arg9[%dma_wait3A_143, %dma_wait3A_144] : memref<10240x128xf32, #tpu.memory_space<vmem_shared>> -> memref<10240x128xf32, #tpu.memory_space<vmem_shared>>
        tpu.wait_indirect_dma semaphore(%run_scoped3A_125 : memref<!tpu.dma_semaphore, #tpu.memory_space<semaphore_mem>>) src(%dma_wait3A_139 : memref<64x128xf32, #tpu.memory_space<vmem>>) dst(%dma_wait3A_145 : memref<10240x128xf32, #tpu.memory_space<vmem_shared>>)
        tpu.yield
      }) : () -> ()
      %add3A_118 = arith.constant 1 : i32
      %add3A_119 = arith.addi %scan3A_90, %add3A_118 : i32
      %lt3A_120 = arith.constant 80 : i32
      %lt3A_121 = arith.cmpi slt, %add3A_119, %lt3A_120 : i32
      %convert_element_type3A_122 = arith.extui %lt3A_121 : i1 to i32
      %cond3A_123 = arith.constant 0 : i32
      %cond3A_124 = arith.cmpi ne, %convert_element_type3A_122, %cond3A_123 : i32
      scf.if %cond3A_124 {
        %add3A_125 = arith.constant 1 : i32
        %add3A_126 = arith.addi %scan3A_90, %add3A_125 : i32
        %dma_start3A_127 = arith.constant 1 : i32
        %dma_start3A_128 = arith.constant 0 : i32
        %dma_start3A_129 = arith.constant 0 : i32
        %dma_start3A_130 = tpu.memref_slice %arg8[%dma_start3A_127, %dma_start3A_128, %dma_start3A_129] : memref<2x64x128xf32, #tpu.memory_space<vmem>> -> memref<1x64x128xf32, #tpu.memory_space<vmem>>
        %dma_start3A_131 = tpu.memref_squeeze %dma_start3A_130 : memref<1x64x128xf32, #tpu.memory_space<vmem>> -> memref<64x128xf32, #tpu.memory_space<vmem>>
        %dma_start3A_132 = arith.constant 64 : i32
        %dma_start3A_133 = tpu.memref_slice %arg6[%add3A_126, %dma_start3A_132] : memref<80x128xi32, #tpu.memory_space<vmem>> -> memref<1x64xi32, #tpu.memory_space<vmem>>
        %dma_start3A_134 = tpu.memref_squeeze %dma_start3A_133 : memref<1x64xi32, #tpu.memory_space<vmem>> -> memref<64xi32, #tpu.memory_space<vmem>>
        %dma_start3A_135 = arith.constant 0 : i32
        %dma_start3A_136 = arith.constant 0 : i32
        %dma_start3A_137 = tpu.memref_slice %arg2[%dma_start3A_135, %dma_start3A_136] : memref<40000x128xf32, #tpu.memory_space<hbm>> -> memref<40000x128xf32, #tpu.memory_space<hbm>>
        tpu.enqueue_indirect_dma source(%dma_start3A_137 : memref<40000x128xf32, #tpu.memory_space<hbm>>) target(%dma_start3A_131 : memref<64x128xf32, #tpu.memory_space<vmem>>) offsets(%dma_start3A_134 : memref<64xi32, #tpu.memory_space<vmem>>) semaphore(%arg11 : memref<!tpu.dma_semaphore, #tpu.memory_space<semaphore_mem>>)
      } else {
      }
    }
    %scan3A_84 = arith.constant 80 : i32
    %barrier3A_85 = arith.constant 0 : index
    tpu.barrier barrier_id(%barrier3A_85)
    %mul3A_86 = arith.constant 640 : i32
    %mul3A_87 = arith.muli %arg1, %mul3A_86 : i32
    %mul3A_88 = arith.constant 640 : i32
    %mul3A_89 = arith.muli %arg1, %mul3A_88 : i32
    "tpu.region"() ({
      %run_scoped3A_90 = tpu.sem_alloc : memref<!tpu.dma_semaphore, #tpu.memory_space<semaphore_mem>>
      %dma_start3A_91 = arith.constant 0 : i32
      %dma_start3A_92 = tpu.memref_slice %arg5[%arg0, %mul3A_89, %dma_start3A_91] : memref<2x10240x128xf32, #tpu.memory_space<hbm>> -> memref<1x640x128xf32, #tpu.memory_space<hbm>>
      %dma_start3A_93 = tpu.memref_squeeze %dma_start3A_92 : memref<1x640x128xf32, #tpu.memory_space<hbm>> -> memref<640x128xf32, #tpu.memory_space<hbm>>
      %dma_start3A_94 = arith.constant 0 : i32
      %dma_start3A_95 = tpu.memref_slice %arg9[%mul3A_87, %dma_start3A_94] : memref<10240x128xf32, #tpu.memory_space<vmem_shared>> -> memref<640x128xf32, #tpu.memory_space<vmem_shared>>
      tpu.enqueue_dma source(%dma_start3A_95 : memref<640x128xf32, #tpu.memory_space<vmem_shared>>) target(%dma_start3A_93 : memref<640x128xf32, #tpu.memory_space<hbm>>) target_semaphore(%run_scoped3A_90 : memref<!tpu.dma_semaphore, #tpu.memory_space<semaphore_mem>>)
      %dma_wait3A = arith.constant 0 : i32
      %dma_wait3A_96 = tpu.memref_slice %arg5[%arg0, %mul3A_89, %dma_wait3A] : memref<2x10240x128xf32, #tpu.memory_space<hbm>> -> memref<1x640x128xf32, #tpu.memory_space<hbm>>
      %dma_wait3A_97 = tpu.memref_squeeze %dma_wait3A_96 : memref<1x640x128xf32, #tpu.memory_space<hbm>> -> memref<640x128xf32, #tpu.memory_space<hbm>>
      %dma_wait3A_98 = arith.constant 0 : i32
      %dma_wait3A_99 = tpu.memref_slice %arg9[%mul3A_87, %dma_wait3A_98] : memref<10240x128xf32, #tpu.memory_space<vmem_shared>> -> memref<640x128xf32, #tpu.memory_space<vmem_shared>>
      tpu.wait_dma2 semaphore(%run_scoped3A_90 : memref<!tpu.dma_semaphore, #tpu.memory_space<semaphore_mem>>) src(%dma_wait3A_99 : memref<640x128xf32, #tpu.memory_space<vmem_shared>>) dst(%dma_wait3A_97 : memref<640x128xf32, #tpu.memory_space<hbm>>)
      tpu.yield
    }) : () -> ()
    return
  }
}

#map = affine_map<(d0, d1) -> (0, 0)>
#map1 = affine_map<(d0, d1) -> (0, 0, 0)>
module attributes {stable_mosaic.version = 14 : i64} {
  func.func @_sc_aggregate(%arg0: i32, %arg1: i32, %arg2: memref<40000x128xf32, #tpu.memory_space<hbm>>, %arg3: memref<32x80x128xi32, #tpu.memory_space<hbm>>, %arg4: memref<32x80x128xi32, #tpu.memory_space<hbm>>, %arg5: memref<2x10240x128xf32, #tpu.memory_space<hbm>>, %arg6: memref<80x128xi32, #tpu.memory_space<vmem>>, %arg7: memref<80x128xi32, #tpu.memory_space<vmem>>, %arg8: memref<2x64x128xf32, #tpu.memory_space<vmem>>, %arg9: memref<10240x128xf32, #tpu.memory_space<vmem_shared>>, %arg10: memref<!tpu.dma_semaphore, #tpu.memory_space<semaphore_mem>>, %arg11: memref<!tpu.dma_semaphore, #tpu.memory_space<semaphore_mem>>) attributes {dimension_semantics = [#tpu.dimension_semantics<core_parallel>, #tpu.dimension_semantics<subcore_parallel>], iteration_bounds = array<i64: 2, 16>, scalar_prefetch = 0 : i64, scratch_operands = 6 : i64, tpu.core_type = #tpu.core_type<sc_vector_subcore>, window_params = [{transform_indices = #map}, {transform_indices = #map1}, {transform_indices = #map1}, {transform_indices = #map1}]} {
    %mul3A = arith.constant 16 : i32
    %mul3A_0 = arith.muli %arg0, %mul3A : i32
    %add3A = arith.addi %mul3A_0, %arg1 : i32
    "tpu.region"() ({
      %run_scoped3A_90 = tpu.sem_alloc : memref<!tpu.dma_semaphore, #tpu.memory_space<semaphore_mem>>
      %dma_start3A_91 = arith.constant 0 : i32
      %dma_start3A_92 = arith.constant 0 : i32
      %dma_start3A_93 = tpu.memref_slice %arg3[%add3A, %dma_start3A_91, %dma_start3A_92] : memref<32x80x128xi32, #tpu.memory_space<hbm>> -> memref<1x80x128xi32, #tpu.memory_space<hbm>>
      %dma_start3A_94 = tpu.memref_squeeze %dma_start3A_93 : memref<1x80x128xi32, #tpu.memory_space<hbm>> -> memref<80x128xi32, #tpu.memory_space<hbm>>
      %dma_start3A_95 = arith.constant 0 : i32
      %dma_start3A_96 = arith.constant 0 : i32
      %dma_start3A_97 = tpu.memref_slice %arg3[%add3A, %dma_start3A_95, %dma_start3A_96] : memref<32x80x128xi32, #tpu.memory_space<hbm>> -> memref<1x80x128xi32, #tpu.memory_space<hbm>>
      %dma_start3A_98 = tpu.memref_squeeze %dma_start3A_97 : memref<1x80x128xi32, #tpu.memory_space<hbm>> -> memref<80x128xi32, #tpu.memory_space<hbm>>
      tpu.enqueue_dma source(%dma_start3A_98 : memref<80x128xi32, #tpu.memory_space<hbm>>) target(%arg6 : memref<80x128xi32, #tpu.memory_space<vmem>>) target_semaphore(%run_scoped3A_90 : memref<!tpu.dma_semaphore, #tpu.memory_space<semaphore_mem>>)
      %dma_wait3A = arith.constant 0 : i32
      %dma_wait3A_99 = arith.constant 0 : i32
      %dma_wait3A_100 = tpu.memref_slice %arg3[%add3A, %dma_wait3A, %dma_wait3A_99] : memref<32x80x128xi32, #tpu.memory_space<hbm>> -> memref<1x80x128xi32, #tpu.memory_space<hbm>>
      %dma_wait3A_101 = tpu.memref_squeeze %dma_wait3A_100 : memref<1x80x128xi32, #tpu.memory_space<hbm>> -> memref<80x128xi32, #tpu.memory_space<hbm>>
      %dma_wait3A_102 = arith.constant 0 : i32
      %dma_wait3A_103 = arith.constant 0 : i32
      %dma_wait3A_104 = tpu.memref_slice %arg3[%add3A, %dma_wait3A_102, %dma_wait3A_103] : memref<32x80x128xi32, #tpu.memory_space<hbm>> -> memref<1x80x128xi32, #tpu.memory_space<hbm>>
      %dma_wait3A_105 = tpu.memref_squeeze %dma_wait3A_104 : memref<1x80x128xi32, #tpu.memory_space<hbm>> -> memref<80x128xi32, #tpu.memory_space<hbm>>
      tpu.wait_dma2 semaphore(%run_scoped3A_90 : memref<!tpu.dma_semaphore, #tpu.memory_space<semaphore_mem>>) src(%dma_wait3A_105 : memref<80x128xi32, #tpu.memory_space<hbm>>) dst(%arg6 : memref<80x128xi32, #tpu.memory_space<vmem>>)
      tpu.yield
    }) : () -> ()
    "tpu.region"() ({
      %run_scoped3A_90 = tpu.sem_alloc : memref<!tpu.dma_semaphore, #tpu.memory_space<semaphore_mem>>
      %dma_start3A_91 = arith.constant 0 : i32
      %dma_start3A_92 = arith.constant 0 : i32
      %dma_start3A_93 = tpu.memref_slice %arg4[%add3A, %dma_start3A_91, %dma_start3A_92] : memref<32x80x128xi32, #tpu.memory_space<hbm>> -> memref<1x80x128xi32, #tpu.memory_space<hbm>>
      %dma_start3A_94 = tpu.memref_squeeze %dma_start3A_93 : memref<1x80x128xi32, #tpu.memory_space<hbm>> -> memref<80x128xi32, #tpu.memory_space<hbm>>
      %dma_start3A_95 = arith.constant 0 : i32
      %dma_start3A_96 = arith.constant 0 : i32
      %dma_start3A_97 = tpu.memref_slice %arg4[%add3A, %dma_start3A_95, %dma_start3A_96] : memref<32x80x128xi32, #tpu.memory_space<hbm>> -> memref<1x80x128xi32, #tpu.memory_space<hbm>>
      %dma_start3A_98 = tpu.memref_squeeze %dma_start3A_97 : memref<1x80x128xi32, #tpu.memory_space<hbm>> -> memref<80x128xi32, #tpu.memory_space<hbm>>
      tpu.enqueue_dma source(%dma_start3A_98 : memref<80x128xi32, #tpu.memory_space<hbm>>) target(%arg7 : memref<80x128xi32, #tpu.memory_space<vmem>>) target_semaphore(%run_scoped3A_90 : memref<!tpu.dma_semaphore, #tpu.memory_space<semaphore_mem>>)
      %dma_wait3A = arith.constant 0 : i32
      %dma_wait3A_99 = arith.constant 0 : i32
      %dma_wait3A_100 = tpu.memref_slice %arg4[%add3A, %dma_wait3A, %dma_wait3A_99] : memref<32x80x128xi32, #tpu.memory_space<hbm>> -> memref<1x80x128xi32, #tpu.memory_space<hbm>>
      %dma_wait3A_101 = tpu.memref_squeeze %dma_wait3A_100 : memref<1x80x128xi32, #tpu.memory_space<hbm>> -> memref<80x128xi32, #tpu.memory_space<hbm>>
      %dma_wait3A_102 = arith.constant 0 : i32
      %dma_wait3A_103 = arith.constant 0 : i32
      %dma_wait3A_104 = tpu.memref_slice %arg4[%add3A, %dma_wait3A_102, %dma_wait3A_103] : memref<32x80x128xi32, #tpu.memory_space<hbm>> -> memref<1x80x128xi32, #tpu.memory_space<hbm>>
      %dma_wait3A_105 = tpu.memref_squeeze %dma_wait3A_104 : memref<1x80x128xi32, #tpu.memory_space<hbm>> -> memref<80x128xi32, #tpu.memory_space<hbm>>
      tpu.wait_dma2 semaphore(%run_scoped3A_90 : memref<!tpu.dma_semaphore, #tpu.memory_space<semaphore_mem>>) src(%dma_wait3A_105 : memref<80x128xi32, #tpu.memory_space<hbm>>) dst(%arg7 : memref<80x128xi32, #tpu.memory_space<vmem>>)
      tpu.yield
    }) : () -> ()
    %broadcast_in_dim3A = arith.constant 0.000000e+00 : f32
    %broadcast_in_dim3A_1 = vector.broadcast %broadcast_in_dim3A : f32 to vector<16xf32>
    %scan3A = arith.constant 0 : i32
    %scan3A_2 = arith.constant 0 : i32
    %scan3A_3 = arith.constant 64 : i32
    %scan3A_4 = arith.addi %scan3A_2, %scan3A_3 : i32
    %scan3A_5 = arith.constant 1 : i32
    scf.for %scan3A_90 = %scan3A_2 to %scan3A_4 step %scan3A_5  : i32 {
      %swap3A = arith.constant 0 : i32
      %swap3A_91 = arith.index_cast %swap3A : i32 to index
      %swap3A_92 = arith.index_cast %scan3A_90 : i32 to index
      %swap3A_93 = arith.constant 0 : index
      %swap3A_94 = tpu.vector_load %arg8[%swap3A_91, %swap3A_92, %swap3A_93] {strides = array<i32>} : memref<2x64x128xf32, #tpu.memory_space<vmem>>, vector<1x1x16xf32>,
      %swap3A_95 = vector.shape_cast %swap3A_94 : vector<1x1x16xf32> to vector<16xf32>
      %swap3A_96 = vector.shape_cast %broadcast_in_dim3A_1 : vector<16xf32> to vector<1x1x16xf32>
      tpu.vector_store %arg8[%swap3A_91, %swap3A_92, %swap3A_93], %swap3A_96 {strides = array<i32>} : memref<2x64x128xf32, #tpu.memory_space<vmem>>, vector<1x1x16xf32>,
      %swap3A_97 = arith.constant 0 : i32
      %swap3A_98 = arith.index_cast %swap3A_97 : i32 to index
      %swap3A_99 = arith.index_cast %scan3A_90 : i32 to index
      %swap3A_100 = arith.constant 16 : index
      %swap3A_101 = tpu.vector_load %arg8[%swap3A_98, %swap3A_99, %swap3A_100] {strides = array<i32>} : memref<2x64x128xf32, #tpu.memory_space<vmem>>, vector<1x1x16xf32>,
      %swap3A_102 = vector.shape_cast %swap3A_101 : vector<1x1x16xf32> to vector<16xf32>
      %swap3A_103 = vector.shape_cast %broadcast_in_dim3A_1 : vector<16xf32> to vector<1x1x16xf32>
      tpu.vector_store %arg8[%swap3A_98, %swap3A_99, %swap3A_100], %swap3A_103 {strides = array<i32>} : memref<2x64x128xf32, #tpu.memory_space<vmem>>, vector<1x1x16xf32>,
      %swap3A_104 = arith.constant 0 : i32
      %swap3A_105 = arith.index_cast %swap3A_104 : i32 to index
      %swap3A_106 = arith.index_cast %scan3A_90 : i32 to index
      %swap3A_107 = arith.constant 32 : index
      %swap3A_108 = tpu.vector_load %arg8[%swap3A_105, %swap3A_106, %swap3A_107] {strides = array<i32>} : memref<2x64x128xf32, #tpu.memory_space<vmem>>, vector<1x1x16xf32>,
      %swap3A_109 = vector.shape_cast %swap3A_108 : vector<1x1x16xf32> to vector<16xf32>
      %swap3A_110 = vector.shape_cast %broadcast_in_dim3A_1 : vector<16xf32> to vector<1x1x16xf32>
      tpu.vector_store %arg8[%swap3A_105, %swap3A_106, %swap3A_107], %swap3A_110 {strides = array<i32>} : memref<2x64x128xf32, #tpu.memory_space<vmem>>, vector<1x1x16xf32>,
      %swap3A_111 = arith.constant 0 : i32
      %swap3A_112 = arith.index_cast %swap3A_111 : i32 to index
      %swap3A_113 = arith.index_cast %scan3A_90 : i32 to index
      %swap3A_114 = arith.constant 48 : index
      %swap3A_115 = tpu.vector_load %arg8[%swap3A_112, %swap3A_113, %swap3A_114] {strides = array<i32>} : memref<2x64x128xf32, #tpu.memory_space<vmem>>, vector<1x1x16xf32>,
      %swap3A_116 = vector.shape_cast %swap3A_115 : vector<1x1x16xf32> to vector<16xf32>
      %swap3A_117 = vector.shape_cast %broadcast_in_dim3A_1 : vector<16xf32> to vector<1x1x16xf32>
      tpu.vector_store %arg8[%swap3A_112, %swap3A_113, %swap3A_114], %swap3A_117 {strides = array<i32>} : memref<2x64x128xf32, #tpu.memory_space<vmem>>, vector<1x1x16xf32>,
      %swap3A_118 = arith.constant 0 : i32
      %swap3A_119 = arith.index_cast %swap3A_118 : i32 to index
      %swap3A_120 = arith.index_cast %scan3A_90 : i32 to index
      %swap3A_121 = arith.constant 64 : index
      %swap3A_122 = tpu.vector_load %arg8[%swap3A_119, %swap3A_120, %swap3A_121] {strides = array<i32>} : memref<2x64x128xf32, #tpu.memory_space<vmem>>, vector<1x1x16xf32>,
      %swap3A_123 = vector.shape_cast %swap3A_122 : vector<1x1x16xf32> to vector<16xf32>
      %swap3A_124 = vector.shape_cast %broadcast_in_dim3A_1 : vector<16xf32> to vector<1x1x16xf32>
      tpu.vector_store %arg8[%swap3A_119, %swap3A_120, %swap3A_121], %swap3A_124 {strides = array<i32>} : memref<2x64x128xf32, #tpu.memory_space<vmem>>, vector<1x1x16xf32>,
      %swap3A_125 = arith.constant 0 : i32
      %swap3A_126 = arith.index_cast %swap3A_125 : i32 to index
      %swap3A_127 = arith.index_cast %scan3A_90 : i32 to index
      %swap3A_128 = arith.constant 80 : index
      %swap3A_129 = tpu.vector_load %arg8[%swap3A_126, %swap3A_127, %swap3A_128] {strides = array<i32>} : memref<2x64x128xf32, #tpu.memory_space<vmem>>, vector<1x1x16xf32>,
      %swap3A_130 = vector.shape_cast %swap3A_129 : vector<1x1x16xf32> to vector<16xf32>
      %swap3A_131 = vector.shape_cast %broadcast_in_dim3A_1 : vector<16xf32> to vector<1x1x16xf32>
      tpu.vector_store %arg8[%swap3A_126, %swap3A_127, %swap3A_128], %swap3A_131 {strides = array<i32>} : memref<2x64x128xf32, #tpu.memory_space<vmem>>, vector<1x1x16xf32>,
      %swap3A_132 = arith.constant 0 : i32
      %swap3A_133 = arith.index_cast %swap3A_132 : i32 to index
      %swap3A_134 = arith.index_cast %scan3A_90 : i32 to index
      %swap3A_135 = arith.constant 96 : index
      %swap3A_136 = tpu.vector_load %arg8[%swap3A_133, %swap3A_134, %swap3A_135] {strides = array<i32>} : memref<2x64x128xf32, #tpu.memory_space<vmem>>, vector<1x1x16xf32>,
      %swap3A_137 = vector.shape_cast %swap3A_136 : vector<1x1x16xf32> to vector<16xf32>
      %swap3A_138 = vector.shape_cast %broadcast_in_dim3A_1 : vector<16xf32> to vector<1x1x16xf32>
      tpu.vector_store %arg8[%swap3A_133, %swap3A_134, %swap3A_135], %swap3A_138 {strides = array<i32>} : memref<2x64x128xf32, #tpu.memory_space<vmem>>, vector<1x1x16xf32>,
      %swap3A_139 = arith.constant 0 : i32
      %swap3A_140 = arith.index_cast %swap3A_139 : i32 to index
      %swap3A_141 = arith.index_cast %scan3A_90 : i32 to index
      %swap3A_142 = arith.constant 112 : index
      %swap3A_143 = tpu.vector_load %arg8[%swap3A_140, %swap3A_141, %swap3A_142] {strides = array<i32>} : memref<2x64x128xf32, #tpu.memory_space<vmem>>, vector<1x1x16xf32>,
      %swap3A_144 = vector.shape_cast %swap3A_143 : vector<1x1x16xf32> to vector<16xf32>
      %swap3A_145 = vector.shape_cast %broadcast_in_dim3A_1 : vector<16xf32> to vector<1x1x16xf32>
      tpu.vector_store %arg8[%swap3A_140, %swap3A_141, %swap3A_142], %swap3A_145 {strides = array<i32>} : memref<2x64x128xf32, #tpu.memory_space<vmem>>, vector<1x1x16xf32>,
    }
    %scan3A_6 = arith.constant 64 : i32
    %mul3A_7 = arith.constant 640 : i32
    %mul3A_8 = arith.muli %arg1, %mul3A_7 : i32
    %add3A_9 = arith.constant 0 : i32
    %add3A_10 = arith.addi %mul3A_8, %add3A_9 : i32
    %run_scoped3A = arith.constant 0 : i32
    "tpu.region"() ({
      %run_scoped3A_90 = tpu.sem_alloc : memref<!tpu.dma_semaphore, #tpu.memory_space<semaphore_mem>>
      %dma_start3A_91 = arith.constant 0 : i32
      %dma_start3A_92 = arith.constant 0 : i32
      %dma_start3A_93 = tpu.memref_slice %arg8[%run_scoped3A, %dma_start3A_91, %dma_start3A_92] : memref<2x64x128xf32, #tpu.memory_space<vmem>> -> memref<1x64x128xf32, #tpu.memory_space<vmem>>
      %dma_start3A_94 = tpu.memref_squeeze %dma_start3A_93 : memref<1x64x128xf32, #tpu.memory_space<vmem>> -> memref<64x128xf32, #tpu.memory_space<vmem>>
      %dma_start3A_95 = arith.constant 0 : i32
      %dma_start3A_96 = tpu.memref_slice %arg9[%add3A_10, %dma_start3A_95] : memref<10240x128xf32, #tpu.memory_space<vmem_shared>> -> memref<64x128xf32, #tpu.memory_space<vmem_shared>>
      %dma_start3A_97 = arith.constant 0 : i32
      %dma_start3A_98 = tpu.memref_slice %arg9[%add3A_10, %dma_start3A_97] : memref<10240x128xf32, #tpu.memory_space<vmem_shared>> -> memref<64x128xf32, #tpu.memory_space<vmem_shared>>
      %dma_start3A_99 = arith.constant 0 : i32
      %dma_start3A_100 = arith.constant 0 : i32
      %dma_start3A_101 = tpu.memref_slice %arg8[%run_scoped3A, %dma_start3A_99, %dma_start3A_100] : memref<2x64x128xf32, #tpu.memory_space<vmem>> -> memref<1x64x128xf32, #tpu.memory_space<vmem>>
      %dma_start3A_102 = tpu.memref_squeeze %dma_start3A_101 : memref<1x64x128xf32, #tpu.memory_space<vmem>> -> memref<64x128xf32, #tpu.memory_space<vmem>>
      tpu.enqueue_dma source(%dma_start3A_102 : memref<64x128xf32, #tpu.memory_space<vmem>>) target(%dma_start3A_98 : memref<64x128xf32, #tpu.memory_space<vmem_shared>>) target_semaphore(%run_scoped3A_90 : memref<!tpu.dma_semaphore, #tpu.memory_space<semaphore_mem>>)
      %dma_wait3A = arith.constant 0 : i32
      %dma_wait3A_103 = arith.constant 0 : i32
      %dma_wait3A_104 = tpu.memref_slice %arg8[%run_scoped3A, %dma_wait3A, %dma_wait3A_103] : memref<2x64x128xf32, #tpu.memory_space<vmem>> -> memref<1x64x128xf32, #tpu.memory_space<vmem>>
      %dma_wait3A_105 = tpu.memref_squeeze %dma_wait3A_104 : memref<1x64x128xf32, #tpu.memory_space<vmem>> -> memref<64x128xf32, #tpu.memory_space<vmem>>
      %dma_wait3A_106 = arith.constant 0 : i32
      %dma_wait3A_107 = tpu.memref_slice %arg9[%add3A_10, %dma_wait3A_106] : memref<10240x128xf32, #tpu.memory_space<vmem_shared>> -> memref<64x128xf32, #tpu.memory_space<vmem_shared>>
      %dma_wait3A_108 = arith.constant 0 : i32
      %dma_wait3A_109 = tpu.memref_slice %arg9[%add3A_10, %dma_wait3A_108] : memref<10240x128xf32, #tpu.memory_space<vmem_shared>> -> memref<64x128xf32, #tpu.memory_space<vmem_shared>>
      %dma_wait3A_110 = arith.constant 0 : i32
      %dma_wait3A_111 = arith.constant 0 : i32
      %dma_wait3A_112 = tpu.memref_slice %arg8[%run_scoped3A, %dma_wait3A_110, %dma_wait3A_111] : memref<2x64x128xf32, #tpu.memory_space<vmem>> -> memref<1x64x128xf32, #tpu.memory_space<vmem>>
      %dma_wait3A_113 = tpu.memref_squeeze %dma_wait3A_112 : memref<1x64x128xf32, #tpu.memory_space<vmem>> -> memref<64x128xf32, #tpu.memory_space<vmem>>
      tpu.wait_dma2 semaphore(%run_scoped3A_90 : memref<!tpu.dma_semaphore, #tpu.memory_space<semaphore_mem>>) src(%dma_wait3A_113 : memref<64x128xf32, #tpu.memory_space<vmem>>) dst(%dma_wait3A_109 : memref<64x128xf32, #tpu.memory_space<vmem_shared>>)
      tpu.yield
    }) : () -> ()
    %mul3A_11 = arith.constant 640 : i32
    %mul3A_12 = arith.muli %arg1, %mul3A_11 : i32
    %add3A_13 = arith.constant 64 : i32
    %add3A_14 = arith.addi %mul3A_12, %add3A_13 : i32
    %run_scoped3A_15 = arith.constant 0 : i32
    "tpu.region"() ({
      %run_scoped3A_90 = tpu.sem_alloc : memref<!tpu.dma_semaphore, #tpu.memory_space<semaphore_mem>>
      %dma_start3A_91 = arith.constant 0 : i32
      %dma_start3A_92 = arith.constant 0 : i32
      %dma_start3A_93 = tpu.memref_slice %arg8[%run_scoped3A_15, %dma_start3A_91, %dma_start3A_92] : memref<2x64x128xf32, #tpu.memory_space<vmem>> -> memref<1x64x128xf32, #tpu.memory_space<vmem>>
      %dma_start3A_94 = tpu.memref_squeeze %dma_start3A_93 : memref<1x64x128xf32, #tpu.memory_space<vmem>> -> memref<64x128xf32, #tpu.memory_space<vmem>>
      %dma_start3A_95 = arith.constant 0 : i32
      %dma_start3A_96 = tpu.memref_slice %arg9[%add3A_14, %dma_start3A_95] : memref<10240x128xf32, #tpu.memory_space<vmem_shared>> -> memref<64x128xf32, #tpu.memory_space<vmem_shared>>
      %dma_start3A_97 = arith.constant 0 : i32
      %dma_start3A_98 = tpu.memref_slice %arg9[%add3A_14, %dma_start3A_97] : memref<10240x128xf32, #tpu.memory_space<vmem_shared>> -> memref<64x128xf32, #tpu.memory_space<vmem_shared>>
      %dma_start3A_99 = arith.constant 0 : i32
      %dma_start3A_100 = arith.constant 0 : i32
      %dma_start3A_101 = tpu.memref_slice %arg8[%run_scoped3A_15, %dma_start3A_99, %dma_start3A_100] : memref<2x64x128xf32, #tpu.memory_space<vmem>> -> memref<1x64x128xf32, #tpu.memory_space<vmem>>
      %dma_start3A_102 = tpu.memref_squeeze %dma_start3A_101 : memref<1x64x128xf32, #tpu.memory_space<vmem>> -> memref<64x128xf32, #tpu.memory_space<vmem>>
      tpu.enqueue_dma source(%dma_start3A_102 : memref<64x128xf32, #tpu.memory_space<vmem>>) target(%dma_start3A_98 : memref<64x128xf32, #tpu.memory_space<vmem_shared>>) target_semaphore(%run_scoped3A_90 : memref<!tpu.dma_semaphore, #tpu.memory_space<semaphore_mem>>)
      %dma_wait3A = arith.constant 0 : i32
      %dma_wait3A_103 = arith.constant 0 : i32
      %dma_wait3A_104 = tpu.memref_slice %arg8[%run_scoped3A_15, %dma_wait3A, %dma_wait3A_103] : memref<2x64x128xf32, #tpu.memory_space<vmem>> -> memref<1x64x128xf32, #tpu.memory_space<vmem>>
      %dma_wait3A_105 = tpu.memref_squeeze %dma_wait3A_104 : memref<1x64x128xf32, #tpu.memory_space<vmem>> -> memref<64x128xf32, #tpu.memory_space<vmem>>
      %dma_wait3A_106 = arith.constant 0 : i32
      %dma_wait3A_107 = tpu.memref_slice %arg9[%add3A_14, %dma_wait3A_106] : memref<10240x128xf32, #tpu.memory_space<vmem_shared>> -> memref<64x128xf32, #tpu.memory_space<vmem_shared>>
      %dma_wait3A_108 = arith.constant 0 : i32
      %dma_wait3A_109 = tpu.memref_slice %arg9[%add3A_14, %dma_wait3A_108] : memref<10240x128xf32, #tpu.memory_space<vmem_shared>> -> memref<64x128xf32, #tpu.memory_space<vmem_shared>>
      %dma_wait3A_110 = arith.constant 0 : i32
      %dma_wait3A_111 = arith.constant 0 : i32
      %dma_wait3A_112 = tpu.memref_slice %arg8[%run_scoped3A_15, %dma_wait3A_110, %dma_wait3A_111] : memref<2x64x128xf32, #tpu.memory_space<vmem>> -> memref<1x64x128xf32, #tpu.memory_space<vmem>>
      %dma_wait3A_113 = tpu.memref_squeeze %dma_wait3A_112 : memref<1x64x128xf32, #tpu.memory_space<vmem>> -> memref<64x128xf32, #tpu.memory_space<vmem>>
      tpu.wait_dma2 semaphore(%run_scoped3A_90 : memref<!tpu.dma_semaphore, #tpu.memory_space<semaphore_mem>>) src(%dma_wait3A_113 : memref<64x128xf32, #tpu.memory_space<vmem>>) dst(%dma_wait3A_109 : memref<64x128xf32, #tpu.memory_space<vmem_shared>>)
      tpu.yield
    }) : () -> ()
    %mul3A_16 = arith.constant 640 : i32
    %mul3A_17 = arith.muli %arg1, %mul3A_16 : i32
    %add3A_18 = arith.constant 128 : i32
    %add3A_19 = arith.addi %mul3A_17, %add3A_18 : i32
    %run_scoped3A_20 = arith.constant 0 : i32
    "tpu.region"() ({
      %run_scoped3A_90 = tpu.sem_alloc : memref<!tpu.dma_semaphore, #tpu.memory_space<semaphore_mem>>
      %dma_start3A_91 = arith.constant 0 : i32
      %dma_start3A_92 = arith.constant 0 : i32
      %dma_start3A_93 = tpu.memref_slice %arg8[%run_scoped3A_20, %dma_start3A_91, %dma_start3A_92] : memref<2x64x128xf32, #tpu.memory_space<vmem>> -> memref<1x64x128xf32, #tpu.memory_space<vmem>>
      %dma_start3A_94 = tpu.memref_squeeze %dma_start3A_93 : memref<1x64x128xf32, #tpu.memory_space<vmem>> -> memref<64x128xf32, #tpu.memory_space<vmem>>
      %dma_start3A_95 = arith.constant 0 : i32
      %dma_start3A_96 = tpu.memref_slice %arg9[%add3A_19, %dma_start3A_95] : memref<10240x128xf32, #tpu.memory_space<vmem_shared>> -> memref<64x128xf32, #tpu.memory_space<vmem_shared>>
      %dma_start3A_97 = arith.constant 0 : i32
      %dma_start3A_98 = tpu.memref_slice %arg9[%add3A_19, %dma_start3A_97] : memref<10240x128xf32, #tpu.memory_space<vmem_shared>> -> memref<64x128xf32, #tpu.memory_space<vmem_shared>>
      %dma_start3A_99 = arith.constant 0 : i32
      %dma_start3A_100 = arith.constant 0 : i32
      %dma_start3A_101 = tpu.memref_slice %arg8[%run_scoped3A_20, %dma_start3A_99, %dma_start3A_100] : memref<2x64x128xf32, #tpu.memory_space<vmem>> -> memref<1x64x128xf32, #tpu.memory_space<vmem>>
      %dma_start3A_102 = tpu.memref_squeeze %dma_start3A_101 : memref<1x64x128xf32, #tpu.memory_space<vmem>> -> memref<64x128xf32, #tpu.memory_space<vmem>>
      tpu.enqueue_dma source(%dma_start3A_102 : memref<64x128xf32, #tpu.memory_space<vmem>>) target(%dma_start3A_98 : memref<64x128xf32, #tpu.memory_space<vmem_shared>>) target_semaphore(%run_scoped3A_90 : memref<!tpu.dma_semaphore, #tpu.memory_space<semaphore_mem>>)
      %dma_wait3A = arith.constant 0 : i32
      %dma_wait3A_103 = arith.constant 0 : i32
      %dma_wait3A_104 = tpu.memref_slice %arg8[%run_scoped3A_20, %dma_wait3A, %dma_wait3A_103] : memref<2x64x128xf32, #tpu.memory_space<vmem>> -> memref<1x64x128xf32, #tpu.memory_space<vmem>>
      %dma_wait3A_105 = tpu.memref_squeeze %dma_wait3A_104 : memref<1x64x128xf32, #tpu.memory_space<vmem>> -> memref<64x128xf32, #tpu.memory_space<vmem>>
      %dma_wait3A_106 = arith.constant 0 : i32
      %dma_wait3A_107 = tpu.memref_slice %arg9[%add3A_19, %dma_wait3A_106] : memref<10240x128xf32, #tpu.memory_space<vmem_shared>> -> memref<64x128xf32, #tpu.memory_space<vmem_shared>>
      %dma_wait3A_108 = arith.constant 0 : i32
      %dma_wait3A_109 = tpu.memref_slice %arg9[%add3A_19, %dma_wait3A_108] : memref<10240x128xf32, #tpu.memory_space<vmem_shared>> -> memref<64x128xf32, #tpu.memory_space<vmem_shared>>
      %dma_wait3A_110 = arith.constant 0 : i32
      %dma_wait3A_111 = arith.constant 0 : i32
      %dma_wait3A_112 = tpu.memref_slice %arg8[%run_scoped3A_20, %dma_wait3A_110, %dma_wait3A_111] : memref<2x64x128xf32, #tpu.memory_space<vmem>> -> memref<1x64x128xf32, #tpu.memory_space<vmem>>
      %dma_wait3A_113 = tpu.memref_squeeze %dma_wait3A_112 : memref<1x64x128xf32, #tpu.memory_space<vmem>> -> memref<64x128xf32, #tpu.memory_space<vmem>>
      tpu.wait_dma2 semaphore(%run_scoped3A_90 : memref<!tpu.dma_semaphore, #tpu.memory_space<semaphore_mem>>) src(%dma_wait3A_113 : memref<64x128xf32, #tpu.memory_space<vmem>>) dst(%dma_wait3A_109 : memref<64x128xf32, #tpu.memory_space<vmem_shared>>)
      tpu.yield
    }) : () -> ()
    %mul3A_21 = arith.constant 640 : i32
    %mul3A_22 = arith.muli %arg1, %mul3A_21 : i32
    %add3A_23 = arith.constant 192 : i32
    %add3A_24 = arith.addi %mul3A_22, %add3A_23 : i32
    %run_scoped3A_25 = arith.constant 0 : i32
    "tpu.region"() ({
      %run_scoped3A_90 = tpu.sem_alloc : memref<!tpu.dma_semaphore, #tpu.memory_space<semaphore_mem>>
      %dma_start3A_91 = arith.constant 0 : i32
      %dma_start3A_92 = arith.constant 0 : i32
      %dma_start3A_93 = tpu.memref_slice %arg8[%run_scoped3A_25, %dma_start3A_91, %dma_start3A_92] : memref<2x64x128xf32, #tpu.memory_space<vmem>> -> memref<1x64x128xf32, #tpu.memory_space<vmem>>
      %dma_start3A_94 = tpu.memref_squeeze %dma_start3A_93 : memref<1x64x128xf32, #tpu.memory_space<vmem>> -> memref<64x128xf32, #tpu.memory_space<vmem>>
      %dma_start3A_95 = arith.constant 0 : i32
      %dma_start3A_96 = tpu.memref_slice %arg9[%add3A_24, %dma_start3A_95] : memref<10240x128xf32, #tpu.memory_space<vmem_shared>> -> memref<64x128xf32, #tpu.memory_space<vmem_shared>>
      %dma_start3A_97 = arith.constant 0 : i32
      %dma_start3A_98 = tpu.memref_slice %arg9[%add3A_24, %dma_start3A_97] : memref<10240x128xf32, #tpu.memory_space<vmem_shared>> -> memref<64x128xf32, #tpu.memory_space<vmem_shared>>
      %dma_start3A_99 = arith.constant 0 : i32
      %dma_start3A_100 = arith.constant 0 : i32
      %dma_start3A_101 = tpu.memref_slice %arg8[%run_scoped3A_25, %dma_start3A_99, %dma_start3A_100] : memref<2x64x128xf32, #tpu.memory_space<vmem>> -> memref<1x64x128xf32, #tpu.memory_space<vmem>>
      %dma_start3A_102 = tpu.memref_squeeze %dma_start3A_101 : memref<1x64x128xf32, #tpu.memory_space<vmem>> -> memref<64x128xf32, #tpu.memory_space<vmem>>
      tpu.enqueue_dma source(%dma_start3A_102 : memref<64x128xf32, #tpu.memory_space<vmem>>) target(%dma_start3A_98 : memref<64x128xf32, #tpu.memory_space<vmem_shared>>) target_semaphore(%run_scoped3A_90 : memref<!tpu.dma_semaphore, #tpu.memory_space<semaphore_mem>>)
      %dma_wait3A = arith.constant 0 : i32
      %dma_wait3A_103 = arith.constant 0 : i32
      %dma_wait3A_104 = tpu.memref_slice %arg8[%run_scoped3A_25, %dma_wait3A, %dma_wait3A_103] : memref<2x64x128xf32, #tpu.memory_space<vmem>> -> memref<1x64x128xf32, #tpu.memory_space<vmem>>
      %dma_wait3A_105 = tpu.memref_squeeze %dma_wait3A_104 : memref<1x64x128xf32, #tpu.memory_space<vmem>> -> memref<64x128xf32, #tpu.memory_space<vmem>>
      %dma_wait3A_106 = arith.constant 0 : i32
      %dma_wait3A_107 = tpu.memref_slice %arg9[%add3A_24, %dma_wait3A_106] : memref<10240x128xf32, #tpu.memory_space<vmem_shared>> -> memref<64x128xf32, #tpu.memory_space<vmem_shared>>
      %dma_wait3A_108 = arith.constant 0 : i32
      %dma_wait3A_109 = tpu.memref_slice %arg9[%add3A_24, %dma_wait3A_108] : memref<10240x128xf32, #tpu.memory_space<vmem_shared>> -> memref<64x128xf32, #tpu.memory_space<vmem_shared>>
      %dma_wait3A_110 = arith.constant 0 : i32
      %dma_wait3A_111 = arith.constant 0 : i32
      %dma_wait3A_112 = tpu.memref_slice %arg8[%run_scoped3A_25, %dma_wait3A_110, %dma_wait3A_111] : memref<2x64x128xf32, #tpu.memory_space<vmem>> -> memref<1x64x128xf32, #tpu.memory_space<vmem>>
      %dma_wait3A_113 = tpu.memref_squeeze %dma_wait3A_112 : memref<1x64x128xf32, #tpu.memory_space<vmem>> -> memref<64x128xf32, #tpu.memory_space<vmem>>
      tpu.wait_dma2 semaphore(%run_scoped3A_90 : memref<!tpu.dma_semaphore, #tpu.memory_space<semaphore_mem>>) src(%dma_wait3A_113 : memref<64x128xf32, #tpu.memory_space<vmem>>) dst(%dma_wait3A_109 : memref<64x128xf32, #tpu.memory_space<vmem_shared>>)
      tpu.yield
    }) : () -> ()
    %mul3A_26 = arith.constant 640 : i32
    %mul3A_27 = arith.muli %arg1, %mul3A_26 : i32
    %add3A_28 = arith.constant 256 : i32
    %add3A_29 = arith.addi %mul3A_27, %add3A_28 : i32
    %run_scoped3A_30 = arith.constant 0 : i32
    "tpu.region"() ({
      %run_scoped3A_90 = tpu.sem_alloc : memref<!tpu.dma_semaphore, #tpu.memory_space<semaphore_mem>>
      %dma_start3A_91 = arith.constant 0 : i32
      %dma_start3A_92 = arith.constant 0 : i32
      %dma_start3A_93 = tpu.memref_slice %arg8[%run_scoped3A_30, %dma_start3A_91, %dma_start3A_92] : memref<2x64x128xf32, #tpu.memory_space<vmem>> -> memref<1x64x128xf32, #tpu.memory_space<vmem>>
      %dma_start3A_94 = tpu.memref_squeeze %dma_start3A_93 : memref<1x64x128xf32, #tpu.memory_space<vmem>> -> memref<64x128xf32, #tpu.memory_space<vmem>>
      %dma_start3A_95 = arith.constant 0 : i32
      %dma_start3A_96 = tpu.memref_slice %arg9[%add3A_29, %dma_start3A_95] : memref<10240x128xf32, #tpu.memory_space<vmem_shared>> -> memref<64x128xf32, #tpu.memory_space<vmem_shared>>
      %dma_start3A_97 = arith.constant 0 : i32
      %dma_start3A_98 = tpu.memref_slice %arg9[%add3A_29, %dma_start3A_97] : memref<10240x128xf32, #tpu.memory_space<vmem_shared>> -> memref<64x128xf32, #tpu.memory_space<vmem_shared>>
      %dma_start3A_99 = arith.constant 0 : i32
      %dma_start3A_100 = arith.constant 0 : i32
      %dma_start3A_101 = tpu.memref_slice %arg8[%run_scoped3A_30, %dma_start3A_99, %dma_start3A_100] : memref<2x64x128xf32, #tpu.memory_space<vmem>> -> memref<1x64x128xf32, #tpu.memory_space<vmem>>
      %dma_start3A_102 = tpu.memref_squeeze %dma_start3A_101 : memref<1x64x128xf32, #tpu.memory_space<vmem>> -> memref<64x128xf32, #tpu.memory_space<vmem>>
      tpu.enqueue_dma source(%dma_start3A_102 : memref<64x128xf32, #tpu.memory_space<vmem>>) target(%dma_start3A_98 : memref<64x128xf32, #tpu.memory_space<vmem_shared>>) target_semaphore(%run_scoped3A_90 : memref<!tpu.dma_semaphore, #tpu.memory_space<semaphore_mem>>)
      %dma_wait3A = arith.constant 0 : i32
      %dma_wait3A_103 = arith.constant 0 : i32
      %dma_wait3A_104 = tpu.memref_slice %arg8[%run_scoped3A_30, %dma_wait3A, %dma_wait3A_103] : memref<2x64x128xf32, #tpu.memory_space<vmem>> -> memref<1x64x128xf32, #tpu.memory_space<vmem>>
      %dma_wait3A_105 = tpu.memref_squeeze %dma_wait3A_104 : memref<1x64x128xf32, #tpu.memory_space<vmem>> -> memref<64x128xf32, #tpu.memory_space<vmem>>
      %dma_wait3A_106 = arith.constant 0 : i32
      %dma_wait3A_107 = tpu.memref_slice %arg9[%add3A_29, %dma_wait3A_106] : memref<10240x128xf32, #tpu.memory_space<vmem_shared>> -> memref<64x128xf32, #tpu.memory_space<vmem_shared>>
      %dma_wait3A_108 = arith.constant 0 : i32
      %dma_wait3A_109 = tpu.memref_slice %arg9[%add3A_29, %dma_wait3A_108] : memref<10240x128xf32, #tpu.memory_space<vmem_shared>> -> memref<64x128xf32, #tpu.memory_space<vmem_shared>>
      %dma_wait3A_110 = arith.constant 0 : i32
      %dma_wait3A_111 = arith.constant 0 : i32
      %dma_wait3A_112 = tpu.memref_slice %arg8[%run_scoped3A_30, %dma_wait3A_110, %dma_wait3A_111] : memref<2x64x128xf32, #tpu.memory_space<vmem>> -> memref<1x64x128xf32, #tpu.memory_space<vmem>>
      %dma_wait3A_113 = tpu.memref_squeeze %dma_wait3A_112 : memref<1x64x128xf32, #tpu.memory_space<vmem>> -> memref<64x128xf32, #tpu.memory_space<vmem>>
      tpu.wait_dma2 semaphore(%run_scoped3A_90 : memref<!tpu.dma_semaphore, #tpu.memory_space<semaphore_mem>>) src(%dma_wait3A_113 : memref<64x128xf32, #tpu.memory_space<vmem>>) dst(%dma_wait3A_109 : memref<64x128xf32, #tpu.memory_space<vmem_shared>>)
      tpu.yield
    }) : () -> ()
    %mul3A_31 = arith.constant 640 : i32
    %mul3A_32 = arith.muli %arg1, %mul3A_31 : i32
    %add3A_33 = arith.constant 320 : i32
    %add3A_34 = arith.addi %mul3A_32, %add3A_33 : i32
    %run_scoped3A_35 = arith.constant 0 : i32
    "tpu.region"() ({
      %run_scoped3A_90 = tpu.sem_alloc : memref<!tpu.dma_semaphore, #tpu.memory_space<semaphore_mem>>
      %dma_start3A_91 = arith.constant 0 : i32
      %dma_start3A_92 = arith.constant 0 : i32
      %dma_start3A_93 = tpu.memref_slice %arg8[%run_scoped3A_35, %dma_start3A_91, %dma_start3A_92] : memref<2x64x128xf32, #tpu.memory_space<vmem>> -> memref<1x64x128xf32, #tpu.memory_space<vmem>>
      %dma_start3A_94 = tpu.memref_squeeze %dma_start3A_93 : memref<1x64x128xf32, #tpu.memory_space<vmem>> -> memref<64x128xf32, #tpu.memory_space<vmem>>
      %dma_start3A_95 = arith.constant 0 : i32
      %dma_start3A_96 = tpu.memref_slice %arg9[%add3A_34, %dma_start3A_95] : memref<10240x128xf32, #tpu.memory_space<vmem_shared>> -> memref<64x128xf32, #tpu.memory_space<vmem_shared>>
      %dma_start3A_97 = arith.constant 0 : i32
      %dma_start3A_98 = tpu.memref_slice %arg9[%add3A_34, %dma_start3A_97] : memref<10240x128xf32, #tpu.memory_space<vmem_shared>> -> memref<64x128xf32, #tpu.memory_space<vmem_shared>>
      %dma_start3A_99 = arith.constant 0 : i32
      %dma_start3A_100 = arith.constant 0 : i32
      %dma_start3A_101 = tpu.memref_slice %arg8[%run_scoped3A_35, %dma_start3A_99, %dma_start3A_100] : memref<2x64x128xf32, #tpu.memory_space<vmem>> -> memref<1x64x128xf32, #tpu.memory_space<vmem>>
      %dma_start3A_102 = tpu.memref_squeeze %dma_start3A_101 : memref<1x64x128xf32, #tpu.memory_space<vmem>> -> memref<64x128xf32, #tpu.memory_space<vmem>>
      tpu.enqueue_dma source(%dma_start3A_102 : memref<64x128xf32, #tpu.memory_space<vmem>>) target(%dma_start3A_98 : memref<64x128xf32, #tpu.memory_space<vmem_shared>>) target_semaphore(%run_scoped3A_90 : memref<!tpu.dma_semaphore, #tpu.memory_space<semaphore_mem>>)
      %dma_wait3A = arith.constant 0 : i32
      %dma_wait3A_103 = arith.constant 0 : i32
      %dma_wait3A_104 = tpu.memref_slice %arg8[%run_scoped3A_35, %dma_wait3A, %dma_wait3A_103] : memref<2x64x128xf32, #tpu.memory_space<vmem>> -> memref<1x64x128xf32, #tpu.memory_space<vmem>>
      %dma_wait3A_105 = tpu.memref_squeeze %dma_wait3A_104 : memref<1x64x128xf32, #tpu.memory_space<vmem>> -> memref<64x128xf32, #tpu.memory_space<vmem>>
      %dma_wait3A_106 = arith.constant 0 : i32
      %dma_wait3A_107 = tpu.memref_slice %arg9[%add3A_34, %dma_wait3A_106] : memref<10240x128xf32, #tpu.memory_space<vmem_shared>> -> memref<64x128xf32, #tpu.memory_space<vmem_shared>>
      %dma_wait3A_108 = arith.constant 0 : i32
      %dma_wait3A_109 = tpu.memref_slice %arg9[%add3A_34, %dma_wait3A_108] : memref<10240x128xf32, #tpu.memory_space<vmem_shared>> -> memref<64x128xf32, #tpu.memory_space<vmem_shared>>
      %dma_wait3A_110 = arith.constant 0 : i32
      %dma_wait3A_111 = arith.constant 0 : i32
      %dma_wait3A_112 = tpu.memref_slice %arg8[%run_scoped3A_35, %dma_wait3A_110, %dma_wait3A_111] : memref<2x64x128xf32, #tpu.memory_space<vmem>> -> memref<1x64x128xf32, #tpu.memory_space<vmem>>
      %dma_wait3A_113 = tpu.memref_squeeze %dma_wait3A_112 : memref<1x64x128xf32, #tpu.memory_space<vmem>> -> memref<64x128xf32, #tpu.memory_space<vmem>>
      tpu.wait_dma2 semaphore(%run_scoped3A_90 : memref<!tpu.dma_semaphore, #tpu.memory_space<semaphore_mem>>) src(%dma_wait3A_113 : memref<64x128xf32, #tpu.memory_space<vmem>>) dst(%dma_wait3A_109 : memref<64x128xf32, #tpu.memory_space<vmem_shared>>)
      tpu.yield
    }) : () -> ()
    %mul3A_36 = arith.constant 640 : i32
    %mul3A_37 = arith.muli %arg1, %mul3A_36 : i32
    %add3A_38 = arith.constant 384 : i32
    %add3A_39 = arith.addi %mul3A_37, %add3A_38 : i32
    %run_scoped3A_40 = arith.constant 0 : i32
    "tpu.region"() ({
      %run_scoped3A_90 = tpu.sem_alloc : memref<!tpu.dma_semaphore, #tpu.memory_space<semaphore_mem>>
      %dma_start3A_91 = arith.constant 0 : i32
      %dma_start3A_92 = arith.constant 0 : i32
      %dma_start3A_93 = tpu.memref_slice %arg8[%run_scoped3A_40, %dma_start3A_91, %dma_start3A_92] : memref<2x64x128xf32, #tpu.memory_space<vmem>> -> memref<1x64x128xf32, #tpu.memory_space<vmem>>
      %dma_start3A_94 = tpu.memref_squeeze %dma_start3A_93 : memref<1x64x128xf32, #tpu.memory_space<vmem>> -> memref<64x128xf32, #tpu.memory_space<vmem>>
      %dma_start3A_95 = arith.constant 0 : i32
      %dma_start3A_96 = tpu.memref_slice %arg9[%add3A_39, %dma_start3A_95] : memref<10240x128xf32, #tpu.memory_space<vmem_shared>> -> memref<64x128xf32, #tpu.memory_space<vmem_shared>>
      %dma_start3A_97 = arith.constant 0 : i32
      %dma_start3A_98 = tpu.memref_slice %arg9[%add3A_39, %dma_start3A_97] : memref<10240x128xf32, #tpu.memory_space<vmem_shared>> -> memref<64x128xf32, #tpu.memory_space<vmem_shared>>
      %dma_start3A_99 = arith.constant 0 : i32
      %dma_start3A_100 = arith.constant 0 : i32
      %dma_start3A_101 = tpu.memref_slice %arg8[%run_scoped3A_40, %dma_start3A_99, %dma_start3A_100] : memref<2x64x128xf32, #tpu.memory_space<vmem>> -> memref<1x64x128xf32, #tpu.memory_space<vmem>>
      %dma_start3A_102 = tpu.memref_squeeze %dma_start3A_101 : memref<1x64x128xf32, #tpu.memory_space<vmem>> -> memref<64x128xf32, #tpu.memory_space<vmem>>
      tpu.enqueue_dma source(%dma_start3A_102 : memref<64x128xf32, #tpu.memory_space<vmem>>) target(%dma_start3A_98 : memref<64x128xf32, #tpu.memory_space<vmem_shared>>) target_semaphore(%run_scoped3A_90 : memref<!tpu.dma_semaphore, #tpu.memory_space<semaphore_mem>>)
      %dma_wait3A = arith.constant 0 : i32
      %dma_wait3A_103 = arith.constant 0 : i32
      %dma_wait3A_104 = tpu.memref_slice %arg8[%run_scoped3A_40, %dma_wait3A, %dma_wait3A_103] : memref<2x64x128xf32, #tpu.memory_space<vmem>> -> memref<1x64x128xf32, #tpu.memory_space<vmem>>
      %dma_wait3A_105 = tpu.memref_squeeze %dma_wait3A_104 : memref<1x64x128xf32, #tpu.memory_space<vmem>> -> memref<64x128xf32, #tpu.memory_space<vmem>>
      %dma_wait3A_106 = arith.constant 0 : i32
      %dma_wait3A_107 = tpu.memref_slice %arg9[%add3A_39, %dma_wait3A_106] : memref<10240x128xf32, #tpu.memory_space<vmem_shared>> -> memref<64x128xf32, #tpu.memory_space<vmem_shared>>
      %dma_wait3A_108 = arith.constant 0 : i32
      %dma_wait3A_109 = tpu.memref_slice %arg9[%add3A_39, %dma_wait3A_108] : memref<10240x128xf32, #tpu.memory_space<vmem_shared>> -> memref<64x128xf32, #tpu.memory_space<vmem_shared>>
      %dma_wait3A_110 = arith.constant 0 : i32
      %dma_wait3A_111 = arith.constant 0 : i32
      %dma_wait3A_112 = tpu.memref_slice %arg8[%run_scoped3A_40, %dma_wait3A_110, %dma_wait3A_111] : memref<2x64x128xf32, #tpu.memory_space<vmem>> -> memref<1x64x128xf32, #tpu.memory_space<vmem>>
      %dma_wait3A_113 = tpu.memref_squeeze %dma_wait3A_112 : memref<1x64x128xf32, #tpu.memory_space<vmem>> -> memref<64x128xf32, #tpu.memory_space<vmem>>
      tpu.wait_dma2 semaphore(%run_scoped3A_90 : memref<!tpu.dma_semaphore, #tpu.memory_space<semaphore_mem>>) src(%dma_wait3A_113 : memref<64x128xf32, #tpu.memory_space<vmem>>) dst(%dma_wait3A_109 : memref<64x128xf32, #tpu.memory_space<vmem_shared>>)
      tpu.yield
    }) : () -> ()
    %mul3A_41 = arith.constant 640 : i32
    %mul3A_42 = arith.muli %arg1, %mul3A_41 : i32
    %add3A_43 = arith.constant 448 : i32
    %add3A_44 = arith.addi %mul3A_42, %add3A_43 : i32
    %run_scoped3A_45 = arith.constant 0 : i32
    "tpu.region"() ({
      %run_scoped3A_90 = tpu.sem_alloc : memref<!tpu.dma_semaphore, #tpu.memory_space<semaphore_mem>>
      %dma_start3A_91 = arith.constant 0 : i32
      %dma_start3A_92 = arith.constant 0 : i32
      %dma_start3A_93 = tpu.memref_slice %arg8[%run_scoped3A_45, %dma_start3A_91, %dma_start3A_92] : memref<2x64x128xf32, #tpu.memory_space<vmem>> -> memref<1x64x128xf32, #tpu.memory_space<vmem>>
      %dma_start3A_94 = tpu.memref_squeeze %dma_start3A_93 : memref<1x64x128xf32, #tpu.memory_space<vmem>> -> memref<64x128xf32, #tpu.memory_space<vmem>>
      %dma_start3A_95 = arith.constant 0 : i32
      %dma_start3A_96 = tpu.memref_slice %arg9[%add3A_44, %dma_start3A_95] : memref<10240x128xf32, #tpu.memory_space<vmem_shared>> -> memref<64x128xf32, #tpu.memory_space<vmem_shared>>
      %dma_start3A_97 = arith.constant 0 : i32
      %dma_start3A_98 = tpu.memref_slice %arg9[%add3A_44, %dma_start3A_97] : memref<10240x128xf32, #tpu.memory_space<vmem_shared>> -> memref<64x128xf32, #tpu.memory_space<vmem_shared>>
      %dma_start3A_99 = arith.constant 0 : i32
      %dma_start3A_100 = arith.constant 0 : i32
      %dma_start3A_101 = tpu.memref_slice %arg8[%run_scoped3A_45, %dma_start3A_99, %dma_start3A_100] : memref<2x64x128xf32, #tpu.memory_space<vmem>> -> memref<1x64x128xf32, #tpu.memory_space<vmem>>
      %dma_start3A_102 = tpu.memref_squeeze %dma_start3A_101 : memref<1x64x128xf32, #tpu.memory_space<vmem>> -> memref<64x128xf32, #tpu.memory_space<vmem>>
      tpu.enqueue_dma source(%dma_start3A_102 : memref<64x128xf32, #tpu.memory_space<vmem>>) target(%dma_start3A_98 : memref<64x128xf32, #tpu.memory_space<vmem_shared>>) target_semaphore(%run_scoped3A_90 : memref<!tpu.dma_semaphore, #tpu.memory_space<semaphore_mem>>)
      %dma_wait3A = arith.constant 0 : i32
      %dma_wait3A_103 = arith.constant 0 : i32
      %dma_wait3A_104 = tpu.memref_slice %arg8[%run_scoped3A_45, %dma_wait3A, %dma_wait3A_103] : memref<2x64x128xf32, #tpu.memory_space<vmem>> -> memref<1x64x128xf32, #tpu.memory_space<vmem>>
      %dma_wait3A_105 = tpu.memref_squeeze %dma_wait3A_104 : memref<1x64x128xf32, #tpu.memory_space<vmem>> -> memref<64x128xf32, #tpu.memory_space<vmem>>
      %dma_wait3A_106 = arith.constant 0 : i32
      %dma_wait3A_107 = tpu.memref_slice %arg9[%add3A_44, %dma_wait3A_106] : memref<10240x128xf32, #tpu.memory_space<vmem_shared>> -> memref<64x128xf32, #tpu.memory_space<vmem_shared>>
      %dma_wait3A_108 = arith.constant 0 : i32
      %dma_wait3A_109 = tpu.memref_slice %arg9[%add3A_44, %dma_wait3A_108] : memref<10240x128xf32, #tpu.memory_space<vmem_shared>> -> memref<64x128xf32, #tpu.memory_space<vmem_shared>>
      %dma_wait3A_110 = arith.constant 0 : i32
      %dma_wait3A_111 = arith.constant 0 : i32
      %dma_wait3A_112 = tpu.memref_slice %arg8[%run_scoped3A_45, %dma_wait3A_110, %dma_wait3A_111] : memref<2x64x128xf32, #tpu.memory_space<vmem>> -> memref<1x64x128xf32, #tpu.memory_space<vmem>>
      %dma_wait3A_113 = tpu.memref_squeeze %dma_wait3A_112 : memref<1x64x128xf32, #tpu.memory_space<vmem>> -> memref<64x128xf32, #tpu.memory_space<vmem>>
      tpu.wait_dma2 semaphore(%run_scoped3A_90 : memref<!tpu.dma_semaphore, #tpu.memory_space<semaphore_mem>>) src(%dma_wait3A_113 : memref<64x128xf32, #tpu.memory_space<vmem>>) dst(%dma_wait3A_109 : memref<64x128xf32, #tpu.memory_space<vmem_shared>>)
      tpu.yield
    }) : () -> ()
    %mul3A_46 = arith.constant 640 : i32
    %mul3A_47 = arith.muli %arg1, %mul3A_46 : i32
    %add3A_48 = arith.constant 512 : i32
    %add3A_49 = arith.addi %mul3A_47, %add3A_48 : i32
    %run_scoped3A_50 = arith.constant 0 : i32
    "tpu.region"() ({
      %run_scoped3A_90 = tpu.sem_alloc : memref<!tpu.dma_semaphore, #tpu.memory_space<semaphore_mem>>
      %dma_start3A_91 = arith.constant 0 : i32
      %dma_start3A_92 = arith.constant 0 : i32
      %dma_start3A_93 = tpu.memref_slice %arg8[%run_scoped3A_50, %dma_start3A_91, %dma_start3A_92] : memref<2x64x128xf32, #tpu.memory_space<vmem>> -> memref<1x64x128xf32, #tpu.memory_space<vmem>>
      %dma_start3A_94 = tpu.memref_squeeze %dma_start3A_93 : memref<1x64x128xf32, #tpu.memory_space<vmem>> -> memref<64x128xf32, #tpu.memory_space<vmem>>
      %dma_start3A_95 = arith.constant 0 : i32
      %dma_start3A_96 = tpu.memref_slice %arg9[%add3A_49, %dma_start3A_95] : memref<10240x128xf32, #tpu.memory_space<vmem_shared>> -> memref<64x128xf32, #tpu.memory_space<vmem_shared>>
      %dma_start3A_97 = arith.constant 0 : i32
      %dma_start3A_98 = tpu.memref_slice %arg9[%add3A_49, %dma_start3A_97] : memref<10240x128xf32, #tpu.memory_space<vmem_shared>> -> memref<64x128xf32, #tpu.memory_space<vmem_shared>>
      %dma_start3A_99 = arith.constant 0 : i32
      %dma_start3A_100 = arith.constant 0 : i32
      %dma_start3A_101 = tpu.memref_slice %arg8[%run_scoped3A_50, %dma_start3A_99, %dma_start3A_100] : memref<2x64x128xf32, #tpu.memory_space<vmem>> -> memref<1x64x128xf32, #tpu.memory_space<vmem>>
      %dma_start3A_102 = tpu.memref_squeeze %dma_start3A_101 : memref<1x64x128xf32, #tpu.memory_space<vmem>> -> memref<64x128xf32, #tpu.memory_space<vmem>>
      tpu.enqueue_dma source(%dma_start3A_102 : memref<64x128xf32, #tpu.memory_space<vmem>>) target(%dma_start3A_98 : memref<64x128xf32, #tpu.memory_space<vmem_shared>>) target_semaphore(%run_scoped3A_90 : memref<!tpu.dma_semaphore, #tpu.memory_space<semaphore_mem>>)
      %dma_wait3A = arith.constant 0 : i32
      %dma_wait3A_103 = arith.constant 0 : i32
      %dma_wait3A_104 = tpu.memref_slice %arg8[%run_scoped3A_50, %dma_wait3A, %dma_wait3A_103] : memref<2x64x128xf32, #tpu.memory_space<vmem>> -> memref<1x64x128xf32, #tpu.memory_space<vmem>>
      %dma_wait3A_105 = tpu.memref_squeeze %dma_wait3A_104 : memref<1x64x128xf32, #tpu.memory_space<vmem>> -> memref<64x128xf32, #tpu.memory_space<vmem>>
      %dma_wait3A_106 = arith.constant 0 : i32
      %dma_wait3A_107 = tpu.memref_slice %arg9[%add3A_49, %dma_wait3A_106] : memref<10240x128xf32, #tpu.memory_space<vmem_shared>> -> memref<64x128xf32, #tpu.memory_space<vmem_shared>>
      %dma_wait3A_108 = arith.constant 0 : i32
      %dma_wait3A_109 = tpu.memref_slice %arg9[%add3A_49, %dma_wait3A_108] : memref<10240x128xf32, #tpu.memory_space<vmem_shared>> -> memref<64x128xf32, #tpu.memory_space<vmem_shared>>
      %dma_wait3A_110 = arith.constant 0 : i32
      %dma_wait3A_111 = arith.constant 0 : i32
      %dma_wait3A_112 = tpu.memref_slice %arg8[%run_scoped3A_50, %dma_wait3A_110, %dma_wait3A_111] : memref<2x64x128xf32, #tpu.memory_space<vmem>> -> memref<1x64x128xf32, #tpu.memory_space<vmem>>
      %dma_wait3A_113 = tpu.memref_squeeze %dma_wait3A_112 : memref<1x64x128xf32, #tpu.memory_space<vmem>> -> memref<64x128xf32, #tpu.memory_space<vmem>>
      tpu.wait_dma2 semaphore(%run_scoped3A_90 : memref<!tpu.dma_semaphore, #tpu.memory_space<semaphore_mem>>) src(%dma_wait3A_113 : memref<64x128xf32, #tpu.memory_space<vmem>>) dst(%dma_wait3A_109 : memref<64x128xf32, #tpu.memory_space<vmem_shared>>)
      tpu.yield
    }) : () -> ()
    %mul3A_51 = arith.constant 640 : i32
    %mul3A_52 = arith.muli %arg1, %mul3A_51 : i32
    %add3A_53 = arith.constant 576 : i32
    %add3A_54 = arith.addi %mul3A_52, %add3A_53 : i32
    %run_scoped3A_55 = arith.constant 0 : i32
    "tpu.region"() ({
      %run_scoped3A_90 = tpu.sem_alloc : memref<!tpu.dma_semaphore, #tpu.memory_space<semaphore_mem>>
      %dma_start3A_91 = arith.constant 0 : i32
      %dma_start3A_92 = arith.constant 0 : i32
      %dma_start3A_93 = tpu.memref_slice %arg8[%run_scoped3A_55, %dma_start3A_91, %dma_start3A_92] : memref<2x64x128xf32, #tpu.memory_space<vmem>> -> memref<1x64x128xf32, #tpu.memory_space<vmem>>
      %dma_start3A_94 = tpu.memref_squeeze %dma_start3A_93 : memref<1x64x128xf32, #tpu.memory_space<vmem>> -> memref<64x128xf32, #tpu.memory_space<vmem>>
      %dma_start3A_95 = arith.constant 0 : i32
      %dma_start3A_96 = tpu.memref_slice %arg9[%add3A_54, %dma_start3A_95] : memref<10240x128xf32, #tpu.memory_space<vmem_shared>> -> memref<64x128xf32, #tpu.memory_space<vmem_shared>>
      %dma_start3A_97 = arith.constant 0 : i32
      %dma_start3A_98 = tpu.memref_slice %arg9[%add3A_54, %dma_start3A_97] : memref<10240x128xf32, #tpu.memory_space<vmem_shared>> -> memref<64x128xf32, #tpu.memory_space<vmem_shared>>
      %dma_start3A_99 = arith.constant 0 : i32
      %dma_start3A_100 = arith.constant 0 : i32
      %dma_start3A_101 = tpu.memref_slice %arg8[%run_scoped3A_55, %dma_start3A_99, %dma_start3A_100] : memref<2x64x128xf32, #tpu.memory_space<vmem>> -> memref<1x64x128xf32, #tpu.memory_space<vmem>>
      %dma_start3A_102 = tpu.memref_squeeze %dma_start3A_101 : memref<1x64x128xf32, #tpu.memory_space<vmem>> -> memref<64x128xf32, #tpu.memory_space<vmem>>
      tpu.enqueue_dma source(%dma_start3A_102 : memref<64x128xf32, #tpu.memory_space<vmem>>) target(%dma_start3A_98 : memref<64x128xf32, #tpu.memory_space<vmem_shared>>) target_semaphore(%run_scoped3A_90 : memref<!tpu.dma_semaphore, #tpu.memory_space<semaphore_mem>>)
      %dma_wait3A = arith.constant 0 : i32
      %dma_wait3A_103 = arith.constant 0 : i32
      %dma_wait3A_104 = tpu.memref_slice %arg8[%run_scoped3A_55, %dma_wait3A, %dma_wait3A_103] : memref<2x64x128xf32, #tpu.memory_space<vmem>> -> memref<1x64x128xf32, #tpu.memory_space<vmem>>
      %dma_wait3A_105 = tpu.memref_squeeze %dma_wait3A_104 : memref<1x64x128xf32, #tpu.memory_space<vmem>> -> memref<64x128xf32, #tpu.memory_space<vmem>>
      %dma_wait3A_106 = arith.constant 0 : i32
      %dma_wait3A_107 = tpu.memref_slice %arg9[%add3A_54, %dma_wait3A_106] : memref<10240x128xf32, #tpu.memory_space<vmem_shared>> -> memref<64x128xf32, #tpu.memory_space<vmem_shared>>
      %dma_wait3A_108 = arith.constant 0 : i32
      %dma_wait3A_109 = tpu.memref_slice %arg9[%add3A_54, %dma_wait3A_108] : memref<10240x128xf32, #tpu.memory_space<vmem_shared>> -> memref<64x128xf32, #tpu.memory_space<vmem_shared>>
      %dma_wait3A_110 = arith.constant 0 : i32
      %dma_wait3A_111 = arith.constant 0 : i32
      %dma_wait3A_112 = tpu.memref_slice %arg8[%run_scoped3A_55, %dma_wait3A_110, %dma_wait3A_111] : memref<2x64x128xf32, #tpu.memory_space<vmem>> -> memref<1x64x128xf32, #tpu.memory_space<vmem>>
      %dma_wait3A_113 = tpu.memref_squeeze %dma_wait3A_112 : memref<1x64x128xf32, #tpu.memory_space<vmem>> -> memref<64x128xf32, #tpu.memory_space<vmem>>
      tpu.wait_dma2 semaphore(%run_scoped3A_90 : memref<!tpu.dma_semaphore, #tpu.memory_space<semaphore_mem>>) src(%dma_wait3A_113 : memref<64x128xf32, #tpu.memory_space<vmem>>) dst(%dma_wait3A_109 : memref<64x128xf32, #tpu.memory_space<vmem_shared>>)
      tpu.yield
    }) : () -> ()
    %dma_start3A = arith.constant 0 : i32
    %dma_start3A_56 = arith.constant 0 : i32
    %dma_start3A_57 = arith.constant 0 : i32
    %dma_start3A_58 = arith.constant 0 : i32
    %dma_start3A_59 = tpu.memref_slice %arg8[%dma_start3A_56, %dma_start3A_57, %dma_start3A_58] : memref<2x64x128xf32, #tpu.memory_space<vmem>> -> memref<1x64x128xf32, #tpu.memory_space<vmem>>
    %dma_start3A_60 = tpu.memref_squeeze %dma_start3A_59 : memref<1x64x128xf32, #tpu.memory_space<vmem>> -> memref<64x128xf32, #tpu.memory_space<vmem>>
    %dma_start3A_61 = arith.constant 0 : i32
    %dma_start3A_62 = tpu.memref_slice %arg6[%dma_start3A, %dma_start3A_61] : memref<80x128xi32, #tpu.memory_space<vmem>> -> memref<1x64xi32, #tpu.memory_space<vmem>>
    %dma_start3A_63 = tpu.memref_squeeze %dma_start3A_62 : memref<1x64xi32, #tpu.memory_space<vmem>> -> memref<64xi32, #tpu.memory_space<vmem>>
    %dma_start3A_64 = arith.constant 0 : i32
    %dma_start3A_65 = arith.constant 0 : i32
    %dma_start3A_66 = tpu.memref_slice %arg2[%dma_start3A_64, %dma_start3A_65] : memref<40000x128xf32, #tpu.memory_space<hbm>> -> memref<40000x128xf32, #tpu.memory_space<hbm>>
    tpu.enqueue_indirect_dma source(%dma_start3A_66 : memref<40000x128xf32, #tpu.memory_space<hbm>>) target(%dma_start3A_60 : memref<64x128xf32, #tpu.memory_space<vmem>>) offsets(%dma_start3A_63 : memref<64xi32, #tpu.memory_space<vmem>>) semaphore(%arg10 : memref<!tpu.dma_semaphore, #tpu.memory_space<semaphore_mem>>)
    %dma_start3A_67 = arith.constant 0 : i32
    %dma_start3A_68 = arith.constant 1 : i32
    %dma_start3A_69 = arith.constant 0 : i32
    %dma_start3A_70 = arith.constant 0 : i32
    %dma_start3A_71 = tpu.memref_slice %arg8[%dma_start3A_68, %dma_start3A_69, %dma_start3A_70] : memref<2x64x128xf32, #tpu.memory_space<vmem>> -> memref<1x64x128xf32, #tpu.memory_space<vmem>>
    %dma_start3A_72 = tpu.memref_squeeze %dma_start3A_71 : memref<1x64x128xf32, #tpu.memory_space<vmem>> -> memref<64x128xf32, #tpu.memory_space<vmem>>
    %dma_start3A_73 = arith.constant 64 : i32
    %dma_start3A_74 = tpu.memref_slice %arg6[%dma_start3A_67, %dma_start3A_73] : memref<80x128xi32, #tpu.memory_space<vmem>> -> memref<1x64xi32, #tpu.memory_space<vmem>>
    %dma_start3A_75 = tpu.memref_squeeze %dma_start3A_74 : memref<1x64xi32, #tpu.memory_space<vmem>> -> memref<64xi32, #tpu.memory_space<vmem>>
    %dma_start3A_76 = arith.constant 0 : i32
    %dma_start3A_77 = arith.constant 0 : i32
    %dma_start3A_78 = tpu.memref_slice %arg2[%dma_start3A_76, %dma_start3A_77] : memref<40000x128xf32, #tpu.memory_space<hbm>> -> memref<40000x128xf32, #tpu.memory_space<hbm>>
    tpu.enqueue_indirect_dma source(%dma_start3A_78 : memref<40000x128xf32, #tpu.memory_space<hbm>>) target(%dma_start3A_72 : memref<64x128xf32, #tpu.memory_space<vmem>>) offsets(%dma_start3A_75 : memref<64xi32, #tpu.memory_space<vmem>>) semaphore(%arg11 : memref<!tpu.dma_semaphore, #tpu.memory_space<semaphore_mem>>)
    %barrier3A = arith.constant 0 : index
    tpu.barrier barrier_id(%barrier3A)
    %scan3A_79 = arith.constant 0 : i32
    %scan3A_80 = arith.constant 0 : i32
    %scan3A_81 = arith.constant 80 : i32
    %scan3A_82 = arith.addi %scan3A_80, %scan3A_81 : i32
    %scan3A_83 = arith.constant 1 : i32
    scf.for %scan3A_90 = %scan3A_80 to %scan3A_82 step %scan3A_83  : i32 {
      %dma_wait3A = arith.constant 0 : i32
      %dma_wait3A_91 = arith.constant 0 : i32
      %dma_wait3A_92 = arith.constant 0 : i32
      %dma_wait3A_93 = tpu.memref_slice %arg8[%dma_wait3A, %dma_wait3A_91, %dma_wait3A_92] : memref<2x64x128xf32, #tpu.memory_space<vmem>> -> memref<1x64x128xf32, #tpu.memory_space<vmem>>
      %dma_wait3A_94 = tpu.memref_squeeze %dma_wait3A_93 : memref<1x64x128xf32, #tpu.memory_space<vmem>> -> memref<64x128xf32, #tpu.memory_space<vmem>>
      %dma_wait3A_95 = arith.constant 0 : i32
      %dma_wait3A_96 = tpu.memref_slice %arg6[%scan3A_90, %dma_wait3A_95] : memref<80x128xi32, #tpu.memory_space<vmem>> -> memref<1x64xi32, #tpu.memory_space<vmem>>
      %dma_wait3A_97 = tpu.memref_squeeze %dma_wait3A_96 : memref<1x64xi32, #tpu.memory_space<vmem>> -> memref<64xi32, #tpu.memory_space<vmem>>
      %dma_wait3A_98 = arith.constant 0 : i32
      %dma_wait3A_99 = arith.constant 0 : i32
      %dma_wait3A_100 = tpu.memref_slice %arg2[%dma_wait3A_98, %dma_wait3A_99] : memref<40000x128xf32, #tpu.memory_space<hbm>> -> memref<40000x128xf32, #tpu.memory_space<hbm>>
      tpu.wait_indirect_dma semaphore(%arg10 : memref<!tpu.dma_semaphore, #tpu.memory_space<semaphore_mem>>) src(%dma_wait3A_100 : memref<40000x128xf32, #tpu.memory_space<hbm>>) dst(%dma_wait3A_94 : memref<64x128xf32, #tpu.memory_space<vmem>>)
      %run_scoped3A_101 = arith.constant 0 : i32
      "tpu.region"() ({
        %run_scoped3A_125 = tpu.sem_alloc : memref<!tpu.dma_semaphore, #tpu.memory_space<semaphore_mem>>
        %dma_start3A_126 = arith.constant 0 : i32
        %dma_start3A_127 = arith.constant 0 : i32
        %dma_start3A_128 = tpu.memref_slice %arg8[%run_scoped3A_101, %dma_start3A_126, %dma_start3A_127] : memref<2x64x128xf32, #tpu.memory_space<vmem>> -> memref<1x64x128xf32, #tpu.memory_space<vmem>>
        %dma_start3A_129 = tpu.memref_squeeze %dma_start3A_128 : memref<1x64x128xf32, #tpu.memory_space<vmem>> -> memref<64x128xf32, #tpu.memory_space<vmem>>
        %dma_start3A_130 = arith.constant 0 : i32
        %dma_start3A_131 = tpu.memref_slice %arg7[%scan3A_90, %dma_start3A_130] : memref<80x128xi32, #tpu.memory_space<vmem>> -> memref<1x64xi32, #tpu.memory_space<vmem>>
        %dma_start3A_132 = tpu.memref_squeeze %dma_start3A_131 : memref<1x64xi32, #tpu.memory_space<vmem>> -> memref<64xi32, #tpu.memory_space<vmem>>
        %dma_start3A_133 = arith.constant 0 : i32
        %dma_start3A_134 = arith.constant 0 : i32
        %dma_start3A_135 = tpu.memref_slice %arg9[%dma_start3A_133, %dma_start3A_134] : memref<10240x128xf32, #tpu.memory_space<vmem_shared>> -> memref<10240x128xf32, #tpu.memory_space<vmem_shared>>
        tpu.enqueue_indirect_dma source(%dma_start3A_129 : memref<64x128xf32, #tpu.memory_space<vmem>>) target(%dma_start3A_135 : memref<10240x128xf32, #tpu.memory_space<vmem_shared>>) offsets(%dma_start3A_132 : memref<64xi32, #tpu.memory_space<vmem>>) semaphore(%run_scoped3A_125 : memref<!tpu.dma_semaphore, #tpu.memory_space<semaphore_mem>>) {add = true}
        %dma_wait3A_136 = arith.constant 0 : i32
        %dma_wait3A_137 = arith.constant 0 : i32
        %dma_wait3A_138 = tpu.memref_slice %arg8[%run_scoped3A_101, %dma_wait3A_136, %dma_wait3A_137] : memref<2x64x128xf32, #tpu.memory_space<vmem>> -> memref<1x64x128xf32, #tpu.memory_space<vmem>>
        %dma_wait3A_139 = tpu.memref_squeeze %dma_wait3A_138 : memref<1x64x128xf32, #tpu.memory_space<vmem>> -> memref<64x128xf32, #tpu.memory_space<vmem>>
        %dma_wait3A_140 = arith.constant 0 : i32
        %dma_wait3A_141 = tpu.memref_slice %arg7[%scan3A_90, %dma_wait3A_140] : memref<80x128xi32, #tpu.memory_space<vmem>> -> memref<1x64xi32, #tpu.memory_space<vmem>>
        %dma_wait3A_142 = tpu.memref_squeeze %dma_wait3A_141 : memref<1x64xi32, #tpu.memory_space<vmem>> -> memref<64xi32, #tpu.memory_space<vmem>>
        %dma_wait3A_143 = arith.constant 0 : i32
        %dma_wait3A_144 = arith.constant 0 : i32
        %dma_wait3A_145 = tpu.memref_slice %arg9[%dma_wait3A_143, %dma_wait3A_144] : memref<10240x128xf32, #tpu.memory_space<vmem_shared>> -> memref<10240x128xf32, #tpu.memory_space<vmem_shared>>
        tpu.wait_indirect_dma semaphore(%run_scoped3A_125 : memref<!tpu.dma_semaphore, #tpu.memory_space<semaphore_mem>>) src(%dma_wait3A_139 : memref<64x128xf32, #tpu.memory_space<vmem>>) dst(%dma_wait3A_145 : memref<10240x128xf32, #tpu.memory_space<vmem_shared>>)
        tpu.yield
      }) : () -> ()
      %add3A_102 = arith.constant 1 : i32
      %add3A_103 = arith.addi %scan3A_90, %add3A_102 : i32
      %lt3A = arith.constant 80 : i32
      %lt3A_104 = arith.cmpi slt, %add3A_103, %lt3A : i32
      %convert_element_type3A = arith.extui %lt3A_104 : i1 to i32
      %cond3A = arith.constant 0 : i32
      %cond3A_105 = arith.cmpi ne, %convert_element_type3A, %cond3A : i32
      scf.if %cond3A_105 {
        %add3A_125 = arith.constant 1 : i32
        %add3A_126 = arith.addi %scan3A_90, %add3A_125 : i32
        %dma_start3A_127 = arith.constant 0 : i32
        %dma_start3A_128 = arith.constant 0 : i32
        %dma_start3A_129 = arith.constant 0 : i32
        %dma_start3A_130 = tpu.memref_slice %arg8[%dma_start3A_127, %dma_start3A_128, %dma_start3A_129] : memref<2x64x128xf32, #tpu.memory_space<vmem>> -> memref<1x64x128xf32, #tpu.memory_space<vmem>>
        %dma_start3A_131 = tpu.memref_squeeze %dma_start3A_130 : memref<1x64x128xf32, #tpu.memory_space<vmem>> -> memref<64x128xf32, #tpu.memory_space<vmem>>
        %dma_start3A_132 = arith.constant 0 : i32
        %dma_start3A_133 = tpu.memref_slice %arg6[%add3A_126, %dma_start3A_132] : memref<80x128xi32, #tpu.memory_space<vmem>> -> memref<1x64xi32, #tpu.memory_space<vmem>>
        %dma_start3A_134 = tpu.memref_squeeze %dma_start3A_133 : memref<1x64xi32, #tpu.memory_space<vmem>> -> memref<64xi32, #tpu.memory_space<vmem>>
        %dma_start3A_135 = arith.constant 0 : i32
        %dma_start3A_136 = arith.constant 0 : i32
        %dma_start3A_137 = tpu.memref_slice %arg2[%dma_start3A_135, %dma_start3A_136] : memref<40000x128xf32, #tpu.memory_space<hbm>> -> memref<40000x128xf32, #tpu.memory_space<hbm>>
        tpu.enqueue_indirect_dma source(%dma_start3A_137 : memref<40000x128xf32, #tpu.memory_space<hbm>>) target(%dma_start3A_131 : memref<64x128xf32, #tpu.memory_space<vmem>>) offsets(%dma_start3A_134 : memref<64xi32, #tpu.memory_space<vmem>>) semaphore(%arg10 : memref<!tpu.dma_semaphore, #tpu.memory_space<semaphore_mem>>)
      } else {
      }
      %dma_wait3A_106 = arith.constant 1 : i32
      %dma_wait3A_107 = arith.constant 0 : i32
      %dma_wait3A_108 = arith.constant 0 : i32
      %dma_wait3A_109 = tpu.memref_slice %arg8[%dma_wait3A_106, %dma_wait3A_107, %dma_wait3A_108] : memref<2x64x128xf32, #tpu.memory_space<vmem>> -> memref<1x64x128xf32, #tpu.memory_space<vmem>>
      %dma_wait3A_110 = tpu.memref_squeeze %dma_wait3A_109 : memref<1x64x128xf32, #tpu.memory_space<vmem>> -> memref<64x128xf32, #tpu.memory_space<vmem>>
      %dma_wait3A_111 = arith.constant 64 : i32
      %dma_wait3A_112 = tpu.memref_slice %arg6[%scan3A_90, %dma_wait3A_111] : memref<80x128xi32, #tpu.memory_space<vmem>> -> memref<1x64xi32, #tpu.memory_space<vmem>>
      %dma_wait3A_113 = tpu.memref_squeeze %dma_wait3A_112 : memref<1x64xi32, #tpu.memory_space<vmem>> -> memref<64xi32, #tpu.memory_space<vmem>>
      %dma_wait3A_114 = arith.constant 0 : i32
      %dma_wait3A_115 = arith.constant 0 : i32
      %dma_wait3A_116 = tpu.memref_slice %arg2[%dma_wait3A_114, %dma_wait3A_115] : memref<40000x128xf32, #tpu.memory_space<hbm>> -> memref<40000x128xf32, #tpu.memory_space<hbm>>
      tpu.wait_indirect_dma semaphore(%arg11 : memref<!tpu.dma_semaphore, #tpu.memory_space<semaphore_mem>>) src(%dma_wait3A_116 : memref<40000x128xf32, #tpu.memory_space<hbm>>) dst(%dma_wait3A_110 : memref<64x128xf32, #tpu.memory_space<vmem>>)
      %run_scoped3A_117 = arith.constant 1 : i32
      "tpu.region"() ({
        %run_scoped3A_125 = tpu.sem_alloc : memref<!tpu.dma_semaphore, #tpu.memory_space<semaphore_mem>>
        %dma_start3A_126 = arith.constant 0 : i32
        %dma_start3A_127 = arith.constant 0 : i32
        %dma_start3A_128 = tpu.memref_slice %arg8[%run_scoped3A_117, %dma_start3A_126, %dma_start3A_127] : memref<2x64x128xf32, #tpu.memory_space<vmem>> -> memref<1x64x128xf32, #tpu.memory_space<vmem>>
        %dma_start3A_129 = tpu.memref_squeeze %dma_start3A_128 : memref<1x64x128xf32, #tpu.memory_space<vmem>> -> memref<64x128xf32, #tpu.memory_space<vmem>>
        %dma_start3A_130 = arith.constant 64 : i32
        %dma_start3A_131 = tpu.memref_slice %arg7[%scan3A_90, %dma_start3A_130] : memref<80x128xi32, #tpu.memory_space<vmem>> -> memref<1x64xi32, #tpu.memory_space<vmem>>
        %dma_start3A_132 = tpu.memref_squeeze %dma_start3A_131 : memref<1x64xi32, #tpu.memory_space<vmem>> -> memref<64xi32, #tpu.memory_space<vmem>>
        %dma_start3A_133 = arith.constant 0 : i32
        %dma_start3A_134 = arith.constant 0 : i32
        %dma_start3A_135 = tpu.memref_slice %arg9[%dma_start3A_133, %dma_start3A_134] : memref<10240x128xf32, #tpu.memory_space<vmem_shared>> -> memref<10240x128xf32, #tpu.memory_space<vmem_shared>>
        tpu.enqueue_indirect_dma source(%dma_start3A_129 : memref<64x128xf32, #tpu.memory_space<vmem>>) target(%dma_start3A_135 : memref<10240x128xf32, #tpu.memory_space<vmem_shared>>) offsets(%dma_start3A_132 : memref<64xi32, #tpu.memory_space<vmem>>) semaphore(%run_scoped3A_125 : memref<!tpu.dma_semaphore, #tpu.memory_space<semaphore_mem>>) {add = true}
        %dma_wait3A_136 = arith.constant 0 : i32
        %dma_wait3A_137 = arith.constant 0 : i32
        %dma_wait3A_138 = tpu.memref_slice %arg8[%run_scoped3A_117, %dma_wait3A_136, %dma_wait3A_137] : memref<2x64x128xf32, #tpu.memory_space<vmem>> -> memref<1x64x128xf32, #tpu.memory_space<vmem>>
        %dma_wait3A_139 = tpu.memref_squeeze %dma_wait3A_138 : memref<1x64x128xf32, #tpu.memory_space<vmem>> -> memref<64x128xf32, #tpu.memory_space<vmem>>
        %dma_wait3A_140 = arith.constant 64 : i32
        %dma_wait3A_141 = tpu.memref_slice %arg7[%scan3A_90, %dma_wait3A_140] : memref<80x128xi32, #tpu.memory_space<vmem>> -> memref<1x64xi32, #tpu.memory_space<vmem>>
        %dma_wait3A_142 = tpu.memref_squeeze %dma_wait3A_141 : memref<1x64xi32, #tpu.memory_space<vmem>> -> memref<64xi32, #tpu.memory_space<vmem>>
        %dma_wait3A_143 = arith.constant 0 : i32
        %dma_wait3A_144 = arith.constant 0 : i32
        %dma_wait3A_145 = tpu.memref_slice %arg9[%dma_wait3A_143, %dma_wait3A_144] : memref<10240x128xf32, #tpu.memory_space<vmem_shared>> -> memref<10240x128xf32, #tpu.memory_space<vmem_shared>>
        tpu.wait_indirect_dma semaphore(%run_scoped3A_125 : memref<!tpu.dma_semaphore, #tpu.memory_space<semaphore_mem>>) src(%dma_wait3A_139 : memref<64x128xf32, #tpu.memory_space<vmem>>) dst(%dma_wait3A_145 : memref<10240x128xf32, #tpu.memory_space<vmem_shared>>)
        tpu.yield
      }) : () -> ()
      %add3A_118 = arith.constant 1 : i32
      %add3A_119 = arith.addi %scan3A_90, %add3A_118 : i32
      %lt3A_120 = arith.constant 80 : i32
      %lt3A_121 = arith.cmpi slt, %add3A_119, %lt3A_120 : i32
      %convert_element_type3A_122 = arith.extui %lt3A_121 : i1 to i32
      %cond3A_123 = arith.constant 0 : i32
      %cond3A_124 = arith.cmpi ne, %convert_element_type3A_122, %cond3A_123 : i32
      scf.if %cond3A_124 {
        %add3A_125 = arith.constant 1 : i32
        %add3A_126 = arith.addi %scan3A_90, %add3A_125 : i32
        %dma_start3A_127 = arith.constant 1 : i32
        %dma_start3A_128 = arith.constant 0 : i32
        %dma_start3A_129 = arith.constant 0 : i32
        %dma_start3A_130 = tpu.memref_slice %arg8[%dma_start3A_127, %dma_start3A_128, %dma_start3A_129] : memref<2x64x128xf32, #tpu.memory_space<vmem>> -> memref<1x64x128xf32, #tpu.memory_space<vmem>>
        %dma_start3A_131 = tpu.memref_squeeze %dma_start3A_130 : memref<1x64x128xf32, #tpu.memory_space<vmem>> -> memref<64x128xf32, #tpu.memory_space<vmem>>
        %dma_start3A_132 = arith.constant 64 : i32
        %dma_start3A_133 = tpu.memref_slice %arg6[%add3A_126, %dma_start3A_132] : memref<80x128xi32, #tpu.memory_space<vmem>> -> memref<1x64xi32, #tpu.memory_space<vmem>>
        %dma_start3A_134 = tpu.memref_squeeze %dma_start3A_133 : memref<1x64xi32, #tpu.memory_space<vmem>> -> memref<64xi32, #tpu.memory_space<vmem>>
        %dma_start3A_135 = arith.constant 0 : i32
        %dma_start3A_136 = arith.constant 0 : i32
        %dma_start3A_137 = tpu.memref_slice %arg2[%dma_start3A_135, %dma_start3A_136] : memref<40000x128xf32, #tpu.memory_space<hbm>> -> memref<40000x128xf32, #tpu.memory_space<hbm>>
        tpu.enqueue_indirect_dma source(%dma_start3A_137 : memref<40000x128xf32, #tpu.memory_space<hbm>>) target(%dma_start3A_131 : memref<64x128xf32, #tpu.memory_space<vmem>>) offsets(%dma_start3A_134 : memref<64xi32, #tpu.memory_space<vmem>>) semaphore(%arg11 : memref<!tpu.dma_semaphore, #tpu.memory_space<semaphore_mem>>)
      } else {
      }
    }
    %scan3A_84 = arith.constant 80 : i32
    %barrier3A_85 = arith.constant 0 : index
    tpu.barrier barrier_id(%barrier3A_85)
    %mul3A_86 = arith.constant 640 : i32
    %mul3A_87 = arith.muli %arg1, %mul3A_86 : i32
    %mul3A_88 = arith.constant 640 : i32
    %mul3A_89 = arith.muli %arg1, %mul3A_88 : i32
    "tpu.region"() ({
      %run_scoped3A_90 = tpu.sem_alloc : memref<!tpu.dma_semaphore, #tpu.memory_space<semaphore_mem>>
      %dma_start3A_91 = arith.constant 0 : i32
      %dma_start3A_92 = tpu.memref_slice %arg5[%arg0, %mul3A_89, %dma_start3A_91] : memref<2x10240x128xf32, #tpu.memory_space<hbm>> -> memref<1x640x128xf32, #tpu.memory_space<hbm>>
      %dma_start3A_93 = tpu.memref_squeeze %dma_start3A_92 : memref<1x640x128xf32, #tpu.memory_space<hbm>> -> memref<640x128xf32, #tpu.memory_space<hbm>>
      %dma_start3A_94 = arith.constant 0 : i32
      %dma_start3A_95 = tpu.memref_slice %arg9[%mul3A_87, %dma_start3A_94] : memref<10240x128xf32, #tpu.memory_space<vmem_shared>> -> memref<640x128xf32, #tpu.memory_space<vmem_shared>>
      tpu.enqueue_dma source(%dma_start3A_95 : memref<640x128xf32, #tpu.memory_space<vmem_shared>>) target(%dma_start3A_93 : memref<640x128xf32, #tpu.memory_space<hbm>>) target_semaphore(%run_scoped3A_90 : memref<!tpu.dma_semaphore, #tpu.memory_space<semaphore_mem>>)
      %dma_wait3A = arith.constant 0 : i32
      %dma_wait3A_96 = tpu.memref_slice %arg5[%arg0, %mul3A_89, %dma_wait3A] : memref<2x10240x128xf32, #tpu.memory_space<hbm>> -> memref<1x640x128xf32, #tpu.memory_space<hbm>>
      %dma_wait3A_97 = tpu.memref_squeeze %dma_wait3A_96 : memref<1x640x128xf32, #tpu.memory_space<hbm>> -> memref<640x128xf32, #tpu.memory_space<hbm>>
      %dma_wait3A_98 = arith.constant 0 : i32
      %dma_wait3A_99 = tpu.memref_slice %arg9[%mul3A_87, %dma_wait3A_98] : memref<10240x128xf32, #tpu.memory_space<vmem_shared>> -> memref<640x128xf32, #tpu.memory_space<vmem_shared>>
      tpu.wait_dma2 semaphore(%run_scoped3A_90 : memref<!tpu.dma_semaphore, #tpu.memory_space<semaphore_mem>>) src(%dma_wait3A_99 : memref<640x128xf32, #tpu.memory_space<vmem_shared>>) dst(%dma_wait3A_97 : memref<640x128xf32, #tpu.memory_space<hbm>>)
      tpu.yield
    }) : () -> ()
    return
  }
}

module attributes {stable_mosaic.version = 14 : i64} {
  func.func @_transform_body(%arg0: i32, %arg1: memref<1000x128xf32, #tpu.memory_space<vmem>>, %arg2: memref<128x512xf32, #tpu.memory_space<vmem>>, %arg3: memref<1x512xf32, #tpu.memory_space<vmem>>, %arg4: memref<1000x512xf32, #tpu.memory_space<vmem>>) attributes {dimension_semantics = [#tpu.dimension_semantics<arbitrary>], iteration_bounds = array<i64: 10>, scalar_prefetch = 0 : i64, scratch_operands = 0 : i64, tpu.core_type = #tpu.core_type<tc>, window_params = [{transform_indices = @transform_0, window_bounds = array<i64: 1000, 128>}, {pipeline_mode = #tpu.pipeline_mode<synchronous>, transform_indices = @transform_1, window_bounds = array<i64: 128, 512>}, {pipeline_mode = #tpu.pipeline_mode<synchronous>, transform_indices = @transform_2, window_bounds = array<i64: 1, 512>}, {transform_indices = @transform_3, window_bounds = array<i64: 1000, 512>}]} {
    %get3A = arith.constant 0 : index
    %get3A_0 = arith.constant 0 : index
    %get3A_1 = vector.load %arg1[%get3A, %get3A_0] : memref<1000x128xf32, #tpu.memory_space<vmem>>, vector<1000x128xf32>
    %get3A_2 = arith.constant 0 : index
    %get3A_3 = arith.constant 0 : index
    %get3A_4 = vector.load %arg2[%get3A_2, %get3A_3] : memref<128x512xf32, #tpu.memory_space<vmem>>, vector<128x512xf32>
    %dot_general3A = arith.constant dense<0.000000e+00> : vector<1000x512xf32>
    %dot_general3A_5 = tpu.matmul %get3A_1, %get3A_4, %dot_general3A {dimension_numbers = #tpu.dot_dimension_numbers<[1], [0], [0], [1], [0, 0, 1, 1], [], []>, transpose_lhs_hint = false} : vector<1000x128xf32>, vector<128x512xf32>, vector<1000x512xf32> -> vector<1000x512xf32>
    %get3A_6 = arith.constant 0 : index
    %get3A_7 = arith.constant 0 : index
    %get3A_8 = vector.load %arg3[%get3A_6, %get3A_7] : memref<1x512xf32, #tpu.memory_space<vmem>>, vector<1x512xf32>
    %add3A = vector.broadcast %get3A_8 : vector<1x512xf32> to vector<1000x512xf32>
    %add3A_9 = arith.addf %dot_general3A_5, %add3A : vector<1000x512xf32>
    %swap3A = arith.constant 0 : index
    %swap3A_10 = arith.constant 0 : index
    %swap3A_11 = vector.load %arg4[%swap3A, %swap3A_10] : memref<1000x512xf32, #tpu.memory_space<vmem>>, vector<1000x512xf32>
    tpu.vector_store %arg4[%swap3A, %swap3A_10], %add3A_9 {strides = array<i32>} : memref<1000x512xf32, #tpu.memory_space<vmem>>, vector<1000x512xf32>,
    return
  }
  func.func @transform_0(%arg0: i32) -> (i32, i32) {
    %c0_i32 = arith.constant 0 : i32
    %c0_i32_0 = arith.constant 0 : i32
    return %arg0, %c0_i32 : i32, i32
  }
  func.func @transform_1(%arg0: i32) -> (i32, i32) {
    %c0_i32 = arith.constant 0 : i32
    %c0_i32_0 = arith.constant 0 : i32
    %c0_i32_1 = arith.constant 0 : i32
    return %c0_i32, %c0_i32_0 : i32, i32
  }
  func.func @transform_2(%arg0: i32) -> (i32, i32) {
    %c0_i32 = arith.constant 0 : i32
    %c0_i32_0 = arith.constant 0 : i32
    %c0_i32_1 = arith.constant 0 : i32
    return %c0_i32, %c0_i32_0 : i32, i32
  }
  func.func @transform_3(%arg0: i32) -> (i32, i32) {
    %c0_i32 = arith.constant 0 : i32
    %c0_i32_0 = arith.constant 0 : i32
    return %arg0, %c0_i32 : i32, i32
  }
}

module attributes {stable_mosaic.version = 14 : i64} {
  func.func @_gru_z_body(%arg0: i32, %arg1: memref<2x1000x128xf32, #tpu.memory_space<vmem>>, %arg2: memref<1000x128xf32, #tpu.memory_space<vmem>>, %arg3: memref<128x384xf32, #tpu.memory_space<vmem>>, %arg4: memref<128x384xf32, #tpu.memory_space<vmem>>, %arg5: memref<1x384xf32, #tpu.memory_space<vmem>>, %arg6: memref<1x384xf32, #tpu.memory_space<vmem>>, %arg7: memref<128x512xf32, #tpu.memory_space<vmem>>, %arg8: memref<1x512xf32, #tpu.memory_space<vmem>>, %arg9: memref<1000x128xf32, #tpu.memory_space<vmem>>, %arg10: memref<1000x512xf32, #tpu.memory_space<vmem>>) attributes {dimension_semantics = [#tpu.dimension_semantics<arbitrary>], iteration_bounds = array<i64: 10>, scalar_prefetch = 0 : i64, scratch_operands = 0 : i64, tpu.core_type = #tpu.core_type<tc>, window_params = [{transform_indices = @transform_0, window_bounds = array<i64: 2, 1000, 128>}, {transform_indices = @transform_1, window_bounds = array<i64: 1000, 128>}, {pipeline_mode = #tpu.pipeline_mode<synchronous>, transform_indices = @transform_2, window_bounds = array<i64: 128, 384>}, {pipeline_mode = #tpu.pipeline_mode<synchronous>, transform_indices = @transform_3, window_bounds = array<i64: 128, 384>}, {pipeline_mode = #tpu.pipeline_mode<synchronous>, transform_indices = @transform_4, window_bounds = array<i64: 1, 384>}, {pipeline_mode = #tpu.pipeline_mode<synchronous>, transform_indices = @transform_5, window_bounds = array<i64: 1, 384>}, {pipeline_mode = #tpu.pipeline_mode<synchronous>, transform_indices = @transform_6, window_bounds = array<i64: 128, 512>}, {pipeline_mode = #tpu.pipeline_mode<synchronous>, transform_indices = @transform_7, window_bounds = array<i64: 1, 512>}, {transform_indices = @transform_8, window_bounds = array<i64: 1000, 128>}, {transform_indices = @transform_9, window_bounds = array<i64: 1000, 512>}]} {
    %get3A = arith.constant 0 : index
    %get3A_0 = arith.constant 0 : index
    %get3A_1 = arith.constant 0 : index
    %get3A_2 = vector.load %arg1[%get3A, %get3A_0, %get3A_1] : memref<2x1000x128xf32, #tpu.memory_space<vmem>>, vector<1x1000x128xf32>
    %get3A_3 = vector.shape_cast %get3A_2 : vector<1x1000x128xf32> to vector<1000x128xf32>
    %get3A_4 = arith.constant 1 : index
    %get3A_5 = arith.constant 0 : index
    %get3A_6 = arith.constant 0 : index
    %get3A_7 = vector.load %arg1[%get3A_4, %get3A_5, %get3A_6] : memref<2x1000x128xf32, #tpu.memory_space<vmem>>, vector<1x1000x128xf32>
    %get3A_8 = vector.shape_cast %get3A_7 : vector<1x1000x128xf32> to vector<1000x128xf32>
    %add3A = arith.addf %get3A_3, %get3A_8 : vector<1000x128xf32>
    %get3A_9 = arith.constant 0 : index
    %get3A_10 = arith.constant 0 : index
    %get3A_11 = vector.load %arg2[%get3A_9, %get3A_10] : memref<1000x128xf32, #tpu.memory_space<vmem>>, vector<1000x128xf32>
    %get3A_12 = arith.constant 0 : index
    %get3A_13 = arith.constant 0 : index
    %get3A_14 = vector.load %arg3[%get3A_12, %get3A_13] : memref<128x384xf32, #tpu.memory_space<vmem>>, vector<128x384xf32>
    %dot_general3A = arith.constant dense<0.000000e+00> : vector<1000x384xf32>
    %dot_general3A_15 = tpu.matmul %add3A, %get3A_14, %dot_general3A {dimension_numbers = #tpu.dot_dimension_numbers<[1], [0], [0], [1], [0, 0, 1, 1], [], []>, transpose_lhs_hint = false} : vector<1000x128xf32>, vector<128x384xf32>, vector<1000x384xf32> -> vector<1000x384xf32>
    %get3A_16 = arith.constant 0 : index
    %get3A_17 = arith.constant 0 : index
    %get3A_18 = vector.load %arg5[%get3A_16, %get3A_17] : memref<1x384xf32, #tpu.memory_space<vmem>>, vector<1x384xf32>
    %add3A_19 = vector.broadcast %get3A_18 : vector<1x384xf32> to vector<1000x384xf32>
    %add3A_20 = arith.addf %dot_general3A_15, %add3A_19 : vector<1000x384xf32>
    %get3A_21 = arith.constant 0 : index
    %get3A_22 = arith.constant 0 : index
    %get3A_23 = vector.load %arg4[%get3A_21, %get3A_22] : memref<128x384xf32, #tpu.memory_space<vmem>>, vector<128x384xf32>
    %dot_general3A_24 = arith.constant dense<0.000000e+00> : vector<1000x384xf32>
    %dot_general3A_25 = tpu.matmul %get3A_11, %get3A_23, %dot_general3A_24 {dimension_numbers = #tpu.dot_dimension_numbers<[1], [0], [0], [1], [0, 0, 1, 1], [], []>, transpose_lhs_hint = false} : vector<1000x128xf32>, vector<128x384xf32>, vector<1000x384xf32> -> vector<1000x384xf32>
    %get3A_26 = arith.constant 0 : index
    %get3A_27 = arith.constant 0 : index
    %get3A_28 = vector.load %arg6[%get3A_26, %get3A_27] : memref<1x384xf32, #tpu.memory_space<vmem>>, vector<1x384xf32>
    %add3A_29 = vector.broadcast %get3A_28 : vector<1x384xf32> to vector<1000x384xf32>
    %add3A_30 = arith.addf %dot_general3A_25, %add3A_29 : vector<1000x384xf32>
    %slice3A = vector.extract_strided_slice %add3A_20 {offsets = [0, 0], sizes = [1000, 128], strides = [1, 1]} : vector<1000x384xf32> to vector<1000x128xf32>
    %slice3A_31 = vector.extract_strided_slice %add3A_30 {offsets = [0, 0], sizes = [1000, 128], strides = [1, 1]} : vector<1000x384xf32> to vector<1000x128xf32>
    %add3A_32 = arith.addf %slice3A, %slice3A_31 : vector<1000x128xf32>
    %logistic3A = arith.negf %add3A_32 : vector<1000x128xf32>
    %logistic3A_33 = math.exp %logistic3A : vector<1000x128xf32>
    %logistic3A_34 = arith.constant 1.000000e+00 : f32
    %logistic3A_35 = vector.broadcast %logistic3A_34 : f32 to vector<1000x128xf32>
    %logistic3A_36 = arith.addf %logistic3A_35, %logistic3A_33 : vector<1000x128xf32>
    %logistic3A_37 = arith.divf %logistic3A_35, %logistic3A_36 : vector<1000x128xf32>
    %slice3A_38 = vector.extract_strided_slice %add3A_20 {offsets = [0, 128], sizes = [1000, 128], strides = [1, 1]} : vector<1000x384xf32> to vector<1000x128xf32>
    %slice3A_39 = vector.extract_strided_slice %add3A_30 {offsets = [0, 128], sizes = [1000, 128], strides = [1, 1]} : vector<1000x384xf32> to vector<1000x128xf32>
    %add3A_40 = arith.addf %slice3A_38, %slice3A_39 : vector<1000x128xf32>
    %logistic3A_41 = arith.negf %add3A_40 : vector<1000x128xf32>
    %logistic3A_42 = math.exp %logistic3A_41 : vector<1000x128xf32>
    %logistic3A_43 = arith.constant 1.000000e+00 : f32
    %logistic3A_44 = vector.broadcast %logistic3A_43 : f32 to vector<1000x128xf32>
    %logistic3A_45 = arith.addf %logistic3A_44, %logistic3A_42 : vector<1000x128xf32>
    %logistic3A_46 = arith.divf %logistic3A_44, %logistic3A_45 : vector<1000x128xf32>
    %slice3A_47 = vector.extract_strided_slice %add3A_20 {offsets = [0, 256], sizes = [1000, 128], strides = [1, 1]} : vector<1000x384xf32> to vector<1000x128xf32>
    %slice3A_48 = vector.extract_strided_slice %add3A_30 {offsets = [0, 256], sizes = [1000, 128], strides = [1, 1]} : vector<1000x384xf32> to vector<1000x128xf32>
    %mul3A = arith.mulf %logistic3A_37, %slice3A_48 : vector<1000x128xf32>
    %add3A_49 = arith.addf %slice3A_47, %mul3A : vector<1000x128xf32>
    %tanh3A = math.tanh %add3A_49 : vector<1000x128xf32>
    %sub3A = arith.constant 1.000000e+00 : f32
    %sub3A_50 = vector.broadcast %sub3A : f32 to vector<1000x128xf32>
    %sub3A_51 = arith.subf %sub3A_50, %logistic3A_46 : vector<1000x128xf32>
    %mul3A_52 = arith.mulf %sub3A_51, %tanh3A : vector<1000x128xf32>
    %mul3A_53 = arith.mulf %logistic3A_46, %get3A_11 : vector<1000x128xf32>
    %add3A_54 = arith.addf %mul3A_52, %mul3A_53 : vector<1000x128xf32>
    %swap3A = arith.constant 0 : index
    %swap3A_55 = arith.constant 0 : index
    %swap3A_56 = vector.load %arg9[%swap3A, %swap3A_55] : memref<1000x128xf32, #tpu.memory_space<vmem>>, vector<1000x128xf32>
    tpu.vector_store %arg9[%swap3A, %swap3A_55], %add3A_54 {strides = array<i32>} : memref<1000x128xf32, #tpu.memory_space<vmem>>, vector<1000x128xf32>,
    %get3A_57 = arith.constant 0 : index
    %get3A_58 = arith.constant 0 : index
    %get3A_59 = vector.load %arg7[%get3A_57, %get3A_58] : memref<128x512xf32, #tpu.memory_space<vmem>>, vector<128x512xf32>
    %dot_general3A_60 = arith.constant dense<0.000000e+00> : vector<1000x512xf32>
    %dot_general3A_61 = tpu.matmul %add3A_54, %get3A_59, %dot_general3A_60 {dimension_numbers = #tpu.dot_dimension_numbers<[1], [0], [0], [1], [0, 0, 1, 1], [], []>, transpose_lhs_hint = false} : vector<1000x128xf32>, vector<128x512xf32>, vector<1000x512xf32> -> vector<1000x512xf32>
    %get3A_62 = arith.constant 0 : index
    %get3A_63 = arith.constant 0 : index
    %get3A_64 = vector.load %arg8[%get3A_62, %get3A_63] : memref<1x512xf32, #tpu.memory_space<vmem>>, vector<1x512xf32>
    %add3A_65 = vector.broadcast %get3A_64 : vector<1x512xf32> to vector<1000x512xf32>
    %add3A_66 = arith.addf %dot_general3A_61, %add3A_65 : vector<1000x512xf32>
    %swap3A_67 = arith.constant 0 : index
    %swap3A_68 = arith.constant 0 : index
    %swap3A_69 = vector.load %arg10[%swap3A_67, %swap3A_68] : memref<1000x512xf32, #tpu.memory_space<vmem>>, vector<1000x512xf32>
    tpu.vector_store %arg10[%swap3A_67, %swap3A_68], %add3A_66 {strides = array<i32>} : memref<1000x512xf32, #tpu.memory_space<vmem>>, vector<1000x512xf32>,
    return
  }
  func.func @transform_0(%arg0: i32) -> (i32, i32, i32) {
    %c0_i32 = arith.constant 0 : i32
    %c0_i32_0 = arith.constant 0 : i32
    %c0_i32_1 = arith.constant 0 : i32
    return %c0_i32, %arg0, %c0_i32_0 : i32, i32, i32
  }
  func.func @transform_1(%arg0: i32) -> (i32, i32) {
    %c0_i32 = arith.constant 0 : i32
    %c0_i32_0 = arith.constant 0 : i32
    return %arg0, %c0_i32 : i32, i32
  }
  func.func @transform_2(%arg0: i32) -> (i32, i32) {
    %c0_i32 = arith.constant 0 : i32
    %c0_i32_0 = arith.constant 0 : i32
    %c0_i32_1 = arith.constant 0 : i32
    return %c0_i32, %c0_i32_0 : i32, i32
  }
  func.func @transform_3(%arg0: i32) -> (i32, i32) {
    %c0_i32 = arith.constant 0 : i32
    %c0_i32_0 = arith.constant 0 : i32
    %c0_i32_1 = arith.constant 0 : i32
    return %c0_i32, %c0_i32_0 : i32, i32
  }
  func.func @transform_4(%arg0: i32) -> (i32, i32) {
    %c0_i32 = arith.constant 0 : i32
    %c0_i32_0 = arith.constant 0 : i32
    %c0_i32_1 = arith.constant 0 : i32
    return %c0_i32, %c0_i32_0 : i32, i32
  }
  func.func @transform_5(%arg0: i32) -> (i32, i32) {
    %c0_i32 = arith.constant 0 : i32
    %c0_i32_0 = arith.constant 0 : i32
    %c0_i32_1 = arith.constant 0 : i32
    return %c0_i32, %c0_i32_0 : i32, i32
  }
  func.func @transform_6(%arg0: i32) -> (i32, i32) {
    %c0_i32 = arith.constant 0 : i32
    %c0_i32_0 = arith.constant 0 : i32
    %c0_i32_1 = arith.constant 0 : i32
    return %c0_i32, %c0_i32_0 : i32, i32
  }
  func.func @transform_7(%arg0: i32) -> (i32, i32) {
    %c0_i32 = arith.constant 0 : i32
    %c0_i32_0 = arith.constant 0 : i32
    %c0_i32_1 = arith.constant 0 : i32
    return %c0_i32, %c0_i32_0 : i32, i32
  }
  func.func @transform_8(%arg0: i32) -> (i32, i32) {
    %c0_i32 = arith.constant 0 : i32
    %c0_i32_0 = arith.constant 0 : i32
    return %arg0, %c0_i32 : i32, i32
  }
  func.func @transform_9(%arg0: i32) -> (i32, i32) {
    %c0_i32 = arith.constant 0 : i32
    %c0_i32_0 = arith.constant 0 : i32
    return %arg0, %c0_i32 : i32, i32
  }
}

module attributes {stable_mosaic.version = 14 : i64} {
  func.func @_gru_last_body(%arg0: i32, %arg1: memref<2x1000x128xf32, #tpu.memory_space<vmem>>, %arg2: memref<1000x128xf32, #tpu.memory_space<vmem>>, %arg3: memref<128x384xf32, #tpu.memory_space<vmem>>, %arg4: memref<128x384xf32, #tpu.memory_space<vmem>>, %arg5: memref<1x384xf32, #tpu.memory_space<vmem>>, %arg6: memref<1x384xf32, #tpu.memory_space<vmem>>, %arg7: memref<1000x128xf32, #tpu.memory_space<vmem>>) attributes {dimension_semantics = [#tpu.dimension_semantics<arbitrary>], iteration_bounds = array<i64: 10>, scalar_prefetch = 0 : i64, scratch_operands = 0 : i64, tpu.core_type = #tpu.core_type<tc>, window_params = [{transform_indices = @transform_0, window_bounds = array<i64: 2, 1000, 128>}, {transform_indices = @transform_1, window_bounds = array<i64: 1000, 128>}, {pipeline_mode = #tpu.pipeline_mode<synchronous>, transform_indices = @transform_2, window_bounds = array<i64: 128, 384>}, {pipeline_mode = #tpu.pipeline_mode<synchronous>, transform_indices = @transform_3, window_bounds = array<i64: 128, 384>}, {pipeline_mode = #tpu.pipeline_mode<synchronous>, transform_indices = @transform_4, window_bounds = array<i64: 1, 384>}, {pipeline_mode = #tpu.pipeline_mode<synchronous>, transform_indices = @transform_5, window_bounds = array<i64: 1, 384>}, {transform_indices = @transform_6, window_bounds = array<i64: 1000, 128>}]} {
    %get3A = arith.constant 0 : index
    %get3A_0 = arith.constant 0 : index
    %get3A_1 = arith.constant 0 : index
    %get3A_2 = vector.load %arg1[%get3A, %get3A_0, %get3A_1] : memref<2x1000x128xf32, #tpu.memory_space<vmem>>, vector<1x1000x128xf32>
    %get3A_3 = vector.shape_cast %get3A_2 : vector<1x1000x128xf32> to vector<1000x128xf32>
    %get3A_4 = arith.constant 1 : index
    %get3A_5 = arith.constant 0 : index
    %get3A_6 = arith.constant 0 : index
    %get3A_7 = vector.load %arg1[%get3A_4, %get3A_5, %get3A_6] : memref<2x1000x128xf32, #tpu.memory_space<vmem>>, vector<1x1000x128xf32>
    %get3A_8 = vector.shape_cast %get3A_7 : vector<1x1000x128xf32> to vector<1000x128xf32>
    %add3A = arith.addf %get3A_3, %get3A_8 : vector<1000x128xf32>
    %get3A_9 = arith.constant 0 : index
    %get3A_10 = arith.constant 0 : index
    %get3A_11 = vector.load %arg2[%get3A_9, %get3A_10] : memref<1000x128xf32, #tpu.memory_space<vmem>>, vector<1000x128xf32>
    %get3A_12 = arith.constant 0 : index
    %get3A_13 = arith.constant 0 : index
    %get3A_14 = vector.load %arg3[%get3A_12, %get3A_13] : memref<128x384xf32, #tpu.memory_space<vmem>>, vector<128x384xf32>
    %dot_general3A = arith.constant dense<0.000000e+00> : vector<1000x384xf32>
    %dot_general3A_15 = tpu.matmul %add3A, %get3A_14, %dot_general3A {dimension_numbers = #tpu.dot_dimension_numbers<[1], [0], [0], [1], [0, 0, 1, 1], [], []>, transpose_lhs_hint = false} : vector<1000x128xf32>, vector<128x384xf32>, vector<1000x384xf32> -> vector<1000x384xf32>
    %get3A_16 = arith.constant 0 : index
    %get3A_17 = arith.constant 0 : index
    %get3A_18 = vector.load %arg5[%get3A_16, %get3A_17] : memref<1x384xf32, #tpu.memory_space<vmem>>, vector<1x384xf32>
    %add3A_19 = vector.broadcast %get3A_18 : vector<1x384xf32> to vector<1000x384xf32>
    %add3A_20 = arith.addf %dot_general3A_15, %add3A_19 : vector<1000x384xf32>
    %get3A_21 = arith.constant 0 : index
    %get3A_22 = arith.constant 0 : index
    %get3A_23 = vector.load %arg4[%get3A_21, %get3A_22] : memref<128x384xf32, #tpu.memory_space<vmem>>, vector<128x384xf32>
    %dot_general3A_24 = arith.constant dense<0.000000e+00> : vector<1000x384xf32>
    %dot_general3A_25 = tpu.matmul %get3A_11, %get3A_23, %dot_general3A_24 {dimension_numbers = #tpu.dot_dimension_numbers<[1], [0], [0], [1], [0, 0, 1, 1], [], []>, transpose_lhs_hint = false} : vector<1000x128xf32>, vector<128x384xf32>, vector<1000x384xf32> -> vector<1000x384xf32>
    %get3A_26 = arith.constant 0 : index
    %get3A_27 = arith.constant 0 : index
    %get3A_28 = vector.load %arg6[%get3A_26, %get3A_27] : memref<1x384xf32, #tpu.memory_space<vmem>>, vector<1x384xf32>
    %add3A_29 = vector.broadcast %get3A_28 : vector<1x384xf32> to vector<1000x384xf32>
    %add3A_30 = arith.addf %dot_general3A_25, %add3A_29 : vector<1000x384xf32>
    %slice3A = vector.extract_strided_slice %add3A_20 {offsets = [0, 0], sizes = [1000, 128], strides = [1, 1]} : vector<1000x384xf32> to vector<1000x128xf32>
    %slice3A_31 = vector.extract_strided_slice %add3A_30 {offsets = [0, 0], sizes = [1000, 128], strides = [1, 1]} : vector<1000x384xf32> to vector<1000x128xf32>
    %add3A_32 = arith.addf %slice3A, %slice3A_31 : vector<1000x128xf32>
    %logistic3A = arith.negf %add3A_32 : vector<1000x128xf32>
    %logistic3A_33 = math.exp %logistic3A : vector<1000x128xf32>
    %logistic3A_34 = arith.constant 1.000000e+00 : f32
    %logistic3A_35 = vector.broadcast %logistic3A_34 : f32 to vector<1000x128xf32>
    %logistic3A_36 = arith.addf %logistic3A_35, %logistic3A_33 : vector<1000x128xf32>
    %logistic3A_37 = arith.divf %logistic3A_35, %logistic3A_36 : vector<1000x128xf32>
    %slice3A_38 = vector.extract_strided_slice %add3A_20 {offsets = [0, 128], sizes = [1000, 128], strides = [1, 1]} : vector<1000x384xf32> to vector<1000x128xf32>
    %slice3A_39 = vector.extract_strided_slice %add3A_30 {offsets = [0, 128], sizes = [1000, 128], strides = [1, 1]} : vector<1000x384xf32> to vector<1000x128xf32>
    %add3A_40 = arith.addf %slice3A_38, %slice3A_39 : vector<1000x128xf32>
    %logistic3A_41 = arith.negf %add3A_40 : vector<1000x128xf32>
    %logistic3A_42 = math.exp %logistic3A_41 : vector<1000x128xf32>
    %logistic3A_43 = arith.constant 1.000000e+00 : f32
    %logistic3A_44 = vector.broadcast %logistic3A_43 : f32 to vector<1000x128xf32>
    %logistic3A_45 = arith.addf %logistic3A_44, %logistic3A_42 : vector<1000x128xf32>
    %logistic3A_46 = arith.divf %logistic3A_44, %logistic3A_45 : vector<1000x128xf32>
    %slice3A_47 = vector.extract_strided_slice %add3A_20 {offsets = [0, 256], sizes = [1000, 128], strides = [1, 1]} : vector<1000x384xf32> to vector<1000x128xf32>
    %slice3A_48 = vector.extract_strided_slice %add3A_30 {offsets = [0, 256], sizes = [1000, 128], strides = [1, 1]} : vector<1000x384xf32> to vector<1000x128xf32>
    %mul3A = arith.mulf %logistic3A_37, %slice3A_48 : vector<1000x128xf32>
    %add3A_49 = arith.addf %slice3A_47, %mul3A : vector<1000x128xf32>
    %tanh3A = math.tanh %add3A_49 : vector<1000x128xf32>
    %sub3A = arith.constant 1.000000e+00 : f32
    %sub3A_50 = vector.broadcast %sub3A : f32 to vector<1000x128xf32>
    %sub3A_51 = arith.subf %sub3A_50, %logistic3A_46 : vector<1000x128xf32>
    %mul3A_52 = arith.mulf %sub3A_51, %tanh3A : vector<1000x128xf32>
    %mul3A_53 = arith.mulf %logistic3A_46, %get3A_11 : vector<1000x128xf32>
    %add3A_54 = arith.addf %mul3A_52, %mul3A_53 : vector<1000x128xf32>
    %swap3A = arith.constant 0 : index
    %swap3A_55 = arith.constant 0 : index
    %swap3A_56 = vector.load %arg7[%swap3A, %swap3A_55] : memref<1000x128xf32, #tpu.memory_space<vmem>>, vector<1000x128xf32>
    tpu.vector_store %arg7[%swap3A, %swap3A_55], %add3A_54 {strides = array<i32>} : memref<1000x128xf32, #tpu.memory_space<vmem>>, vector<1000x128xf32>,
    return
  }
  func.func @transform_0(%arg0: i32) -> (i32, i32, i32) {
    %c0_i32 = arith.constant 0 : i32
    %c0_i32_0 = arith.constant 0 : i32
    %c0_i32_1 = arith.constant 0 : i32
    return %c0_i32, %arg0, %c0_i32_0 : i32, i32, i32
  }
  func.func @transform_1(%arg0: i32) -> (i32, i32) {
    %c0_i32 = arith.constant 0 : i32
    %c0_i32_0 = arith.constant 0 : i32
    return %arg0, %c0_i32 : i32, i32
  }
  func.func @transform_2(%arg0: i32) -> (i32, i32) {
    %c0_i32 = arith.constant 0 : i32
    %c0_i32_0 = arith.constant 0 : i32
    %c0_i32_1 = arith.constant 0 : i32
    return %c0_i32, %c0_i32_0 : i32, i32
  }
  func.func @transform_3(%arg0: i32) -> (i32, i32) {
    %c0_i32 = arith.constant 0 : i32
    %c0_i32_0 = arith.constant 0 : i32
    %c0_i32_1 = arith.constant 0 : i32
    return %c0_i32, %c0_i32_0 : i32, i32
  }
  func.func @transform_4(%arg0: i32) -> (i32, i32) {
    %c0_i32 = arith.constant 0 : i32
    %c0_i32_0 = arith.constant 0 : i32
    %c0_i32_1 = arith.constant 0 : i32
    return %c0_i32, %c0_i32_0 : i32, i32
  }
  func.func @transform_5(%arg0: i32) -> (i32, i32) {
    %c0_i32 = arith.constant 0 : i32
    %c0_i32_0 = arith.constant 0 : i32
    %c0_i32_1 = arith.constant 0 : i32
    return %c0_i32, %c0_i32_0 : i32, i32
  }
  func.func @transform_6(%arg0: i32) -> (i32, i32) {
    %c0_i32 = arith.constant 0 : i32
    %c0_i32_0 = arith.constant 0 : i32
    return %arg0, %c0_i32 : i32, i32
  }
}

</mosaic_0001>

<sc_bundles>
// kernel: kernel.11.cloned.1.call-start
scs
__scs_entry_jumppad:
0x0: {  	(pc) =	sbr.rel $0x88, $3  }
0x1: {  	(tag) =	ssettag $0x0;
	lr =	simm.s32 $0x1  }
0x2: {  	[smem:$0x3F98] =	sst lr;
	_ =	strace $0xD0000000  }
0x3: {  	_ = 	snop  }
0x4: {  	_ = 	snop  }
0x5: {  	_ = 	snop  }
0x6: {  	_ = 	snop  }
0x7: {  	_ = 	snop  }
__scs_overlays_trampoline_lowered:
0x8: {  	[smem:$0x3FA7] =	sst s0  }
0x9: {  	[smem:$0x3FA8] =	sst s1  }
0xa: {  	[smem:$0x3FA9] =	sst s2  }
0xb: {  	[smem:$0x3FAA] =	sst s3  }
0xc: {  	[smem:$0x3FAB] =	sst s4  }
0xd: {  	[smem:$0x3FAC] =	sst s5  }
0xe: {  	[smem:$0x3FAD] =	sst s6  }
0xf: {  	[smem:$0x3FAE] =	sst s7  }
0x10: {  	[smem:$0x3FAF] =	sst s8  }
0x11: {  	[smem:$0x3FB0] =	sst s9;
	s0 =	simm.s32 @!p0 $0x0  }
0x12: {  	s1 =	sld [smem:$0x3F96];
	s0 =	simm.s32 @p0 $0x1  }
0x13: {  	[smem:$0x3FB1] =	sst s0;
	s0 =	simm.s32 @!p1 $0x0  }
0x14: {  	s2 =	sld [smem:$0x3F95];
	s0 =	simm.s32 @p1 $0x1  }
0x15: {  	[smem:$0x3FB2] =	sst s0;
	s0 =	simm.s32 @!p2 $0x0  }
0x16: {  	s3 =	sld [smem:$0x3FDB];
	s0 =	simm.s32 @p2 $0x1  }
0x17: {  	s4 =	simm.s32 $0x1BF5;
	[smem:$0x3FB4] =	sst s0  }
0x18: {  	s0 =	sld [smem:$0x3F97];
	_ =	swait.ge [sflag:s4], $0x0  }
0x19: {  	s7 =	sld [smem:$0x3F98]  }
0x1a: {  	s8 =	sadd.s32 $0xFFFFE003, lr  }
0x1b: {  	s9 =	sadd.s32 $0xFFFFFEF7, lr;
	s5 =	simm.s32 $0xFFFFFFFF;
	p2 =	slt.u32 s8, $0xFFFFF086  }
0x1c: {  	p1 =	slt.u32 s9, $0xF7A;
	s5 =	simm.s32 @!p2 $0x0  }
0x1d: {  	s5 =	simm.s32 @p1 $0x1;
	p0 =	seq.s32 s7, s2  }
0x1e: {  	s7 =	smul.u32 @!p0 $0xF7A, s2;
	p2 =	seq.s32 @!p0 s5, $0x0  }
0x1f: {  	s9 =	smul.u32 $0xF7A, s1;
	s8 =	simm.s32 @!p0 $0x1BF5;
	p2 =	por !p2, p0  }
0x20: {  	[sflag:s8] =	ssyncset.s32 @!p0 $0xFFFFF086;
	s6 =	sadd.s32 @!p0 s3, s7;
	s7 =	simm.s32 @!p0 $0x108  }
0x21: {  	s3 =	sadd.s32 s3, s9;
	s6 =	sadd.s32 @!p0 $0x88, s6;
	s7 =	simm.s32 @p2 $0x1082  }
0x22: {  	[simem:s7], [sflag:s8] =	dma.local @!p0 [hbm:s6], $0xF7A  }
0x23: {  	s9 =	sor.u32 $0xD0000000, s2;
	s6 =	simm.s32 $0x108;
	_ =	swait.ge @!p0 [sflag:s8], $0x0  }
0x24: {  	s3 =	sadd.s32 $0x88, s3;
	s6 =	simm.s32 @!p1 $0x1082;
	[sflag:s4] =	ssyncset.s32 $0xFFFFF086  }
0x25: {  	[simem:s6], [sflag:s4] =	dma.local [hbm:s3], $0xF7A  }
0x26: {  	[smem:$0x3F98] =	sst s1;
	(tag) =	ssettag s2;
	_ =	strace s9  }
0x27: {  	s1 =	sld [smem:$0x3FA8]  }
0x28: {  	s2 =	sld [smem:$0x3FA9]  }
0x29: {  	s4 =	sld [smem:$0x3FAB]  }
0x2a: {  	p0 =	seq.s32 s5, $0x0;
	s5 =	sld [smem:$0x3FAC]  }
0x2b: {  	s6 =	sld [smem:$0x3FAD]  }
0x2c: {  	s7 =	sld [smem:$0x3FAE]  }
0x2d: {  	s3 =	simm.s32 $0x108;
	s8 =	sld [smem:$0x3FAF]  }
0x2e: {  	s3 =	simm.s32 @!p0 $0x1082;
	s9 =	sld [smem:$0x3FB0]  }
0x2f: {  	lr =	sadd.s32 s0, s3;
	s0 =	sld [smem:$0x3FA7]  }
0x30: {  	s3 =	sld [smem:$0x3FAA]  }
0x31: {  	[smem:$0x3FB3] =	sst s10  }
0x32: {  	s10 =	sld [smem:$0x3FB1];
	_ =	sdelay $0x3  }
0x33: {  	p0 =	seq.s32 s10, $0x1;
	s10 =	sld [smem:$0x3FB3];
	_ =	sdelay $0x3  }
0x34: {  	[smem:$0x3FB3] =	sst s10  }
0x35: {  	s10 =	sld [smem:$0x3FB2];
	_ =	sdelay $0x3  }
0x36: {  	p1 =	seq.s32 s10, $0x1;
	s10 =	sld [smem:$0x3FB3];
	_ =	sdelay $0x3  }
0x37: {  	[smem:$0x3FB3] =	sst s10  }
0x38: {  	s10 =	sld [smem:$0x3FB4]  }
0x39: {  	_ = 	snop;
	(pc) =	sbr.ind lr, $3  }
0x3a: {  	_ = 	snop  }
0x3b: {  	_ = 	snop  }
0x3c: {  	p2 =	seq.s32 s10, $0x1;
	s10 =	sld [smem:$0x3FB3]  }
0x3d: {  	_ =	shalt  }
0x3e: {  	_ =	shalt  }
0x3f: {  	_ =	shalt  }
0x40: {  	_ =	shalt  }
0x41: {  	_ =	shalt  }
0x42: {  	_ =	shalt  }
0x43: {  	_ =	shalt  }
0x44: {  	_ =	shalt  }
0x45: {  	_ =	shalt  }
0x46: {  	_ =	shalt  }
0x47: {  	_ =	shalt  }
0x48: {  	_ =	shalt  }
0x49: {  	_ =	shalt  }
0x4a: {  	_ =	shalt  }
0x4b: {  	_ =	shalt  }
0x4c: {  	_ =	shalt  }
0x4d: {  	_ =	shalt  }
0x4e: {  	_ =	shalt  }
0x4f: {  	_ =	shalt  }
0x50: {  	_ =	shalt  }
0x51: {  	_ =	shalt  }
0x52: {  	_ =	shalt  }
0x53: {  	_ =	shalt  }
0x54: {  	_ =	shalt  }
0x55: {  	_ =	shalt  }
0x56: {  	_ =	shalt  }
0x57: {  	_ =	shalt  }
0x58: {  	_ =	shalt  }
0x59: {  	_ =	shalt  }
0x5a: {  	_ =	shalt  }
0x5b: {  	_ =	shalt  }
0x5c: {  	_ =	shalt  }
0x5d: {  	_ =	shalt  }
0x5e: {  	_ =	shalt  }
0x5f: {  	_ =	shalt  }
0x60: {  	_ =	shalt  }
0x61: {  	_ =	shalt  }
0x62: {  	_ =	shalt  }
0x63: {  	_ =	shalt  }
0x64: {  	_ =	shalt  }
0x65: {  	_ =	shalt  }
0x66: {  	_ =	shalt  }
0x67: {  	_ =	shalt  }
0x68: {  	_ =	shalt  }
0x69: {  	_ =	shalt  }
0x6a: {  	_ =	shalt  }
0x6b: {  	_ =	shalt  }
0x6c: {  	_ =	shalt  }
0x6d: {  	_ =	shalt  }
0x6e: {  	_ =	shalt  }
0x6f: {  	_ =	shalt  }
0x70: {  	_ =	shalt  }
0x71: {  	_ =	shalt  }
0x72: {  	_ =	shalt  }
0x73: {  	_ =	shalt  }
0x74: {  	_ =	shalt  }
0x75: {  	_ =	shalt  }
0x76: {  	_ =	shalt  }
0x77: {  	_ =	shalt  }
0x78: {  	_ =	shalt  }
0x79: {  	_ =	shalt  }
0x7a: {  	_ =	shalt  }
0x7b: {  	_ =	shalt  }
0x7c: {  	_ =	shalt  }
0x7d: {  	_ =	shalt  }
0x7e: {  	_ =	shalt  }
0x7f: {  	_ =	shalt  }
0x80: {  	_ =	shalt  }
0x81: {  	_ =	shalt  }
0x82: {  	_ =	shalt  }
0x83: {  	_ =	shalt  }
0x84: {  	_ =	shalt  }
0x85: {  	_ =	shalt  }
0x86: {  	_ =	shalt  }
0x87: {  	_ =	shalt  }
.Lfunc_end0:
.L_simem_size_0:
called_computation_lowered:
.L_overlay_start_0:
0x88: {  	s2 =	sld [smem:$0x3FD9]  }
0x89: {  	s3 =	sld [smem:$0x3FFE];
	_ =	sdelay $0x1  }
0x8a: {  	s1 =	srdreg.scid  }
0x8b: {  	s0 =	sand.u32 $0x1, s1  }
0x8c: {  	s17 =	sshll.u32 s0, $0xA;
	s2 =	sadd.s32 s3, s2  }
0x8d: {  	s2 =	sadd.s32 s2, s17  }
0x8e: {  	[smem:$0x3FBF] =	sst s2  }
0x8f: {  	_ = 	snop  }
0x90: {  	s2 =	sld [smem:$0x3FD0];
	(tm) =	ssettm $0x1  }
0x91: {  	s18 =	sld [smem:$0x3FFB];
	_ =	sdelay $0x3  }
0x92: {  	_ =	strace s18  }
0x93: {  	s3 =	sld [smem:$0x3FFC];
	_ =	sdelay $0x3  }
0x94: {  	_ =	strace s3  }
0x95: {  	s3 =	sld [smem:$0x3FFD];
	_ =	sdelay $0x3  }
0x96: {  	_ =	strace s3  }
0x97: {  	_ =	strace $0x8FFFFFFF  }
0x98: {  	s19 =	sld [smem:$0x3FDB];
	_ =	sdelay $0x1  }
0x99: {  	s4 =	simm.s32 $_scs_section_size  }
0x9a: {  	s5 =	simm.s32 $_size__tile_overlayer_lowered;
	s6 =	simm.s32 $_tile_overlayer_lowered  }
0x9b: {  	s22 =	simm.s32 $0x1BFF;
	s21 =	sshll.u32 s6, $0x1;
	s3 =	sadd.s32 s4, s19  }
0x9c: {  	s7 =	simm.s32 $0x0;
	s20 =	sshll.u32 s5, $0x1;
	s5 =	sadd.s32 s21, s3  }
0x9d: {  	[timem:s7], [sflag:s22] =	dma.local [hbm:s5], s20  }
0x9e: {  	_ =	swait.ge [sflag:s22], s20  }
0x9f: {  	s4 =	ssub.s32 $0x0, s20;
	[sflag:s22] =	ssyncset.done $0x0  }
0xa0: {  	[sflag:s22] =	ssyncadd.s32 s4;
	_ =	sdelay $0x1  }
0xa1: {  	s23 =	simm.s32 $0x1B8B  }
0xa2: {  	_ =	swait.ge [sflag:s23], $0x1  }
0xa3: {  	[sflag:s23] =	ssyncset.done $0x0  }
0xa4: {  	s25 =	simm.s32 $0x1B8E;
	s24 =	sld [smem:$0x3FFE];
	[sflag:s23] =	ssyncadd.s32 $0xFFFFFFFF  }
0xa5: {  	s26 =	simm.s32 $execute0_lowered;
	[smem:$0x3FD2] =	sst s25  }
0xa6: {  	s5 =	sshll.u32 s26, $0x1;
	_ =	strace $0x80000046;
	[dreg:$0x1] =	wrdreg $0xFFFFFFFF  }
0xa7: {  	s28 =	simm.s32 $_size_execute0_lowered;
	s3 =	sadd.s32 s3, s5;
	[dreg:$0x0] =	wrdreg $0x0  }
0xa8: {  	s5 =	sshll.u32 s28, $0x1;
	[dreg:$0x2] =	wrdreg s3  }
0xa9: {  	[dreg:$0x3] =	wrdreg s5  }
0xaa: {  	[dreg:$0x4] =	wrdreg $0xC0  }
0xab: {  	_ =	task [dreg:s7], $0x5FFFF  }
0xac: {  	[dreg:$0x1] =	wrdreg $0xFFFFFFFF  }
0xad: {  	[dreg:$0x0] =	wrdreg $0x60  }
0xae: {  	[dreg:$0x2] =	wrdreg s24  }
0xaf: {  	[dreg:$0x3] =	wrdreg s2  }
0xb0: {  	[dreg:$0x4] =	wrdreg $0x90000  }
0xb1: {  	[dreg:$0x5] =	wrdreg $0x9  }
0xb2: {  	_ =	task.clear_ibuf [dreg:s7], $0x6FFFF;
	_ =	strace $0x90000046  }
0xb3: {  	s29 =	simm.s32 $0x9;
	_ =	strace $0x80000048  }
0xb4: {  	_ =	swait.ge [sflag:s29], $0x1  }
0xb5: {  	[sflag:s29] =	ssyncadd.s32 $0xFFFFFFFF  }
0xb6: {  	_ =	strace $0x90000048  }
0xb7: {  	_ =	sfence  }
0xb8: {  	s30 =	sld [smem:$0x0];
	_ =	sdelay $0x2  }
0xb9: {  	s31 =	sshll.u32 s1, $0xD;
	s1 =	sshrl.u32 s1, $0x2  }
0xba: {  	s3 =	sand.u32 $0x4000, s31;
	s1 =	sadd.s32 s1, s30  }
0xbb: {  	s0 =	sor.u32 s3, s0;
	s1 =	sshll.u32 s1, $0x11  }
0xbc: {  	s0 =	sor.u32 s1, s0  }
0xbd: {  	s0 =	sadd.s32 $0x8F2B, s0  }
0xbe: {  	[sflag:s0] =	ssyncadd.remote.s32 $0x1  }
0xbf: {  	_ =	sfence.sel $0xFFFF  }
0xc0: {  	[dreg:$0x0] =	wrdreg $0xFFFFFFFF;
	(pc) =	sbr.abs _section_cstart, $3  }
0xc1: {  	[dreg:$0x1] =	wrdreg $0xFFFFFFFF  }
0xc2: {  	_ =	task.clear_ibuf [dreg:s7], $0x2FFFF;
	_ =	strace $0x9FFFFFFF  }
0xc3: {  	(tm) =	ssettm $0x7FFFFFFF  }
tec
execute0_lowered:
.L_overlay_start_1:
0x0: {  	(tag) =	ssettag $0x1  }
0x1: {  	s5 =	rddreg [dreg:$0x0]  }
0x2: {  	s6 =	rddreg [dreg:$0x1]  }
0x3: {  	s1 =	rddreg [dreg:$0x2]  }
0x4: {  	s2 =	srdreg.scid;
	s3 =	simm.s32 $0x0;
	s19 =	simm.s32 $0x3  }
0x5: {  	s20 =	simm.s32 $0x2800;
	s21 =	simm.s32 $0x5000;
	s22 =	simm.s32 $0x40  }
0x6: {  	s23 =	simm.s32 $0x7000;
	s24 =	simm.s32 $0x1;
	s25 =	simm.s32 $0x2  }
0x7: {  	s26 =	simm.s32 $0x4F80;
	s28 =	simm.s32 $0x4FC0;
	s7 =	sand.u32 $0x1, s2  }
0x8: {  	s29 =	simm.s32 $0x0;
	s2 =	stileid.u32;
	s8 =	smul.u32 $0x140000, s7  }
0x9: {  	[smem:$0x7FF] =	sst s3;
	s4 =	sshll.u32 s7, $0x4;
	s10 =	smul.u32 $0x14000, s2  }
0xa: {  	_ =	strace $0x80000047;
	s7 =	ssub.s32 $0x2, s7;
	s30 =	smul.u32 $0x50000, s2  }
0xb: {  	s9 =	sor.u32 s2, s4;
	s4 =	sadd.s32 $0xA8600, s5;
	s12 =	sshrl.u32 s7, $0x1  }
0xc: {  	s9 =	smul.u32 $0x500, s9;
	s8 =	sadd.s32 s10, s8;
	s31 =	sshrl.u32 s30, $0x2  }
0xd: {  	s18 =	ssub.s32 s7, s12;
	s8 =	sshrl.u32 s8, $0x3;
	s7 =	sadd.s32 s31, s1  }
0xe: {  	s18 =	smax.u32 s18, $0x1;
	s11 =	sadd.s32 s9, s5;
	s17 =	sadd.s32 s8, s5  }
0xf: {  	s5 =	sadd.s32 s6, s9;
	s8 =	sadd.s32 $0x2000, s7;
	s9 =	sadd.s32 $0x4000, s7  }
0x10: {  	s10 =	sadd.s32 $0x6000, s7;
	s12 =	sadd.s32 $0xA000, s7;
	s13 =	sadd.s32 $0xC000, s7  }
0x11: {  	s14 =	sadd.s32 $0xE000, s7;
	s15 =	sadd.s32 $0x10000, s7;
	s16 =	sadd.s32 $0x12000, s7  }
0x12: {  	v0 =	vimm.f32 $0.0e+00;
	s6 =	sadd.s32 $0x2200, s11;
	s11 =	sadd.s32 $0x8000, s7;
	s17 =	sadd.s32 $0xC200, s17  }
.LBB2_1:
0x13: {  	[tilespmem:s3], [sflag:$0x3] =	stream.linear.gather [hbm4b:s5+s3], $0x2800, $0x38;
	[tilespmem:$0x1D000] =	vst v63  }
0x14: {  	_ =	swait.ge [sflag:s19], $0x2800  }
0x15: {  	[sflag:s19] =	ssyncset.done $0x0  }
0x16: {  	[sflag:s19] =	ssyncadd.s32 $0xFFFFD800  }
0x17: {  	[tilespmem:s20], [sflag:$0x3] =	stream.linear.gather [hbm4b:s6+s3], $0x2800, $0x38;
	[tilespmem:$0x1D000] =	vst v63  }
0x18: {  	_ =	swait.ge [sflag:s19], $0x2800  }
0x19: {  	[sflag:s19] =	ssyncset.done $0x0  }
0x1a: {  	s30 =	simm.s32 $0x0;
	s31 =	simm.s32 $0x200;
	[sflag:s19] =	ssyncadd.s32 $0xFFFFD800  }
.LBB2_2:
0x1b: {  	p0 =	sne.s32 s31, $0x7E00;
	[tilespmem:s30+$0x5070] =	vst v0  }
0x1c: {  	[tilespmem:s30+$0x5000] =	vst v0  }
0x1d: {  	[tilespmem:s30+$0x5010] =	vst v0  }
.Ltmp0:
0x1e: {  	[tilespmem:s30+$0x5020] =	vst v0;
	(pc) =	sbr.rel @p0 .LBB2_2-.Ltmp0, $4  }
0x1f: {  	[tilespmem:s30+$0x5030] =	vst v0  }
0x20: {  	[tilespmem:s30+$0x5040] =	vst v0  }
0x21: {  	[tilespmem:s30+$0x5050] =	vst v0  }
0x22: {  	[tilespmem:s30+$0x5060] =	vst v0;
	s30 =	sshra.s32 s31, $0x2;
	s31 =	sadd.s32 $0x200, s31  }
0x23: {  	[tilespmem:s30+$0x5070] =	vst v0  }
0x24: {  	[tilespmem:s30+$0x5000] =	vst v0  }
0x25: {  	[tilespmem:s30+$0x5010] =	vst v0  }
0x26: {  	[tilespmem:s30+$0x5020] =	vst v0  }
0x27: {  	[tilespmem:s30+$0x5030] =	vst v0  }
0x28: {  	[tilespmem:s30+$0x5040] =	vst v0  }
0x29: {  	[tilespmem:s30+$0x5050] =	vst v0  }
0x2a: {  	[tilespmem:s30+$0x5060] =	vst v0  }
0x2b: {  	[spmem:s7] =	stream.linear.scatter [tilespmem:s21], [sflag:$0x3], $0x2000, $0x38;
	[tilespmem:$0x1D000] =	vst v63  }
0x2c: {  	_ =	swait.ge [sflag:s19], $0x2000  }
0x2d: {  	[sflag:s19] =	ssyncset.done $0x0  }
0x2e: {  	[sflag:s19] =	ssyncadd.s32 $0xFFFFE000  }
0x2f: {  	[spmem:s8] =	stream.linear.scatter [tilespmem:s21], [sflag:$0x3], $0x2000, $0x38;
	[tilespmem:$0x1D000] =	vst v63  }
0x30: {  	_ =	swait.ge [sflag:s19], $0x2000  }
0x31: {  	[sflag:s19] =	ssyncset.done $0x0  }
0x32: {  	[sflag:s19] =	ssyncadd.s32 $0xFFFFE000  }
0x33: {  	[spmem:s9] =	stream.linear.scatter [tilespmem:s21], [sflag:$0x3], $0x2000, $0x38;
	[tilespmem:$0x1D000] =	vst v63  }
0x34: {  	_ =	swait.ge [sflag:s19], $0x2000  }
0x35: {  	[sflag:s19] =	ssyncset.done $0x0  }
0x36: {  	[sflag:s19] =	ssyncadd.s32 $0xFFFFE000  }
0x37: {  	[spmem:s10] =	stream.linear.scatter [tilespmem:s21], [sflag:$0x3], $0x2000, $0x38;
	[tilespmem:$0x1D000] =	vst v63  }
0x38: {  	_ =	swait.ge [sflag:s19], $0x2000  }
0x39: {  	[sflag:s19] =	ssyncset.done $0x0  }
0x3a: {  	[sflag:s19] =	ssyncadd.s32 $0xFFFFE000  }
0x3b: {  	[spmem:s11] =	stream.linear.scatter [tilespmem:s21], [sflag:$0x3], $0x2000, $0x38;
	[tilespmem:$0x1D000] =	vst v63  }
0x3c: {  	_ =	swait.ge [sflag:s19], $0x2000  }
0x3d: {  	[sflag:s19] =	ssyncset.done $0x0  }
0x3e: {  	[sflag:s19] =	ssyncadd.s32 $0xFFFFE000  }
0x3f: {  	[spmem:s12] =	stream.linear.scatter [tilespmem:s21], [sflag:$0x3], $0x2000, $0x38;
	[tilespmem:$0x1D000] =	vst v63  }
0x40: {  	_ =	swait.ge [sflag:s19], $0x2000  }
0x41: {  	[sflag:s19] =	ssyncset.done $0x0  }
0x42: {  	[sflag:s19] =	ssyncadd.s32 $0xFFFFE000  }
0x43: {  	[spmem:s13] =	stream.linear.scatter [tilespmem:s21], [sflag:$0x3], $0x2000, $0x38;
	[tilespmem:$0x1D000] =	vst v63  }
0x44: {  	_ =	swait.ge [sflag:s19], $0x2000  }
0x45: {  	[sflag:s19] =	ssyncset.done $0x0  }
0x46: {  	[sflag:s19] =	ssyncadd.s32 $0xFFFFE000  }
0x47: {  	[spmem:s14] =	stream.linear.scatter [tilespmem:s21], [sflag:$0x3], $0x2000, $0x38;
	[tilespmem:$0x1D000] =	vst v63  }
0x48: {  	_ =	swait.ge [sflag:s19], $0x2000  }
0x49: {  	[sflag:s19] =	ssyncset.done $0x0  }
0x4a: {  	[sflag:s19] =	ssyncadd.s32 $0xFFFFE000  }
0x4b: {  	[spmem:s15] =	stream.linear.scatter [tilespmem:s21], [sflag:$0x3], $0x2000, $0x38;
	[tilespmem:$0x1D000] =	vst v63  }
0x4c: {  	_ =	swait.ge [sflag:s19], $0x2000  }
0x4d: {  	[sflag:s19] =	ssyncset.done $0x0  }
0x4e: {  	[sflag:s19] =	ssyncadd.s32 $0xFFFFE000  }
0x4f: {  	[spmem:s16] =	stream.linear.scatter [tilespmem:s21], [sflag:$0x3], $0x2000, $0x38;
	[tilespmem:$0x1D000] =	vst v63  }
0x50: {  	_ =	swait.ge [sflag:s19], $0x2000  }
0x51: {  	[sflag:s19] =	ssyncset.done $0x0  }
0x52: {  	s30 =	simm.s32 $0x0;
	[sflag:s19] =	ssyncadd.s32 $0xFFFFE000  }
0x53: {  	[tilespmem:s21], [sflag:$0x1] =	stream.indirect.gather [hbm4b:s4+s22], $0x80, s30, s22, $0xb8;
	[tilespmem:$0x1D000] =	vst v63  }
0x54: {  	_ = 	snop  }
0x55: {  	[tilespmem:s23], [sflag:$0x2] =	stream.indirect.gather [hbm4b:s4+s22], $0x80, s22, s22, $0xb8;
	[tilespmem:$0x1D000] =	vst v63  }
0x56: {  	[bflag:$0x0] =	sbarrier.arrive $0xFFFF  }
0x57: {  	_ =	swait.ge [sflag:s24], $0x2000  }
0x58: {  	[sflag:s24] =	ssyncset.done $0x0  }
0x59: {  	s30 =	simm.s32 $0x2800;
	[sflag:s24] =	ssyncadd.s32 $0xFFFFE000  }
0x5a: {  	[spmem:s1] =	stream.indirect.scatter.add.f32 [tilespmem:s21], [sflag:$0x3], $0x80, s30, s22, $0xb8;
	[tilespmem:$0x1D000] =	vst v63  }
0x5b: {  	_ =	swait.ge [sflag:s19], $0x2000  }
0x5c: {  	[sflag:s19] =	ssyncset.done $0x0  }
0x5d: {  	s30 =	simm.s32 $0x80;
	[sflag:s19] =	ssyncadd.s32 $0xFFFFE000  }
0x5e: {  	[tilespmem:s21], [sflag:$0x1] =	stream.indirect.gather [hbm4b:s4+s22], $0x80, s30, s22, $0xb8;
	[tilespmem:$0x1D000] =	vst v63  }
0x5f: {  	_ =	swait.ge [sflag:s25], $0x2000  }
0x60: {  	[sflag:s25] =	ssyncset.done $0x0  }
0x61: {  	s30 =	simm.s32 $0x2840;
	[sflag:s25] =	ssyncadd.s32 $0xFFFFE000  }
0x62: {  	[spmem:s1] =	stream.indirect.scatter.add.f32 [tilespmem:s23], [sflag:$0x3], $0x80, s30, s22, $0xb8;
	[tilespmem:$0x1D000] =	vst v63  }
0x63: {  	_ =	swait.ge [sflag:s19], $0x2000  }
0x64: {  	[sflag:s19] =	ssyncset.done $0x0  }
0x65: {  	s31 =	simm.s32 $0xC0;
	s30 =	simm.s32 $0x200;
	[sflag:s19] =	ssyncadd.s32 $0xFFFFE000  }
.LBB2_4:
0x66: {  	[tilespmem:s23], [sflag:$0x2] =	stream.indirect.gather [hbm4b:s4+s22], $0x80, s31, s22, $0xb8;
	[tilespmem:$0x1D000] =	vst v63  }
0x67: {  	s31 =	smov.u32 s30  }
0x68: {  	p0 =	sne.s32 s30, $0x9C00;
	s30 =	sadd.s32 $0x200, s30;
	_ =	swait.ge [sflag:s24], $0x2000  }
0x69: {  	s31 =	sshra.s32 s31, $0x2;
	[sflag:s24] =	ssyncset.done $0x0  }
0x6a: {  	s0 =	sadd.s32 $0x2800, s31;
	[sflag:s24] =	ssyncadd.s32 $0xFFFFE000  }
0x6b: {  	[spmem:s1] =	stream.indirect.scatter.add.f32 [tilespmem:s21], [sflag:$0x3], $0x80, s0, s22, $0xb8;
	[tilespmem:$0x1D000] =	vst v63  }
0x6c: {  	_ =	swait.ge [sflag:s19], $0x2000  }
0x6d: {  	[sflag:s19] =	ssyncset.done $0x0  }
0x6e: {  	s0 =	sadd.s32 $0x80, s31;
	[sflag:s19] =	ssyncadd.s32 $0xFFFFE000  }
0x6f: {  	[tilespmem:s21], [sflag:$0x1] =	stream.indirect.gather [hbm4b:s4+s22], $0x80, s0, s22, $0xb8;
	[tilespmem:$0x1D000] =	vst v63  }
0x70: {  	_ =	swait.ge [sflag:s25], $0x2000  }
0x71: {  	[sflag:s25] =	ssyncset.done $0x0  }
.Ltmp1:
0x72: {  	s0 =	sadd.s32 $0x2840, s31;
	[sflag:s25] =	ssyncadd.s32 $0xFFFFE000;
	(pc) =	sbr.rel @p0 .LBB2_4-.Ltmp1, $4  }
0x73: {  	[spmem:s1] =	stream.indirect.scatter.add.f32 [tilespmem:s23], [sflag:$0x3], $0x80, s0, s22, $0xb8;
	[tilespmem:$0x1D000] =	vst v63  }
0x74: {  	_ =	swait.ge [sflag:s19], $0x2000  }
0x75: {  	[sflag:s19] =	ssyncset.done $0x0  }
0x76: {  	s31 =	sadd.s32 $0xC0, s31;
	[sflag:s19] =	ssyncadd.s32 $0xFFFFE000  }
0x77: {  	[tilespmem:s23], [sflag:$0x2] =	stream.indirect.gather [hbm4b:s4+s22], $0x80, s31, s22, $0xb8;
	[tilespmem:$0x1D000] =	vst v63  }
0x78: {  	_ =	swait.ge [sflag:s24], $0x2000  }
0x79: {  	[sflag:s24] =	ssyncset.done $0x0  }
0x7a: {  	[sflag:s24] =	ssyncadd.s32 $0xFFFFE000  }
0x7b: {  	[spmem:s1] =	stream.indirect.scatter.add.f32 [tilespmem:s21], [sflag:$0x3], $0x80, s26, s22, $0xb8;
	[tilespmem:$0x1D000] =	vst v63  }
0x7c: {  	_ =	swait.ge [sflag:s19], $0x2000  }
0x7d: {  	[sflag:s19] =	ssyncset.done $0x0  }
0x7e: {  	[sflag:s19] =	ssyncadd.s32 $0xFFFFE000  }
0x7f: {  	_ =	swait.ge [sflag:s25], $0x2000  }
0x80: {  	[sflag:s25] =	ssyncset.done $0x0  }
0x81: {  	[sflag:s25] =	ssyncadd.s32 $0xFFFFE000  }
0x82: {  	[spmem:s1] =	stream.indirect.scatter.add.f32 [tilespmem:s23], [sflag:$0x3], $0x80, s28, s22, $0xb8;
	[tilespmem:$0x1D000] =	vst v63  }
0x83: {  	_ =	swait.ge [sflag:s19], $0x2000  }
0x84: {  	s0 =	sshll.u32 s2, $0x6;
	s29 =	sadd.s32 $0x1, s29;
	[sflag:s19] =	ssyncset.done $0x0  }
0x85: {  	s30 =	sshrl.u32 s7, $0x3;
	p0 =	sne.s32 s29, s18;
	[sflag:s19] =	ssyncadd.s32 $0xFFFFE000  }
.Ltmp2:
0x86: {  	s0 =	sor.u32 $0x1C03, s0;
	[bflag:$0x0] =	sbarrier.arrive $0xFFFF;
	(pc) =	sbr.rel @p0 .LBB2_1-.Ltmp2, $4  }
0x87: {  	[hbm:s17], [sflag:s0] =	dma.local [spmem:s30], $0x2800  }
0x88: {  	_ =	swait.ge [sflag:s19], $0x2800  }
0x89: {  	[sflag:s19] =	ssyncset.done $0x0  }
0x8a: {  	[sflag:s19] =	ssyncadd.s32 $0xFFFFD800  }
0x8b: {  	_ =	sfence.sel $0x180000  }
0x8c: {  	[bflag:$0x0] =	sbarrier.arrive $0xFFFF  }
0x8d: {  	_ =	strace $0x90000047  }
0x8e: {  	[bflag:$0x2] =	sbarrier.arrive $0xFFFF  }
0x8f: {  	p0 =	sne.s32 s2, $0x0;
	s0 =	rddreg [dreg:$0x3]  }
0x90: {  	s0 =	sadd.s32 @!p0 $0x100000, s0  }
0x91: {  	[sflag:s0] =	ssyncadd.tile.s32 @!p0 $0x1;
	_ =	shalt  }
.Lfunc_end2:
_tile_overlayer_lowered:
.L_overlay_start_2:
0x92: {  	(tag) =	ssettag $0x2  }
0x93: {  	s0 =	rddreg [dreg:$0x0];
	s2 =	stileid.u32  }
0x94: {  	s1 =	rddreg [dreg:$0x1];
	p0 =	sne.s32 s2, $0x0  }
0x95: {  	s3 =	rddreg [dreg:$0x2];
	[bflag:$0x3] =	sbarrier.arrive $0xFFFF;
	s2 =	simm.s32 @!p0 $0x1C03  }
0x96: {  	[timem:s3], [sflag:s2] =	dma.local @!p0 [hbm:s0], s1  }
0x97: {  	s0 =	simm.s32 @!p0 $0x3  }
0x98: {  	_ =	swait.ge @!p0 [sflag:s0], s1  }
0x99: {  	s1 =	ssub.s32 @!p0 $0x0, s1;
	[sflag:s0] =	ssyncset.done @!p0 $0x0  }
0x9a: {  	[sflag:s0] =	ssyncadd.s32 @!p0 s1  }
0x9b: {  	[bflag:$0x3] =	sbarrier.arrive $0xFFFF  }
0x9c: {  	_ =	shalt  }

// kernel: kernel.14.cloned.1.call-start
scs
__scs_entry_jumppad:
0x0: {  	(pc) =	sbr.rel $0x88, $3  }
0x1: {  	(tag) =	ssettag $0x0;
	lr =	simm.s32 $0x1  }
0x2: {  	[smem:$0x3F98] =	sst lr;
	_ =	strace $0xD0000000  }
0x3: {  	_ = 	snop  }
0x4: {  	_ = 	snop  }
0x5: {  	_ = 	snop  }
0x6: {  	_ = 	snop  }
0x7: {  	_ = 	snop  }
__scs_overlays_trampoline_lowered:
0x8: {  	[smem:$0x3FA7] =	sst s0  }
0x9: {  	[smem:$0x3FA8] =	sst s1  }
0xa: {  	[smem:$0x3FA9] =	sst s2  }
0xb: {  	[smem:$0x3FAA] =	sst s3  }
0xc: {  	[smem:$0x3FAB] =	sst s4  }
0xd: {  	[smem:$0x3FAC] =	sst s5  }
0xe: {  	[smem:$0x3FAD] =	sst s6  }
0xf: {  	[smem:$0x3FAE] =	sst s7  }
0x10: {  	[smem:$0x3FAF] =	sst s8  }
0x11: {  	[smem:$0x3FB0] =	sst s9;
	s0 =	simm.s32 @!p0 $0x0  }
0x12: {  	s1 =	sld [smem:$0x3F96];
	s0 =	simm.s32 @p0 $0x1  }
0x13: {  	[smem:$0x3FB1] =	sst s0;
	s0 =	simm.s32 @!p1 $0x0  }
0x14: {  	s2 =	sld [smem:$0x3F95];
	s0 =	simm.s32 @p1 $0x1  }
0x15: {  	[smem:$0x3FB2] =	sst s0;
	s0 =	simm.s32 @!p2 $0x0  }
0x16: {  	s3 =	sld [smem:$0x3FDB];
	s0 =	simm.s32 @p2 $0x1  }
0x17: {  	s4 =	simm.s32 $0x1BF5;
	[smem:$0x3FB4] =	sst s0  }
0x18: {  	s0 =	sld [smem:$0x3F97];
	_ =	swait.ge [sflag:s4], $0x0  }
0x19: {  	s7 =	sld [smem:$0x3F98]  }
0x1a: {  	s8 =	sadd.s32 $0xFFFFE003, lr  }
0x1b: {  	s9 =	sadd.s32 $0xFFFFFEF7, lr;
	s5 =	simm.s32 $0xFFFFFFFF;
	p2 =	slt.u32 s8, $0xFFFFF086  }
0x1c: {  	p1 =	slt.u32 s9, $0xF7A;
	s5 =	simm.s32 @!p2 $0x0  }
0x1d: {  	s5 =	simm.s32 @p1 $0x1;
	p0 =	seq.s32 s7, s2  }
0x1e: {  	s7 =	smul.u32 @!p0 $0xF7A, s2;
	p2 =	seq.s32 @!p0 s5, $0x0  }
0x1f: {  	s9 =	smul.u32 $0xF7A, s1;
	s8 =	simm.s32 @!p0 $0x1BF5;
	p2 =	por !p2, p0  }
0x20: {  	[sflag:s8] =	ssyncset.s32 @!p0 $0xFFFFF086;
	s6 =	sadd.s32 @!p0 s3, s7;
	s7 =	simm.s32 @!p0 $0x108  }
0x21: {  	s3 =	sadd.s32 s3, s9;
	s6 =	sadd.s32 @!p0 $0x88, s6;
	s7 =	simm.s32 @p2 $0x1082  }
0x22: {  	[simem:s7], [sflag:s8] =	dma.local @!p0 [hbm:s6], $0xF7A  }
0x23: {  	s9 =	sor.u32 $0xD0000000, s2;
	s6 =	simm.s32 $0x108;
	_ =	swait.ge @!p0 [sflag:s8], $0x0  }
0x24: {  	s3 =	sadd.s32 $0x88, s3;
	s6 =	simm.s32 @!p1 $0x1082;
	[sflag:s4] =	ssyncset.s32 $0xFFFFF086  }
0x25: {  	[simem:s6], [sflag:s4] =	dma.local [hbm:s3], $0xF7A  }
0x26: {  	[smem:$0x3F98] =	sst s1;
	(tag) =	ssettag s2;
	_ =	strace s9  }
0x27: {  	s1 =	sld [smem:$0x3FA8]  }
0x28: {  	s2 =	sld [smem:$0x3FA9]  }
0x29: {  	s4 =	sld [smem:$0x3FAB]  }
0x2a: {  	p0 =	seq.s32 s5, $0x0;
	s5 =	sld [smem:$0x3FAC]  }
0x2b: {  	s6 =	sld [smem:$0x3FAD]  }
0x2c: {  	s7 =	sld [smem:$0x3FAE]  }
0x2d: {  	s3 =	simm.s32 $0x108;
	s8 =	sld [smem:$0x3FAF]  }
0x2e: {  	s3 =	simm.s32 @!p0 $0x1082;
	s9 =	sld [smem:$0x3FB0]  }
0x2f: {  	lr =	sadd.s32 s0, s3;
	s0 =	sld [smem:$0x3FA7]  }
0x30: {  	s3 =	sld [smem:$0x3FAA]  }
0x31: {  	[smem:$0x3FB3] =	sst s10  }
0x32: {  	s10 =	sld [smem:$0x3FB1];
	_ =	sdelay $0x3  }
0x33: {  	p0 =	seq.s32 s10, $0x1;
	s10 =	sld [smem:$0x3FB3];
	_ =	sdelay $0x3  }
0x34: {  	[smem:$0x3FB3] =	sst s10  }
0x35: {  	s10 =	sld [smem:$0x3FB2];
	_ =	sdelay $0x3  }
0x36: {  	p1 =	seq.s32 s10, $0x1;
	s10 =	sld [smem:$0x3FB3];
	_ =	sdelay $0x3  }
0x37: {  	[smem:$0x3FB3] =	sst s10  }
0x38: {  	s10 =	sld [smem:$0x3FB4]  }
0x39: {  	_ = 	snop;
	(pc) =	sbr.ind lr, $3  }
0x3a: {  	_ = 	snop  }
0x3b: {  	_ = 	snop  }
0x3c: {  	p2 =	seq.s32 s10, $0x1;
	s10 =	sld [smem:$0x3FB3]  }
0x3d: {  	_ =	shalt  }
0x3e: {  	_ =	shalt  }
0x3f: {  	_ =	shalt  }
0x40: {  	_ =	shalt  }
0x41: {  	_ =	shalt  }
0x42: {  	_ =	shalt  }
0x43: {  	_ =	shalt  }
0x44: {  	_ =	shalt  }
0x45: {  	_ =	shalt  }
0x46: {  	_ =	shalt  }
0x47: {  	_ =	shalt  }
0x48: {  	_ =	shalt  }
0x49: {  	_ =	shalt  }
0x4a: {  	_ =	shalt  }
0x4b: {  	_ =	shalt  }
0x4c: {  	_ =	shalt  }
0x4d: {  	_ =	shalt  }
0x4e: {  	_ =	shalt  }
0x4f: {  	_ =	shalt  }
0x50: {  	_ =	shalt  }
0x51: {  	_ =	shalt  }
0x52: {  	_ =	shalt  }
0x53: {  	_ =	shalt  }
0x54: {  	_ =	shalt  }
0x55: {  	_ =	shalt  }
0x56: {  	_ =	shalt  }
0x57: {  	_ =	shalt  }
0x58: {  	_ =	shalt  }
0x59: {  	_ =	shalt  }
0x5a: {  	_ =	shalt  }
0x5b: {  	_ =	shalt  }
0x5c: {  	_ =	shalt  }
0x5d: {  	_ =	shalt  }
0x5e: {  	_ =	shalt  }
0x5f: {  	_ =	shalt  }
0x60: {  	_ =	shalt  }
0x61: {  	_ =	shalt  }
0x62: {  	_ =	shalt  }
0x63: {  	_ =	shalt  }
0x64: {  	_ =	shalt  }
0x65: {  	_ =	shalt  }
0x66: {  	_ =	shalt  }
0x67: {  	_ =	shalt  }
0x68: {  	_ =	shalt  }
0x69: {  	_ =	shalt  }
0x6a: {  	_ =	shalt  }
0x6b: {  	_ =	shalt  }
0x6c: {  	_ =	shalt  }
0x6d: {  	_ =	shalt  }
0x6e: {  	_ =	shalt  }
0x6f: {  	_ =	shalt  }
0x70: {  	_ =	shalt  }
0x71: {  	_ =	shalt  }
0x72: {  	_ =	shalt  }
0x73: {  	_ =	shalt  }
0x74: {  	_ =	shalt  }
0x75: {  	_ =	shalt  }
0x76: {  	_ =	shalt  }
0x77: {  	_ =	shalt  }
0x78: {  	_ =	shalt  }
0x79: {  	_ =	shalt  }
0x7a: {  	_ =	shalt  }
0x7b: {  	_ =	shalt  }
0x7c: {  	_ =	shalt  }
0x7d: {  	_ =	shalt  }
0x7e: {  	_ =	shalt  }
0x7f: {  	_ =	shalt  }
0x80: {  	_ =	shalt  }
0x81: {  	_ =	shalt  }
0x82: {  	_ =	shalt  }
0x83: {  	_ =	shalt  }
0x84: {  	_ =	shalt  }
0x85: {  	_ =	shalt  }
0x86: {  	_ =	shalt  }
0x87: {  	_ =	shalt  }
.Lfunc_end0:
.L_simem_size_0:
called_computation.1_lowered:
.L_overlay_start_0:
0x88: {  	s2 =	sld [smem:$0x3FD9]  }
0x89: {  	s3 =	sld [smem:$0x3FFE];
	_ =	sdelay $0x1  }
0x8a: {  	s1 =	srdreg.scid  }
0x8b: {  	s0 =	sand.u32 $0x1, s1  }
0x8c: {  	s17 =	sshll.u32 s0, $0xA;
	s2 =	sadd.s32 s3, s2  }
0x8d: {  	s2 =	sadd.s32 s2, s17  }
0x8e: {  	[smem:$0x3FBF] =	sst s2  }
0x8f: {  	_ = 	snop  }
0x90: {  	s2 =	sld [smem:$0x3FD0];
	(tm) =	ssettm $0x1  }
0x91: {  	s18 =	sld [smem:$0x3FFB];
	_ =	sdelay $0x3  }
0x92: {  	_ =	strace s18  }
0x93: {  	s3 =	sld [smem:$0x3FFC];
	_ =	sdelay $0x3  }
0x94: {  	_ =	strace s3  }
0x95: {  	s3 =	sld [smem:$0x3FFD];
	_ =	sdelay $0x3  }
0x96: {  	_ =	strace s3  }
0x97: {  	_ =	strace $0x8FFFFFFF  }
0x98: {  	s19 =	sld [smem:$0x3FDB];
	_ =	sdelay $0x1  }
0x99: {  	s4 =	simm.s32 $_scs_section_size  }
0x9a: {  	s5 =	simm.s32 $_size__tile_overlayer_lowered;
	s6 =	simm.s32 $_tile_overlayer_lowered  }
0x9b: {  	s22 =	simm.s32 $0x1BFF;
	s21 =	sshll.u32 s6, $0x1;
	s3 =	sadd.s32 s4, s19  }
0x9c: {  	s7 =	simm.s32 $0x0;
	s20 =	sshll.u32 s5, $0x1;
	s5 =	sadd.s32 s21, s3  }
0x9d: {  	[timem:s7], [sflag:s22] =	dma.local [hbm:s5], s20  }
0x9e: {  	_ =	swait.ge [sflag:s22], s20  }
0x9f: {  	s4 =	ssub.s32 $0x0, s20;
	[sflag:s22] =	ssyncset.done $0x0  }
0xa0: {  	[sflag:s22] =	ssyncadd.s32 s4;
	_ =	sdelay $0x1  }
0xa1: {  	s23 =	simm.s32 $0x1B8B  }
0xa2: {  	_ =	swait.ge [sflag:s23], $0x1  }
0xa3: {  	[sflag:s23] =	ssyncset.done $0x0  }
0xa4: {  	s25 =	simm.s32 $0x1B8E;
	s24 =	sld [smem:$0x3FFE];
	[sflag:s23] =	ssyncadd.s32 $0xFFFFFFFF  }
0xa5: {  	s26 =	simm.s32 $execute0_lowered;
	[smem:$0x3FD2] =	sst s25  }
0xa6: {  	s5 =	sshll.u32 s26, $0x1;
	_ =	strace $0x80000049;
	[dreg:$0x1] =	wrdreg $0xFFFFFFFF  }
0xa7: {  	s28 =	simm.s32 $_size_execute0_lowered;
	s3 =	sadd.s32 s3, s5;
	[dreg:$0x0] =	wrdreg $0x0  }
0xa8: {  	s5 =	sshll.u32 s28, $0x1;
	[dreg:$0x2] =	wrdreg s3  }
0xa9: {  	[dreg:$0x3] =	wrdreg s5  }
0xaa: {  	[dreg:$0x4] =	wrdreg $0xC0  }
0xab: {  	_ =	task [dreg:s7], $0x5FFFF  }
0xac: {  	[dreg:$0x1] =	wrdreg $0xFFFFFFFF  }
0xad: {  	[dreg:$0x0] =	wrdreg $0x60  }
0xae: {  	[dreg:$0x2] =	wrdreg s24  }
0xaf: {  	[dreg:$0x3] =	wrdreg s2  }
0xb0: {  	[dreg:$0x4] =	wrdreg $0x90000  }
0xb1: {  	[dreg:$0x5] =	wrdreg $0x9  }
0xb2: {  	_ =	task.clear_ibuf [dreg:s7], $0x6FFFF;
	_ =	strace $0x90000049  }
0xb3: {  	s29 =	simm.s32 $0x9;
	_ =	strace $0x8000004B  }
0xb4: {  	_ =	swait.ge [sflag:s29], $0x1  }
0xb5: {  	[sflag:s29] =	ssyncadd.s32 $0xFFFFFFFF  }
0xb6: {  	_ =	strace $0x9000004B  }
0xb7: {  	_ =	sfence  }
0xb8: {  	s30 =	sld [smem:$0x0];
	_ =	sdelay $0x2  }
0xb9: {  	s31 =	sshll.u32 s1, $0xD;
	s1 =	sshrl.u32 s1, $0x2  }
0xba: {  	s3 =	sand.u32 $0x4000, s31;
	s1 =	sadd.s32 s1, s30  }
0xbb: {  	s0 =	sor.u32 s3, s0;
	s1 =	sshll.u32 s1, $0x11  }
0xbc: {  	s0 =	sor.u32 s1, s0  }
0xbd: {  	s0 =	sadd.s32 $0x8F2B, s0  }
0xbe: {  	[sflag:s0] =	ssyncadd.remote.s32 $0x1  }
0xbf: {  	_ =	sfence.sel $0xFFFF  }
0xc0: {  	[dreg:$0x0] =	wrdreg $0xFFFFFFFF;
	(pc) =	sbr.abs _section_cstart, $3  }
0xc1: {  	[dreg:$0x1] =	wrdreg $0xFFFFFFFF  }
0xc2: {  	_ =	task.clear_ibuf [dreg:s7], $0x2FFFF;
	_ =	strace $0x9FFFFFFF  }
0xc3: {  	(tm) =	ssettm $0x7FFFFFFF  }
tec
execute0_lowered:
.L_overlay_start_1:
0x0: {  	(tag) =	ssettag $0x1  }
0x1: {  	s5 =	rddreg [dreg:$0x0]  }
0x2: {  	s6 =	rddreg [dreg:$0x1]  }
0x3: {  	s1 =	rddreg [dreg:$0x2]  }
0x4: {  	s2 =	srdreg.scid;
	s3 =	simm.s32 $0x0;
	s19 =	simm.s32 $0x3  }
0x5: {  	s20 =	simm.s32 $0x2800;
	s21 =	simm.s32 $0x5000;
	s22 =	simm.s32 $0x40  }
0x6: {  	s23 =	simm.s32 $0x7000;
	s24 =	simm.s32 $0x1;
	s25 =	simm.s32 $0x2  }
0x7: {  	s26 =	simm.s32 $0x4F80;
	s28 =	simm.s32 $0x4FC0;
	s7 =	sand.u32 $0x1, s2  }
0x8: {  	s29 =	simm.s32 $0x0;
	s2 =	stileid.u32;
	s8 =	smul.u32 $0x140000, s7  }
0x9: {  	[smem:$0x7FF] =	sst s3;
	s4 =	sshll.u32 s7, $0x4;
	s10 =	smul.u32 $0x14000, s2  }
0xa: {  	_ =	strace $0x8000004A;
	s7 =	ssub.s32 $0x2, s7;
	s30 =	smul.u32 $0x50000, s2  }
0xb: {  	s9 =	sor.u32 s2, s4;
	s4 =	sadd.s32 $0xA8600, s5;
	s12 =	sshrl.u32 s7, $0x1  }
0xc: {  	s9 =	smul.u32 $0x500, s9;
	s8 =	sadd.s32 s10, s8;
	s31 =	sshrl.u32 s30, $0x2  }
0xd: {  	s18 =	ssub.s32 s7, s12;
	s8 =	sshrl.u32 s8, $0x3;
	s7 =	sadd.s32 s31, s1  }
0xe: {  	s18 =	smax.u32 s18, $0x1;
	s11 =	sadd.s32 s9, s5;
	s17 =	sadd.s32 s8, s5  }
0xf: {  	s5 =	sadd.s32 s6, s9;
	s8 =	sadd.s32 $0x2000, s7;
	s9 =	sadd.s32 $0x4000, s7  }
0x10: {  	s10 =	sadd.s32 $0x6000, s7;
	s12 =	sadd.s32 $0xA000, s7;
	s13 =	sadd.s32 $0xC000, s7  }
0x11: {  	s14 =	sadd.s32 $0xE000, s7;
	s15 =	sadd.s32 $0x10000, s7;
	s16 =	sadd.s32 $0x12000, s7  }
0x12: {  	v0 =	vimm.f32 $0.0e+00;
	s6 =	sadd.s32 $0x2200, s11;
	s11 =	sadd.s32 $0x8000, s7;
	s17 =	sadd.s32 $0xC200, s17  }
.LBB2_1:
0x13: {  	[tilespmem:s3], [sflag:$0x3] =	stream.linear.gather [hbm4b:s5+s3], $0x2800, $0x38;
	[tilespmem:$0x1D000] =	vst v63  }
0x14: {  	_ =	swait.ge [sflag:s19], $0x2800  }
0x15: {  	[sflag:s19] =	ssyncset.done $0x0  }
0x16: {  	[sflag:s19] =	ssyncadd.s32 $0xFFFFD800  }
0x17: {  	[tilespmem:s20], [sflag:$0x3] =	stream.linear.gather [hbm4b:s6+s3], $0x2800, $0x38;
	[tilespmem:$0x1D000] =	vst v63  }
0x18: {  	_ =	swait.ge [sflag:s19], $0x2800  }
0x19: {  	[sflag:s19] =	ssyncset.done $0x0  }
0x1a: {  	s30 =	simm.s32 $0x0;
	s31 =	simm.s32 $0x200;
	[sflag:s19] =	ssyncadd.s32 $0xFFFFD800  }
.LBB2_2:
0x1b: {  	p0 =	sne.s32 s31, $0x7E00;
	[tilespmem:s30+$0x5070] =	vst v0  }
0x1c: {  	[tilespmem:s30+$0x5000] =	vst v0  }
0x1d: {  	[tilespmem:s30+$0x5010] =	vst v0  }
.Ltmp0:
0x1e: {  	[tilespmem:s30+$0x5020] =	vst v0;
	(pc) =	sbr.rel @p0 .LBB2_2-.Ltmp0, $4  }
0x1f: {  	[tilespmem:s30+$0x5030] =	vst v0  }
0x20: {  	[tilespmem:s30+$0x5040] =	vst v0  }
0x21: {  	[tilespmem:s30+$0x5050] =	vst v0  }
0x22: {  	[tilespmem:s30+$0x5060] =	vst v0;
	s30 =	sshra.s32 s31, $0x2;
	s31 =	sadd.s32 $0x200, s31  }
0x23: {  	[tilespmem:s30+$0x5070] =	vst v0  }
0x24: {  	[tilespmem:s30+$0x5000] =	vst v0  }
0x25: {  	[tilespmem:s30+$0x5010] =	vst v0  }
0x26: {  	[tilespmem:s30+$0x5020] =	vst v0  }
0x27: {  	[tilespmem:s30+$0x5030] =	vst v0  }
0x28: {  	[tilespmem:s30+$0x5040] =	vst v0  }
0x29: {  	[tilespmem:s30+$0x5050] =	vst v0  }
0x2a: {  	[tilespmem:s30+$0x5060] =	vst v0  }
0x2b: {  	[spmem:s7] =	stream.linear.scatter [tilespmem:s21], [sflag:$0x3], $0x2000, $0x38;
	[tilespmem:$0x1D000] =	vst v63  }
0x2c: {  	_ =	swait.ge [sflag:s19], $0x2000  }
0x2d: {  	[sflag:s19] =	ssyncset.done $0x0  }
0x2e: {  	[sflag:s19] =	ssyncadd.s32 $0xFFFFE000  }
0x2f: {  	[spmem:s8] =	stream.linear.scatter [tilespmem:s21], [sflag:$0x3], $0x2000, $0x38;
	[tilespmem:$0x1D000] =	vst v63  }
0x30: {  	_ =	swait.ge [sflag:s19], $0x2000  }
0x31: {  	[sflag:s19] =	ssyncset.done $0x0  }
0x32: {  	[sflag:s19] =	ssyncadd.s32 $0xFFFFE000  }
0x33: {  	[spmem:s9] =	stream.linear.scatter [tilespmem:s21], [sflag:$0x3], $0x2000, $0x38;
	[tilespmem:$0x1D000] =	vst v63  }
0x34: {  	_ =	swait.ge [sflag:s19], $0x2000  }
0x35: {  	[sflag:s19] =	ssyncset.done $0x0  }
0x36: {  	[sflag:s19] =	ssyncadd.s32 $0xFFFFE000  }
0x37: {  	[spmem:s10] =	stream.linear.scatter [tilespmem:s21], [sflag:$0x3], $0x2000, $0x38;
	[tilespmem:$0x1D000] =	vst v63  }
0x38: {  	_ =	swait.ge [sflag:s19], $0x2000  }
0x39: {  	[sflag:s19] =	ssyncset.done $0x0  }
0x3a: {  	[sflag:s19] =	ssyncadd.s32 $0xFFFFE000  }
0x3b: {  	[spmem:s11] =	stream.linear.scatter [tilespmem:s21], [sflag:$0x3], $0x2000, $0x38;
	[tilespmem:$0x1D000] =	vst v63  }
0x3c: {  	_ =	swait.ge [sflag:s19], $0x2000  }
0x3d: {  	[sflag:s19] =	ssyncset.done $0x0  }
0x3e: {  	[sflag:s19] =	ssyncadd.s32 $0xFFFFE000  }
0x3f: {  	[spmem:s12] =	stream.linear.scatter [tilespmem:s21], [sflag:$0x3], $0x2000, $0x38;
	[tilespmem:$0x1D000] =	vst v63  }
0x40: {  	_ =	swait.ge [sflag:s19], $0x2000  }
0x41: {  	[sflag:s19] =	ssyncset.done $0x0  }
0x42: {  	[sflag:s19] =	ssyncadd.s32 $0xFFFFE000  }
0x43: {  	[spmem:s13] =	stream.linear.scatter [tilespmem:s21], [sflag:$0x3], $0x2000, $0x38;
	[tilespmem:$0x1D000] =	vst v63  }
0x44: {  	_ =	swait.ge [sflag:s19], $0x2000  }
0x45: {  	[sflag:s19] =	ssyncset.done $0x0  }
0x46: {  	[sflag:s19] =	ssyncadd.s32 $0xFFFFE000  }
0x47: {  	[spmem:s14] =	stream.linear.scatter [tilespmem:s21], [sflag:$0x3], $0x2000, $0x38;
	[tilespmem:$0x1D000] =	vst v63  }
0x48: {  	_ =	swait.ge [sflag:s19], $0x2000  }
0x49: {  	[sflag:s19] =	ssyncset.done $0x0  }
0x4a: {  	[sflag:s19] =	ssyncadd.s32 $0xFFFFE000  }
0x4b: {  	[spmem:s15] =	stream.linear.scatter [tilespmem:s21], [sflag:$0x3], $0x2000, $0x38;
	[tilespmem:$0x1D000] =	vst v63  }
0x4c: {  	_ =	swait.ge [sflag:s19], $0x2000  }
0x4d: {  	[sflag:s19] =	ssyncset.done $0x0  }
0x4e: {  	[sflag:s19] =	ssyncadd.s32 $0xFFFFE000  }
0x4f: {  	[spmem:s16] =	stream.linear.scatter [tilespmem:s21], [sflag:$0x3], $0x2000, $0x38;
	[tilespmem:$0x1D000] =	vst v63  }
0x50: {  	_ =	swait.ge [sflag:s19], $0x2000  }
0x51: {  	[sflag:s19] =	ssyncset.done $0x0  }
0x52: {  	s30 =	simm.s32 $0x0;
	[sflag:s19] =	ssyncadd.s32 $0xFFFFE000  }
0x53: {  	[tilespmem:s21], [sflag:$0x1] =	stream.indirect.gather [hbm4b:s4+s22], $0x80, s30, s22, $0xb8;
	[tilespmem:$0x1D000] =	vst v63  }
0x54: {  	_ = 	snop  }
0x55: {  	[tilespmem:s23], [sflag:$0x2] =	stream.indirect.gather [hbm4b:s4+s22], $0x80, s22, s22, $0xb8;
	[tilespmem:$0x1D000] =	vst v63  }
0x56: {  	[bflag:$0x0] =	sbarrier.arrive $0xFFFF  }
0x57: {  	_ =	swait.ge [sflag:s24], $0x2000  }
0x58: {  	[sflag:s24] =	ssyncset.done $0x0  }
0x59: {  	s30 =	simm.s32 $0x2800;
	[sflag:s24] =	ssyncadd.s32 $0xFFFFE000  }
0x5a: {  	[spmem:s1] =	stream.indirect.scatter.add.f32 [tilespmem:s21], [sflag:$0x3], $0x80, s30, s22, $0xb8;
	[tilespmem:$0x1D000] =	vst v63  }
0x5b: {  	_ =	swait.ge [sflag:s19], $0x2000  }
0x5c: {  	[sflag:s19] =	ssyncset.done $0x0  }
0x5d: {  	s30 =	simm.s32 $0x80;
	[sflag:s19] =	ssyncadd.s32 $0xFFFFE000  }
0x5e: {  	[tilespmem:s21], [sflag:$0x1] =	stream.indirect.gather [hbm4b:s4+s22], $0x80, s30, s22, $0xb8;
	[tilespmem:$0x1D000] =	vst v63  }
0x5f: {  	_ =	swait.ge [sflag:s25], $0x2000  }
0x60: {  	[sflag:s25] =	ssyncset.done $0x0  }
0x61: {  	s30 =	simm.s32 $0x2840;
	[sflag:s25] =	ssyncadd.s32 $0xFFFFE000  }
0x62: {  	[spmem:s1] =	stream.indirect.scatter.add.f32 [tilespmem:s23], [sflag:$0x3], $0x80, s30, s22, $0xb8;
	[tilespmem:$0x1D000] =	vst v63  }
0x63: {  	_ =	swait.ge [sflag:s19], $0x2000  }
0x64: {  	[sflag:s19] =	ssyncset.done $0x0  }
0x65: {  	s31 =	simm.s32 $0xC0;
	s30 =	simm.s32 $0x200;
	[sflag:s19] =	ssyncadd.s32 $0xFFFFE000  }
.LBB2_4:
0x66: {  	[tilespmem:s23], [sflag:$0x2] =	stream.indirect.gather [hbm4b:s4+s22], $0x80, s31, s22, $0xb8;
	[tilespmem:$0x1D000] =	vst v63  }
0x67: {  	s31 =	smov.u32 s30  }
0x68: {  	p0 =	sne.s32 s30, $0x9C00;
	s30 =	sadd.s32 $0x200, s30;
	_ =	swait.ge [sflag:s24], $0x2000  }
0x69: {  	s31 =	sshra.s32 s31, $0x2;
	[sflag:s24] =	ssyncset.done $0x0  }
0x6a: {  	s0 =	sadd.s32 $0x2800, s31;
	[sflag:s24] =	ssyncadd.s32 $0xFFFFE000  }
0x6b: {  	[spmem:s1] =	stream.indirect.scatter.add.f32 [tilespmem:s21], [sflag:$0x3], $0x80, s0, s22, $0xb8;
	[tilespmem:$0x1D000] =	vst v63  }
0x6c: {  	_ =	swait.ge [sflag:s19], $0x2000  }
0x6d: {  	[sflag:s19] =	ssyncset.done $0x0  }
0x6e: {  	s0 =	sadd.s32 $0x80, s31;
	[sflag:s19] =	ssyncadd.s32 $0xFFFFE000  }
0x6f: {  	[tilespmem:s21], [sflag:$0x1] =	stream.indirect.gather [hbm4b:s4+s22], $0x80, s0, s22, $0xb8;
	[tilespmem:$0x1D000] =	vst v63  }
0x70: {  	_ =	swait.ge [sflag:s25], $0x2000  }
0x71: {  	[sflag:s25] =	ssyncset.done $0x0  }
.Ltmp1:
0x72: {  	s0 =	sadd.s32 $0x2840, s31;
	[sflag:s25] =	ssyncadd.s32 $0xFFFFE000;
	(pc) =	sbr.rel @p0 .LBB2_4-.Ltmp1, $4  }
0x73: {  	[spmem:s1] =	stream.indirect.scatter.add.f32 [tilespmem:s23], [sflag:$0x3], $0x80, s0, s22, $0xb8;
	[tilespmem:$0x1D000] =	vst v63  }
0x74: {  	_ =	swait.ge [sflag:s19], $0x2000  }
0x75: {  	[sflag:s19] =	ssyncset.done $0x0  }
0x76: {  	s31 =	sadd.s32 $0xC0, s31;
	[sflag:s19] =	ssyncadd.s32 $0xFFFFE000  }
0x77: {  	[tilespmem:s23], [sflag:$0x2] =	stream.indirect.gather [hbm4b:s4+s22], $0x80, s31, s22, $0xb8;
	[tilespmem:$0x1D000] =	vst v63  }
0x78: {  	_ =	swait.ge [sflag:s24], $0x2000  }
0x79: {  	[sflag:s24] =	ssyncset.done $0x0  }
0x7a: {  	[sflag:s24] =	ssyncadd.s32 $0xFFFFE000  }
0x7b: {  	[spmem:s1] =	stream.indirect.scatter.add.f32 [tilespmem:s21], [sflag:$0x3], $0x80, s26, s22, $0xb8;
	[tilespmem:$0x1D000] =	vst v63  }
0x7c: {  	_ =	swait.ge [sflag:s19], $0x2000  }
0x7d: {  	[sflag:s19] =	ssyncset.done $0x0  }
0x7e: {  	[sflag:s19] =	ssyncadd.s32 $0xFFFFE000  }
0x7f: {  	_ =	swait.ge [sflag:s25], $0x2000  }
0x80: {  	[sflag:s25] =	ssyncset.done $0x0  }
0x81: {  	[sflag:s25] =	ssyncadd.s32 $0xFFFFE000  }
0x82: {  	[spmem:s1] =	stream.indirect.scatter.add.f32 [tilespmem:s23], [sflag:$0x3], $0x80, s28, s22, $0xb8;
	[tilespmem:$0x1D000] =	vst v63  }
0x83: {  	_ =	swait.ge [sflag:s19], $0x2000  }
0x84: {  	s0 =	sshll.u32 s2, $0x6;
	s29 =	sadd.s32 $0x1, s29;
	[sflag:s19] =	ssyncset.done $0x0  }
0x85: {  	s30 =	sshrl.u32 s7, $0x3;
	p0 =	sne.s32 s29, s18;
	[sflag:s19] =	ssyncadd.s32 $0xFFFFE000  }
.Ltmp2:
0x86: {  	s0 =	sor.u32 $0x1C03, s0;
	[bflag:$0x0] =	sbarrier.arrive $0xFFFF;
	(pc) =	sbr.rel @p0 .LBB2_1-.Ltmp2, $4  }
0x87: {  	[hbm:s17], [sflag:s0] =	dma.local [spmem:s30], $0x2800  }
0x88: {  	_ =	swait.ge [sflag:s19], $0x2800  }
0x89: {  	[sflag:s19] =	ssyncset.done $0x0  }
0x8a: {  	[sflag:s19] =	ssyncadd.s32 $0xFFFFD800  }
0x8b: {  	_ =	sfence.sel $0x180000  }
0x8c: {  	[bflag:$0x0] =	sbarrier.arrive $0xFFFF  }
0x8d: {  	_ =	strace $0x9000004A  }
0x8e: {  	[bflag:$0x2] =	sbarrier.arrive $0xFFFF  }
0x8f: {  	p0 =	sne.s32 s2, $0x0;
	s0 =	rddreg [dreg:$0x3]  }
0x90: {  	s0 =	sadd.s32 @!p0 $0x100000, s0  }
0x91: {  	[sflag:s0] =	ssyncadd.tile.s32 @!p0 $0x1;
	_ =	shalt  }
.Lfunc_end2:
_tile_overlayer_lowered:
.L_overlay_start_2:
0x92: {  	(tag) =	ssettag $0x2  }
0x93: {  	s0 =	rddreg [dreg:$0x0];
	s2 =	stileid.u32  }
0x94: {  	s1 =	rddreg [dreg:$0x1];
	p0 =	sne.s32 s2, $0x0  }
0x95: {  	s3 =	rddreg [dreg:$0x2];
	[bflag:$0x3] =	sbarrier.arrive $0xFFFF;
	s2 =	simm.s32 @!p0 $0x1C03  }
0x96: {  	[timem:s3], [sflag:s2] =	dma.local @!p0 [hbm:s0], s1  }
0x97: {  	s0 =	simm.s32 @!p0 $0x3  }
0x98: {  	_ =	swait.ge @!p0 [sflag:s0], s1  }
0x99: {  	s1 =	ssub.s32 @!p0 $0x0, s1;
	[sflag:s0] =	ssyncset.done @!p0 $0x0  }
0x9a: {  	[sflag:s0] =	ssyncadd.s32 @!p0 s1  }
0x9b: {  	[bflag:$0x3] =	sbarrier.arrive $0xFFFF  }
0x9c: {  	_ =	shalt  }

// kernel: kernel.17.cloned.1.call-start
scs
__scs_entry_jumppad:
0x0: {  	(pc) =	sbr.rel $0x88, $3  }
0x1: {  	(tag) =	ssettag $0x0;
	lr =	simm.s32 $0x1  }
0x2: {  	[smem:$0x3F98] =	sst lr;
	_ =	strace $0xD0000000  }
0x3: {  	_ = 	snop  }
0x4: {  	_ = 	snop  }
0x5: {  	_ = 	snop  }
0x6: {  	_ = 	snop  }
0x7: {  	_ = 	snop  }
__scs_overlays_trampoline_lowered:
0x8: {  	[smem:$0x3FA7] =	sst s0  }
0x9: {  	[smem:$0x3FA8] =	sst s1  }
0xa: {  	[smem:$0x3FA9] =	sst s2  }
0xb: {  	[smem:$0x3FAA] =	sst s3  }
0xc: {  	[smem:$0x3FAB] =	sst s4  }
0xd: {  	[smem:$0x3FAC] =	sst s5  }
0xe: {  	[smem:$0x3FAD] =	sst s6  }
0xf: {  	[smem:$0x3FAE] =	sst s7  }
0x10: {  	[smem:$0x3FAF] =	sst s8  }
0x11: {  	[smem:$0x3FB0] =	sst s9;
	s0 =	simm.s32 @!p0 $0x0  }
0x12: {  	s1 =	sld [smem:$0x3F96];
	s0 =	simm.s32 @p0 $0x1  }
0x13: {  	[smem:$0x3FB1] =	sst s0;
	s0 =	simm.s32 @!p1 $0x0  }
0x14: {  	s2 =	sld [smem:$0x3F95];
	s0 =	simm.s32 @p1 $0x1  }
0x15: {  	[smem:$0x3FB2] =	sst s0;
	s0 =	simm.s32 @!p2 $0x0  }
0x16: {  	s3 =	sld [smem:$0x3FDB];
	s0 =	simm.s32 @p2 $0x1  }
0x17: {  	s4 =	simm.s32 $0x1BF5;
	[smem:$0x3FB4] =	sst s0  }
0x18: {  	s0 =	sld [smem:$0x3F97];
	_ =	swait.ge [sflag:s4], $0x0  }
0x19: {  	s7 =	sld [smem:$0x3F98]  }
0x1a: {  	s8 =	sadd.s32 $0xFFFFE003, lr  }
0x1b: {  	s9 =	sadd.s32 $0xFFFFFEF7, lr;
	s5 =	simm.s32 $0xFFFFFFFF;
	p2 =	slt.u32 s8, $0xFFFFF086  }
0x1c: {  	p1 =	slt.u32 s9, $0xF7A;
	s5 =	simm.s32 @!p2 $0x0  }
0x1d: {  	s5 =	simm.s32 @p1 $0x1;
	p0 =	seq.s32 s7, s2  }
0x1e: {  	s7 =	smul.u32 @!p0 $0xF7A, s2;
	p2 =	seq.s32 @!p0 s5, $0x0  }
0x1f: {  	s9 =	smul.u32 $0xF7A, s1;
	s8 =	simm.s32 @!p0 $0x1BF5;
	p2 =	por !p2, p0  }
0x20: {  	[sflag:s8] =	ssyncset.s32 @!p0 $0xFFFFF086;
	s6 =	sadd.s32 @!p0 s3, s7;
	s7 =	simm.s32 @!p0 $0x108  }
0x21: {  	s3 =	sadd.s32 s3, s9;
	s6 =	sadd.s32 @!p0 $0x88, s6;
	s7 =	simm.s32 @p2 $0x1082  }
0x22: {  	[simem:s7], [sflag:s8] =	dma.local @!p0 [hbm:s6], $0xF7A  }
0x23: {  	s9 =	sor.u32 $0xD0000000, s2;
	s6 =	simm.s32 $0x108;
	_ =	swait.ge @!p0 [sflag:s8], $0x0  }
0x24: {  	s3 =	sadd.s32 $0x88, s3;
	s6 =	simm.s32 @!p1 $0x1082;
	[sflag:s4] =	ssyncset.s32 $0xFFFFF086  }
0x25: {  	[simem:s6], [sflag:s4] =	dma.local [hbm:s3], $0xF7A  }
0x26: {  	[smem:$0x3F98] =	sst s1;
	(tag) =	ssettag s2;
	_ =	strace s9  }
0x27: {  	s1 =	sld [smem:$0x3FA8]  }
0x28: {  	s2 =	sld [smem:$0x3FA9]  }
0x29: {  	s4 =	sld [smem:$0x3FAB]  }
0x2a: {  	p0 =	seq.s32 s5, $0x0;
	s5 =	sld [smem:$0x3FAC]  }
0x2b: {  	s6 =	sld [smem:$0x3FAD]  }
0x2c: {  	s7 =	sld [smem:$0x3FAE]  }
0x2d: {  	s3 =	simm.s32 $0x108;
	s8 =	sld [smem:$0x3FAF]  }
0x2e: {  	s3 =	simm.s32 @!p0 $0x1082;
	s9 =	sld [smem:$0x3FB0]  }
0x2f: {  	lr =	sadd.s32 s0, s3;
	s0 =	sld [smem:$0x3FA7]  }
0x30: {  	s3 =	sld [smem:$0x3FAA]  }
0x31: {  	[smem:$0x3FB3] =	sst s10  }
0x32: {  	s10 =	sld [smem:$0x3FB1];
	_ =	sdelay $0x3  }
0x33: {  	p0 =	seq.s32 s10, $0x1;
	s10 =	sld [smem:$0x3FB3];
	_ =	sdelay $0x3  }
0x34: {  	[smem:$0x3FB3] =	sst s10  }
0x35: {  	s10 =	sld [smem:$0x3FB2];
	_ =	sdelay $0x3  }
0x36: {  	p1 =	seq.s32 s10, $0x1;
	s10 =	sld [smem:$0x3FB3];
	_ =	sdelay $0x3  }
0x37: {  	[smem:$0x3FB3] =	sst s10  }
0x38: {  	s10 =	sld [smem:$0x3FB4]  }
0x39: {  	_ = 	snop;
	(pc) =	sbr.ind lr, $3  }
0x3a: {  	_ = 	snop  }
0x3b: {  	_ = 	snop  }
0x3c: {  	p2 =	seq.s32 s10, $0x1;
	s10 =	sld [smem:$0x3FB3]  }
0x3d: {  	_ =	shalt  }
0x3e: {  	_ =	shalt  }
0x3f: {  	_ =	shalt  }
0x40: {  	_ =	shalt  }
0x41: {  	_ =	shalt  }
0x42: {  	_ =	shalt  }
0x43: {  	_ =	shalt  }
0x44: {  	_ =	shalt  }
0x45: {  	_ =	shalt  }
0x46: {  	_ =	shalt  }
0x47: {  	_ =	shalt  }
0x48: {  	_ =	shalt  }
0x49: {  	_ =	shalt  }
0x4a: {  	_ =	shalt  }
0x4b: {  	_ =	shalt  }
0x4c: {  	_ =	shalt  }
0x4d: {  	_ =	shalt  }
0x4e: {  	_ =	shalt  }
0x4f: {  	_ =	shalt  }
0x50: {  	_ =	shalt  }
0x51: {  	_ =	shalt  }
0x52: {  	_ =	shalt  }
0x53: {  	_ =	shalt  }
0x54: {  	_ =	shalt  }
0x55: {  	_ =	shalt  }
0x56: {  	_ =	shalt  }
0x57: {  	_ =	shalt  }
0x58: {  	_ =	shalt  }
0x59: {  	_ =	shalt  }
0x5a: {  	_ =	shalt  }
0x5b: {  	_ =	shalt  }
0x5c: {  	_ =	shalt  }
0x5d: {  	_ =	shalt  }
0x5e: {  	_ =	shalt  }
0x5f: {  	_ =	shalt  }
0x60: {  	_ =	shalt  }
0x61: {  	_ =	shalt  }
0x62: {  	_ =	shalt  }
0x63: {  	_ =	shalt  }
0x64: {  	_ =	shalt  }
0x65: {  	_ =	shalt  }
0x66: {  	_ =	shalt  }
0x67: {  	_ =	shalt  }
0x68: {  	_ =	shalt  }
0x69: {  	_ =	shalt  }
0x6a: {  	_ =	shalt  }
0x6b: {  	_ =	shalt  }
0x6c: {  	_ =	shalt  }
0x6d: {  	_ =	shalt  }
0x6e: {  	_ =	shalt  }
0x6f: {  	_ =	shalt  }
0x70: {  	_ =	shalt  }
0x71: {  	_ =	shalt  }
0x72: {  	_ =	shalt  }
0x73: {  	_ =	shalt  }
0x74: {  	_ =	shalt  }
0x75: {  	_ =	shalt  }
0x76: {  	_ =	shalt  }
0x77: {  	_ =	shalt  }
0x78: {  	_ =	shalt  }
0x79: {  	_ =	shalt  }
0x7a: {  	_ =	shalt  }
0x7b: {  	_ =	shalt  }
0x7c: {  	_ =	shalt  }
0x7d: {  	_ =	shalt  }
0x7e: {  	_ =	shalt  }
0x7f: {  	_ =	shalt  }
0x80: {  	_ =	shalt  }
0x81: {  	_ =	shalt  }
0x82: {  	_ =	shalt  }
0x83: {  	_ =	shalt  }
0x84: {  	_ =	shalt  }
0x85: {  	_ =	shalt  }
0x86: {  	_ =	shalt  }
0x87: {  	_ =	shalt  }
.Lfunc_end0:
.L_simem_size_0:
called_computation.2_lowered:
.L_overlay_start_0:
0x88: {  	s2 =	sld [smem:$0x3FD9]  }
0x89: {  	s3 =	sld [smem:$0x3FFE];
	_ =	sdelay $0x1  }
0x8a: {  	s1 =	srdreg.scid  }
0x8b: {  	s0 =	sand.u32 $0x1, s1  }
0x8c: {  	s17 =	sshll.u32 s0, $0xA;
	s2 =	sadd.s32 s3, s2  }
0x8d: {  	s2 =	sadd.s32 s2, s17  }
0x8e: {  	[smem:$0x3FBF] =	sst s2  }
0x8f: {  	_ = 	snop  }
0x90: {  	s2 =	sld [smem:$0x3FD0];
	(tm) =	ssettm $0x1  }
0x91: {  	s18 =	sld [smem:$0x3FFB];
	_ =	sdelay $0x3  }
0x92: {  	_ =	strace s18  }
0x93: {  	s3 =	sld [smem:$0x3FFC];
	_ =	sdelay $0x3  }
0x94: {  	_ =	strace s3  }
0x95: {  	s3 =	sld [smem:$0x3FFD];
	_ =	sdelay $0x3  }
0x96: {  	_ =	strace s3  }
0x97: {  	_ =	strace $0x8FFFFFFF  }
0x98: {  	s19 =	sld [smem:$0x3FDB];
	_ =	sdelay $0x1  }
0x99: {  	s4 =	simm.s32 $_scs_section_size  }
0x9a: {  	s5 =	simm.s32 $_size__tile_overlayer_lowered;
	s6 =	simm.s32 $_tile_overlayer_lowered  }
0x9b: {  	s22 =	simm.s32 $0x1BFF;
	s21 =	sshll.u32 s6, $0x1;
	s3 =	sadd.s32 s4, s19  }
0x9c: {  	s7 =	simm.s32 $0x0;
	s20 =	sshll.u32 s5, $0x1;
	s5 =	sadd.s32 s21, s3  }
0x9d: {  	[timem:s7], [sflag:s22] =	dma.local [hbm:s5], s20  }
0x9e: {  	_ =	swait.ge [sflag:s22], s20  }
0x9f: {  	s4 =	ssub.s32 $0x0, s20;
	[sflag:s22] =	ssyncset.done $0x0  }
0xa0: {  	[sflag:s22] =	ssyncadd.s32 s4;
	_ =	sdelay $0x1  }
0xa1: {  	s23 =	simm.s32 $0x1B8B  }
0xa2: {  	_ =	swait.ge [sflag:s23], $0x1  }
0xa3: {  	[sflag:s23] =	ssyncset.done $0x0  }
0xa4: {  	s25 =	simm.s32 $0x1B8E;
	s24 =	sld [smem:$0x3FFE];
	[sflag:s23] =	ssyncadd.s32 $0xFFFFFFFF  }
0xa5: {  	s26 =	simm.s32 $execute0_lowered;
	[smem:$0x3FD2] =	sst s25  }
0xa6: {  	s5 =	sshll.u32 s26, $0x1;
	_ =	strace $0x8000004C;
	[dreg:$0x1] =	wrdreg $0xFFFFFFFF  }
0xa7: {  	s28 =	simm.s32 $_size_execute0_lowered;
	s3 =	sadd.s32 s3, s5;
	[dreg:$0x0] =	wrdreg $0x0  }
0xa8: {  	s5 =	sshll.u32 s28, $0x1;
	[dreg:$0x2] =	wrdreg s3  }
0xa9: {  	[dreg:$0x3] =	wrdreg s5  }
0xaa: {  	[dreg:$0x4] =	wrdreg $0xC0  }
0xab: {  	_ =	task [dreg:s7], $0x5FFFF  }
0xac: {  	[dreg:$0x1] =	wrdreg $0xFFFFFFFF  }
0xad: {  	[dreg:$0x0] =	wrdreg $0x60  }
0xae: {  	[dreg:$0x2] =	wrdreg s24  }
0xaf: {  	[dreg:$0x3] =	wrdreg s2  }
0xb0: {  	[dreg:$0x4] =	wrdreg $0x90000  }
0xb1: {  	[dreg:$0x5] =	wrdreg $0x9  }
0xb2: {  	_ =	task.clear_ibuf [dreg:s7], $0x6FFFF;
	_ =	strace $0x9000004C  }
0xb3: {  	s29 =	simm.s32 $0x9;
	_ =	strace $0x8000004E  }
0xb4: {  	_ =	swait.ge [sflag:s29], $0x1  }
0xb5: {  	[sflag:s29] =	ssyncadd.s32 $0xFFFFFFFF  }
0xb6: {  	_ =	strace $0x9000004E  }
0xb7: {  	_ =	sfence  }
0xb8: {  	s30 =	sld [smem:$0x0];
	_ =	sdelay $0x2  }
0xb9: {  	s31 =	sshll.u32 s1, $0xD;
	s1 =	sshrl.u32 s1, $0x2  }
0xba: {  	s3 =	sand.u32 $0x4000, s31;
	s1 =	sadd.s32 s1, s30  }
0xbb: {  	s0 =	sor.u32 s3, s0;
	s1 =	sshll.u32 s1, $0x11  }
0xbc: {  	s0 =	sor.u32 s1, s0  }
0xbd: {  	s0 =	sadd.s32 $0x8F2B, s0  }
0xbe: {  	[sflag:s0] =	ssyncadd.remote.s32 $0x1  }
0xbf: {  	_ =	sfence.sel $0xFFFF  }
0xc0: {  	[dreg:$0x0] =	wrdreg $0xFFFFFFFF;
	(pc) =	sbr.abs _section_cstart, $3  }
0xc1: {  	[dreg:$0x1] =	wrdreg $0xFFFFFFFF  }
0xc2: {  	_ =	task.clear_ibuf [dreg:s7], $0x2FFFF;
	_ =	strace $0x9FFFFFFF  }
0xc3: {  	(tm) =	ssettm $0x7FFFFFFF  }
tec
execute0_lowered:
.L_overlay_start_1:
0x0: {  	(tag) =	ssettag $0x1  }
0x1: {  	s5 =	rddreg [dreg:$0x0]  }
0x2: {  	s6 =	rddreg [dreg:$0x1]  }
0x3: {  	s1 =	rddreg [dreg:$0x2]  }
0x4: {  	s2 =	srdreg.scid;
	s3 =	simm.s32 $0x0;
	s19 =	simm.s32 $0x3  }
0x5: {  	s20 =	simm.s32 $0x2800;
	s21 =	simm.s32 $0x5000;
	s22 =	simm.s32 $0x40  }
0x6: {  	s23 =	simm.s32 $0x7000;
	s24 =	simm.s32 $0x1;
	s25 =	simm.s32 $0x2  }
0x7: {  	s26 =	simm.s32 $0x4F80;
	s28 =	simm.s32 $0x4FC0;
	s7 =	sand.u32 $0x1, s2  }
0x8: {  	s29 =	simm.s32 $0x0;
	s2 =	stileid.u32;
	s8 =	smul.u32 $0x140000, s7  }
0x9: {  	[smem:$0x7FF] =	sst s3;
	s4 =	sshll.u32 s7, $0x4;
	s10 =	smul.u32 $0x14000, s2  }
0xa: {  	_ =	strace $0x8000004D;
	s7 =	ssub.s32 $0x2, s7;
	s30 =	smul.u32 $0x50000, s2  }
0xb: {  	s9 =	sor.u32 s2, s4;
	s4 =	sadd.s32 $0xA8600, s5;
	s12 =	sshrl.u32 s7, $0x1  }
0xc: {  	s9 =	smul.u32 $0x500, s9;
	s8 =	sadd.s32 s10, s8;
	s31 =	sshrl.u32 s30, $0x2  }
0xd: {  	s18 =	ssub.s32 s7, s12;
	s8 =	sshrl.u32 s8, $0x3;
	s7 =	sadd.s32 s31, s1  }
0xe: {  	s18 =	smax.u32 s18, $0x1;
	s11 =	sadd.s32 s9, s5;
	s17 =	sadd.s32 s8, s5  }
0xf: {  	s5 =	sadd.s32 s6, s9;
	s8 =	sadd.s32 $0x2000, s7;
	s9 =	sadd.s32 $0x4000, s7  }
0x10: {  	s10 =	sadd.s32 $0x6000, s7;
	s12 =	sadd.s32 $0xA000, s7;
	s13 =	sadd.s32 $0xC000, s7  }
0x11: {  	s14 =	sadd.s32 $0xE000, s7;
	s15 =	sadd.s32 $0x10000, s7;
	s16 =	sadd.s32 $0x12000, s7  }
0x12: {  	v0 =	vimm.f32 $0.0e+00;
	s6 =	sadd.s32 $0x2200, s11;
	s11 =	sadd.s32 $0x8000, s7;
	s17 =	sadd.s32 $0xC200, s17  }
.LBB2_1:
0x13: {  	[tilespmem:s3], [sflag:$0x3] =	stream.linear.gather [hbm4b:s5+s3], $0x2800, $0x38;
	[tilespmem:$0x1D000] =	vst v63  }
0x14: {  	_ =	swait.ge [sflag:s19], $0x2800  }
0x15: {  	[sflag:s19] =	ssyncset.done $0x0  }
0x16: {  	[sflag:s19] =	ssyncadd.s32 $0xFFFFD800  }
0x17: {  	[tilespmem:s20], [sflag:$0x3] =	stream.linear.gather [hbm4b:s6+s3], $0x2800, $0x38;
	[tilespmem:$0x1D000] =	vst v63  }
0x18: {  	_ =	swait.ge [sflag:s19], $0x2800  }
0x19: {  	[sflag:s19] =	ssyncset.done $0x0  }
0x1a: {  	s30 =	simm.s32 $0x0;
	s31 =	simm.s32 $0x200;
	[sflag:s19] =	ssyncadd.s32 $0xFFFFD800  }
.LBB2_2:
0x1b: {  	p0 =	sne.s32 s31, $0x7E00;
	[tilespmem:s30+$0x5070] =	vst v0  }
0x1c: {  	[tilespmem:s30+$0x5000] =	vst v0  }
0x1d: {  	[tilespmem:s30+$0x5010] =	vst v0  }
.Ltmp0:
0x1e: {  	[tilespmem:s30+$0x5020] =	vst v0;
	(pc) =	sbr.rel @p0 .LBB2_2-.Ltmp0, $4  }
0x1f: {  	[tilespmem:s30+$0x5030] =	vst v0  }
0x20: {  	[tilespmem:s30+$0x5040] =	vst v0  }
0x21: {  	[tilespmem:s30+$0x5050] =	vst v0  }
0x22: {  	[tilespmem:s30+$0x5060] =	vst v0;
	s30 =	sshra.s32 s31, $0x2;
	s31 =	sadd.s32 $0x200, s31  }
0x23: {  	[tilespmem:s30+$0x5070] =	vst v0  }
0x24: {  	[tilespmem:s30+$0x5000] =	vst v0  }
0x25: {  	[tilespmem:s30+$0x5010] =	vst v0  }
0x26: {  	[tilespmem:s30+$0x5020] =	vst v0  }
0x27: {  	[tilespmem:s30+$0x5030] =	vst v0  }
0x28: {  	[tilespmem:s30+$0x5040] =	vst v0  }
0x29: {  	[tilespmem:s30+$0x5050] =	vst v0  }
0x2a: {  	[tilespmem:s30+$0x5060] =	vst v0  }
0x2b: {  	[spmem:s7] =	stream.linear.scatter [tilespmem:s21], [sflag:$0x3], $0x2000, $0x38;
	[tilespmem:$0x1D000] =	vst v63  }
0x2c: {  	_ =	swait.ge [sflag:s19], $0x2000  }
0x2d: {  	[sflag:s19] =	ssyncset.done $0x0  }
0x2e: {  	[sflag:s19] =	ssyncadd.s32 $0xFFFFE000  }
0x2f: {  	[spmem:s8] =	stream.linear.scatter [tilespmem:s21], [sflag:$0x3], $0x2000, $0x38;
	[tilespmem:$0x1D000] =	vst v63  }
0x30: {  	_ =	swait.ge [sflag:s19], $0x2000  }
0x31: {  	[sflag:s19] =	ssyncset.done $0x0  }
0x32: {  	[sflag:s19] =	ssyncadd.s32 $0xFFFFE000  }
0x33: {  	[spmem:s9] =	stream.linear.scatter [tilespmem:s21], [sflag:$0x3], $0x2000, $0x38;
	[tilespmem:$0x1D000] =	vst v63  }
0x34: {  	_ =	swait.ge [sflag:s19], $0x2000  }
0x35: {  	[sflag:s19] =	ssyncset.done $0x0  }
0x36: {  	[sflag:s19] =	ssyncadd.s32 $0xFFFFE000  }
0x37: {  	[spmem:s10] =	stream.linear.scatter [tilespmem:s21], [sflag:$0x3], $0x2000, $0x38;
	[tilespmem:$0x1D000] =	vst v63  }
0x38: {  	_ =	swait.ge [sflag:s19], $0x2000  }
0x39: {  	[sflag:s19] =	ssyncset.done $0x0  }
0x3a: {  	[sflag:s19] =	ssyncadd.s32 $0xFFFFE000  }
0x3b: {  	[spmem:s11] =	stream.linear.scatter [tilespmem:s21], [sflag:$0x3], $0x2000, $0x38;
	[tilespmem:$0x1D000] =	vst v63  }
0x3c: {  	_ =	swait.ge [sflag:s19], $0x2000  }
0x3d: {  	[sflag:s19] =	ssyncset.done $0x0  }
0x3e: {  	[sflag:s19] =	ssyncadd.s32 $0xFFFFE000  }
0x3f: {  	[spmem:s12] =	stream.linear.scatter [tilespmem:s21], [sflag:$0x3], $0x2000, $0x38;
	[tilespmem:$0x1D000] =	vst v63  }
0x40: {  	_ =	swait.ge [sflag:s19], $0x2000  }
0x41: {  	[sflag:s19] =	ssyncset.done $0x0  }
0x42: {  	[sflag:s19] =	ssyncadd.s32 $0xFFFFE000  }
0x43: {  	[spmem:s13] =	stream.linear.scatter [tilespmem:s21], [sflag:$0x3], $0x2000, $0x38;
	[tilespmem:$0x1D000] =	vst v63  }
0x44: {  	_ =	swait.ge [sflag:s19], $0x2000  }
0x45: {  	[sflag:s19] =	ssyncset.done $0x0  }
0x46: {  	[sflag:s19] =	ssyncadd.s32 $0xFFFFE000  }
0x47: {  	[spmem:s14] =	stream.linear.scatter [tilespmem:s21], [sflag:$0x3], $0x2000, $0x38;
	[tilespmem:$0x1D000] =	vst v63  }
0x48: {  	_ =	swait.ge [sflag:s19], $0x2000  }
0x49: {  	[sflag:s19] =	ssyncset.done $0x0  }
0x4a: {  	[sflag:s19] =	ssyncadd.s32 $0xFFFFE000  }
0x4b: {  	[spmem:s15] =	stream.linear.scatter [tilespmem:s21], [sflag:$0x3], $0x2000, $0x38;
	[tilespmem:$0x1D000] =	vst v63  }
0x4c: {  	_ =	swait.ge [sflag:s19], $0x2000  }
0x4d: {  	[sflag:s19] =	ssyncset.done $0x0  }
0x4e: {  	[sflag:s19] =	ssyncadd.s32 $0xFFFFE000  }
0x4f: {  	[spmem:s16] =	stream.linear.scatter [tilespmem:s21], [sflag:$0x3], $0x2000, $0x38;
	[tilespmem:$0x1D000] =	vst v63  }
0x50: {  	_ =	swait.ge [sflag:s19], $0x2000  }
0x51: {  	[sflag:s19] =	ssyncset.done $0x0  }
0x52: {  	s30 =	simm.s32 $0x0;
	[sflag:s19] =	ssyncadd.s32 $0xFFFFE000  }
0x53: {  	[tilespmem:s21], [sflag:$0x1] =	stream.indirect.gather [hbm4b:s4+s22], $0x80, s30, s22, $0xb8;
	[tilespmem:$0x1D000] =	vst v63  }
0x54: {  	_ = 	snop  }
0x55: {  	[tilespmem:s23], [sflag:$0x2] =	stream.indirect.gather [hbm4b:s4+s22], $0x80, s22, s22, $0xb8;
	[tilespmem:$0x1D000] =	vst v63  }
0x56: {  	[bflag:$0x0] =	sbarrier.arrive $0xFFFF  }
0x57: {  	_ =	swait.ge [sflag:s24], $0x2000  }
0x58: {  	[sflag:s24] =	ssyncset.done $0x0  }
0x59: {  	s30 =	simm.s32 $0x2800;
	[sflag:s24] =	ssyncadd.s32 $0xFFFFE000  }
0x5a: {  	[spmem:s1] =	stream.indirect.scatter.add.f32 [tilespmem:s21], [sflag:$0x3], $0x80, s30, s22, $0xb8;
	[tilespmem:$0x1D000] =	vst v63  }
0x5b: {  	_ =	swait.ge [sflag:s19], $0x2000  }
0x5c: {  	[sflag:s19] =	ssyncset.done $0x0  }
0x5d: {  	s30 =	simm.s32 $0x80;
	[sflag:s19] =	ssyncadd.s32 $0xFFFFE000  }
0x5e: {  	[tilespmem:s21], [sflag:$0x1] =	stream.indirect.gather [hbm4b:s4+s22], $0x80, s30, s22, $0xb8;
	[tilespmem:$0x1D000] =	vst v63  }
0x5f: {  	_ =	swait.ge [sflag:s25], $0x2000  }
0x60: {  	[sflag:s25] =	ssyncset.done $0x0  }
0x61: {  	s30 =	simm.s32 $0x2840;
	[sflag:s25] =	ssyncadd.s32 $0xFFFFE000  }
0x62: {  	[spmem:s1] =	stream.indirect.scatter.add.f32 [tilespmem:s23], [sflag:$0x3], $0x80, s30, s22, $0xb8;
	[tilespmem:$0x1D000] =	vst v63  }
0x63: {  	_ =	swait.ge [sflag:s19], $0x2000  }
0x64: {  	[sflag:s19] =	ssyncset.done $0x0  }
0x65: {  	s31 =	simm.s32 $0xC0;
	s30 =	simm.s32 $0x200;
	[sflag:s19] =	ssyncadd.s32 $0xFFFFE000  }
.LBB2_4:
0x66: {  	[tilespmem:s23], [sflag:$0x2] =	stream.indirect.gather [hbm4b:s4+s22], $0x80, s31, s22, $0xb8;
	[tilespmem:$0x1D000] =	vst v63  }
0x67: {  	s31 =	smov.u32 s30  }
0x68: {  	p0 =	sne.s32 s30, $0x9C00;
	s30 =	sadd.s32 $0x200, s30;
	_ =	swait.ge [sflag:s24], $0x2000  }
0x69: {  	s31 =	sshra.s32 s31, $0x2;
	[sflag:s24] =	ssyncset.done $0x0  }
0x6a: {  	s0 =	sadd.s32 $0x2800, s31;
	[sflag:s24] =	ssyncadd.s32 $0xFFFFE000  }
0x6b: {  	[spmem:s1] =	stream.indirect.scatter.add.f32 [tilespmem:s21], [sflag:$0x3], $0x80, s0, s22, $0xb8;
	[tilespmem:$0x1D000] =	vst v63  }
0x6c: {  	_ =	swait.ge [sflag:s19], $0x2000  }
0x6d: {  	[sflag:s19] =	ssyncset.done $0x0  }
0x6e: {  	s0 =	sadd.s32 $0x80, s31;
	[sflag:s19] =	ssyncadd.s32 $0xFFFFE000  }
0x6f: {  	[tilespmem:s21], [sflag:$0x1] =	stream.indirect.gather [hbm4b:s4+s22], $0x80, s0, s22, $0xb8;
	[tilespmem:$0x1D000] =	vst v63  }
0x70: {  	_ =	swait.ge [sflag:s25], $0x2000  }
0x71: {  	[sflag:s25] =	ssyncset.done $0x0  }
.Ltmp1:
0x72: {  	s0 =	sadd.s32 $0x2840, s31;
	[sflag:s25] =	ssyncadd.s32 $0xFFFFE000;
	(pc) =	sbr.rel @p0 .LBB2_4-.Ltmp1, $4  }
0x73: {  	[spmem:s1] =	stream.indirect.scatter.add.f32 [tilespmem:s23], [sflag:$0x3], $0x80, s0, s22, $0xb8;
	[tilespmem:$0x1D000] =	vst v63  }
0x74: {  	_ =	swait.ge [sflag:s19], $0x2000  }
0x75: {  	[sflag:s19] =	ssyncset.done $0x0  }
0x76: {  	s31 =	sadd.s32 $0xC0, s31;
	[sflag:s19] =	ssyncadd.s32 $0xFFFFE000  }
0x77: {  	[tilespmem:s23], [sflag:$0x2] =	stream.indirect.gather [hbm4b:s4+s22], $0x80, s31, s22, $0xb8;
	[tilespmem:$0x1D000] =	vst v63  }
0x78: {  	_ =	swait.ge [sflag:s24], $0x2000  }
0x79: {  	[sflag:s24] =	ssyncset.done $0x0  }
0x7a: {  	[sflag:s24] =	ssyncadd.s32 $0xFFFFE000  }
0x7b: {  	[spmem:s1] =	stream.indirect.scatter.add.f32 [tilespmem:s21], [sflag:$0x3], $0x80, s26, s22, $0xb8;
	[tilespmem:$0x1D000] =	vst v63  }
0x7c: {  	_ =	swait.ge [sflag:s19], $0x2000  }
0x7d: {  	[sflag:s19] =	ssyncset.done $0x0  }
0x7e: {  	[sflag:s19] =	ssyncadd.s32 $0xFFFFE000  }
0x7f: {  	_ =	swait.ge [sflag:s25], $0x2000  }
0x80: {  	[sflag:s25] =	ssyncset.done $0x0  }
0x81: {  	[sflag:s25] =	ssyncadd.s32 $0xFFFFE000  }
0x82: {  	[spmem:s1] =	stream.indirect.scatter.add.f32 [tilespmem:s23], [sflag:$0x3], $0x80, s28, s22, $0xb8;
	[tilespmem:$0x1D000] =	vst v63  }
0x83: {  	_ =	swait.ge [sflag:s19], $0x2000  }
0x84: {  	s0 =	sshll.u32 s2, $0x6;
	s29 =	sadd.s32 $0x1, s29;
	[sflag:s19] =	ssyncset.done $0x0  }
0x85: {  	s30 =	sshrl.u32 s7, $0x3;
	p0 =	sne.s32 s29, s18;
	[sflag:s19] =	ssyncadd.s32 $0xFFFFE000  }
.Ltmp2:
0x86: {  	s0 =	sor.u32 $0x1C03, s0;
	[bflag:$0x0] =	sbarrier.arrive $0xFFFF;
	(pc) =	sbr.rel @p0 .LBB2_1-.Ltmp2, $4  }
0x87: {  	[hbm:s17], [sflag:s0] =	dma.local [spmem:s30], $0x2800  }
0x88: {  	_ =	swait.ge [sflag:s19], $0x2800  }
0x89: {  	[sflag:s19] =	ssyncset.done $0x0  }
0x8a: {  	[sflag:s19] =	ssyncadd.s32 $0xFFFFD800  }
0x8b: {  	_ =	sfence.sel $0x180000  }
0x8c: {  	[bflag:$0x0] =	sbarrier.arrive $0xFFFF  }
0x8d: {  	_ =	strace $0x9000004D  }
0x8e: {  	[bflag:$0x2] =	sbarrier.arrive $0xFFFF  }
0x8f: {  	p0 =	sne.s32 s2, $0x0;
	s0 =	rddreg [dreg:$0x3]  }
0x90: {  	s0 =	sadd.s32 @!p0 $0x100000, s0  }
0x91: {  	[sflag:s0] =	ssyncadd.tile.s32 @!p0 $0x1;
	_ =	shalt  }
.Lfunc_end2:
_tile_overlayer_lowered:
.L_overlay_start_2:
0x92: {  	(tag) =	ssettag $0x2  }
0x93: {  	s0 =	rddreg [dreg:$0x0];
	s2 =	stileid.u32  }
0x94: {  	s1 =	rddreg [dreg:$0x1];
	p0 =	sne.s32 s2, $0x0  }
0x95: {  	s3 =	rddreg [dreg:$0x2];
	[bflag:$0x3] =	sbarrier.arrive $0xFFFF;
	s2 =	simm.s32 @!p0 $0x1C03  }
0x96: {  	[timem:s3], [sflag:s2] =	dma.local @!p0 [hbm:s0], s1  }
0x97: {  	s0 =	simm.s32 @!p0 $0x3  }
0x98: {  	_ =	swait.ge @!p0 [sflag:s0], s1  }
0x99: {  	s1 =	ssub.s32 @!p0 $0x0, s1;
	[sflag:s0] =	ssyncset.done @!p0 $0x0  }
0x9a: {  	[sflag:s0] =	ssyncadd.s32 @!p0 s1  }
0x9b: {  	[bflag:$0x3] =	sbarrier.arrive $0xFFFF  }
0x9c: {  	_ =	shalt  }

// kernel: kernel.20.cloned.1.call-start
scs
__scs_entry_jumppad:
0x0: {  	(pc) =	sbr.rel $0x88, $3  }
0x1: {  	(tag) =	ssettag $0x0;
	lr =	simm.s32 $0x1  }
0x2: {  	[smem:$0x3F98] =	sst lr;
	_ =	strace $0xD0000000  }
0x3: {  	_ = 	snop  }
0x4: {  	_ = 	snop  }
0x5: {  	_ = 	snop  }
0x6: {  	_ = 	snop  }
0x7: {  	_ = 	snop  }
__scs_overlays_trampoline_lowered:
0x8: {  	[smem:$0x3FA7] =	sst s0  }
0x9: {  	[smem:$0x3FA8] =	sst s1  }
0xa: {  	[smem:$0x3FA9] =	sst s2  }
0xb: {  	[smem:$0x3FAA] =	sst s3  }
0xc: {  	[smem:$0x3FAB] =	sst s4  }
0xd: {  	[smem:$0x3FAC] =	sst s5  }
0xe: {  	[smem:$0x3FAD] =	sst s6  }
0xf: {  	[smem:$0x3FAE] =	sst s7  }
0x10: {  	[smem:$0x3FAF] =	sst s8  }
0x11: {  	[smem:$0x3FB0] =	sst s9;
	s0 =	simm.s32 @!p0 $0x0  }
0x12: {  	s1 =	sld [smem:$0x3F96];
	s0 =	simm.s32 @p0 $0x1  }
0x13: {  	[smem:$0x3FB1] =	sst s0;
	s0 =	simm.s32 @!p1 $0x0  }
0x14: {  	s2 =	sld [smem:$0x3F95];
	s0 =	simm.s32 @p1 $0x1  }
0x15: {  	[smem:$0x3FB2] =	sst s0;
	s0 =	simm.s32 @!p2 $0x0  }
0x16: {  	s3 =	sld [smem:$0x3FDB];
	s0 =	simm.s32 @p2 $0x1  }
0x17: {  	s4 =	simm.s32 $0x1BF5;
	[smem:$0x3FB4] =	sst s0  }
0x18: {  	s0 =	sld [smem:$0x3F97];
	_ =	swait.ge [sflag:s4], $0x0  }
0x19: {  	s7 =	sld [smem:$0x3F98]  }
0x1a: {  	s8 =	sadd.s32 $0xFFFFE003, lr  }
0x1b: {  	s9 =	sadd.s32 $0xFFFFFEF7, lr;
	s5 =	simm.s32 $0xFFFFFFFF;
	p2 =	slt.u32 s8, $0xFFFFF086  }
0x1c: {  	p1 =	slt.u32 s9, $0xF7A;
	s5 =	simm.s32 @!p2 $0x0  }
0x1d: {  	s5 =	simm.s32 @p1 $0x1;
	p0 =	seq.s32 s7, s2  }
0x1e: {  	s7 =	smul.u32 @!p0 $0xF7A, s2;
	p2 =	seq.s32 @!p0 s5, $0x0  }
0x1f: {  	s9 =	smul.u32 $0xF7A, s1;
	s8 =	simm.s32 @!p0 $0x1BF5;
	p2 =	por !p2, p0  }
0x20: {  	[sflag:s8] =	ssyncset.s32 @!p0 $0xFFFFF086;
	s6 =	sadd.s32 @!p0 s3, s7;
	s7 =	simm.s32 @!p0 $0x108  }
0x21: {  	s3 =	sadd.s32 s3, s9;
	s6 =	sadd.s32 @!p0 $0x88, s6;
	s7 =	simm.s32 @p2 $0x1082  }
0x22: {  	[simem:s7], [sflag:s8] =	dma.local @!p0 [hbm:s6], $0xF7A  }
0x23: {  	s9 =	sor.u32 $0xD0000000, s2;
	s6 =	simm.s32 $0x108;
	_ =	swait.ge @!p0 [sflag:s8], $0x0  }
0x24: {  	s3 =	sadd.s32 $0x88, s3;
	s6 =	simm.s32 @!p1 $0x1082;
	[sflag:s4] =	ssyncset.s32 $0xFFFFF086  }
0x25: {  	[simem:s6], [sflag:s4] =	dma.local [hbm:s3], $0xF7A  }
0x26: {  	[smem:$0x3F98] =	sst s1;
	(tag) =	ssettag s2;
	_ =	strace s9  }
0x27: {  	s1 =	sld [smem:$0x3FA8]  }
0x28: {  	s2 =	sld [smem:$0x3FA9]  }
0x29: {  	s4 =	sld [smem:$0x3FAB]  }
0x2a: {  	p0 =	seq.s32 s5, $0x0;
	s5 =	sld [smem:$0x3FAC]  }
0x2b: {  	s6 =	sld [smem:$0x3FAD]  }
0x2c: {  	s7 =	sld [smem:$0x3FAE]  }
0x2d: {  	s3 =	simm.s32 $0x108;
	s8 =	sld [smem:$0x3FAF]  }
0x2e: {  	s3 =	simm.s32 @!p0 $0x1082;
	s9 =	sld [smem:$0x3FB0]  }
0x2f: {  	lr =	sadd.s32 s0, s3;
	s0 =	sld [smem:$0x3FA7]  }
0x30: {  	s3 =	sld [smem:$0x3FAA]  }
0x31: {  	[smem:$0x3FB3] =	sst s10  }
0x32: {  	s10 =	sld [smem:$0x3FB1];
	_ =	sdelay $0x3  }
0x33: {  	p0 =	seq.s32 s10, $0x1;
	s10 =	sld [smem:$0x3FB3];
	_ =	sdelay $0x3  }
0x34: {  	[smem:$0x3FB3] =	sst s10  }
0x35: {  	s10 =	sld [smem:$0x3FB2];
	_ =	sdelay $0x3  }
0x36: {  	p1 =	seq.s32 s10, $0x1;
	s10 =	sld [smem:$0x3FB3];
	_ =	sdelay $0x3  }
0x37: {  	[smem:$0x3FB3] =	sst s10  }
0x38: {  	s10 =	sld [smem:$0x3FB4]  }
0x39: {  	_ = 	snop;
	(pc) =	sbr.ind lr, $3  }
0x3a: {  	_ = 	snop  }
0x3b: {  	_ = 	snop  }
0x3c: {  	p2 =	seq.s32 s10, $0x1;
	s10 =	sld [smem:$0x3FB3]  }
0x3d: {  	_ =	shalt  }
0x3e: {  	_ =	shalt  }
0x3f: {  	_ =	shalt  }
0x40: {  	_ =	shalt  }
0x41: {  	_ =	shalt  }
0x42: {  	_ =	shalt  }
0x43: {  	_ =	shalt  }
0x44: {  	_ =	shalt  }
0x45: {  	_ =	shalt  }
0x46: {  	_ =	shalt  }
0x47: {  	_ =	shalt  }
0x48: {  	_ =	shalt  }
0x49: {  	_ =	shalt  }
0x4a: {  	_ =	shalt  }
0x4b: {  	_ =	shalt  }
0x4c: {  	_ =	shalt  }
0x4d: {  	_ =	shalt  }
0x4e: {  	_ =	shalt  }
0x4f: {  	_ =	shalt  }
0x50: {  	_ =	shalt  }
0x51: {  	_ =	shalt  }
0x52: {  	_ =	shalt  }
0x53: {  	_ =	shalt  }
0x54: {  	_ =	shalt  }
0x55: {  	_ =	shalt  }
0x56: {  	_ =	shalt  }
0x57: {  	_ =	shalt  }
0x58: {  	_ =	shalt  }
0x59: {  	_ =	shalt  }
0x5a: {  	_ =	shalt  }
0x5b: {  	_ =	shalt  }
0x5c: {  	_ =	shalt  }
0x5d: {  	_ =	shalt  }
0x5e: {  	_ =	shalt  }
0x5f: {  	_ =	shalt  }
0x60: {  	_ =	shalt  }
0x61: {  	_ =	shalt  }
0x62: {  	_ =	shalt  }
0x63: {  	_ =	shalt  }
0x64: {  	_ =	shalt  }
0x65: {  	_ =	shalt  }
0x66: {  	_ =	shalt  }
0x67: {  	_ =	shalt  }
0x68: {  	_ =	shalt  }
0x69: {  	_ =	shalt  }
0x6a: {  	_ =	shalt  }
0x6b: {  	_ =	shalt  }
0x6c: {  	_ =	shalt  }
0x6d: {  	_ =	shalt  }
0x6e: {  	_ =	shalt  }
0x6f: {  	_ =	shalt  }
0x70: {  	_ =	shalt  }
0x71: {  	_ =	shalt  }
0x72: {  	_ =	shalt  }
0x73: {  	_ =	shalt  }
0x74: {  	_ =	shalt  }
0x75: {  	_ =	shalt  }
0x76: {  	_ =	shalt  }
0x77: {  	_ =	shalt  }
0x78: {  	_ =	shalt  }
0x79: {  	_ =	shalt  }
0x7a: {  	_ =	shalt  }
0x7b: {  	_ =	shalt  }
0x7c: {  	_ =	shalt  }
0x7d: {  	_ =	shalt  }
0x7e: {  	_ =	shalt  }
0x7f: {  	_ =	shalt  }
0x80: {  	_ =	shalt  }
0x81: {  	_ =	shalt  }
0x82: {  	_ =	shalt  }
0x83: {  	_ =	shalt  }
0x84: {  	_ =	shalt  }
0x85: {  	_ =	shalt  }
0x86: {  	_ =	shalt  }
0x87: {  	_ =	shalt  }
.Lfunc_end0:
.L_simem_size_0:
called_computation.3_lowered:
.L_overlay_start_0:
0x88: {  	s2 =	sld [smem:$0x3FD9]  }
0x89: {  	s3 =	sld [smem:$0x3FFE];
	_ =	sdelay $0x1  }
0x8a: {  	s1 =	srdreg.scid  }
0x8b: {  	s0 =	sand.u32 $0x1, s1  }
0x8c: {  	s17 =	sshll.u32 s0, $0xA;
	s2 =	sadd.s32 s3, s2  }
0x8d: {  	s2 =	sadd.s32 s2, s17  }
0x8e: {  	[smem:$0x3FBF] =	sst s2  }
0x8f: {  	_ = 	snop  }
0x90: {  	s2 =	sld [smem:$0x3FD0];
	(tm) =	ssettm $0x1  }
0x91: {  	s18 =	sld [smem:$0x3FFB];
	_ =	sdelay $0x3  }
0x92: {  	_ =	strace s18  }
0x93: {  	s3 =	sld [smem:$0x3FFC];
	_ =	sdelay $0x3  }
0x94: {  	_ =	strace s3  }
0x95: {  	s3 =	sld [smem:$0x3FFD];
	_ =	sdelay $0x3  }
0x96: {  	_ =	strace s3  }
0x97: {  	_ =	strace $0x8FFFFFFF  }
0x98: {  	s19 =	sld [smem:$0x3FDB];
	_ =	sdelay $0x1  }
0x99: {  	s4 =	simm.s32 $_scs_section_size  }
0x9a: {  	s5 =	simm.s32 $_size__tile_overlayer_lowered;
	s6 =	simm.s32 $_tile_overlayer_lowered  }
0x9b: {  	s22 =	simm.s32 $0x1BFF;
	s21 =	sshll.u32 s6, $0x1;
	s3 =	sadd.s32 s4, s19  }
0x9c: {  	s7 =	simm.s32 $0x0;
	s20 =	sshll.u32 s5, $0x1;
	s5 =	sadd.s32 s21, s3  }
0x9d: {  	[timem:s7], [sflag:s22] =	dma.local [hbm:s5], s20  }
0x9e: {  	_ =	swait.ge [sflag:s22], s20  }
0x9f: {  	s4 =	ssub.s32 $0x0, s20;
	[sflag:s22] =	ssyncset.done $0x0  }
0xa0: {  	[sflag:s22] =	ssyncadd.s32 s4;
	_ =	sdelay $0x1  }
0xa1: {  	s23 =	simm.s32 $0x1B8B  }
0xa2: {  	_ =	swait.ge [sflag:s23], $0x1  }
0xa3: {  	[sflag:s23] =	ssyncset.done $0x0  }
0xa4: {  	s25 =	simm.s32 $0x1B8E;
	s24 =	sld [smem:$0x3FFE];
	[sflag:s23] =	ssyncadd.s32 $0xFFFFFFFF  }
0xa5: {  	s26 =	simm.s32 $execute0_lowered;
	[smem:$0x3FD2] =	sst s25  }
0xa6: {  	s5 =	sshll.u32 s26, $0x1;
	_ =	strace $0x8000004F;
	[dreg:$0x1] =	wrdreg $0xFFFFFFFF  }
0xa7: {  	s28 =	simm.s32 $_size_execute0_lowered;
	s3 =	sadd.s32 s3, s5;
	[dreg:$0x0] =	wrdreg $0x0  }
0xa8: {  	s5 =	sshll.u32 s28, $0x1;
	[dreg:$0x2] =	wrdreg s3  }
0xa9: {  	[dreg:$0x3] =	wrdreg s5  }
0xaa: {  	[dreg:$0x4] =	wrdreg $0xC0  }
0xab: {  	_ =	task [dreg:s7], $0x5FFFF  }
0xac: {  	[dreg:$0x1] =	wrdreg $0xFFFFFFFF  }
0xad: {  	[dreg:$0x0] =	wrdreg $0x60  }
0xae: {  	[dreg:$0x2] =	wrdreg s24  }
0xaf: {  	[dreg:$0x3] =	wrdreg s2  }
0xb0: {  	[dreg:$0x4] =	wrdreg $0x90000  }
0xb1: {  	[dreg:$0x5] =	wrdreg $0x9  }
0xb2: {  	_ =	task.clear_ibuf [dreg:s7], $0x6FFFF;
	_ =	strace $0x9000004F  }
0xb3: {  	s29 =	simm.s32 $0x9;
	_ =	strace $0x80000051  }
0xb4: {  	_ =	swait.ge [sflag:s29], $0x1  }
0xb5: {  	[sflag:s29] =	ssyncadd.s32 $0xFFFFFFFF  }
0xb6: {  	_ =	strace $0x90000051  }
0xb7: {  	_ =	sfence  }
0xb8: {  	s30 =	sld [smem:$0x0];
	_ =	sdelay $0x2  }
0xb9: {  	s31 =	sshll.u32 s1, $0xD;
	s1 =	sshrl.u32 s1, $0x2  }
0xba: {  	s3 =	sand.u32 $0x4000, s31;
	s1 =	sadd.s32 s1, s30  }
0xbb: {  	s0 =	sor.u32 s3, s0;
	s1 =	sshll.u32 s1, $0x11  }
0xbc: {  	s0 =	sor.u32 s1, s0  }
0xbd: {  	s0 =	sadd.s32 $0x8F2B, s0  }
0xbe: {  	[sflag:s0] =	ssyncadd.remote.s32 $0x1  }
0xbf: {  	_ =	sfence.sel $0xFFFF  }
0xc0: {  	[dreg:$0x0] =	wrdreg $0xFFFFFFFF;
	(pc) =	sbr.abs _section_cstart, $3  }
0xc1: {  	[dreg:$0x1] =	wrdreg $0xFFFFFFFF  }
0xc2: {  	_ =	task.clear_ibuf [dreg:s7], $0x2FFFF;
	_ =	strace $0x9FFFFFFF  }
0xc3: {  	(tm) =	ssettm $0x7FFFFFFF  }
tec
execute0_lowered:
.L_overlay_start_1:
0x0: {  	(tag) =	ssettag $0x1  }
0x1: {  	s5 =	rddreg [dreg:$0x0]  }
0x2: {  	s6 =	rddreg [dreg:$0x1]  }
0x3: {  	s1 =	rddreg [dreg:$0x2]  }
0x4: {  	s2 =	srdreg.scid;
	s3 =	simm.s32 $0x0;
	s19 =	simm.s32 $0x3  }
0x5: {  	s20 =	simm.s32 $0x2800;
	s21 =	simm.s32 $0x5000;
	s22 =	simm.s32 $0x40  }
0x6: {  	s23 =	simm.s32 $0x7000;
	s24 =	simm.s32 $0x1;
	s25 =	simm.s32 $0x2  }
0x7: {  	s26 =	simm.s32 $0x4F80;
	s28 =	simm.s32 $0x4FC0;
	s7 =	sand.u32 $0x1, s2  }
0x8: {  	s29 =	simm.s32 $0x0;
	s2 =	stileid.u32;
	s8 =	smul.u32 $0x140000, s7  }
0x9: {  	[smem:$0x7FF] =	sst s3;
	s4 =	sshll.u32 s7, $0x4;
	s10 =	smul.u32 $0x14000, s2  }
0xa: {  	_ =	strace $0x80000050;
	s7 =	ssub.s32 $0x2, s7;
	s30 =	smul.u32 $0x50000, s2  }
0xb: {  	s9 =	sor.u32 s2, s4;
	s4 =	sadd.s32 $0xA8600, s5;
	s12 =	sshrl.u32 s7, $0x1  }
0xc: {  	s9 =	smul.u32 $0x500, s9;
	s8 =	sadd.s32 s10, s8;
	s31 =	sshrl.u32 s30, $0x2  }
0xd: {  	s18 =	ssub.s32 s7, s12;
	s8 =	sshrl.u32 s8, $0x3;
	s7 =	sadd.s32 s31, s1  }
0xe: {  	s18 =	smax.u32 s18, $0x1;
	s11 =	sadd.s32 s9, s5;
	s17 =	sadd.s32 s8, s5  }
0xf: {  	s5 =	sadd.s32 s6, s9;
	s8 =	sadd.s32 $0x2000, s7;
	s9 =	sadd.s32 $0x4000, s7  }
0x10: {  	s10 =	sadd.s32 $0x6000, s7;
	s12 =	sadd.s32 $0xA000, s7;
	s13 =	sadd.s32 $0xC000, s7  }
0x11: {  	s14 =	sadd.s32 $0xE000, s7;
	s15 =	sadd.s32 $0x10000, s7;
	s16 =	sadd.s32 $0x12000, s7  }
0x12: {  	v0 =	vimm.f32 $0.0e+00;
	s6 =	sadd.s32 $0x2200, s11;
	s11 =	sadd.s32 $0x8000, s7;
	s17 =	sadd.s32 $0xC200, s17  }
.LBB2_1:
0x13: {  	[tilespmem:s3], [sflag:$0x3] =	stream.linear.gather [hbm4b:s5+s3], $0x2800, $0x38;
	[tilespmem:$0x1D000] =	vst v63  }
0x14: {  	_ =	swait.ge [sflag:s19], $0x2800  }
0x15: {  	[sflag:s19] =	ssyncset.done $0x0  }
0x16: {  	[sflag:s19] =	ssyncadd.s32 $0xFFFFD800  }
0x17: {  	[tilespmem:s20], [sflag:$0x3] =	stream.linear.gather [hbm4b:s6+s3], $0x2800, $0x38;
	[tilespmem:$0x1D000] =	vst v63  }
0x18: {  	_ =	swait.ge [sflag:s19], $0x2800  }
0x19: {  	[sflag:s19] =	ssyncset.done $0x0  }
0x1a: {  	s30 =	simm.s32 $0x0;
	s31 =	simm.s32 $0x200;
	[sflag:s19] =	ssyncadd.s32 $0xFFFFD800  }
.LBB2_2:
0x1b: {  	p0 =	sne.s32 s31, $0x7E00;
	[tilespmem:s30+$0x5070] =	vst v0  }
0x1c: {  	[tilespmem:s30+$0x5000] =	vst v0  }
0x1d: {  	[tilespmem:s30+$0x5010] =	vst v0  }
.Ltmp0:
0x1e: {  	[tilespmem:s30+$0x5020] =	vst v0;
	(pc) =	sbr.rel @p0 .LBB2_2-.Ltmp0, $4  }
0x1f: {  	[tilespmem:s30+$0x5030] =	vst v0  }
0x20: {  	[tilespmem:s30+$0x5040] =	vst v0  }
0x21: {  	[tilespmem:s30+$0x5050] =	vst v0  }
0x22: {  	[tilespmem:s30+$0x5060] =	vst v0;
	s30 =	sshra.s32 s31, $0x2;
	s31 =	sadd.s32 $0x200, s31  }
0x23: {  	[tilespmem:s30+$0x5070] =	vst v0  }
0x24: {  	[tilespmem:s30+$0x5000] =	vst v0  }
0x25: {  	[tilespmem:s30+$0x5010] =	vst v0  }
0x26: {  	[tilespmem:s30+$0x5020] =	vst v0  }
0x27: {  	[tilespmem:s30+$0x5030] =	vst v0  }
0x28: {  	[tilespmem:s30+$0x5040] =	vst v0  }
0x29: {  	[tilespmem:s30+$0x5050] =	vst v0  }
0x2a: {  	[tilespmem:s30+$0x5060] =	vst v0  }
0x2b: {  	[spmem:s7] =	stream.linear.scatter [tilespmem:s21], [sflag:$0x3], $0x2000, $0x38;
	[tilespmem:$0x1D000] =	vst v63  }
0x2c: {  	_ =	swait.ge [sflag:s19], $0x2000  }
0x2d: {  	[sflag:s19] =	ssyncset.done $0x0  }
0x2e: {  	[sflag:s19] =	ssyncadd.s32 $0xFFFFE000  }
0x2f: {  	[spmem:s8] =	stream.linear.scatter [tilespmem:s21], [sflag:$0x3], $0x2000, $0x38;
	[tilespmem:$0x1D000] =	vst v63  }
0x30: {  	_ =	swait.ge [sflag:s19], $0x2000  }
0x31: {  	[sflag:s19] =	ssyncset.done $0x0  }
0x32: {  	[sflag:s19] =	ssyncadd.s32 $0xFFFFE000  }
0x33: {  	[spmem:s9] =	stream.linear.scatter [tilespmem:s21], [sflag:$0x3], $0x2000, $0x38;
	[tilespmem:$0x1D000] =	vst v63  }
0x34: {  	_ =	swait.ge [sflag:s19], $0x2000  }
0x35: {  	[sflag:s19] =	ssyncset.done $0x0  }
0x36: {  	[sflag:s19] =	ssyncadd.s32 $0xFFFFE000  }
0x37: {  	[spmem:s10] =	stream.linear.scatter [tilespmem:s21], [sflag:$0x3], $0x2000, $0x38;
	[tilespmem:$0x1D000] =	vst v63  }
0x38: {  	_ =	swait.ge [sflag:s19], $0x2000  }
0x39: {  	[sflag:s19] =	ssyncset.done $0x0  }
0x3a: {  	[sflag:s19] =	ssyncadd.s32 $0xFFFFE000  }
0x3b: {  	[spmem:s11] =	stream.linear.scatter [tilespmem:s21], [sflag:$0x3], $0x2000, $0x38;
	[tilespmem:$0x1D000] =	vst v63  }
0x3c: {  	_ =	swait.ge [sflag:s19], $0x2000  }
0x3d: {  	[sflag:s19] =	ssyncset.done $0x0  }
0x3e: {  	[sflag:s19] =	ssyncadd.s32 $0xFFFFE000  }
0x3f: {  	[spmem:s12] =	stream.linear.scatter [tilespmem:s21], [sflag:$0x3], $0x2000, $0x38;
	[tilespmem:$0x1D000] =	vst v63  }
0x40: {  	_ =	swait.ge [sflag:s19], $0x2000  }
0x41: {  	[sflag:s19] =	ssyncset.done $0x0  }
0x42: {  	[sflag:s19] =	ssyncadd.s32 $0xFFFFE000  }
0x43: {  	[spmem:s13] =	stream.linear.scatter [tilespmem:s21], [sflag:$0x3], $0x2000, $0x38;
	[tilespmem:$0x1D000] =	vst v63  }
0x44: {  	_ =	swait.ge [sflag:s19], $0x2000  }
0x45: {  	[sflag:s19] =	ssyncset.done $0x0  }
0x46: {  	[sflag:s19] =	ssyncadd.s32 $0xFFFFE000  }
0x47: {  	[spmem:s14] =	stream.linear.scatter [tilespmem:s21], [sflag:$0x3], $0x2000, $0x38;
	[tilespmem:$0x1D000] =	vst v63  }
0x48: {  	_ =	swait.ge [sflag:s19], $0x2000  }
0x49: {  	[sflag:s19] =	ssyncset.done $0x0  }
0x4a: {  	[sflag:s19] =	ssyncadd.s32 $0xFFFFE000  }
0x4b: {  	[spmem:s15] =	stream.linear.scatter [tilespmem:s21], [sflag:$0x3], $0x2000, $0x38;
	[tilespmem:$0x1D000] =	vst v63  }
0x4c: {  	_ =	swait.ge [sflag:s19], $0x2000  }
0x4d: {  	[sflag:s19] =	ssyncset.done $0x0  }
0x4e: {  	[sflag:s19] =	ssyncadd.s32 $0xFFFFE000  }
0x4f: {  	[spmem:s16] =	stream.linear.scatter [tilespmem:s21], [sflag:$0x3], $0x2000, $0x38;
	[tilespmem:$0x1D000] =	vst v63  }
0x50: {  	_ =	swait.ge [sflag:s19], $0x2000  }
0x51: {  	[sflag:s19] =	ssyncset.done $0x0  }
0x52: {  	s30 =	simm.s32 $0x0;
	[sflag:s19] =	ssyncadd.s32 $0xFFFFE000  }
0x53: {  	[tilespmem:s21], [sflag:$0x1] =	stream.indirect.gather [hbm4b:s4+s22], $0x80, s30, s22, $0xb8;
	[tilespmem:$0x1D000] =	vst v63  }
0x54: {  	_ = 	snop  }
0x55: {  	[tilespmem:s23], [sflag:$0x2] =	stream.indirect.gather [hbm4b:s4+s22], $0x80, s22, s22, $0xb8;
	[tilespmem:$0x1D000] =	vst v63  }
0x56: {  	[bflag:$0x0] =	sbarrier.arrive $0xFFFF  }
0x57: {  	_ =	swait.ge [sflag:s24], $0x2000  }
0x58: {  	[sflag:s24] =	ssyncset.done $0x0  }
0x59: {  	s30 =	simm.s32 $0x2800;
	[sflag:s24] =	ssyncadd.s32 $0xFFFFE000  }
0x5a: {  	[spmem:s1] =	stream.indirect.scatter.add.f32 [tilespmem:s21], [sflag:$0x3], $0x80, s30, s22, $0xb8;
	[tilespmem:$0x1D000] =	vst v63  }
0x5b: {  	_ =	swait.ge [sflag:s19], $0x2000  }
0x5c: {  	[sflag:s19] =	ssyncset.done $0x0  }
0x5d: {  	s30 =	simm.s32 $0x80;
	[sflag:s19] =	ssyncadd.s32 $0xFFFFE000  }
0x5e: {  	[tilespmem:s21], [sflag:$0x1] =	stream.indirect.gather [hbm4b:s4+s22], $0x80, s30, s22, $0xb8;
	[tilespmem:$0x1D000] =	vst v63  }
0x5f: {  	_ =	swait.ge [sflag:s25], $0x2000  }
0x60: {  	[sflag:s25] =	ssyncset.done $0x0  }
0x61: {  	s30 =	simm.s32 $0x2840;
	[sflag:s25] =	ssyncadd.s32 $0xFFFFE000  }
0x62: {  	[spmem:s1] =	stream.indirect.scatter.add.f32 [tilespmem:s23], [sflag:$0x3], $0x80, s30, s22, $0xb8;
	[tilespmem:$0x1D000] =	vst v63  }
0x63: {  	_ =	swait.ge [sflag:s19], $0x2000  }
0x64: {  	[sflag:s19] =	ssyncset.done $0x0  }
0x65: {  	s31 =	simm.s32 $0xC0;
	s30 =	simm.s32 $0x200;
	[sflag:s19] =	ssyncadd.s32 $0xFFFFE000  }
.LBB2_4:
0x66: {  	[tilespmem:s23], [sflag:$0x2] =	stream.indirect.gather [hbm4b:s4+s22], $0x80, s31, s22, $0xb8;
	[tilespmem:$0x1D000] =	vst v63  }
0x67: {  	s31 =	smov.u32 s30  }
0x68: {  	p0 =	sne.s32 s30, $0x9C00;
	s30 =	sadd.s32 $0x200, s30;
	_ =	swait.ge [sflag:s24], $0x2000  }
0x69: {  	s31 =	sshra.s32 s31, $0x2;
	[sflag:s24] =	ssyncset.done $0x0  }
0x6a: {  	s0 =	sadd.s32 $0x2800, s31;
	[sflag:s24] =	ssyncadd.s32 $0xFFFFE000  }
0x6b: {  	[spmem:s1] =	stream.indirect.scatter.add.f32 [tilespmem:s21], [sflag:$0x3], $0x80, s0, s22, $0xb8;
	[tilespmem:$0x1D000] =	vst v63  }
0x6c: {  	_ =	swait.ge [sflag:s19], $0x2000  }
0x6d: {  	[sflag:s19] =	ssyncset.done $0x0  }
0x6e: {  	s0 =	sadd.s32 $0x80, s31;
	[sflag:s19] =	ssyncadd.s32 $0xFFFFE000  }
0x6f: {  	[tilespmem:s21], [sflag:$0x1] =	stream.indirect.gather [hbm4b:s4+s22], $0x80, s0, s22, $0xb8;
	[tilespmem:$0x1D000] =	vst v63  }
0x70: {  	_ =	swait.ge [sflag:s25], $0x2000  }
0x71: {  	[sflag:s25] =	ssyncset.done $0x0  }
.Ltmp1:
0x72: {  	s0 =	sadd.s32 $0x2840, s31;
	[sflag:s25] =	ssyncadd.s32 $0xFFFFE000;
	(pc) =	sbr.rel @p0 .LBB2_4-.Ltmp1, $4  }
0x73: {  	[spmem:s1] =	stream.indirect.scatter.add.f32 [tilespmem:s23], [sflag:$0x3], $0x80, s0, s22, $0xb8;
	[tilespmem:$0x1D000] =	vst v63  }
0x74: {  	_ =	swait.ge [sflag:s19], $0x2000  }
0x75: {  	[sflag:s19] =	ssyncset.done $0x0  }
0x76: {  	s31 =	sadd.s32 $0xC0, s31;
	[sflag:s19] =	ssyncadd.s32 $0xFFFFE000  }
0x77: {  	[tilespmem:s23], [sflag:$0x2] =	stream.indirect.gather [hbm4b:s4+s22], $0x80, s31, s22, $0xb8;
	[tilespmem:$0x1D000] =	vst v63  }
0x78: {  	_ =	swait.ge [sflag:s24], $0x2000  }
0x79: {  	[sflag:s24] =	ssyncset.done $0x0  }
0x7a: {  	[sflag:s24] =	ssyncadd.s32 $0xFFFFE000  }
0x7b: {  	[spmem:s1] =	stream.indirect.scatter.add.f32 [tilespmem:s21], [sflag:$0x3], $0x80, s26, s22, $0xb8;
	[tilespmem:$0x1D000] =	vst v63  }
0x7c: {  	_ =	swait.ge [sflag:s19], $0x2000  }
0x7d: {  	[sflag:s19] =	ssyncset.done $0x0  }
0x7e: {  	[sflag:s19] =	ssyncadd.s32 $0xFFFFE000  }
0x7f: {  	_ =	swait.ge [sflag:s25], $0x2000  }
0x80: {  	[sflag:s25] =	ssyncset.done $0x0  }
0x81: {  	[sflag:s25] =	ssyncadd.s32 $0xFFFFE000  }
0x82: {  	[spmem:s1] =	stream.indirect.scatter.add.f32 [tilespmem:s23], [sflag:$0x3], $0x80, s28, s22, $0xb8;
	[tilespmem:$0x1D000] =	vst v63  }
0x83: {  	_ =	swait.ge [sflag:s19], $0x2000  }
0x84: {  	s0 =	sshll.u32 s2, $0x6;
	s29 =	sadd.s32 $0x1, s29;
	[sflag:s19] =	ssyncset.done $0x0  }
0x85: {  	s30 =	sshrl.u32 s7, $0x3;
	p0 =	sne.s32 s29, s18;
	[sflag:s19] =	ssyncadd.s32 $0xFFFFE000  }
.Ltmp2:
0x86: {  	s0 =	sor.u32 $0x1C03, s0;
	[bflag:$0x0] =	sbarrier.arrive $0xFFFF;
	(pc) =	sbr.rel @p0 .LBB2_1-.Ltmp2, $4  }
0x87: {  	[hbm:s17], [sflag:s0] =	dma.local [spmem:s30], $0x2800  }
0x88: {  	_ =	swait.ge [sflag:s19], $0x2800  }
0x89: {  	[sflag:s19] =	ssyncset.done $0x0  }
0x8a: {  	[sflag:s19] =	ssyncadd.s32 $0xFFFFD800  }
0x8b: {  	_ =	sfence.sel $0x180000  }
0x8c: {  	[bflag:$0x0] =	sbarrier.arrive $0xFFFF  }
0x8d: {  	_ =	strace $0x90000050  }
0x8e: {  	[bflag:$0x2] =	sbarrier.arrive $0xFFFF  }
0x8f: {  	p0 =	sne.s32 s2, $0x0;
	s0 =	rddreg [dreg:$0x3]  }
0x90: {  	s0 =	sadd.s32 @!p0 $0x100000, s0  }
0x91: {  	[sflag:s0] =	ssyncadd.tile.s32 @!p0 $0x1;
	_ =	shalt  }
.Lfunc_end2:
_tile_overlayer_lowered:
.L_overlay_start_2:
0x92: {  	(tag) =	ssettag $0x2  }
0x93: {  	s0 =	rddreg [dreg:$0x0];
	s2 =	stileid.u32  }
0x94: {  	s1 =	rddreg [dreg:$0x1];
	p0 =	sne.s32 s2, $0x0  }
0x95: {  	s3 =	rddreg [dreg:$0x2];
	[bflag:$0x3] =	sbarrier.arrive $0xFFFF;
	s2 =	simm.s32 @!p0 $0x1C03  }
0x96: {  	[timem:s3], [sflag:s2] =	dma.local @!p0 [hbm:s0], s1  }
0x97: {  	s0 =	simm.s32 @!p0 $0x3  }
0x98: {  	_ =	swait.ge @!p0 [sflag:s0], s1  }
0x99: {  	s1 =	ssub.s32 @!p0 $0x0, s1;
	[sflag:s0] =	ssyncset.done @!p0 $0x0  }
0x9a: {  	[sflag:s0] =	ssyncadd.s32 @!p0 s1  }
0x9b: {  	[bflag:$0x3] =	sbarrier.arrive $0xFFFF  }
0x9c: {  	_ =	shalt  }

</sc_bundles>
